<compile_context>
chip_gen: v7x
topology: tpu7x:2x2x1
jax: 0.10.2.dev20260603
libtpu: 0.0.44.dev20260713+nightly
codegen_flags: <defaults>
</compile_context>

<pallas_src>
import functools

import jax
import jax.numpy as jnp
from jax import lax
from jax.experimental import pallas as pl
from jax.experimental.pallas import tpu as pltpu
from jax.experimental.pallas import tpu_sc as plsc

N = 10000
E = 320000
D = 128
HEADS = 4
HC = 32
NEG = 0.2
NP = 10008
NW = 32
NC = 2
EPW = E // NW
C1 = 2000
C2 = 400
CB = 80

f32 = jnp.float32
i32 = jnp.int32


def _iota16():
    return lax.broadcasted_iota(i32, (16,), 0)


def _tc1_body(x_ref, w_ref, adst_w_ref, asrc_w_ref, h_ref, apack_ref,
              apack_t_ref, bound_ref):
    h = jnp.dot(x_ref[...], w_ref[...], preferred_element_type=f32)
    h_ref[...] = h
    adst = jnp.dot(h, adst_w_ref[...], preferred_element_type=f32)
    asrc = jnp.dot(h, asrc_w_ref[...], preferred_element_type=f32)
    bound4 = jnp.max(adst, axis=0) + jnp.max(asrc, axis=0)
    bound_ref[...] = jnp.concatenate([bound4] * 4, axis=0)
    apack = jnp.concatenate([asrc, adst], axis=1)
    apack_p = jnp.concatenate(
        [apack, jnp.zeros((NP - N, 2 * HEADS), f32)], axis=0)
    apack_ref[...] = apack_p
    apack_t_ref[...] = jnp.transpose(apack_p, (1, 0))


def _tc1(x, W, adst_w, asrc_w):
    return pl.pallas_call(
        _tc1_body,
        out_shape=[
            jax.ShapeDtypeStruct((N, D), f32),
            jax.ShapeDtypeStruct((NP, 2 * HEADS), f32),
            jax.ShapeDtypeStruct((2 * HEADS, NP), f32),
            jax.ShapeDtypeStruct((16,), f32),
        ],
    )(x, W, adst_w, asrc_w)


def _sc_a1(row, col):
    mesh = plsc.VectorSubcoreMesh(core_axis_name="c", subcore_axis_name="s")

    @functools.partial(
        pl.kernel,
        out_type=jax.ShapeDtypeStruct((NW, NP), f32),
        mesh=mesh,
        compiler_params=pltpu.CompilerParams(needs_layout_passes=False),
        scratch_types=[
            pltpu.VMEM((C1,), i32),
            pltpu.VMEM((C1,), i32),
            pltpu.VMEM((NP,), f32),
        ],
    )
    def kern(row_hbm, col_hbm, dp_out, row_v, col_v, deg_l):
        cid = lax.axis_index("c")
        sid = lax.axis_index("s")
        wid = sid * NC + cid
        iota = _iota16()
        zeros = jnp.zeros((16,), f32)
        ones = jnp.ones((16,), f32)

        def zero_body(i, c):
            deg_l[pl.ds(i * 16, 16)] = zeros
            return c
        lax.fori_loop(0, NP // 16, zero_body, 0)

        def chunk_body(i, c):
            base = wid * EPW + i * C1
            pltpu.sync_copy(row_hbm.at[pl.ds(base, C1)], row_v)
            pltpu.sync_copy(col_hbm.at[pl.ds(base, C1)], col_v)

            def vec_body(b, c2):
                r = row_v[pl.ds(b * 16, 16)]
                cc = col_v[pl.ds(b * 16, 16)]
                rm = jnp.where(r == cc, N, r)
                for k in range(16):
                    plsc.addupdate_scatter(deg_l, [rm], ones,
                                           mask=iota == k)
                return c2
            lax.fori_loop(0, C1 // 16, vec_body, 0)
            return c
        lax.fori_loop(0, EPW // C1, chunk_body, 0)

        pltpu.sync_copy(deg_l, dp_out.at[wid])

    return kern(row, col)


def _sc_a2(row, col, apack_flat, bound16):
    mesh = plsc.VectorSubcoreMesh(core_axis_name="c", subcore_axis_name="s")

    @functools.partial(
        pl.kernel,
        out_type=[
            jax.ShapeDtypeStruct((E * HEADS,), f32),
            jax.ShapeDtypeStruct((NW, NP * HEADS), f32),
            jax.ShapeDtypeStruct((E,), i32),
            jax.ShapeDtypeStruct((E,), i32),
        ],
        mesh=mesh,
        compiler_params=pltpu.CompilerParams(needs_layout_passes=False),
        scratch_types=[
            pltpu.VMEM((C2,), i32),
            pltpu.VMEM((C2,), i32),
            pltpu.VMEM((C2,), i32),
            pltpu.VMEM((C2,), i32),
            pltpu.VMEM((C2 * HEADS,), f32),
            pltpu.VMEM((16,), f32),
            pltpu.VMEM((NP * 2 * HEADS,), f32),
            pltpu.VMEM((NP * HEADS,), f32),
            pltpu.SemaphoreType.DMA,
            pltpu.SemaphoreType.DMA,
        ],
    )
    def kern(row_hbm, col_hbm, apack_hbm, bound_hbm, p_out, sp_out,
             rowm_out, colm_out,
             row_v, col_v, rowm_v, colm_v, p_v, bnd_v, apack_l, s_l,
             sem_ld, sem_st):
        cid = lax.axis_index("c")
        sid = lax.axis_index("s")
        wid = sid * NC + cid
        iota = _iota16()
        lane_e = iota // HEADS
        lane_h = iota % HEADS
        zeros = jnp.zeros((16,), f32)

        pltpu.sync_copy(apack_hbm, apack_l)
        pltpu.sync_copy(bound_hbm, bnd_v)
        bnd = bnd_v[...]

        def zero_body(i, c):
            s_l[pl.ds(i * 16, 16)] = zeros
            return c
        lax.fori_loop(0, NP * HEADS // 16, zero_body, 0)

        def drain_st(base):
            pltpu.make_async_copy(
                p_v, p_out.at[pl.ds(base * HEADS, C2 * HEADS)],
                sem_st).wait()
            pltpu.make_async_copy(
                rowm_v, rowm_out.at[pl.ds(base, C2)], sem_st).wait()
            pltpu.make_async_copy(
                colm_v, colm_out.at[pl.ds(base, C2)], sem_st).wait()

        def chunk_body(i, c):
            base = wid * EPW + i * C2
            l1 = pltpu.async_copy(row_hbm.at[pl.ds(base, C2)], row_v, sem_ld)
            l2 = pltpu.async_copy(col_hbm.at[pl.ds(base, C2)], col_v, sem_ld)

            @pl.when(i > 0)
            def _():
                drain_st(base)
            l1.wait()
            l2.wait()

            def mask_body(b, c2):
                r = row_v[pl.ds(b * 16, 16)]
                cc = col_v[pl.ds(b * 16, 16)]
                m = r == cc
                rowm_v[pl.ds(b * 16, 16)] = jnp.where(m, N, r)
                colm_v[pl.ds(b * 16, 16)] = jnp.where(m, N, cc)
                return c2
            lax.fori_loop(0, C2 // 16, mask_body, 0)

            def grp_body(a0, c2):
                for q in range(4):
                    a = a0 * 4 + q
                    rrep = plsc.load_gather(rowm_v, [a * 4 + lane_e])
                    crep = plsc.load_gather(colm_v, [a * 4 + lane_e])
                    ga = plsc.load_gather(apack_l, [rrep * 8 + lane_h])
                    gb = plsc.load_gather(apack_l, [crep * 8 + 4 + lane_h])
                    alpha = ga + gb
                    alpha = jnp.maximum(alpha, NEG * alpha)
                    pv = jnp.exp(alpha - bnd)
                    p_v[pl.ds(a * 16, 16)] = pv
                    sidx = lane_h * NP + crep
                    for ee in range(4):
                        plsc.addupdate_scatter(s_l, [sidx], pv,
                                               mask=lane_e == ee)
                return c2
            lax.fori_loop(0, C2 // 16, grp_body, 0)

            pltpu.async_copy(
                p_v, p_out.at[pl.ds(base * HEADS, C2 * HEADS)], sem_st)
            pltpu.async_copy(rowm_v, rowm_out.at[pl.ds(base, C2)], sem_st)
            pltpu.async_copy(colm_v, colm_out.at[pl.ds(base, C2)], sem_st)
            return c
        lax.fori_loop(0, EPW // C2, chunk_body, 0)

        drain_st(wid * EPW)
        pltpu.sync_copy(s_l, sp_out.at[wid])

    return kern(row, col, apack_flat, bound16)


def _tc3_body(h_ref, apack_t_ref, bound_ref, sp_ref, dp_ref,
              u_ref, hs_ref, oself_ref):
    deg = jnp.sum(dp_ref[...], axis=0, keepdims=True)
    iota = lax.broadcasted_iota(i32, (1, NP), 1)
    deg = deg + jnp.where(iota < N, 1.0, 0.0)
    dis = jnp.where(deg > 0, lax.rsqrt(deg), 0.0)
    asrc = apack_t_ref[:HEADS, :]
    adst = apack_t_ref[HEADS:, :]
    alphal = asrc + adst
    alphal = jnp.maximum(alphal, NEG * alphal)
    bound4 = jnp.reshape(bound_ref[...][:HEADS], (HEADS, 1))
    p_self = jnp.exp(alphal - bound4)
    S = jnp.sum(sp_ref[...], axis=0) + p_self
    u = dis / (S + 1e-16)
    u_ref[...] = u
    h_pad = jnp.concatenate([h_ref[...], jnp.zeros((NP - N, D), f32)], 0)
    dis_n = jnp.transpose(dis, (1, 0))
    hs = dis_n * h_pad
    hs_ref[...] = hs
    wl = jnp.transpose((p_self * u)[:, :N], (1, 0))
    wexp = jnp.reshape(
        jnp.broadcast_to(jnp.reshape(wl, (N, HEADS, 1)), (N, HEADS, HC)),
        (N, D))
    oself_ref[...] = wexp * hs[:N]


def _tc3(h, apack_t, bound16, sp, dp):
    return pl.pallas_call(
        _tc3_body,
        out_shape=[
            jax.ShapeDtypeStruct((HEADS, NP), f32),
            jax.ShapeDtypeStruct((NP, D), f32),
            jax.ShapeDtypeStruct((N, D), f32),
        ],
    )(h, apack_t, bound16, sp, dp)


C3 = 2000


def _sc_a3(colm, p_flat, u_flat):
    mesh = plsc.VectorSubcoreMesh(core_axis_name="c", subcore_axis_name="s")

    @functools.partial(
        pl.kernel,
        out_type=jax.ShapeDtypeStruct((E * HEADS,), f32),
        mesh=mesh,
        compiler_params=pltpu.CompilerParams(needs_layout_passes=False),
        scratch_types=[
            pltpu.VMEM((C3,), i32),
            pltpu.VMEM((C3 * HEADS,), f32),
            pltpu.VMEM((NP * HEADS,), f32),
            pltpu.SemaphoreType.DMA,
            pltpu.SemaphoreType.DMA,
        ],
    )
    def kern(colm_hbm, p_hbm, u_hbm, w_out, colm_v, p_v, u_l,
             sem_ld, sem_st):
        cid = lax.axis_index("c")
        sid = lax.axis_index("s")
        wid = sid * NC + cid
        iota = _iota16()
        lane_e = iota // HEADS
        lane_h = iota % HEADS

        pltpu.sync_copy(u_hbm, u_l)

        def drain_st(base):
            pltpu.make_async_copy(
                p_v, w_out.at[pl.ds(base * HEADS, C3 * HEADS)],
                sem_st).wait()

        def chunk_body(i, c):
            base = wid * EPW + i * C3
            l1 = pltpu.async_copy(
                colm_hbm.at[pl.ds(base, C3)], colm_v, sem_ld)

            @pl.when(i > 0)
            def _():
                drain_st(base)
            l2 = pltpu.async_copy(
                p_hbm.at[pl.ds(base * HEADS, C3 * HEADS)], p_v, sem_ld)
            l1.wait()
            l2.wait()

            def grp_body(a0, c2):
                for q in range(4):
                    a = a0 * 4 + q
                    crep = plsc.load_gather(colm_v, [a * 4 + lane_e])
                    ue = plsc.load_gather(u_l, [lane_h * NP + crep])
                    pv = p_v[pl.ds(a * 16, 16)]
                    p_v[pl.ds(a * 16, 16)] = pv * ue
                return c2
            lax.fori_loop(0, C3 // 16, grp_body, 0)

            pltpu.async_copy(
                p_v, w_out.at[pl.ds(base * HEADS, C3 * HEADS)], sem_st)
            return c
        lax.fori_loop(0, EPW // C3, chunk_body, 0)

        drain_st(wid * EPW)

    return kern(colm, p_flat, u_flat)


SB = 2000
NSB = EPW // SB
MID = 100
NMID = SB // MID
NPAIR = NMID // 2
SUB = 50
SPM = MID // SUB


def _sc_b(rowm2, colm2, w_flat, hs, z128):
    mesh = plsc.VectorSubcoreMesh(core_axis_name="c", subcore_axis_name="s")

    @functools.partial(
        pl.kernel,
        out_type=jax.ShapeDtypeStruct((NC, NP, D), f32),
        mesh=mesh,
        compiler_params=pltpu.CompilerParams(needs_layout_passes=False),
        scratch_types=[
            pltpu.VMEM((SB // SUB, SUB), i32),
            pltpu.VMEM((SB // SUB, SUB), i32),
            pltpu.VMEM((SB * HEADS,), f32),
            pltpu.VMEM((MID, D), f32),
            pltpu.VMEM((MID, D), f32),
            pltpu.VMEM_SHARED((NP, D), f32),
            pltpu.SemaphoreType.DMA,
            pltpu.SemaphoreType.DMA,
            pltpu.SemaphoreType.DMA,
            pltpu.SemaphoreType.DMA,
            pltpu.SemaphoreType.DMA,
        ],
    )
    def kern(rowm_hbm, colm_hbm, w_hbm, hs_hbm, z_hbm, o_out,
             rowm_s, colm_s, w_s, rows0, rows1, O_sh,
             sem_ld, sem_g0, sem_g1, sem_s0, sem_s1):
        cid = lax.axis_index("c")
        sid = lax.axis_index("s")
        wid = sid * NC + cid

        @pl.when(sid == 0)
        def _():
            pltpu.sync_copy(z_hbm, O_sh)

        plsc.subcore_barrier()

        gd = lax.GatherDimensionNumbers(
            offset_dims=(), collapsed_slice_dims=(0,), start_index_map=(0,))

        def issue_g(m, rows_ref, sem):
            for j in range(SPM):
                pltpu.async_copy(
                    hs_hbm.at[rowm_s.at[SPM * m + j]],
                    rows_ref.at[pl.ds(j * SUB, SUB)], sem)

        def drain_g(rows_ref, sem):
            for j in range(SPM):
                pltpu.make_async_copy(
                    hs_hbm.at[rowm_s.at[j]],
                    rows_ref.at[pl.ds(j * SUB, SUB)], sem).wait()

        def issue_s(m, rows_ref, sem):
            for j in range(SPM):
                pltpu.async_copy(
                    rows_ref.at[pl.ds(j * SUB, SUB)],
                    O_sh.at[colm_s.at[SPM * m + j]], sem, add=True)

        def drain_s(rows_ref, sem):
            for j in range(SPM):
                pltpu.make_async_copy(
                    rows_ref.at[pl.ds(j * SUB, SUB)],
                    O_sh.at[colm_s.at[j]], sem).wait()

        def compute(m, rows_ref):
            def grp_body(a, c_):
                woff = (m * MID + a * 4) * HEADS
                w = w_s[pl.ds(woff, 16)]
                for ee in range(4):
                    for h in range(HEADS):
                        wb = lax.gather(
                            w, jnp.full((16, 1), 4 * ee + h, i32),
                            gd, (1,),
                            mode=lax.GatherScatterMode.PROMISE_IN_BOUNDS)
                        for j2 in range(2):
                            sl = pl.ds((2 * h + j2) * 16, 16)
                            rows_ref[a * 4 + ee, sl] = (
                                rows_ref[a * 4 + ee, sl] * wb)
                return c_
            lax.fori_loop(0, MID // 4, grp_body, 0)

        def super_body(s, c):
            @pl.when(s > 0)
            def _():
                drain_s(rows1, sem_s1)

            ebase = wid * EPW + s * SB
            rbase = pl.multiple_of((wid * EPW + s * SB) // SUB, 8)
            c1 = pltpu.async_copy(
                rowm_hbm.at[pl.ds(rbase, SB // SUB)], rowm_s, sem_ld)
            c2 = pltpu.async_copy(
                colm_hbm.at[pl.ds(rbase, SB // SUB)], colm_s, sem_ld)
            c3 = pltpu.async_copy(
                w_hbm.at[pl.ds(ebase * HEADS, SB * HEADS)], w_s, sem_ld)
            c1.wait()
            c2.wait()
            c3.wait()

            issue_g(0, rows0, sem_g0)

            def pair_body(p, c2_):
                m0 = 2 * p
                m1 = 2 * p + 1

                @pl.when(p > 0)
                def _():
                    drain_s(rows1, sem_s1)
                issue_g(m1, rows1, sem_g1)
                drain_g(rows0, sem_g0)
                compute(m0, rows0)
                issue_s(m0, rows0, sem_s0)
                drain_g(rows1, sem_g1)
                compute(m1, rows1)
                drain_s(rows0, sem_s0)

                @pl.when(p < NPAIR - 1)
                def _():
                    issue_g(m0 + 2, rows0, sem_g0)
                issue_s(m1, rows1, sem_s1)
                return c2_
            lax.fori_loop(0, NPAIR, pair_body, 0)
            return c
        lax.fori_loop(0, NSB, super_body, 0)

        drain_s(rows1, sem_s1)
        plsc.subcore_barrier()

        @pl.when(sid == 0)
        def _():
            pltpu.sync_copy(O_sh, o_out.at[cid])

    return kern(rowm2, colm2, w_flat, hs, z128)


def _tc5_body(op_ref, oself_ref, out_ref):
    out_ref[...] = op_ref[0, :N, :] + op_ref[1, :N, :] + oself_ref[...]


def _tc5(op, oself):
    return pl.pallas_call(
        _tc5_body,
        out_shape=jax.ShapeDtypeStruct((N, D), f32),
    )(op, oself)


def kernel(x, edge_index, W, att):
    row = edge_index[0]
    col = edge_index[1]
    att_dst = att[0, :, :HC]
    att_src = att[0, :, HC:]
    eye = jnp.eye(HEADS, dtype=f32)
    adst_w = jnp.einsum("hc,hk->hck", att_dst, eye).reshape(D, HEADS)
    asrc_w = jnp.einsum("hc,hk->hck", att_src, eye).reshape(D, HEADS)
    z128 = jnp.zeros((NP, D), f32)

    h, apack, apack_t, bound16 = _tc1(x, W, adst_w, asrc_w)
    dp = _sc_a1(row, col)
    p_flat, sp, rowm, colm = _sc_a2(row, col, apack.reshape(-1), bound16)
    u, hs, oself = _tc3(h, apack_t, bound16,
                        sp.reshape(NW, HEADS, NP), dp)
    w_flat = _sc_a3(colm, p_flat, u.reshape(-1))
    op = _sc_b(rowm.reshape(E // SUB, SUB), colm.reshape(E // SUB, SUB),
               w_flat, hs, z128)
    return _tc5(op, oself)

# --- scband reference (transcript-rebuilt; emitter-appended) ---
"""Pipeline reference for scband-general-add-att-conv-36000415875690 (READ-ONLY COPY).

The authoritative reference and input builder live on the scoring server;
editing this copy changes nothing except your own understanding.
"""

import jax, jax.numpy as jnp
import numpy as np

N = 10000
E = 320000
D_IN = 128
D_OUT = 128
HEADS = 4
HC = D_OUT // HEADS
NEG_SLOPE = 0.2


def setup_inputs(seed: int = 0):
    key = jax.random.key(seed)
    k1, k2, k3, k4 = jax.random.split(key, 4)
    x = jax.random.normal(k1, (N, D_IN), dtype=jnp.float32)
    edge_index = jax.random.randint(k2, (2, E), 0, N, dtype=jnp.int32)
    # linear_msg weight (no bias), stored as [in, out]
    W = jax.random.normal(k3, (D_IN, D_OUT), dtype=jnp.float32) * (1.0 / np.sqrt(D_IN))
    # att parameter, glorot init over shape [1, heads, 2*head_channels]
    att = jax.random.normal(k4, (1, HEADS, 2 * HC), dtype=jnp.float32) * np.sqrt(2.0 / (1 + 2 * HC))
    return {"x": x, "edge_index": edge_index, "W": W, "att": att}


def gcn_norm(edge_index, num_nodes):
    # add_remaining_self_loops semantics: drop existing self-loops, append full
    # self-loop set with fill_value=1 (improved=False)
    row, col = edge_index[0], edge_index[1]
    ew = jnp.ones((edge_index.shape[1],), dtype=jnp.float32)
    mask = row != col
    dummy = jnp.asarray(num_nodes, dtype=row.dtype)
    row = jnp.where(mask, row, dummy)
    col = jnp.where(mask, col, dummy)
    loop = jnp.arange(num_nodes, dtype=row.dtype)
    row = jnp.concatenate([row, loop])
    col = jnp.concatenate([col, loop])
    ew = jnp.concatenate([ew, jnp.ones((num_nodes,), jnp.float32)])
    deg = jax.ops.segment_sum(ew, row, num_segments=num_nodes + 1)
    dis = jnp.where(deg > 0, deg ** -0.5, 0.0)
    norm = dis[row] * ew * dis[col]
    return row, col, norm


def segment_softmax(alpha, idx, num_segments):
    amax = jax.ops.segment_max(alpha, idx, num_segments=num_segments)
    amax = jnp.where(jnp.isfinite(amax), amax, 0.0)
    amax = jax.lax.stop_gradient(amax)
    a = jnp.exp(alpha - amax[idx])
    asum = jax.ops.segment_sum(a, idx, num_segments=num_segments)
    return a / (asum[idx] + 1e-16)


def reference(x, edge_index, W, att):
    num_nodes = x.shape[0]
    row, col, norm = gcn_norm(edge_index, num_nodes)
    h = x @ W
    # flow source_to_target: x_j = h[row] (source), x_i = h[col] (target),
    # aggregation index is col (edge_index_i)
    x_j = h[row].reshape(-1, HEADS, HC)
    x_i = h[col].reshape(-1, HEADS, HC)
    alpha = (jnp.concatenate([x_i, x_j], axis=-1) * att).sum(axis=-1)
    alpha = jax.nn.leaky_relu(alpha, NEG_SLOPE)
    alpha = segment_softmax(alpha, col, num_nodes + 1)
    msg = norm[:, None, None] * x_j * alpha[:, :, None]
    out = jax.ops.segment_sum(msg, col, num_segments=num_nodes + 1)[:num_nodes]
    return out.reshape(num_nodes, D_OUT)

if __name__ == "__main__":
    import jax
    _d = setup_inputs()
    print(jax.jit(kernel)(*tuple(_d.values())))

</pallas_src>

<mosaic_0001>
#map = affine_map<(d0, d1) -> (0)>
module attributes {stable_mosaic.version = 14 : i64} {
  func.func @kern(%arg0: i32, %arg1: i32, %arg2: memref<320000xi32, #tpu.memory_space<hbm>>, %arg3: memref<1280000xf32, #tpu.memory_space<hbm>>, %arg4: memref<40032xf32, #tpu.memory_space<hbm>>, %arg5: memref<1280000xf32, #tpu.memory_space<hbm>>, %arg6: memref<2000xi32, #tpu.memory_space<vmem>>, %arg7: memref<8000xf32, #tpu.memory_space<vmem>>, %arg8: memref<40032xf32, #tpu.memory_space<vmem>>, %arg9: memref<!tpu.dma_semaphore, #tpu.memory_space<semaphore_mem>>, %arg10: memref<!tpu.dma_semaphore, #tpu.memory_space<semaphore_mem>>) attributes {dimension_semantics = [#tpu.dimension_semantics<core_parallel>, #tpu.dimension_semantics<subcore_parallel>], iteration_bounds = array<i64: 2, 16>, scalar_prefetch = 0 : i64, scratch_operands = 5 : i64, tpu.core_type = #tpu.core_type<sc_vector_subcore>, window_params = [{transform_indices = #map}, {transform_indices = #map}, {transform_indices = #map}, {transform_indices = #map}]} {
    %mul3A = arith.constant 2 : i32
    %mul3A_0 = arith.muli %arg1, %mul3A : i32
    %add3A = arith.addi %mul3A_0, %arg0 : i32
    %iota3A = tpu.iota {dimensions = array<i32: 0>} : vector<16xi32>
    %jit3A = arith.constant 4 : i32
    %div3A = vector.broadcast %jit3A : i32 to vector<16xi32>
    %div3A_1 = arith.divsi %iota3A, %div3A : vector<16xi32>
    %sign3A = arith.constant 0 : i32
    %sign3A_2 = vector.broadcast %sign3A : i32 to vector<16xi32>
    %sign3A_3 = arith.cmpi sgt, %iota3A, %sign3A_2 : vector<16xi32>
    %sign3A_4 = arith.extui %sign3A_3 : vector<16xi1> to vector<16xi32>
    %sign3A_5 = arith.constant 0 : i32
    %sign3A_6 = vector.broadcast %sign3A_5 : i32 to vector<16xi32>
    %sign3A_7 = arith.cmpi slt, %iota3A, %sign3A_6 : vector<16xi32>
    %sign3A_8 = arith.extui %sign3A_7 : vector<16xi1> to vector<16xi32>
    %sign3A_9 = arith.subi %sign3A_4, %sign3A_8 : vector<16xi32>
    %sign3A_10 = arith.constant 0 : i32
    %sign3A_11 = arith.cmpi sgt, %jit3A, %sign3A_10 : i32
    %sign3A_12 = arith.extui %sign3A_11 : i1 to i32
    %sign3A_13 = arith.constant 0 : i32
    %sign3A_14 = arith.cmpi slt, %jit3A, %sign3A_13 : i32
    %sign3A_15 = arith.extui %sign3A_14 : i1 to i32
    %sign3A_16 = arith.subi %sign3A_12, %sign3A_15 : i32
    %ne3A = vector.broadcast %sign3A_16 : i32 to vector<16xi32>
    %ne3A_17 = arith.cmpi ne, %sign3A_9, %ne3A : vector<16xi32>
    %rem3A = vector.broadcast %jit3A : i32 to vector<16xi32>
    %rem3A_18 = arith.remsi %iota3A, %rem3A : vector<16xi32>
    %ne3A_19 = arith.constant 0 : i32
    %ne3A_20 = vector.broadcast %ne3A_19 : i32 to vector<16xi32>
    %ne3A_21 = arith.cmpi ne, %rem3A_18, %ne3A_20 : vector<16xi32>
    %and3A = arith.andi %ne3A_17, %ne3A_21 : vector<16xi1>
    %sub3A = arith.constant 1 : i32
    %sub3A_22 = vector.broadcast %sub3A : i32 to vector<16xi32>
    %sub3A_23 = arith.subi %div3A_1, %sub3A_22 : vector<16xi32>
    %select_n3A = arith.select %and3A, %sub3A_23, %div3A_1 : vector<16xi1>, vector<16xi32>
    %jit3A_24 = arith.constant 4 : i32
    %eq3A = arith.constant 0 : i32
    %eq3A_25 = arith.cmpi eq, %jit3A_24, %eq3A : i32
    %jit3A_26 = arith.constant 1 : i32
    %select_n3A_27 = arith.select %eq3A_25, %jit3A_26, %jit3A_24 : i32
    %rem3A_28 = vector.broadcast %select_n3A_27 : i32 to vector<16xi32>
    %rem3A_29 = arith.remsi %iota3A, %rem3A_28 : vector<16xi32>
    %ne3A_30 = arith.constant 0 : i32
    %ne3A_31 = vector.broadcast %ne3A_30 : i32 to vector<16xi32>
    %ne3A_32 = arith.cmpi ne, %rem3A_29, %ne3A_31 : vector<16xi32>
    %lt3A = arith.constant 0 : i32
    %lt3A_33 = vector.broadcast %lt3A : i32 to vector<16xi32>
    %lt3A_34 = arith.cmpi slt, %rem3A_29, %lt3A_33 : vector<16xi32>
    %lt3A_35 = arith.constant 0 : i32
    %lt3A_36 = arith.cmpi slt, %select_n3A_27, %lt3A_35 : i32
    %ne3A_37 = vector.broadcast %lt3A_36 : i1 to vector<16xi1>
    %ne3A_38 = vector.broadcast %ne3A_37 : vector<16xi1> to vector<16xi1>
    %ne3A_39 = arith.xori %lt3A_34, %ne3A_38 : vector<16xi1>
    %and3A_40 = arith.andi %ne3A_39, %ne3A_32 : vector<16xi1>
    %add3A_41 = vector.broadcast %select_n3A_27 : i32 to vector<16xi32>
    %add3A_42 = arith.addi %rem3A_29, %add3A_41 : vector<16xi32>
    %select_n3A_43 = arith.select %and3A_40, %add3A_42, %rem3A_29 : vector<16xi1>, vector<16xi32>
    "tpu.region"() ({
      %run_scoped3A = tpu.sem_alloc : memref<!tpu.dma_semaphore, #tpu.memory_space<semaphore_mem>>
      tpu.enqueue_dma source(%arg4 : memref<40032xf32, #tpu.memory_space<hbm>>) target(%arg8 : memref<40032xf32, #tpu.memory_space<vmem>>) target_semaphore(%run_scoped3A : memref<!tpu.dma_semaphore, #tpu.memory_space<semaphore_mem>>)
      tpu.wait_dma2 semaphore(%run_scoped3A : memref<!tpu.dma_semaphore, #tpu.memory_space<semaphore_mem>>) src(%arg4 : memref<40032xf32, #tpu.memory_space<hbm>>) dst(%arg8 : memref<40032xf32, #tpu.memory_space<vmem>>)
      tpu.yield
    }) : () -> ()
    %scan3A = arith.constant 0 : i32
    %scan3A_44 = arith.constant 0 : i32
    %scan3A_45 = arith.constant 5 : i32
    %scan3A_46 = arith.addi %scan3A_44, %scan3A_45 : i32
    %scan3A_47 = arith.constant 1 : i32
    scf.for %scan3A_54 = %scan3A_44 to %scan3A_46 step %scan3A_47  : i32 {
      %mul3A_55 = arith.constant 10000 : i32
      %mul3A_56 = arith.muli %add3A, %mul3A_55 : i32
      %mul3A_57 = arith.constant 2000 : i32
      %mul3A_58 = arith.muli %scan3A_54, %mul3A_57 : i32
      %add3A_59 = arith.addi %mul3A_56, %mul3A_58 : i32
      %dma_start3A = tpu.memref_slice %arg2[%add3A_59] : memref<320000xi32, #tpu.memory_space<hbm>> -> memref<2000xi32, #tpu.memory_space<hbm>>
      %dma_start3A_60 = tpu.memref_slice %arg2[%add3A_59] : memref<320000xi32, #tpu.memory_space<hbm>> -> memref<2000xi32, #tpu.memory_space<hbm>>
      tpu.enqueue_dma source(%dma_start3A_60 : memref<2000xi32, #tpu.memory_space<hbm>>) target(%arg6 : memref<2000xi32, #tpu.memory_space<vmem>>) target_semaphore(%arg9 : memref<!tpu.dma_semaphore, #tpu.memory_space<semaphore_mem>>)
      %gt3A = arith.constant 0 : i32
      %gt3A_61 = arith.cmpi sgt, %scan3A_54, %gt3A : i32
      %convert_element_type3A = arith.extui %gt3A_61 : i1 to i32
      %cond3A = arith.constant 0 : i32
      %cond3A_62 = arith.cmpi ne, %convert_element_type3A, %cond3A : i32
      scf.if %cond3A_62 {
        %mul3A_81 = arith.constant 4 : i32
        %mul3A_82 = arith.muli %add3A_59, %mul3A_81 : i32
        %dma_wait3A_83 = tpu.memref_slice %arg5[%mul3A_82] : memref<1280000xf32, #tpu.memory_space<hbm>> -> memref<8000xf32, #tpu.memory_space<hbm>>
        %dma_wait3A_84 = tpu.memref_slice %arg5[%mul3A_82] : memref<1280000xf32, #tpu.memory_space<hbm>> -> memref<8000xf32, #tpu.memory_space<hbm>>
        tpu.wait_dma2 semaphore(%arg10 : memref<!tpu.dma_semaphore, #tpu.memory_space<semaphore_mem>>) src(%arg7 : memref<8000xf32, #tpu.memory_space<vmem>>) dst(%dma_wait3A_84 : memref<8000xf32, #tpu.memory_space<hbm>>)
      } else {
      }
      %mul3A_63 = arith.constant 4 : i32
      %mul3A_64 = arith.muli %add3A_59, %mul3A_63 : i32
      %dma_start3A_65 = tpu.memref_slice %arg3[%mul3A_64] : memref<1280000xf32, #tpu.memory_space<hbm>> -> memref<8000xf32, #tpu.memory_space<hbm>>
      %dma_start3A_66 = tpu.memref_slice %arg3[%mul3A_64] : memref<1280000xf32, #tpu.memory_space<hbm>> -> memref<8000xf32, #tpu.memory_space<hbm>>
      tpu.enqueue_dma source(%dma_start3A_66 : memref<8000xf32, #tpu.memory_space<hbm>>) target(%arg7 : memref<8000xf32, #tpu.memory_space<vmem>>) target_semaphore(%arg9 : memref<!tpu.dma_semaphore, #tpu.memory_space<semaphore_mem>>)
      %dma_wait3A_67 = tpu.memref_slice %arg2[%add3A_59] : memref<320000xi32, #tpu.memory_space<hbm>> -> memref<2000xi32, #tpu.memory_space<hbm>>
      %dma_wait3A_68 = tpu.memref_slice %arg2[%add3A_59] : memref<320000xi32, #tpu.memory_space<hbm>> -> memref<2000xi32, #tpu.memory_space<hbm>>
      tpu.wait_dma2 semaphore(%arg9 : memref<!tpu.dma_semaphore, #tpu.memory_space<semaphore_mem>>) src(%dma_wait3A_68 : memref<2000xi32, #tpu.memory_space<hbm>>) dst(%arg6 : memref<2000xi32, #tpu.memory_space<vmem>>)
      %dma_wait3A_69 = tpu.memref_slice %arg3[%mul3A_64] : memref<1280000xf32, #tpu.memory_space<hbm>> -> memref<8000xf32, #tpu.memory_space<hbm>>
      %dma_wait3A_70 = tpu.memref_slice %arg3[%mul3A_64] : memref<1280000xf32, #tpu.memory_space<hbm>> -> memref<8000xf32, #tpu.memory_space<hbm>>
      tpu.wait_dma2 semaphore(%arg9 : memref<!tpu.dma_semaphore, #tpu.memory_space<semaphore_mem>>) src(%dma_wait3A_70 : memref<8000xf32, #tpu.memory_space<hbm>>) dst(%arg7 : memref<8000xf32, #tpu.memory_space<vmem>>)
      %scan3A_71 = arith.constant 0 : i32
      %scan3A_72 = arith.constant 0 : i32
      %scan3A_73 = arith.constant 125 : i32
      %scan3A_74 = arith.addi %scan3A_72, %scan3A_73 : i32
      %scan3A_75 = arith.constant 1 : i32
      scf.for %scan3A_81 = %scan3A_72 to %scan3A_74 step %scan3A_75  : i32 {
        %mul3A_82 = arith.constant 4 : i32
        %mul3A_83 = arith.muli %scan3A_81, %mul3A_82 : i32
        %add3A_84 = arith.constant 0 : i32
        %add3A_85 = arith.addi %mul3A_83, %add3A_84 : i32
        %mul3A_86 = arith.constant 4 : i32
        %mul3A_87 = arith.muli %add3A_85, %mul3A_86 : i32
        %add3A_88 = vector.broadcast %mul3A_87 : i32 to vector<16xi32>
        %add3A_89 = arith.addi %add3A_88, %select_n3A : vector<16xi32>
        %gather3A = tpu.vector_load_idx %arg6[%add3A_89] : memref<2000xi32, #tpu.memory_space<vmem>>[vector<16xi32>], vector<16xi32>,
        %mul3A_90 = arith.constant 10008 : i32
        %mul3A_91 = vector.broadcast %mul3A_90 : i32 to vector<16xi32>
        %mul3A_92 = arith.muli %select_n3A_43, %mul3A_91 : vector<16xi32>
        %add3A_93 = arith.addi %mul3A_92, %gather3A : vector<16xi32>
        %gather3A_94 = tpu.vector_load_idx %arg8[%add3A_93] : memref<40032xf32, #tpu.memory_space<vmem>>[vector<16xi32>], vector<16xf32>,
        %mul3A_95 = arith.constant 16 : i32
        %mul3A_96 = arith.muli %add3A_85, %mul3A_95 : i32
        %get3A = arith.index_cast %mul3A_96 : i32 to index
        %get3A_97 = tpu.vector_load %arg7[%get3A] {strides = array<i32>} : memref<8000xf32, #tpu.memory_space<vmem>>, vector<16xf32>,
        %mul3A_98 = arith.mulf %get3A_97, %gather3A_94 : vector<16xf32>
        %mul3A_99 = arith.constant 16 : i32
        %mul3A_100 = arith.muli %add3A_85, %mul3A_99 : i32
        %swap3A = arith.index_cast %mul3A_100 : i32 to index
        %swap3A_101 = tpu.vector_load %arg7[%swap3A] {strides = array<i32>} : memref<8000xf32, #tpu.memory_space<vmem>>, vector<16xf32>,
        tpu.vector_store %arg7[%swap3A], %mul3A_98 {strides = array<i32>} : memref<8000xf32, #tpu.memory_space<vmem>>, vector<16xf32>,
        %mul3A_102 = arith.constant 4 : i32
        %mul3A_103 = arith.muli %scan3A_81, %mul3A_102 : i32
        %add3A_104 = arith.constant 1 : i32
        %add3A_105 = arith.addi %mul3A_103, %add3A_104 : i32
        %mul3A_106 = arith.constant 4 : i32
        %mul3A_107 = arith.muli %add3A_105, %mul3A_106 : i32
        %add3A_108 = vector.broadcast %mul3A_107 : i32 to vector<16xi32>
        %add3A_109 = arith.addi %add3A_108, %select_n3A : vector<16xi32>
        %gather3A_110 = tpu.vector_load_idx %arg6[%add3A_109] : memref<2000xi32, #tpu.memory_space<vmem>>[vector<16xi32>], vector<16xi32>,
        %mul3A_111 = arith.constant 10008 : i32
        %mul3A_112 = vector.broadcast %mul3A_111 : i32 to vector<16xi32>
        %mul3A_113 = arith.muli %select_n3A_43, %mul3A_112 : vector<16xi32>
        %add3A_114 = arith.addi %mul3A_113, %gather3A_110 : vector<16xi32>
        %gather3A_115 = tpu.vector_load_idx %arg8[%add3A_114] : memref<40032xf32, #tpu.memory_space<vmem>>[vector<16xi32>], vector<16xf32>,
        %mul3A_116 = arith.constant 16 : i32
        %mul3A_117 = arith.muli %add3A_105, %mul3A_116 : i32
        %get3A_118 = arith.index_cast %mul3A_117 : i32 to index
        %get3A_119 = tpu.vector_load %arg7[%get3A_118] {strides = array<i32>} : memref<8000xf32, #tpu.memory_space<vmem>>, vector<16xf32>,
        %mul3A_120 = arith.mulf %get3A_119, %gather3A_115 : vector<16xf32>
        %mul3A_121 = arith.constant 16 : i32
        %mul3A_122 = arith.muli %add3A_105, %mul3A_121 : i32
        %swap3A_123 = arith.index_cast %mul3A_122 : i32 to index
        %swap3A_124 = tpu.vector_load %arg7[%swap3A_123] {strides = array<i32>} : memref<8000xf32, #tpu.memory_space<vmem>>, vector<16xf32>,
        tpu.vector_store %arg7[%swap3A_123], %mul3A_120 {strides = array<i32>} : memref<8000xf32, #tpu.memory_space<vmem>>, vector<16xf32>,
        %mul3A_125 = arith.constant 4 : i32
        %mul3A_126 = arith.muli %scan3A_81, %mul3A_125 : i32
        %add3A_127 = arith.constant 2 : i32
        %add3A_128 = arith.addi %mul3A_126, %add3A_127 : i32
        %mul3A_129 = arith.constant 4 : i32
        %mul3A_130 = arith.muli %add3A_128, %mul3A_129 : i32
        %add3A_131 = vector.broadcast %mul3A_130 : i32 to vector<16xi32>
        %add3A_132 = arith.addi %add3A_131, %select_n3A : vector<16xi32>
        %gather3A_133 = tpu.vector_load_idx %arg6[%add3A_132] : memref<2000xi32, #tpu.memory_space<vmem>>[vector<16xi32>], vector<16xi32>,
        %mul3A_134 = arith.constant 10008 : i32
        %mul3A_135 = vector.broadcast %mul3A_134 : i32 to vector<16xi32>
        %mul3A_136 = arith.muli %select_n3A_43, %mul3A_135 : vector<16xi32>
        %add3A_137 = arith.addi %mul3A_136, %gather3A_133 : vector<16xi32>
        %gather3A_138 = tpu.vector_load_idx %arg8[%add3A_137] : memref<40032xf32, #tpu.memory_space<vmem>>[vector<16xi32>], vector<16xf32>,
        %mul3A_139 = arith.constant 16 : i32
        %mul3A_140 = arith.muli %add3A_128, %mul3A_139 : i32
        %get3A_141 = arith.index_cast %mul3A_140 : i32 to index
        %get3A_142 = tpu.vector_load %arg7[%get3A_141] {strides = array<i32>} : memref<8000xf32, #tpu.memory_space<vmem>>, vector<16xf32>,
        %mul3A_143 = arith.mulf %get3A_142, %gather3A_138 : vector<16xf32>
        %mul3A_144 = arith.constant 16 : i32
        %mul3A_145 = arith.muli %add3A_128, %mul3A_144 : i32
        %swap3A_146 = arith.index_cast %mul3A_145 : i32 to index
        %swap3A_147 = tpu.vector_load %arg7[%swap3A_146] {strides = array<i32>} : memref<8000xf32, #tpu.memory_space<vmem>>, vector<16xf32>,
        tpu.vector_store %arg7[%swap3A_146], %mul3A_143 {strides = array<i32>} : memref<8000xf32, #tpu.memory_space<vmem>>, vector<16xf32>,
        %mul3A_148 = arith.constant 4 : i32
        %mul3A_149 = arith.muli %scan3A_81, %mul3A_148 : i32
        %add3A_150 = arith.constant 3 : i32
        %add3A_151 = arith.addi %mul3A_149, %add3A_150 : i32
        %mul3A_152 = arith.constant 4 : i32
        %mul3A_153 = arith.muli %add3A_151, %mul3A_152 : i32
        %add3A_154 = vector.broadcast %mul3A_153 : i32 to vector<16xi32>
        %add3A_155 = arith.addi %add3A_154, %select_n3A : vector<16xi32>
        %gather3A_156 = tpu.vector_load_idx %arg6[%add3A_155] : memref<2000xi32, #tpu.memory_space<vmem>>[vector<16xi32>], vector<16xi32>,
        %mul3A_157 = arith.constant 10008 : i32
        %mul3A_158 = vector.broadcast %mul3A_157 : i32 to vector<16xi32>
        %mul3A_159 = arith.muli %select_n3A_43, %mul3A_158 : vector<16xi32>
        %add3A_160 = arith.addi %mul3A_159, %gather3A_156 : vector<16xi32>
        %gather3A_161 = tpu.vector_load_idx %arg8[%add3A_160] : memref<40032xf32, #tpu.memory_space<vmem>>[vector<16xi32>], vector<16xf32>,
        %mul3A_162 = arith.constant 16 : i32
        %mul3A_163 = arith.muli %add3A_151, %mul3A_162 : i32
        %get3A_164 = arith.index_cast %mul3A_163 : i32 to index
        %get3A_165 = tpu.vector_load %arg7[%get3A_164] {strides = array<i32>} : memref<8000xf32, #tpu.memory_space<vmem>>, vector<16xf32>,
        %mul3A_166 = arith.mulf %get3A_165, %gather3A_161 : vector<16xf32>
        %mul3A_167 = arith.constant 16 : i32
        %mul3A_168 = arith.muli %add3A_151, %mul3A_167 : i32
        %swap3A_169 = arith.index_cast %mul3A_168 : i32 to index
        %swap3A_170 = tpu.vector_load %arg7[%swap3A_169] {strides = array<i32>} : memref<8000xf32, #tpu.memory_space<vmem>>, vector<16xf32>,
        tpu.vector_store %arg7[%swap3A_169], %mul3A_166 {strides = array<i32>} : memref<8000xf32, #tpu.memory_space<vmem>>, vector<16xf32>,
      }
      %scan3A_76 = arith.constant 125 : i32
      %mul3A_77 = arith.constant 4 : i32
      %mul3A_78 = arith.muli %add3A_59, %mul3A_77 : i32
      %dma_start3A_79 = tpu.memref_slice %arg5[%mul3A_78] : memref<1280000xf32, #tpu.memory_space<hbm>> -> memref<8000xf32, #tpu.memory_space<hbm>>
      %dma_start3A_80 = tpu.memref_slice %arg5[%mul3A_78] : memref<1280000xf32, #tpu.memory_space<hbm>> -> memref<8000xf32, #tpu.memory_space<hbm>>
      tpu.enqueue_dma source(%arg7 : memref<8000xf32, #tpu.memory_space<vmem>>) target(%dma_start3A_80 : memref<8000xf32, #tpu.memory_space<hbm>>) target_semaphore(%arg10 : memref<!tpu.dma_semaphore, #tpu.memory_space<semaphore_mem>>)
    }
    %scan3A_48 = arith.constant 5 : i32
    %mul3A_49 = arith.constant 10000 : i32
    %mul3A_50 = arith.muli %add3A, %mul3A_49 : i32
    %mul3A_51 = arith.constant 4 : i32
    %mul3A_52 = arith.muli %mul3A_50, %mul3A_51 : i32
    %dma_wait3A = tpu.memref_slice %arg5[%mul3A_52] : memref<1280000xf32, #tpu.memory_space<hbm>> -> memref<8000xf32, #tpu.memory_space<hbm>>
    %dma_wait3A_53 = tpu.memref_slice %arg5[%mul3A_52] : memref<1280000xf32, #tpu.memory_space<hbm>> -> memref<8000xf32, #tpu.memory_space<hbm>>
    tpu.wait_dma2 semaphore(%arg10 : memref<!tpu.dma_semaphore, #tpu.memory_space<semaphore_mem>>) src(%arg7 : memref<8000xf32, #tpu.memory_space<vmem>>) dst(%dma_wait3A_53 : memref<8000xf32, #tpu.memory_space<hbm>>)
    return
  }
}

#map = affine_map<(d0, d1) -> (0)>
#map1 = affine_map<(d0, d1) -> (0, 0)>
module attributes {stable_mosaic.version = 14 : i64} {
  func.func @kern(%arg0: i32, %arg1: i32, %arg2: memref<320000xi32, #tpu.memory_space<hbm>>, %arg3: memref<320000xi32, #tpu.memory_space<hbm>>, %arg4: memref<80064xf32, #tpu.memory_space<hbm>>, %arg5: memref<16xf32, #tpu.memory_space<hbm>>, %arg6: memref<1280000xf32, #tpu.memory_space<hbm>>, %arg7: memref<32x40032xf32, #tpu.memory_space<hbm>>, %arg8: memref<320000xi32, #tpu.memory_space<hbm>>, %arg9: memref<320000xi32, #tpu.memory_space<hbm>>, %arg10: memref<400xi32, #tpu.memory_space<vmem>>, %arg11: memref<400xi32, #tpu.memory_space<vmem>>, %arg12: memref<400xi32, #tpu.memory_space<vmem>>, %arg13: memref<400xi32, #tpu.memory_space<vmem>>, %arg14: memref<1600xf32, #tpu.memory_space<vmem>>, %arg15: memref<16xf32, #tpu.memory_space<vmem>>, %arg16: memref<80064xf32, #tpu.memory_space<vmem>>, %arg17: memref<40032xf32, #tpu.memory_space<vmem>>, %arg18: memref<!tpu.dma_semaphore, #tpu.memory_space<semaphore_mem>>, %arg19: memref<!tpu.dma_semaphore, #tpu.memory_space<semaphore_mem>>) attributes {dimension_semantics = [#tpu.dimension_semantics<core_parallel>, #tpu.dimension_semantics<subcore_parallel>], iteration_bounds = array<i64: 2, 16>, scalar_prefetch = 0 : i64, scratch_operands = 10 : i64, tpu.core_type = #tpu.core_type<sc_vector_subcore>, window_params = [{transform_indices = #map}, {transform_indices = #map}, {transform_indices = #map}, {transform_indices = #map}, {transform_indices = #map}, {transform_indices = #map1}, {transform_indices = #map}, {transform_indices = #map}]} {
    %mul3A = arith.constant 2 : i32
    %mul3A_0 = arith.muli %arg1, %mul3A : i32
    %add3A = arith.addi %mul3A_0, %arg0 : i32
    %iota3A = tpu.iota {dimensions = array<i32: 0>} : vector<16xi32>
    %jit3A = arith.constant 4 : i32
    %div3A = vector.broadcast %jit3A : i32 to vector<16xi32>
    %div3A_1 = arith.divsi %iota3A, %div3A : vector<16xi32>
    %sign3A = arith.constant 0 : i32
    %sign3A_2 = vector.broadcast %sign3A : i32 to vector<16xi32>
    %sign3A_3 = arith.cmpi sgt, %iota3A, %sign3A_2 : vector<16xi32>
    %sign3A_4 = arith.extui %sign3A_3 : vector<16xi1> to vector<16xi32>
    %sign3A_5 = arith.constant 0 : i32
    %sign3A_6 = vector.broadcast %sign3A_5 : i32 to vector<16xi32>
    %sign3A_7 = arith.cmpi slt, %iota3A, %sign3A_6 : vector<16xi32>
    %sign3A_8 = arith.extui %sign3A_7 : vector<16xi1> to vector<16xi32>
    %sign3A_9 = arith.subi %sign3A_4, %sign3A_8 : vector<16xi32>
    %sign3A_10 = arith.constant 0 : i32
    %sign3A_11 = arith.cmpi sgt, %jit3A, %sign3A_10 : i32
    %sign3A_12 = arith.extui %sign3A_11 : i1 to i32
    %sign3A_13 = arith.constant 0 : i32
    %sign3A_14 = arith.cmpi slt, %jit3A, %sign3A_13 : i32
    %sign3A_15 = arith.extui %sign3A_14 : i1 to i32
    %sign3A_16 = arith.subi %sign3A_12, %sign3A_15 : i32
    %ne3A = vector.broadcast %sign3A_16 : i32 to vector<16xi32>
    %ne3A_17 = arith.cmpi ne, %sign3A_9, %ne3A : vector<16xi32>
    %rem3A = vector.broadcast %jit3A : i32 to vector<16xi32>
    %rem3A_18 = arith.remsi %iota3A, %rem3A : vector<16xi32>
    %ne3A_19 = arith.constant 0 : i32
    %ne3A_20 = vector.broadcast %ne3A_19 : i32 to vector<16xi32>
    %ne3A_21 = arith.cmpi ne, %rem3A_18, %ne3A_20 : vector<16xi32>
    %and3A = arith.andi %ne3A_17, %ne3A_21 : vector<16xi1>
    %sub3A = arith.constant 1 : i32
    %sub3A_22 = vector.broadcast %sub3A : i32 to vector<16xi32>
    %sub3A_23 = arith.subi %div3A_1, %sub3A_22 : vector<16xi32>
    %select_n3A = arith.select %and3A, %sub3A_23, %div3A_1 : vector<16xi1>, vector<16xi32>
    %jit3A_24 = arith.constant 4 : i32
    %eq3A = arith.constant 0 : i32
    %eq3A_25 = arith.cmpi eq, %jit3A_24, %eq3A : i32
    %jit3A_26 = arith.constant 1 : i32
    %select_n3A_27 = arith.select %eq3A_25, %jit3A_26, %jit3A_24 : i32
    %rem3A_28 = vector.broadcast %select_n3A_27 : i32 to vector<16xi32>
    %rem3A_29 = arith.remsi %iota3A, %rem3A_28 : vector<16xi32>
    %ne3A_30 = arith.constant 0 : i32
    %ne3A_31 = vector.broadcast %ne3A_30 : i32 to vector<16xi32>
    %ne3A_32 = arith.cmpi ne, %rem3A_29, %ne3A_31 : vector<16xi32>
    %lt3A = arith.constant 0 : i32
    %lt3A_33 = vector.broadcast %lt3A : i32 to vector<16xi32>
    %lt3A_34 = arith.cmpi slt, %rem3A_29, %lt3A_33 : vector<16xi32>
    %lt3A_35 = arith.constant 0 : i32
    %lt3A_36 = arith.cmpi slt, %select_n3A_27, %lt3A_35 : i32
    %ne3A_37 = vector.broadcast %lt3A_36 : i1 to vector<16xi1>
    %ne3A_38 = vector.broadcast %ne3A_37 : vector<16xi1> to vector<16xi1>
    %ne3A_39 = arith.xori %lt3A_34, %ne3A_38 : vector<16xi1>
    %and3A_40 = arith.andi %ne3A_39, %ne3A_32 : vector<16xi1>
    %add3A_41 = vector.broadcast %select_n3A_27 : i32 to vector<16xi32>
    %add3A_42 = arith.addi %rem3A_29, %add3A_41 : vector<16xi32>
    %select_n3A_43 = arith.select %and3A_40, %add3A_42, %rem3A_29 : vector<16xi1>, vector<16xi32>
    %broadcast_in_dim3A = arith.constant 0.000000e+00 : f32
    %broadcast_in_dim3A_44 = vector.broadcast %broadcast_in_dim3A : f32 to vector<16xf32>
    "tpu.region"() ({
      %run_scoped3A = tpu.sem_alloc : memref<!tpu.dma_semaphore, #tpu.memory_space<semaphore_mem>>
      tpu.enqueue_dma source(%arg4 : memref<80064xf32, #tpu.memory_space<hbm>>) target(%arg16 : memref<80064xf32, #tpu.memory_space<vmem>>) target_semaphore(%run_scoped3A : memref<!tpu.dma_semaphore, #tpu.memory_space<semaphore_mem>>)
      tpu.wait_dma2 semaphore(%run_scoped3A : memref<!tpu.dma_semaphore, #tpu.memory_space<semaphore_mem>>) src(%arg4 : memref<80064xf32, #tpu.memory_space<hbm>>) dst(%arg16 : memref<80064xf32, #tpu.memory_space<vmem>>)
      tpu.yield
    }) : () -> ()
    "tpu.region"() ({
      %run_scoped3A = tpu.sem_alloc : memref<!tpu.dma_semaphore, #tpu.memory_space<semaphore_mem>>
      tpu.enqueue_dma source(%arg5 : memref<16xf32, #tpu.memory_space<hbm>>) target(%arg15 : memref<16xf32, #tpu.memory_space<vmem>>) target_semaphore(%run_scoped3A : memref<!tpu.dma_semaphore, #tpu.memory_space<semaphore_mem>>)
      tpu.wait_dma2 semaphore(%run_scoped3A : memref<!tpu.dma_semaphore, #tpu.memory_space<semaphore_mem>>) src(%arg5 : memref<16xf32, #tpu.memory_space<hbm>>) dst(%arg15 : memref<16xf32, #tpu.memory_space<vmem>>)
      tpu.yield
    }) : () -> ()
    %get3A = arith.constant 0 : index
    %get3A_45 = tpu.vector_load %arg15[%get3A] {strides = array<i32>} : memref<16xf32, #tpu.memory_space<vmem>>, vector<16xf32>,
    %scan3A = arith.constant 0 : i32
    %scan3A_46 = arith.constant 0 : i32
    %scan3A_47 = arith.constant 2502 : i32
    %scan3A_48 = arith.addi %scan3A_46, %scan3A_47 : i32
    %scan3A_49 = arith.constant 1 : i32
    scf.for %scan3A_66 = %scan3A_46 to %scan3A_48 step %scan3A_49  : i32 {
      %mul3A_67 = arith.constant 16 : i32
      %mul3A_68 = arith.muli %scan3A_66, %mul3A_67 : i32
      %swap3A = arith.index_cast %mul3A_68 : i32 to index
      %swap3A_69 = tpu.vector_load %arg17[%swap3A] {strides = array<i32>} : memref<40032xf32, #tpu.memory_space<vmem>>, vector<16xf32>,
      tpu.vector_store %arg17[%swap3A], %broadcast_in_dim3A_44 {strides = array<i32>} : memref<40032xf32, #tpu.memory_space<vmem>>, vector<16xf32>,
    }
    %scan3A_50 = arith.constant 2502 : i32
    %scan3A_51 = arith.constant 0 : i32
    %scan3A_52 = arith.constant 0 : i32
    %scan3A_53 = arith.constant 25 : i32
    %scan3A_54 = arith.addi %scan3A_52, %scan3A_53 : i32
    %scan3A_55 = arith.constant 1 : i32
    scf.for %scan3A_66 = %scan3A_52 to %scan3A_54 step %scan3A_55  : i32 {
      %mul3A_67 = arith.constant 10000 : i32
      %mul3A_68 = arith.muli %add3A, %mul3A_67 : i32
      %mul3A_69 = arith.constant 400 : i32
      %mul3A_70 = arith.muli %scan3A_66, %mul3A_69 : i32
      %add3A_71 = arith.addi %mul3A_68, %mul3A_70 : i32
      %dma_start3A = tpu.memref_slice %arg2[%add3A_71] : memref<320000xi32, #tpu.memory_space<hbm>> -> memref<400xi32, #tpu.memory_space<hbm>>
      %dma_start3A_72 = tpu.memref_slice %arg2[%add3A_71] : memref<320000xi32, #tpu.memory_space<hbm>> -> memref<400xi32, #tpu.memory_space<hbm>>
      tpu.enqueue_dma source(%dma_start3A_72 : memref<400xi32, #tpu.memory_space<hbm>>) target(%arg10 : memref<400xi32, #tpu.memory_space<vmem>>) target_semaphore(%arg18 : memref<!tpu.dma_semaphore, #tpu.memory_space<semaphore_mem>>)
      %dma_start3A_73 = tpu.memref_slice %arg3[%add3A_71] : memref<320000xi32, #tpu.memory_space<hbm>> -> memref<400xi32, #tpu.memory_space<hbm>>
      %dma_start3A_74 = tpu.memref_slice %arg3[%add3A_71] : memref<320000xi32, #tpu.memory_space<hbm>> -> memref<400xi32, #tpu.memory_space<hbm>>
      tpu.enqueue_dma source(%dma_start3A_74 : memref<400xi32, #tpu.memory_space<hbm>>) target(%arg11 : memref<400xi32, #tpu.memory_space<vmem>>) target_semaphore(%arg18 : memref<!tpu.dma_semaphore, #tpu.memory_space<semaphore_mem>>)
      %gt3A = arith.constant 0 : i32
      %gt3A_75 = arith.cmpi sgt, %scan3A_66, %gt3A : i32
      %convert_element_type3A = arith.extui %gt3A_75 : i1 to i32
      %cond3A = arith.constant 0 : i32
      %cond3A_76 = arith.cmpi ne, %convert_element_type3A, %cond3A : i32
      scf.if %cond3A_76 {
        %mul3A_101 = arith.constant 4 : i32
        %mul3A_102 = arith.muli %add3A_71, %mul3A_101 : i32
        %dma_wait3A_103 = tpu.memref_slice %arg6[%mul3A_102] : memref<1280000xf32, #tpu.memory_space<hbm>> -> memref<1600xf32, #tpu.memory_space<hbm>>
        %dma_wait3A_104 = tpu.memref_slice %arg6[%mul3A_102] : memref<1280000xf32, #tpu.memory_space<hbm>> -> memref<1600xf32, #tpu.memory_space<hbm>>
        tpu.wait_dma2 semaphore(%arg19 : memref<!tpu.dma_semaphore, #tpu.memory_space<semaphore_mem>>) src(%arg14 : memref<1600xf32, #tpu.memory_space<vmem>>) dst(%dma_wait3A_104 : memref<1600xf32, #tpu.memory_space<hbm>>)
        %dma_wait3A_105 = tpu.memref_slice %arg8[%add3A_71] : memref<320000xi32, #tpu.memory_space<hbm>> -> memref<400xi32, #tpu.memory_space<hbm>>
        %dma_wait3A_106 = tpu.memref_slice %arg8[%add3A_71] : memref<320000xi32, #tpu.memory_space<hbm>> -> memref<400xi32, #tpu.memory_space<hbm>>
        tpu.wait_dma2 semaphore(%arg19 : memref<!tpu.dma_semaphore, #tpu.memory_space<semaphore_mem>>) src(%arg12 : memref<400xi32, #tpu.memory_space<vmem>>) dst(%dma_wait3A_106 : memref<400xi32, #tpu.memory_space<hbm>>)
        %dma_wait3A_107 = tpu.memref_slice %arg9[%add3A_71] : memref<320000xi32, #tpu.memory_space<hbm>> -> memref<400xi32, #tpu.memory_space<hbm>>
        %dma_wait3A_108 = tpu.memref_slice %arg9[%add3A_71] : memref<320000xi32, #tpu.memory_space<hbm>> -> memref<400xi32, #tpu.memory_space<hbm>>
        tpu.wait_dma2 semaphore(%arg19 : memref<!tpu.dma_semaphore, #tpu.memory_space<semaphore_mem>>) src(%arg13 : memref<400xi32, #tpu.memory_space<vmem>>) dst(%dma_wait3A_108 : memref<400xi32, #tpu.memory_space<hbm>>)
      } else {
      }
      %dma_wait3A_77 = tpu.memref_slice %arg2[%add3A_71] : memref<320000xi32, #tpu.memory_space<hbm>> -> memref<400xi32, #tpu.memory_space<hbm>>
      %dma_wait3A_78 = tpu.memref_slice %arg2[%add3A_71] : memref<320000xi32, #tpu.memory_space<hbm>> -> memref<400xi32, #tpu.memory_space<hbm>>
      tpu.wait_dma2 semaphore(%arg18 : memref<!tpu.dma_semaphore, #tpu.memory_space<semaphore_mem>>) src(%dma_wait3A_78 : memref<400xi32, #tpu.memory_space<hbm>>) dst(%arg10 : memref<400xi32, #tpu.memory_space<vmem>>)
      %dma_wait3A_79 = tpu.memref_slice %arg3[%add3A_71] : memref<320000xi32, #tpu.memory_space<hbm>> -> memref<400xi32, #tpu.memory_space<hbm>>
      %dma_wait3A_80 = tpu.memref_slice %arg3[%add3A_71] : memref<320000xi32, #tpu.memory_space<hbm>> -> memref<400xi32, #tpu.memory_space<hbm>>
      tpu.wait_dma2 semaphore(%arg18 : memref<!tpu.dma_semaphore, #tpu.memory_space<semaphore_mem>>) src(%dma_wait3A_80 : memref<400xi32, #tpu.memory_space<hbm>>) dst(%arg11 : memref<400xi32, #tpu.memory_space<vmem>>)
      %scan3A_81 = arith.constant 0 : i32
      %scan3A_82 = arith.constant 0 : i32
      %scan3A_83 = arith.constant 25 : i32
      %scan3A_84 = arith.addi %scan3A_82, %scan3A_83 : i32
      %scan3A_85 = arith.constant 1 : i32
      scf.for %scan3A_101 = %scan3A_82 to %scan3A_84 step %scan3A_85  : i32 {
        %mul3A_102 = arith.constant 16 : i32
        %mul3A_103 = arith.muli %scan3A_101, %mul3A_102 : i32
        %get3A_104 = arith.index_cast %mul3A_103 : i32 to index
        %get3A_105 = tpu.vector_load %arg10[%get3A_104] {strides = array<i32>} : memref<400xi32, #tpu.memory_space<vmem>>, vector<16xi32>,
        %mul3A_106 = arith.constant 16 : i32
        %mul3A_107 = arith.muli %scan3A_101, %mul3A_106 : i32
        %get3A_108 = arith.index_cast %mul3A_107 : i32 to index
        %get3A_109 = tpu.vector_load %arg11[%get3A_108] {strides = array<i32>} : memref<400xi32, #tpu.memory_space<vmem>>, vector<16xi32>,
        %eq3A_110 = arith.cmpi eq, %get3A_105, %get3A_109 : vector<16xi32>
        %jit3A_111 = arith.constant 10000 : i32
        %broadcast_in_dim3A_112 = vector.broadcast %jit3A_111 : i32 to vector<16xi32>
        %select_n3A_113 = arith.select %eq3A_110, %broadcast_in_dim3A_112, %get3A_105 : vector<16xi1>, vector<16xi32>
        %mul3A_114 = arith.constant 16 : i32
        %mul3A_115 = arith.muli %scan3A_101, %mul3A_114 : i32
        %swap3A = arith.index_cast %mul3A_115 : i32 to index
        %swap3A_116 = tpu.vector_load %arg12[%swap3A] {strides = array<i32>} : memref<400xi32, #tpu.memory_space<vmem>>, vector<16xi32>,
        tpu.vector_store %arg12[%swap3A], %select_n3A_113 {strides = array<i32>} : memref<400xi32, #tpu.memory_space<vmem>>, vector<16xi32>,
        %jit3A_117 = arith.constant 10000 : i32
        %broadcast_in_dim3A_118 = vector.broadcast %jit3A_117 : i32 to vector<16xi32>
        %select_n3A_119 = arith.select %eq3A_110, %broadcast_in_dim3A_118, %get3A_109 : vector<16xi1>, vector<16xi32>
        %mul3A_120 = arith.constant 16 : i32
        %mul3A_121 = arith.muli %scan3A_101, %mul3A_120 : i32
        %swap3A_122 = arith.index_cast %mul3A_121 : i32 to index
        %swap3A_123 = tpu.vector_load %arg13[%swap3A_122] {strides = array<i32>} : memref<400xi32, #tpu.memory_space<vmem>>, vector<16xi32>,
        tpu.vector_store %arg13[%swap3A_122], %select_n3A_119 {strides = array<i32>} : memref<400xi32, #tpu.memory_space<vmem>>, vector<16xi32>,
      }
      %scan3A_86 = arith.constant 25 : i32
      %scan3A_87 = arith.constant 0 : i32
      %scan3A_88 = arith.constant 0 : i32
      %scan3A_89 = arith.constant 25 : i32
      %scan3A_90 = arith.addi %scan3A_88, %scan3A_89 : i32
      %scan3A_91 = arith.constant 1 : i32
      scf.for %scan3A_101 = %scan3A_88 to %scan3A_90 step %scan3A_91  : i32 {
        %mul3A_102 = arith.constant 4 : i32
        %mul3A_103 = arith.muli %scan3A_101, %mul3A_102 : i32
        %add3A_104 = arith.constant 0 : i32
        %add3A_105 = arith.addi %mul3A_103, %add3A_104 : i32
        %mul3A_106 = arith.constant 4 : i32
        %mul3A_107 = arith.muli %add3A_105, %mul3A_106 : i32
        %add3A_108 = vector.broadcast %mul3A_107 : i32 to vector<16xi32>
        %add3A_109 = arith.addi %add3A_108, %select_n3A : vector<16xi32>
        %gather3A = tpu.vector_load_idx %arg12[%add3A_109] : memref<400xi32, #tpu.memory_space<vmem>>[vector<16xi32>], vector<16xi32>,
        %mul3A_110 = arith.constant 4 : i32
        %mul3A_111 = arith.muli %add3A_105, %mul3A_110 : i32
        %add3A_112 = vector.broadcast %mul3A_111 : i32 to vector<16xi32>
        %add3A_113 = arith.addi %add3A_112, %select_n3A : vector<16xi32>
        %gather3A_114 = tpu.vector_load_idx %arg13[%add3A_113] : memref<400xi32, #tpu.memory_space<vmem>>[vector<16xi32>], vector<16xi32>,
        %mul3A_115 = arith.constant 8 : i32
        %mul3A_116 = vector.broadcast %mul3A_115 : i32 to vector<16xi32>
        %mul3A_117 = arith.muli %gather3A, %mul3A_116 : vector<16xi32>
        %add3A_118 = arith.addi %mul3A_117, %select_n3A_43 : vector<16xi32>
        %gather3A_119 = tpu.vector_load_idx %arg16[%add3A_118] : memref<80064xf32, #tpu.memory_space<vmem>>[vector<16xi32>], vector<16xf32>,
        %mul3A_120 = arith.constant 8 : i32
        %mul3A_121 = vector.broadcast %mul3A_120 : i32 to vector<16xi32>
        %mul3A_122 = arith.muli %gather3A_114, %mul3A_121 : vector<16xi32>
        %add3A_123 = arith.constant 4 : i32
        %add3A_124 = vector.broadcast %add3A_123 : i32 to vector<16xi32>
        %add3A_125 = arith.addi %mul3A_122, %add3A_124 : vector<16xi32>
        %add3A_126 = arith.addi %add3A_125, %select_n3A_43 : vector<16xi32>
        %gather3A_127 = tpu.vector_load_idx %arg16[%add3A_126] : memref<80064xf32, #tpu.memory_space<vmem>>[vector<16xi32>], vector<16xf32>,
        %add3A_128 = arith.addf %gather3A_119, %gather3A_127 : vector<16xf32>
        %mul3A_129 = arith.constant 2.000000e-01 : f32
        %mul3A_130 = vector.broadcast %mul3A_129 : f32 to vector<16xf32>
        %mul3A_131 = arith.mulf %mul3A_130, %add3A_128 : vector<16xf32>
        %max3A = arith.maximumf %add3A_128, %mul3A_131 : vector<16xf32>
        %sub3A_132 = arith.subf %max3A, %get3A_45 : vector<16xf32>
        %exp3A = math.exp %sub3A_132 : vector<16xf32>
        %mul3A_133 = arith.constant 16 : i32
        %mul3A_134 = arith.muli %add3A_105, %mul3A_133 : i32
        %swap3A = arith.index_cast %mul3A_134 : i32 to index
        %swap3A_135 = tpu.vector_load %arg14[%swap3A] {strides = array<i32>} : memref<1600xf32, #tpu.memory_space<vmem>>, vector<16xf32>,
        tpu.vector_store %arg14[%swap3A], %exp3A {strides = array<i32>} : memref<1600xf32, #tpu.memory_space<vmem>>, vector<16xf32>,
        %mul3A_136 = arith.constant 10008 : i32
        %mul3A_137 = vector.broadcast %mul3A_136 : i32 to vector<16xi32>
        %mul3A_138 = arith.muli %select_n3A_43, %mul3A_137 : vector<16xi32>
        %add3A_139 = arith.addi %mul3A_138, %gather3A_114 : vector<16xi32>
        %eq3A_140 = arith.constant 0 : i32
        %eq3A_141 = vector.broadcast %eq3A_140 : i32 to vector<16xi32>
        %eq3A_142 = arith.cmpi eq, %select_n3A, %eq3A_141 : vector<16xi32>
        tpu.vector_store_idx %arg17[%add3A_139], %exp3A masked %eq3A_142 {add = true} : memref<40032xf32, #tpu.memory_space<vmem>>[vector<16xi32>], vector<16xf32>, vector<16xi1>
        %eq3A_143 = arith.constant 1 : i32
        %eq3A_144 = vector.broadcast %eq3A_143 : i32 to vector<16xi32>
        %eq3A_145 = arith.cmpi eq, %select_n3A, %eq3A_144 : vector<16xi32>
        tpu.vector_store_idx %arg17[%add3A_139], %exp3A masked %eq3A_145 {add = true} : memref<40032xf32, #tpu.memory_space<vmem>>[vector<16xi32>], vector<16xf32>, vector<16xi1>
        %eq3A_146 = arith.constant 2 : i32
        %eq3A_147 = vector.broadcast %eq3A_146 : i32 to vector<16xi32>
        %eq3A_148 = arith.cmpi eq, %select_n3A, %eq3A_147 : vector<16xi32>
        tpu.vector_store_idx %arg17[%add3A_139], %exp3A masked %eq3A_148 {add = true} : memref<40032xf32, #tpu.memory_space<vmem>>[vector<16xi32>], vector<16xf32>, vector<16xi1>
        %eq3A_149 = arith.constant 3 : i32
        %eq3A_150 = vector.broadcast %eq3A_149 : i32 to vector<16xi32>
        %eq3A_151 = arith.cmpi eq, %select_n3A, %eq3A_150 : vector<16xi32>
        tpu.vector_store_idx %arg17[%add3A_139], %exp3A masked %eq3A_151 {add = true} : memref<40032xf32, #tpu.memory_space<vmem>>[vector<16xi32>], vector<16xf32>, vector<16xi1>
        %mul3A_152 = arith.constant 4 : i32
        %mul3A_153 = arith.muli %scan3A_101, %mul3A_152 : i32
        %add3A_154 = arith.constant 1 : i32
        %add3A_155 = arith.addi %mul3A_153, %add3A_154 : i32
        %mul3A_156 = arith.constant 4 : i32
        %mul3A_157 = arith.muli %add3A_155, %mul3A_156 : i32
        %add3A_158 = vector.broadcast %mul3A_157 : i32 to vector<16xi32>
        %add3A_159 = arith.addi %add3A_158, %select_n3A : vector<16xi32>
        %gather3A_160 = tpu.vector_load_idx %arg12[%add3A_159] : memref<400xi32, #tpu.memory_space<vmem>>[vector<16xi32>], vector<16xi32>,
        %mul3A_161 = arith.constant 4 : i32
        %mul3A_162 = arith.muli %add3A_155, %mul3A_161 : i32
        %add3A_163 = vector.broadcast %mul3A_162 : i32 to vector<16xi32>
        %add3A_164 = arith.addi %add3A_163, %select_n3A : vector<16xi32>
        %gather3A_165 = tpu.vector_load_idx %arg13[%add3A_164] : memref<400xi32, #tpu.memory_space<vmem>>[vector<16xi32>], vector<16xi32>,
        %mul3A_166 = arith.constant 8 : i32
        %mul3A_167 = vector.broadcast %mul3A_166 : i32 to vector<16xi32>
        %mul3A_168 = arith.muli %gather3A_160, %mul3A_167 : vector<16xi32>
        %add3A_169 = arith.addi %mul3A_168, %select_n3A_43 : vector<16xi32>
        %gather3A_170 = tpu.vector_load_idx %arg16[%add3A_169] : memref<80064xf32, #tpu.memory_space<vmem>>[vector<16xi32>], vector<16xf32>,
        %mul3A_171 = arith.constant 8 : i32
        %mul3A_172 = vector.broadcast %mul3A_171 : i32 to vector<16xi32>
        %mul3A_173 = arith.muli %gather3A_165, %mul3A_172 : vector<16xi32>
        %add3A_174 = arith.constant 4 : i32
        %add3A_175 = vector.broadcast %add3A_174 : i32 to vector<16xi32>
        %add3A_176 = arith.addi %mul3A_173, %add3A_175 : vector<16xi32>
        %add3A_177 = arith.addi %add3A_176, %select_n3A_43 : vector<16xi32>
        %gather3A_178 = tpu.vector_load_idx %arg16[%add3A_177] : memref<80064xf32, #tpu.memory_space<vmem>>[vector<16xi32>], vector<16xf32>,
        %add3A_179 = arith.addf %gather3A_170, %gather3A_178 : vector<16xf32>
        %mul3A_180 = arith.constant 2.000000e-01 : f32
        %mul3A_181 = vector.broadcast %mul3A_180 : f32 to vector<16xf32>
        %mul3A_182 = arith.mulf %mul3A_181, %add3A_179 : vector<16xf32>
        %max3A_183 = arith.maximumf %add3A_179, %mul3A_182 : vector<16xf32>
        %sub3A_184 = arith.subf %max3A_183, %get3A_45 : vector<16xf32>
        %exp3A_185 = math.exp %sub3A_184 : vector<16xf32>
        %mul3A_186 = arith.constant 16 : i32
        %mul3A_187 = arith.muli %add3A_155, %mul3A_186 : i32
        %swap3A_188 = arith.index_cast %mul3A_187 : i32 to index
        %swap3A_189 = tpu.vector_load %arg14[%swap3A_188] {strides = array<i32>} : memref<1600xf32, #tpu.memory_space<vmem>>, vector<16xf32>,
        tpu.vector_store %arg14[%swap3A_188], %exp3A_185 {strides = array<i32>} : memref<1600xf32, #tpu.memory_space<vmem>>, vector<16xf32>,
        %mul3A_190 = arith.constant 10008 : i32
        %mul3A_191 = vector.broadcast %mul3A_190 : i32 to vector<16xi32>
        %mul3A_192 = arith.muli %select_n3A_43, %mul3A_191 : vector<16xi32>
        %add3A_193 = arith.addi %mul3A_192, %gather3A_165 : vector<16xi32>
        %eq3A_194 = arith.constant 0 : i32
        %eq3A_195 = vector.broadcast %eq3A_194 : i32 to vector<16xi32>
        %eq3A_196 = arith.cmpi eq, %select_n3A, %eq3A_195 : vector<16xi32>
        tpu.vector_store_idx %arg17[%add3A_193], %exp3A_185 masked %eq3A_196 {add = true} : memref<40032xf32, #tpu.memory_space<vmem>>[vector<16xi32>], vector<16xf32>, vector<16xi1>
        %eq3A_197 = arith.constant 1 : i32
        %eq3A_198 = vector.broadcast %eq3A_197 : i32 to vector<16xi32>
        %eq3A_199 = arith.cmpi eq, %select_n3A, %eq3A_198 : vector<16xi32>
        tpu.vector_store_idx %arg17[%add3A_193], %exp3A_185 masked %eq3A_199 {add = true} : memref<40032xf32, #tpu.memory_space<vmem>>[vector<16xi32>], vector<16xf32>, vector<16xi1>
        %eq3A_200 = arith.constant 2 : i32
        %eq3A_201 = vector.broadcast %eq3A_200 : i32 to vector<16xi32>
        %eq3A_202 = arith.cmpi eq, %select_n3A, %eq3A_201 : vector<16xi32>
        tpu.vector_store_idx %arg17[%add3A_193], %exp3A_185 masked %eq3A_202 {add = true} : memref<40032xf32, #tpu.memory_space<vmem>>[vector<16xi32>], vector<16xf32>, vector<16xi1>
        %eq3A_203 = arith.constant 3 : i32
        %eq3A_204 = vector.broadcast %eq3A_203 : i32 to vector<16xi32>
        %eq3A_205 = arith.cmpi eq, %select_n3A, %eq3A_204 : vector<16xi32>
        tpu.vector_store_idx %arg17[%add3A_193], %exp3A_185 masked %eq3A_205 {add = true} : memref<40032xf32, #tpu.memory_space<vmem>>[vector<16xi32>], vector<16xf32>, vector<16xi1>
        %mul3A_206 = arith.constant 4 : i32
        %mul3A_207 = arith.muli %scan3A_101, %mul3A_206 : i32
        %add3A_208 = arith.constant 2 : i32
        %add3A_209 = arith.addi %mul3A_207, %add3A_208 : i32
        %mul3A_210 = arith.constant 4 : i32
        %mul3A_211 = arith.muli %add3A_209, %mul3A_210 : i32
        %add3A_212 = vector.broadcast %mul3A_211 : i32 to vector<16xi32>
        %add3A_213 = arith.addi %add3A_212, %select_n3A : vector<16xi32>
        %gather3A_214 = tpu.vector_load_idx %arg12[%add3A_213] : memref<400xi32, #tpu.memory_space<vmem>>[vector<16xi32>], vector<16xi32>,
        %mul3A_215 = arith.constant 4 : i32
        %mul3A_216 = arith.muli %add3A_209, %mul3A_215 : i32
        %add3A_217 = vector.broadcast %mul3A_216 : i32 to vector<16xi32>
        %add3A_218 = arith.addi %add3A_217, %select_n3A : vector<16xi32>
        %gather3A_219 = tpu.vector_load_idx %arg13[%add3A_218] : memref<400xi32, #tpu.memory_space<vmem>>[vector<16xi32>], vector<16xi32>,
        %mul3A_220 = arith.constant 8 : i32
        %mul3A_221 = vector.broadcast %mul3A_220 : i32 to vector<16xi32>
        %mul3A_222 = arith.muli %gather3A_214, %mul3A_221 : vector<16xi32>
        %add3A_223 = arith.addi %mul3A_222, %select_n3A_43 : vector<16xi32>
        %gather3A_224 = tpu.vector_load_idx %arg16[%add3A_223] : memref<80064xf32, #tpu.memory_space<vmem>>[vector<16xi32>], vector<16xf32>,
        %mul3A_225 = arith.constant 8 : i32
        %mul3A_226 = vector.broadcast %mul3A_225 : i32 to vector<16xi32>
        %mul3A_227 = arith.muli %gather3A_219, %mul3A_226 : vector<16xi32>
        %add3A_228 = arith.constant 4 : i32
        %add3A_229 = vector.broadcast %add3A_228 : i32 to vector<16xi32>
        %add3A_230 = arith.addi %mul3A_227, %add3A_229 : vector<16xi32>
        %add3A_231 = arith.addi %add3A_230, %select_n3A_43 : vector<16xi32>
        %gather3A_232 = tpu.vector_load_idx %arg16[%add3A_231] : memref<80064xf32, #tpu.memory_space<vmem>>[vector<16xi32>], vector<16xf32>,
        %add3A_233 = arith.addf %gather3A_224, %gather3A_232 : vector<16xf32>
        %mul3A_234 = arith.constant 2.000000e-01 : f32
        %mul3A_235 = vector.broadcast %mul3A_234 : f32 to vector<16xf32>
        %mul3A_236 = arith.mulf %mul3A_235, %add3A_233 : vector<16xf32>
        %max3A_237 = arith.maximumf %add3A_233, %mul3A_236 : vector<16xf32>
        %sub3A_238 = arith.subf %max3A_237, %get3A_45 : vector<16xf32>
        %exp3A_239 = math.exp %sub3A_238 : vector<16xf32>
        %mul3A_240 = arith.constant 16 : i32
        %mul3A_241 = arith.muli %add3A_209, %mul3A_240 : i32
        %swap3A_242 = arith.index_cast %mul3A_241 : i32 to index
        %swap3A_243 = tpu.vector_load %arg14[%swap3A_242] {strides = array<i32>} : memref<1600xf32, #tpu.memory_space<vmem>>, vector<16xf32>,
        tpu.vector_store %arg14[%swap3A_242], %exp3A_239 {strides = array<i32>} : memref<1600xf32, #tpu.memory_space<vmem>>, vector<16xf32>,
        %mul3A_244 = arith.constant 10008 : i32
        %mul3A_245 = vector.broadcast %mul3A_244 : i32 to vector<16xi32>
        %mul3A_246 = arith.muli %select_n3A_43, %mul3A_245 : vector<16xi32>
        %add3A_247 = arith.addi %mul3A_246, %gather3A_219 : vector<16xi32>
        %eq3A_248 = arith.constant 0 : i32
        %eq3A_249 = vector.broadcast %eq3A_248 : i32 to vector<16xi32>
        %eq3A_250 = arith.cmpi eq, %select_n3A, %eq3A_249 : vector<16xi32>
        tpu.vector_store_idx %arg17[%add3A_247], %exp3A_239 masked %eq3A_250 {add = true} : memref<40032xf32, #tpu.memory_space<vmem>>[vector<16xi32>], vector<16xf32>, vector<16xi1>
        %eq3A_251 = arith.constant 1 : i32
        %eq3A_252 = vector.broadcast %eq3A_251 : i32 to vector<16xi32>
        %eq3A_253 = arith.cmpi eq, %select_n3A, %eq3A_252 : vector<16xi32>
        tpu.vector_store_idx %arg17[%add3A_247], %exp3A_239 masked %eq3A_253 {add = true} : memref<40032xf32, #tpu.memory_space<vmem>>[vector<16xi32>], vector<16xf32>, vector<16xi1>
        %eq3A_254 = arith.constant 2 : i32
        %eq3A_255 = vector.broadcast %eq3A_254 : i32 to vector<16xi32>
        %eq3A_256 = arith.cmpi eq, %select_n3A, %eq3A_255 : vector<16xi32>
        tpu.vector_store_idx %arg17[%add3A_247], %exp3A_239 masked %eq3A_256 {add = true} : memref<40032xf32, #tpu.memory_space<vmem>>[vector<16xi32>], vector<16xf32>, vector<16xi1>
        %eq3A_257 = arith.constant 3 : i32
        %eq3A_258 = vector.broadcast %eq3A_257 : i32 to vector<16xi32>
        %eq3A_259 = arith.cmpi eq, %select_n3A, %eq3A_258 : vector<16xi32>
        tpu.vector_store_idx %arg17[%add3A_247], %exp3A_239 masked %eq3A_259 {add = true} : memref<40032xf32, #tpu.memory_space<vmem>>[vector<16xi32>], vector<16xf32>, vector<16xi1>
        %mul3A_260 = arith.constant 4 : i32
        %mul3A_261 = arith.muli %scan3A_101, %mul3A_260 : i32
        %add3A_262 = arith.constant 3 : i32
        %add3A_263 = arith.addi %mul3A_261, %add3A_262 : i32
        %mul3A_264 = arith.constant 4 : i32
        %mul3A_265 = arith.muli %add3A_263, %mul3A_264 : i32
        %add3A_266 = vector.broadcast %mul3A_265 : i32 to vector<16xi32>
        %add3A_267 = arith.addi %add3A_266, %select_n3A : vector<16xi32>
        %gather3A_268 = tpu.vector_load_idx %arg12[%add3A_267] : memref<400xi32, #tpu.memory_space<vmem>>[vector<16xi32>], vector<16xi32>,
        %mul3A_269 = arith.constant 4 : i32
        %mul3A_270 = arith.muli %add3A_263, %mul3A_269 : i32
        %add3A_271 = vector.broadcast %mul3A_270 : i32 to vector<16xi32>
        %add3A_272 = arith.addi %add3A_271, %select_n3A : vector<16xi32>
        %gather3A_273 = tpu.vector_load_idx %arg13[%add3A_272] : memref<400xi32, #tpu.memory_space<vmem>>[vector<16xi32>], vector<16xi32>,
        %mul3A_274 = arith.constant 8 : i32
        %mul3A_275 = vector.broadcast %mul3A_274 : i32 to vector<16xi32>
        %mul3A_276 = arith.muli %gather3A_268, %mul3A_275 : vector<16xi32>
        %add3A_277 = arith.addi %mul3A_276, %select_n3A_43 : vector<16xi32>
        %gather3A_278 = tpu.vector_load_idx %arg16[%add3A_277] : memref<80064xf32, #tpu.memory_space<vmem>>[vector<16xi32>], vector<16xf32>,
        %mul3A_279 = arith.constant 8 : i32
        %mul3A_280 = vector.broadcast %mul3A_279 : i32 to vector<16xi32>
        %mul3A_281 = arith.muli %gather3A_273, %mul3A_280 : vector<16xi32>
        %add3A_282 = arith.constant 4 : i32
        %add3A_283 = vector.broadcast %add3A_282 : i32 to vector<16xi32>
        %add3A_284 = arith.addi %mul3A_281, %add3A_283 : vector<16xi32>
        %add3A_285 = arith.addi %add3A_284, %select_n3A_43 : vector<16xi32>
        %gather3A_286 = tpu.vector_load_idx %arg16[%add3A_285] : memref<80064xf32, #tpu.memory_space<vmem>>[vector<16xi32>], vector<16xf32>,
        %add3A_287 = arith.addf %gather3A_278, %gather3A_286 : vector<16xf32>
        %mul3A_288 = arith.constant 2.000000e-01 : f32
        %mul3A_289 = vector.broadcast %mul3A_288 : f32 to vector<16xf32>
        %mul3A_290 = arith.mulf %mul3A_289, %add3A_287 : vector<16xf32>
        %max3A_291 = arith.maximumf %add3A_287, %mul3A_290 : vector<16xf32>
        %sub3A_292 = arith.subf %max3A_291, %get3A_45 : vector<16xf32>
        %exp3A_293 = math.exp %sub3A_292 : vector<16xf32>
        %mul3A_294 = arith.constant 16 : i32
        %mul3A_295 = arith.muli %add3A_263, %mul3A_294 : i32
        %swap3A_296 = arith.index_cast %mul3A_295 : i32 to index
        %swap3A_297 = tpu.vector_load %arg14[%swap3A_296] {strides = array<i32>} : memref<1600xf32, #tpu.memory_space<vmem>>, vector<16xf32>,
        tpu.vector_store %arg14[%swap3A_296], %exp3A_293 {strides = array<i32>} : memref<1600xf32, #tpu.memory_space<vmem>>, vector<16xf32>,
        %mul3A_298 = arith.constant 10008 : i32
        %mul3A_299 = vector.broadcast %mul3A_298 : i32 to vector<16xi32>
        %mul3A_300 = arith.muli %select_n3A_43, %mul3A_299 : vector<16xi32>
        %add3A_301 = arith.addi %mul3A_300, %gather3A_273 : vector<16xi32>
        %eq3A_302 = arith.constant 0 : i32
        %eq3A_303 = vector.broadcast %eq3A_302 : i32 to vector<16xi32>
        %eq3A_304 = arith.cmpi eq, %select_n3A, %eq3A_303 : vector<16xi32>
        tpu.vector_store_idx %arg17[%add3A_301], %exp3A_293 masked %eq3A_304 {add = true} : memref<40032xf32, #tpu.memory_space<vmem>>[vector<16xi32>], vector<16xf32>, vector<16xi1>
        %eq3A_305 = arith.constant 1 : i32
        %eq3A_306 = vector.broadcast %eq3A_305 : i32 to vector<16xi32>
        %eq3A_307 = arith.cmpi eq, %select_n3A, %eq3A_306 : vector<16xi32>
        tpu.vector_store_idx %arg17[%add3A_301], %exp3A_293 masked %eq3A_307 {add = true} : memref<40032xf32, #tpu.memory_space<vmem>>[vector<16xi32>], vector<16xf32>, vector<16xi1>
        %eq3A_308 = arith.constant 2 : i32
        %eq3A_309 = vector.broadcast %eq3A_308 : i32 to vector<16xi32>
        %eq3A_310 = arith.cmpi eq, %select_n3A, %eq3A_309 : vector<16xi32>
        tpu.vector_store_idx %arg17[%add3A_301], %exp3A_293 masked %eq3A_310 {add = true} : memref<40032xf32, #tpu.memory_space<vmem>>[vector<16xi32>], vector<16xf32>, vector<16xi1>
        %eq3A_311 = arith.constant 3 : i32
        %eq3A_312 = vector.broadcast %eq3A_311 : i32 to vector<16xi32>
        %eq3A_313 = arith.cmpi eq, %select_n3A, %eq3A_312 : vector<16xi32>
        tpu.vector_store_idx %arg17[%add3A_301], %exp3A_293 masked %eq3A_313 {add = true} : memref<40032xf32, #tpu.memory_space<vmem>>[vector<16xi32>], vector<16xf32>, vector<16xi1>
      }
      %scan3A_92 = arith.constant 25 : i32
      %mul3A_93 = arith.constant 4 : i32
      %mul3A_94 = arith.muli %add3A_71, %mul3A_93 : i32
      %dma_start3A_95 = tpu.memref_slice %arg6[%mul3A_94] : memref<1280000xf32, #tpu.memory_space<hbm>> -> memref<1600xf32, #tpu.memory_space<hbm>>
      %dma_start3A_96 = tpu.memref_slice %arg6[%mul3A_94] : memref<1280000xf32, #tpu.memory_space<hbm>> -> memref<1600xf32, #tpu.memory_space<hbm>>
      tpu.enqueue_dma source(%arg14 : memref<1600xf32, #tpu.memory_space<vmem>>) target(%dma_start3A_96 : memref<1600xf32, #tpu.memory_space<hbm>>) target_semaphore(%arg19 : memref<!tpu.dma_semaphore, #tpu.memory_space<semaphore_mem>>)
      %dma_start3A_97 = tpu.memref_slice %arg8[%add3A_71] : memref<320000xi32, #tpu.memory_space<hbm>> -> memref<400xi32, #tpu.memory_space<hbm>>
      %dma_start3A_98 = tpu.memref_slice %arg8[%add3A_71] : memref<320000xi32, #tpu.memory_space<hbm>> -> memref<400xi32, #tpu.memory_space<hbm>>
      tpu.enqueue_dma source(%arg12 : memref<400xi32, #tpu.memory_space<vmem>>) target(%dma_start3A_98 : memref<400xi32, #tpu.memory_space<hbm>>) target_semaphore(%arg19 : memref<!tpu.dma_semaphore, #tpu.memory_space<semaphore_mem>>)
      %dma_start3A_99 = tpu.memref_slice %arg9[%add3A_71] : memref<320000xi32, #tpu.memory_space<hbm>> -> memref<400xi32, #tpu.memory_space<hbm>>
      %dma_start3A_100 = tpu.memref_slice %arg9[%add3A_71] : memref<320000xi32, #tpu.memory_space<hbm>> -> memref<400xi32, #tpu.memory_space<hbm>>
      tpu.enqueue_dma source(%arg13 : memref<400xi32, #tpu.memory_space<vmem>>) target(%dma_start3A_100 : memref<400xi32, #tpu.memory_space<hbm>>) target_semaphore(%arg19 : memref<!tpu.dma_semaphore, #tpu.memory_space<semaphore_mem>>)
    }
    %scan3A_56 = arith.constant 25 : i32
    %mul3A_57 = arith.constant 10000 : i32
    %mul3A_58 = arith.muli %add3A, %mul3A_57 : i32
    %mul3A_59 = arith.constant 4 : i32
    %mul3A_60 = arith.muli %mul3A_58, %mul3A_59 : i32
    %dma_wait3A = tpu.memref_slice %arg6[%mul3A_60] : memref<1280000xf32, #tpu.memory_space<hbm>> -> memref<1600xf32, #tpu.memory_space<hbm>>
    %dma_wait3A_61 = tpu.memref_slice %arg6[%mul3A_60] : memref<1280000xf32, #tpu.memory_space<hbm>> -> memref<1600xf32, #tpu.memory_space<hbm>>
    tpu.wait_dma2 semaphore(%arg19 : memref<!tpu.dma_semaphore, #tpu.memory_space<semaphore_mem>>) src(%arg14 : memref<1600xf32, #tpu.memory_space<vmem>>) dst(%dma_wait3A_61 : memref<1600xf32, #tpu.memory_space<hbm>>)
    %dma_wait3A_62 = tpu.memref_slice %arg8[%mul3A_58] : memref<320000xi32, #tpu.memory_space<hbm>> -> memref<400xi32, #tpu.memory_space<hbm>>
    %dma_wait3A_63 = tpu.memref_slice %arg8[%mul3A_58] : memref<320000xi32, #tpu.memory_space<hbm>> -> memref<400xi32, #tpu.memory_space<hbm>>
    tpu.wait_dma2 semaphore(%arg19 : memref<!tpu.dma_semaphore, #tpu.memory_space<semaphore_mem>>) src(%arg12 : memref<400xi32, #tpu.memory_space<vmem>>) dst(%dma_wait3A_63 : memref<400xi32, #tpu.memory_space<hbm>>)
    %dma_wait3A_64 = tpu.memref_slice %arg9[%mul3A_58] : memref<320000xi32, #tpu.memory_space<hbm>> -> memref<400xi32, #tpu.memory_space<hbm>>
    %dma_wait3A_65 = tpu.memref_slice %arg9[%mul3A_58] : memref<320000xi32, #tpu.memory_space<hbm>> -> memref<400xi32, #tpu.memory_space<hbm>>
    tpu.wait_dma2 semaphore(%arg19 : memref<!tpu.dma_semaphore, #tpu.memory_space<semaphore_mem>>) src(%arg13 : memref<400xi32, #tpu.memory_space<vmem>>) dst(%dma_wait3A_65 : memref<400xi32, #tpu.memory_space<hbm>>)
    "tpu.region"() ({
      %run_scoped3A = tpu.sem_alloc : memref<!tpu.dma_semaphore, #tpu.memory_space<semaphore_mem>>
      %dma_start3A = arith.constant 0 : i32
      %dma_start3A_66 = tpu.memref_slice %arg7[%add3A, %dma_start3A] : memref<32x40032xf32, #tpu.memory_space<hbm>> -> memref<1x40032xf32, #tpu.memory_space<hbm>>
      %dma_start3A_67 = tpu.memref_squeeze %dma_start3A_66 : memref<1x40032xf32, #tpu.memory_space<hbm>> -> memref<40032xf32, #tpu.memory_space<hbm>>
      %dma_start3A_68 = arith.constant 0 : i32
      %dma_start3A_69 = tpu.memref_slice %arg7[%add3A, %dma_start3A_68] : memref<32x40032xf32, #tpu.memory_space<hbm>> -> memref<1x40032xf32, #tpu.memory_space<hbm>>
      %dma_start3A_70 = tpu.memref_squeeze %dma_start3A_69 : memref<1x40032xf32, #tpu.memory_space<hbm>> -> memref<40032xf32, #tpu.memory_space<hbm>>
      tpu.enqueue_dma source(%arg17 : memref<40032xf32, #tpu.memory_space<vmem>>) target(%dma_start3A_70 : memref<40032xf32, #tpu.memory_space<hbm>>) target_semaphore(%run_scoped3A : memref<!tpu.dma_semaphore, #tpu.memory_space<semaphore_mem>>)
      %dma_wait3A_71 = arith.constant 0 : i32
      %dma_wait3A_72 = tpu.memref_slice %arg7[%add3A, %dma_wait3A_71] : memref<32x40032xf32, #tpu.memory_space<hbm>> -> memref<1x40032xf32, #tpu.memory_space<hbm>>
      %dma_wait3A_73 = tpu.memref_squeeze %dma_wait3A_72 : memref<1x40032xf32, #tpu.memory_space<hbm>> -> memref<40032xf32, #tpu.memory_space<hbm>>
      %dma_wait3A_74 = arith.constant 0 : i32
      %dma_wait3A_75 = tpu.memref_slice %arg7[%add3A, %dma_wait3A_74] : memref<32x40032xf32, #tpu.memory_space<hbm>> -> memref<1x40032xf32, #tpu.memory_space<hbm>>
      %dma_wait3A_76 = tpu.memref_squeeze %dma_wait3A_75 : memref<1x40032xf32, #tpu.memory_space<hbm>> -> memref<40032xf32, #tpu.memory_space<hbm>>
      tpu.wait_dma2 semaphore(%run_scoped3A : memref<!tpu.dma_semaphore, #tpu.memory_space<semaphore_mem>>) src(%arg17 : memref<40032xf32, #tpu.memory_space<vmem>>) dst(%dma_wait3A_76 : memref<40032xf32, #tpu.memory_space<hbm>>)
      tpu.yield
    }) : () -> ()
    return
  }
}

#map = affine_map<(d0, d1) -> (0, 0)>
#map1 = affine_map<(d0, d1) -> (0)>
#map2 = affine_map<(d0, d1) -> (0, 0, 0)>
module attributes {stable_mosaic.version = 14 : i64} {
  func.func @kern(%arg0: i32, %arg1: i32, %arg2: memref<6400x50xi32, #tpu.memory_space<hbm>>, %arg3: memref<6400x50xi32, #tpu.memory_space<hbm>>, %arg4: memref<1280000xf32, #tpu.memory_space<hbm>>, %arg5: memref<10008x128xf32, #tpu.memory_space<hbm>>, %arg6: memref<10008x128xf32, #tpu.memory_space<hbm>>, %arg7: memref<2x10008x128xf32, #tpu.memory_space<hbm>>, %arg8: memref<40x50xi32, #tpu.memory_space<vmem>>, %arg9: memref<40x50xi32, #tpu.memory_space<vmem>>, %arg10: memref<8000xf32, #tpu.memory_space<vmem>>, %arg11: memref<100x128xf32, #tpu.memory_space<vmem>>, %arg12: memref<100x128xf32, #tpu.memory_space<vmem>>, %arg13: memref<10008x128xf32, #tpu.memory_space<vmem_shared>>, %arg14: memref<!tpu.dma_semaphore, #tpu.memory_space<semaphore_mem>>, %arg15: memref<!tpu.dma_semaphore, #tpu.memory_space<semaphore_mem>>, %arg16: memref<!tpu.dma_semaphore, #tpu.memory_space<semaphore_mem>>, %arg17: memref<!tpu.dma_semaphore, #tpu.memory_space<semaphore_mem>>, %arg18: memref<!tpu.dma_semaphore, #tpu.memory_space<semaphore_mem>>) attributes {dimension_semantics = [#tpu.dimension_semantics<core_parallel>, #tpu.dimension_semantics<subcore_parallel>], iteration_bounds = array<i64: 2, 16>, scalar_prefetch = 0 : i64, scratch_operands = 11 : i64, tpu.core_type = #tpu.core_type<sc_vector_subcore>, window_params = [{transform_indices = #map}, {transform_indices = #map}, {transform_indices = #map1}, {transform_indices = #map}, {transform_indices = #map}, {transform_indices = #map2}]} {
    %mul3A = arith.constant 2 : i32
    %mul3A_0 = arith.muli %arg1, %mul3A : i32
    %add3A = arith.addi %mul3A_0, %arg0 : i32
    %eq3A = arith.constant 0 : i32
    %eq3A_1 = arith.cmpi eq, %arg1, %eq3A : i32
    %convert_element_type3A = arith.extui %eq3A_1 : i1 to i32
    %cond3A = arith.constant 0 : i32
    %cond3A_2 = arith.cmpi ne, %convert_element_type3A, %cond3A : i32
    scf.if %cond3A_2 {
      "tpu.region"() ({
        %run_scoped3A = tpu.sem_alloc : memref<!tpu.dma_semaphore, #tpu.memory_space<semaphore_mem>>
        tpu.enqueue_dma source(%arg6 : memref<10008x128xf32, #tpu.memory_space<hbm>>) target(%arg13 : memref<10008x128xf32, #tpu.memory_space<vmem_shared>>) target_semaphore(%run_scoped3A : memref<!tpu.dma_semaphore, #tpu.memory_space<semaphore_mem>>)
        tpu.wait_dma2 semaphore(%run_scoped3A : memref<!tpu.dma_semaphore, #tpu.memory_space<semaphore_mem>>) src(%arg6 : memref<10008x128xf32, #tpu.memory_space<hbm>>) dst(%arg13 : memref<10008x128xf32, #tpu.memory_space<vmem_shared>>)
        tpu.yield
      }) : () -> ()
    } else {
    }
    %barrier3A = arith.constant 0 : index
    tpu.barrier barrier_id(%barrier3A)
    %scan3A = arith.constant 0 : i32
    %scan3A_3 = arith.constant 0 : i32
    %scan3A_4 = arith.constant 5 : i32
    %scan3A_5 = arith.addi %scan3A_3, %scan3A_4 : i32
    %scan3A_6 = arith.constant 1 : i32
    scf.for %scan3A_33 = %scan3A_3 to %scan3A_5 step %scan3A_6  : i32 {
      %gt3A = arith.constant 0 : i32
      %gt3A_34 = arith.cmpi sgt, %scan3A_33, %gt3A : i32
      %convert_element_type3A_35 = arith.extui %gt3A_34 : i1 to i32
      %cond3A_36 = arith.constant 0 : i32
      %cond3A_37 = arith.cmpi ne, %convert_element_type3A_35, %cond3A_36 : i32
      scf.if %cond3A_37 {
        %dma_wait3A_111 = arith.constant 0 : i32
        %dma_wait3A_112 = arith.constant 0 : i32
        %dma_wait3A_113 = arith.constant 0 : i32
        %dma_wait3A_114 = tpu.memref_slice %arg12[%dma_wait3A_112, %dma_wait3A_113] : memref<100x128xf32, #tpu.memory_space<vmem>> -> memref<50x128xf32, #tpu.memory_space<vmem>>
        %dma_wait3A_115 = arith.constant 0 : i32
        %dma_wait3A_116 = tpu.memref_slice %arg9[%dma_wait3A_111, %dma_wait3A_115] : memref<40x50xi32, #tpu.memory_space<vmem>> -> memref<1x50xi32, #tpu.memory_space<vmem>>
        %dma_wait3A_117 = tpu.memref_squeeze %dma_wait3A_116 : memref<1x50xi32, #tpu.memory_space<vmem>> -> memref<50xi32, #tpu.memory_space<vmem>>
        %dma_wait3A_118 = arith.constant 0 : i32
        %dma_wait3A_119 = arith.constant 0 : i32
        %dma_wait3A_120 = tpu.memref_slice %arg13[%dma_wait3A_118, %dma_wait3A_119] : memref<10008x128xf32, #tpu.memory_space<vmem_shared>> -> memref<10008x128xf32, #tpu.memory_space<vmem_shared>>
        tpu.wait_indirect_dma semaphore(%arg18 : memref<!tpu.dma_semaphore, #tpu.memory_space<semaphore_mem>>) src(%dma_wait3A_114 : memref<50x128xf32, #tpu.memory_space<vmem>>) dst(%dma_wait3A_120 : memref<10008x128xf32, #tpu.memory_space<vmem_shared>>)
        %dma_wait3A_121 = arith.constant 1 : i32
        %dma_wait3A_122 = arith.constant 50 : i32
        %dma_wait3A_123 = arith.constant 0 : i32
        %dma_wait3A_124 = tpu.memref_slice %arg12[%dma_wait3A_122, %dma_wait3A_123] : memref<100x128xf32, #tpu.memory_space<vmem>> -> memref<50x128xf32, #tpu.memory_space<vmem>>
        %dma_wait3A_125 = arith.constant 0 : i32
        %dma_wait3A_126 = tpu.memref_slice %arg9[%dma_wait3A_121, %dma_wait3A_125] : memref<40x50xi32, #tpu.memory_space<vmem>> -> memref<1x50xi32, #tpu.memory_space<vmem>>
        %dma_wait3A_127 = tpu.memref_squeeze %dma_wait3A_126 : memref<1x50xi32, #tpu.memory_space<vmem>> -> memref<50xi32, #tpu.memory_space<vmem>>
        %dma_wait3A_128 = arith.constant 0 : i32
        %dma_wait3A_129 = arith.constant 0 : i32
        %dma_wait3A_130 = tpu.memref_slice %arg13[%dma_wait3A_128, %dma_wait3A_129] : memref<10008x128xf32, #tpu.memory_space<vmem_shared>> -> memref<10008x128xf32, #tpu.memory_space<vmem_shared>>
        tpu.wait_indirect_dma semaphore(%arg18 : memref<!tpu.dma_semaphore, #tpu.memory_space<semaphore_mem>>) src(%dma_wait3A_124 : memref<50x128xf32, #tpu.memory_space<vmem>>) dst(%dma_wait3A_130 : memref<10008x128xf32, #tpu.memory_space<vmem_shared>>)
      } else {
      }
      %mul3A_38 = arith.constant 10000 : i32
      %mul3A_39 = arith.muli %add3A, %mul3A_38 : i32
      %mul3A_40 = arith.constant 2000 : i32
      %mul3A_41 = arith.muli %scan3A_33, %mul3A_40 : i32
      %add3A_42 = arith.addi %mul3A_39, %mul3A_41 : i32
      %mul3A_43 = arith.constant 10000 : i32
      %mul3A_44 = arith.muli %add3A, %mul3A_43 : i32
      %mul3A_45 = arith.constant 2000 : i32
      %mul3A_46 = arith.muli %scan3A_33, %mul3A_45 : i32
      %add3A_47 = arith.addi %mul3A_44, %mul3A_46 : i32
      %jit3A = arith.constant 50 : i32
      %div3A = arith.divsi %add3A_47, %jit3A : i32
      %sign3A = arith.constant 0 : i32
      %sign3A_48 = arith.cmpi sgt, %add3A_47, %sign3A : i32
      %sign3A_49 = arith.extui %sign3A_48 : i1 to i32
      %sign3A_50 = arith.constant 0 : i32
      %sign3A_51 = arith.cmpi slt, %add3A_47, %sign3A_50 : i32
      %sign3A_52 = arith.extui %sign3A_51 : i1 to i32
      %sign3A_53 = arith.subi %sign3A_49, %sign3A_52 : i32
      %sign3A_54 = arith.constant 0 : i32
      %sign3A_55 = arith.cmpi sgt, %jit3A, %sign3A_54 : i32
      %sign3A_56 = arith.extui %sign3A_55 : i1 to i32
      %sign3A_57 = arith.constant 0 : i32
      %sign3A_58 = arith.cmpi slt, %jit3A, %sign3A_57 : i32
      %sign3A_59 = arith.extui %sign3A_58 : i1 to i32
      %sign3A_60 = arith.subi %sign3A_56, %sign3A_59 : i32
      %ne3A = arith.cmpi ne, %sign3A_53, %sign3A_60 : i32
      %rem3A = arith.remsi %add3A_47, %jit3A : i32
      %ne3A_61 = arith.constant 0 : i32
      %ne3A_62 = arith.cmpi ne, %rem3A, %ne3A_61 : i32
      %and3A = arith.andi %ne3A, %ne3A_62 : i1
      %sub3A = arith.constant 1 : i32
      %sub3A_63 = arith.subi %div3A, %sub3A : i32
      %select_n3A = arith.select %and3A, %sub3A_63, %div3A : i32
      %multiple_of3A = tpu.assume_multiple %select_n3A, 8 : i32
      %dma_start3A = arith.constant 0 : i32
      %dma_start3A_64 = tpu.memref_slice %arg2[%multiple_of3A, %dma_start3A] : memref<6400x50xi32, #tpu.memory_space<hbm>> -> memref<40x50xi32, #tpu.memory_space<hbm>>
      %dma_start3A_65 = arith.constant 0 : i32
      %dma_start3A_66 = tpu.memref_slice %arg2[%multiple_of3A, %dma_start3A_65] : memref<6400x50xi32, #tpu.memory_space<hbm>> -> memref<40x50xi32, #tpu.memory_space<hbm>>
      tpu.enqueue_dma source(%dma_start3A_66 : memref<40x50xi32, #tpu.memory_space<hbm>>) target(%arg8 : memref<40x50xi32, #tpu.memory_space<vmem>>) target_semaphore(%arg14 : memref<!tpu.dma_semaphore, #tpu.memory_space<semaphore_mem>>)
      %dma_start3A_67 = arith.constant 0 : i32
      %dma_start3A_68 = tpu.memref_slice %arg3[%multiple_of3A, %dma_start3A_67] : memref<6400x50xi32, #tpu.memory_space<hbm>> -> memref<40x50xi32, #tpu.memory_space<hbm>>
      %dma_start3A_69 = arith.constant 0 : i32
      %dma_start3A_70 = tpu.memref_slice %arg3[%multiple_of3A, %dma_start3A_69] : memref<6400x50xi32, #tpu.memory_space<hbm>> -> memref<40x50xi32, #tpu.memory_space<hbm>>
      tpu.enqueue_dma source(%dma_start3A_70 : memref<40x50xi32, #tpu.memory_space<hbm>>) target(%arg9 : memref<40x50xi32, #tpu.memory_space<vmem>>) target_semaphore(%arg14 : memref<!tpu.dma_semaphore, #tpu.memory_space<semaphore_mem>>)
      %mul3A_71 = arith.constant 4 : i32
      %mul3A_72 = arith.muli %add3A_42, %mul3A_71 : i32
      %dma_start3A_73 = tpu.memref_slice %arg4[%mul3A_72] : memref<1280000xf32, #tpu.memory_space<hbm>> -> memref<8000xf32, #tpu.memory_space<hbm>>
      %dma_start3A_74 = tpu.memref_slice %arg4[%mul3A_72] : memref<1280000xf32, #tpu.memory_space<hbm>> -> memref<8000xf32, #tpu.memory_space<hbm>>
      tpu.enqueue_dma source(%dma_start3A_74 : memref<8000xf32, #tpu.memory_space<hbm>>) target(%arg10 : memref<8000xf32, #tpu.memory_space<vmem>>) target_semaphore(%arg14 : memref<!tpu.dma_semaphore, #tpu.memory_space<semaphore_mem>>)
      %dma_wait3A_75 = arith.constant 0 : i32
      %dma_wait3A_76 = tpu.memref_slice %arg2[%multiple_of3A, %dma_wait3A_75] : memref<6400x50xi32, #tpu.memory_space<hbm>> -> memref<40x50xi32, #tpu.memory_space<hbm>>
      %dma_wait3A_77 = arith.constant 0 : i32
      %dma_wait3A_78 = tpu.memref_slice %arg2[%multiple_of3A, %dma_wait3A_77] : memref<6400x50xi32, #tpu.memory_space<hbm>> -> memref<40x50xi32, #tpu.memory_space<hbm>>
      tpu.wait_dma2 semaphore(%arg14 : memref<!tpu.dma_semaphore, #tpu.memory_space<semaphore_mem>>) src(%dma_wait3A_78 : memref<40x50xi32, #tpu.memory_space<hbm>>) dst(%arg8 : memref<40x50xi32, #tpu.memory_space<vmem>>)
      %dma_wait3A_79 = arith.constant 0 : i32
      %dma_wait3A_80 = tpu.memref_slice %arg3[%multiple_of3A, %dma_wait3A_79] : memref<6400x50xi32, #tpu.memory_space<hbm>> -> memref<40x50xi32, #tpu.memory_space<hbm>>
      %dma_wait3A_81 = arith.constant 0 : i32
      %dma_wait3A_82 = tpu.memref_slice %arg3[%multiple_of3A, %dma_wait3A_81] : memref<6400x50xi32, #tpu.memory_space<hbm>> -> memref<40x50xi32, #tpu.memory_space<hbm>>
      tpu.wait_dma2 semaphore(%arg14 : memref<!tpu.dma_semaphore, #tpu.memory_space<semaphore_mem>>) src(%dma_wait3A_82 : memref<40x50xi32, #tpu.memory_space<hbm>>) dst(%arg9 : memref<40x50xi32, #tpu.memory_space<vmem>>)
      %dma_wait3A_83 = tpu.memref_slice %arg4[%mul3A_72] : memref<1280000xf32, #tpu.memory_space<hbm>> -> memref<8000xf32, #tpu.memory_space<hbm>>
      %dma_wait3A_84 = tpu.memref_slice %arg4[%mul3A_72] : memref<1280000xf32, #tpu.memory_space<hbm>> -> memref<8000xf32, #tpu.memory_space<hbm>>
      tpu.wait_dma2 semaphore(%arg14 : memref<!tpu.dma_semaphore, #tpu.memory_space<semaphore_mem>>) src(%dma_wait3A_84 : memref<8000xf32, #tpu.memory_space<hbm>>) dst(%arg10 : memref<8000xf32, #tpu.memory_space<vmem>>)
      %dma_start3A_85 = arith.constant 0 : i32
      %dma_start3A_86 = arith.constant 0 : i32
      %dma_start3A_87 = arith.constant 0 : i32
      %dma_start3A_88 = tpu.memref_slice %arg11[%dma_start3A_86, %dma_start3A_87] : memref<100x128xf32, #tpu.memory_space<vmem>> -> memref<50x128xf32, #tpu.memory_space<vmem>>
      %dma_start3A_89 = arith.constant 0 : i32
      %dma_start3A_90 = tpu.memref_slice %arg8[%dma_start3A_85, %dma_start3A_89] : memref<40x50xi32, #tpu.memory_space<vmem>> -> memref<1x50xi32, #tpu.memory_space<vmem>>
      %dma_start3A_91 = tpu.memref_squeeze %dma_start3A_90 : memref<1x50xi32, #tpu.memory_space<vmem>> -> memref<50xi32, #tpu.memory_space<vmem>>
      %dma_start3A_92 = arith.constant 0 : i32
      %dma_start3A_93 = arith.constant 0 : i32
      %dma_start3A_94 = tpu.memref_slice %arg5[%dma_start3A_92, %dma_start3A_93] : memref<10008x128xf32, #tpu.memory_space<hbm>> -> memref<10008x128xf32, #tpu.memory_space<hbm>>
      tpu.enqueue_indirect_dma source(%dma_start3A_94 : memref<10008x128xf32, #tpu.memory_space<hbm>>) target(%dma_start3A_88 : memref<50x128xf32, #tpu.memory_space<vmem>>) offsets(%dma_start3A_91 : memref<50xi32, #tpu.memory_space<vmem>>) semaphore(%arg15 : memref<!tpu.dma_semaphore, #tpu.memory_space<semaphore_mem>>)
      %dma_start3A_95 = arith.constant 1 : i32
      %dma_start3A_96 = arith.constant 50 : i32
      %dma_start3A_97 = arith.constant 0 : i32
      %dma_start3A_98 = tpu.memref_slice %arg11[%dma_start3A_96, %dma_start3A_97] : memref<100x128xf32, #tpu.memory_space<vmem>> -> memref<50x128xf32, #tpu.memory_space<vmem>>
      %dma_start3A_99 = arith.constant 0 : i32
      %dma_start3A_100 = tpu.memref_slice %arg8[%dma_start3A_95, %dma_start3A_99] : memref<40x50xi32, #tpu.memory_space<vmem>> -> memref<1x50xi32, #tpu.memory_space<vmem>>
      %dma_start3A_101 = tpu.memref_squeeze %dma_start3A_100 : memref<1x50xi32, #tpu.memory_space<vmem>> -> memref<50xi32, #tpu.memory_space<vmem>>
      %dma_start3A_102 = arith.constant 0 : i32
      %dma_start3A_103 = arith.constant 0 : i32
      %dma_start3A_104 = tpu.memref_slice %arg5[%dma_start3A_102, %dma_start3A_103] : memref<10008x128xf32, #tpu.memory_space<hbm>> -> memref<10008x128xf32, #tpu.memory_space<hbm>>
      tpu.enqueue_indirect_dma source(%dma_start3A_104 : memref<10008x128xf32, #tpu.memory_space<hbm>>) target(%dma_start3A_98 : memref<50x128xf32, #tpu.memory_space<vmem>>) offsets(%dma_start3A_101 : memref<50xi32, #tpu.memory_space<vmem>>) semaphore(%arg15 : memref<!tpu.dma_semaphore, #tpu.memory_space<semaphore_mem>>)
      %scan3A_105 = arith.constant 0 : i32
      %scan3A_106 = arith.constant 0 : i32
      %scan3A_107 = arith.constant 10 : i32
      %scan3A_108 = arith.addi %scan3A_106, %scan3A_107 : i32
      %scan3A_109 = arith.constant 1 : i32
      scf.for %scan3A_111 = %scan3A_106 to %scan3A_108 step %scan3A_109  : i32 {
        %mul3A_112 = arith.constant 2 : i32
        %mul3A_113 = arith.muli %mul3A_112, %scan3A_111 : i32
        %mul3A_114 = arith.constant 2 : i32
        %mul3A_115 = arith.muli %mul3A_114, %scan3A_111 : i32
        %add3A_116 = arith.constant 1 : i32
        %add3A_117 = arith.addi %mul3A_115, %add3A_116 : i32
        %gt3A_118 = arith.constant 0 : i32
        %gt3A_119 = arith.cmpi sgt, %scan3A_111, %gt3A_118 : i32
        %convert_element_type3A_120 = arith.extui %gt3A_119 : i1 to i32
        %cond3A_121 = arith.constant 0 : i32
        %cond3A_122 = arith.cmpi ne, %convert_element_type3A_120, %cond3A_121 : i32
        scf.if %cond3A_122 {
          %dma_wait3A_277 = arith.constant 0 : i32
          %dma_wait3A_278 = arith.constant 0 : i32
          %dma_wait3A_279 = arith.constant 0 : i32
          %dma_wait3A_280 = tpu.memref_slice %arg12[%dma_wait3A_278, %dma_wait3A_279] : memref<100x128xf32, #tpu.memory_space<vmem>> -> memref<50x128xf32, #tpu.memory_space<vmem>>
          %dma_wait3A_281 = arith.constant 0 : i32
          %dma_wait3A_282 = tpu.memref_slice %arg9[%dma_wait3A_277, %dma_wait3A_281] : memref<40x50xi32, #tpu.memory_space<vmem>> -> memref<1x50xi32, #tpu.memory_space<vmem>>
          %dma_wait3A_283 = tpu.memref_squeeze %dma_wait3A_282 : memref<1x50xi32, #tpu.memory_space<vmem>> -> memref<50xi32, #tpu.memory_space<vmem>>
          %dma_wait3A_284 = arith.constant 0 : i32
          %dma_wait3A_285 = arith.constant 0 : i32
          %dma_wait3A_286 = tpu.memref_slice %arg13[%dma_wait3A_284, %dma_wait3A_285] : memref<10008x128xf32, #tpu.memory_space<vmem_shared>> -> memref<10008x128xf32, #tpu.memory_space<vmem_shared>>
          tpu.wait_indirect_dma semaphore(%arg18 : memref<!tpu.dma_semaphore, #tpu.memory_space<semaphore_mem>>) src(%dma_wait3A_280 : memref<50x128xf32, #tpu.memory_space<vmem>>) dst(%dma_wait3A_286 : memref<10008x128xf32, #tpu.memory_space<vmem_shared>>)
          %dma_wait3A_287 = arith.constant 1 : i32
          %dma_wait3A_288 = arith.constant 50 : i32
          %dma_wait3A_289 = arith.constant 0 : i32
          %dma_wait3A_290 = tpu.memref_slice %arg12[%dma_wait3A_288, %dma_wait3A_289] : memref<100x128xf32, #tpu.memory_space<vmem>> -> memref<50x128xf32, #tpu.memory_space<vmem>>
          %dma_wait3A_291 = arith.constant 0 : i32
          %dma_wait3A_292 = tpu.memref_slice %arg9[%dma_wait3A_287, %dma_wait3A_291] : memref<40x50xi32, #tpu.memory_space<vmem>> -> memref<1x50xi32, #tpu.memory_space<vmem>>
          %dma_wait3A_293 = tpu.memref_squeeze %dma_wait3A_292 : memref<1x50xi32, #tpu.memory_space<vmem>> -> memref<50xi32, #tpu.memory_space<vmem>>
          %dma_wait3A_294 = arith.constant 0 : i32
          %dma_wait3A_295 = arith.constant 0 : i32
          %dma_wait3A_296 = tpu.memref_slice %arg13[%dma_wait3A_294, %dma_wait3A_295] : memref<10008x128xf32, #tpu.memory_space<vmem_shared>> -> memref<10008x128xf32, #tpu.memory_space<vmem_shared>>
          tpu.wait_indirect_dma semaphore(%arg18 : memref<!tpu.dma_semaphore, #tpu.memory_space<semaphore_mem>>) src(%dma_wait3A_290 : memref<50x128xf32, #tpu.memory_space<vmem>>) dst(%dma_wait3A_296 : memref<10008x128xf32, #tpu.memory_space<vmem_shared>>)
        } else {
        }
        %mul3A_123 = arith.constant 2 : i32
        %mul3A_124 = arith.muli %mul3A_123, %add3A_117 : i32
        %add3A_125 = arith.constant 0 : i32
        %add3A_126 = arith.addi %mul3A_124, %add3A_125 : i32
        %dma_start3A_127 = arith.constant 0 : i32
        %dma_start3A_128 = arith.constant 0 : i32
        %dma_start3A_129 = tpu.memref_slice %arg12[%dma_start3A_127, %dma_start3A_128] : memref<100x128xf32, #tpu.memory_space<vmem>> -> memref<50x128xf32, #tpu.memory_space<vmem>>
        %dma_start3A_130 = arith.constant 0 : i32
        %dma_start3A_131 = tpu.memref_slice %arg8[%add3A_126, %dma_start3A_130] : memref<40x50xi32, #tpu.memory_space<vmem>> -> memref<1x50xi32, #tpu.memory_space<vmem>>
        %dma_start3A_132 = tpu.memref_squeeze %dma_start3A_131 : memref<1x50xi32, #tpu.memory_space<vmem>> -> memref<50xi32, #tpu.memory_space<vmem>>
        %dma_start3A_133 = arith.constant 0 : i32
        %dma_start3A_134 = arith.constant 0 : i32
        %dma_start3A_135 = tpu.memref_slice %arg5[%dma_start3A_133, %dma_start3A_134] : memref<10008x128xf32, #tpu.memory_space<hbm>> -> memref<10008x128xf32, #tpu.memory_space<hbm>>
        tpu.enqueue_indirect_dma source(%dma_start3A_135 : memref<10008x128xf32, #tpu.memory_space<hbm>>) target(%dma_start3A_129 : memref<50x128xf32, #tpu.memory_space<vmem>>) offsets(%dma_start3A_132 : memref<50xi32, #tpu.memory_space<vmem>>) semaphore(%arg16 : memref<!tpu.dma_semaphore, #tpu.memory_space<semaphore_mem>>)
        %mul3A_136 = arith.constant 2 : i32
        %mul3A_137 = arith.muli %mul3A_136, %add3A_117 : i32
        %add3A_138 = arith.constant 1 : i32
        %add3A_139 = arith.addi %mul3A_137, %add3A_138 : i32
        %dma_start3A_140 = arith.constant 50 : i32
        %dma_start3A_141 = arith.constant 0 : i32
        %dma_start3A_142 = tpu.memref_slice %arg12[%dma_start3A_140, %dma_start3A_141] : memref<100x128xf32, #tpu.memory_space<vmem>> -> memref<50x128xf32, #tpu.memory_space<vmem>>
        %dma_start3A_143 = arith.constant 0 : i32
        %dma_start3A_144 = tpu.memref_slice %arg8[%add3A_139, %dma_start3A_143] : memref<40x50xi32, #tpu.memory_space<vmem>> -> memref<1x50xi32, #tpu.memory_space<vmem>>
        %dma_start3A_145 = tpu.memref_squeeze %dma_start3A_144 : memref<1x50xi32, #tpu.memory_space<vmem>> -> memref<50xi32, #tpu.memory_space<vmem>>
        %dma_start3A_146 = arith.constant 0 : i32
        %dma_start3A_147 = arith.constant 0 : i32
        %dma_start3A_148 = tpu.memref_slice %arg5[%dma_start3A_146, %dma_start3A_147] : memref<10008x128xf32, #tpu.memory_space<hbm>> -> memref<10008x128xf32, #tpu.memory_space<hbm>>
        tpu.enqueue_indirect_dma source(%dma_start3A_148 : memref<10008x128xf32, #tpu.memory_space<hbm>>) target(%dma_start3A_142 : memref<50x128xf32, #tpu.memory_space<vmem>>) offsets(%dma_start3A_145 : memref<50xi32, #tpu.memory_space<vmem>>) semaphore(%arg16 : memref<!tpu.dma_semaphore, #tpu.memory_space<semaphore_mem>>)
        %dma_wait3A_149 = arith.constant 0 : i32
        %dma_wait3A_150 = arith.constant 0 : i32
        %dma_wait3A_151 = arith.constant 0 : i32
        %dma_wait3A_152 = tpu.memref_slice %arg11[%dma_wait3A_150, %dma_wait3A_151] : memref<100x128xf32, #tpu.memory_space<vmem>> -> memref<50x128xf32, #tpu.memory_space<vmem>>
        %dma_wait3A_153 = arith.constant 0 : i32
        %dma_wait3A_154 = tpu.memref_slice %arg8[%dma_wait3A_149, %dma_wait3A_153] : memref<40x50xi32, #tpu.memory_space<vmem>> -> memref<1x50xi32, #tpu.memory_space<vmem>>
        %dma_wait3A_155 = tpu.memref_squeeze %dma_wait3A_154 : memref<1x50xi32, #tpu.memory_space<vmem>> -> memref<50xi32, #tpu.memory_space<vmem>>
        %dma_wait3A_156 = arith.constant 0 : i32
        %dma_wait3A_157 = arith.constant 0 : i32
        %dma_wait3A_158 = tpu.memref_slice %arg5[%dma_wait3A_156, %dma_wait3A_157] : memref<10008x128xf32, #tpu.memory_space<hbm>> -> memref<10008x128xf32, #tpu.memory_space<hbm>>
        tpu.wait_indirect_dma semaphore(%arg15 : memref<!tpu.dma_semaphore, #tpu.memory_space<semaphore_mem>>) src(%dma_wait3A_158 : memref<10008x128xf32, #tpu.memory_space<hbm>>) dst(%dma_wait3A_152 : memref<50x128xf32, #tpu.memory_space<vmem>>)
        %dma_wait3A_159 = arith.constant 1 : i32
        %dma_wait3A_160 = arith.constant 50 : i32
        %dma_wait3A_161 = arith.constant 0 : i32
        %dma_wait3A_162 = tpu.memref_slice %arg11[%dma_wait3A_160, %dma_wait3A_161] : memref<100x128xf32, #tpu.memory_space<vmem>> -> memref<50x128xf32, #tpu.memory_space<vmem>>
        %dma_wait3A_163 = arith.constant 0 : i32
        %dma_wait3A_164 = tpu.memref_slice %arg8[%dma_wait3A_159, %dma_wait3A_163] : memref<40x50xi32, #tpu.memory_space<vmem>> -> memref<1x50xi32, #tpu.memory_space<vmem>>
        %dma_wait3A_165 = tpu.memref_squeeze %dma_wait3A_164 : memref<1x50xi32, #tpu.memory_space<vmem>> -> memref<50xi32, #tpu.memory_space<vmem>>
        %dma_wait3A_166 = arith.constant 0 : i32
        %dma_wait3A_167 = arith.constant 0 : i32
        %dma_wait3A_168 = tpu.memref_slice %arg5[%dma_wait3A_166, %dma_wait3A_167] : memref<10008x128xf32, #tpu.memory_space<hbm>> -> memref<10008x128xf32, #tpu.memory_space<hbm>>
        tpu.wait_indirect_dma semaphore(%arg15 : memref<!tpu.dma_semaphore, #tpu.memory_space<semaphore_mem>>) src(%dma_wait3A_168 : memref<10008x128xf32, #tpu.memory_space<hbm>>) dst(%dma_wait3A_162 : memref<50x128xf32, #tpu.memory_space<vmem>>)
        %scan3A_169 = arith.constant 0 : i32
        %scan3A_170 = arith.constant 0 : i32
        %scan3A_171 = arith.constant 25 : i32
        %scan3A_172 = arith.addi %scan3A_170, %scan3A_171 : i32
        %scan3A_173 = arith.constant 1 : i32
        scf.for %scan3A_277 = %scan3A_170 to %scan3A_172 step %scan3A_173  : i32 {
          %mul3A_278 = arith.constant 100 : i32
          %mul3A_279 = arith.muli %mul3A_113, %mul3A_278 : i32
          %mul3A_280 = arith.constant 4 : i32
          %mul3A_281 = arith.muli %scan3A_277, %mul3A_280 : i32
          %add3A_282 = arith.addi %mul3A_279, %mul3A_281 : i32
          %mul3A_283 = arith.constant 4 : i32
          %mul3A_284 = arith.muli %add3A_282, %mul3A_283 : i32
          %get3A = arith.index_cast %mul3A_284 : i32 to index
          %get3A_285 = tpu.vector_load %arg10[%get3A] {strides = array<i32>} : memref<8000xf32, #tpu.memory_space<vmem>>, vector<16xf32>,
          %broadcast_in_dim3A = arith.constant 0 : i32
          %broadcast_in_dim3A_286 = vector.broadcast %broadcast_in_dim3A : i32 to vector<16x1xi32>
          %gather3A = vector.shape_cast %broadcast_in_dim3A_286 : vector<16x1xi32> to vector<16xi32>
          %gather3A_287 = tpu.dynamic_gather %get3A_285[%gather3A] in [0] : vector<16xf32>, vector<16xi32> -> vector<16xf32>
          %mul3A_288 = arith.constant 4 : i32
          %mul3A_289 = arith.muli %scan3A_277, %mul3A_288 : i32
          %add3A_290 = arith.constant 0 : i32
          %add3A_291 = arith.addi %mul3A_289, %add3A_290 : i32
          %get3A_292 = arith.index_cast %add3A_291 : i32 to index
          %get3A_293 = arith.constant 0 : index
          %get3A_294 = tpu.vector_load %arg11[%get3A_292, %get3A_293] {strides = array<i32>} : memref<100x128xf32, #tpu.memory_space<vmem>>, vector<16xf32>,
          %mul3A_295 = arith.mulf %get3A_294, %gather3A_287 : vector<16xf32>
          %mul3A_296 = arith.constant 4 : i32
          %mul3A_297 = arith.muli %scan3A_277, %mul3A_296 : i32
          %add3A_298 = arith.constant 0 : i32
          %add3A_299 = arith.addi %mul3A_297, %add3A_298 : i32
          %swap3A = arith.index_cast %add3A_299 : i32 to index
          %swap3A_300 = arith.constant 0 : index
          %swap3A_301 = tpu.vector_load %arg11[%swap3A, %swap3A_300] {strides = array<i32>} : memref<100x128xf32, #tpu.memory_space<vmem>>, vector<16xf32>,
          tpu.vector_store %arg11[%swap3A, %swap3A_300], %mul3A_295 {strides = array<i32>} : memref<100x128xf32, #tpu.memory_space<vmem>>, vector<16xf32>,
          %mul3A_302 = arith.constant 4 : i32
          %mul3A_303 = arith.muli %scan3A_277, %mul3A_302 : i32
          %add3A_304 = arith.constant 0 : i32
          %add3A_305 = arith.addi %mul3A_303, %add3A_304 : i32
          %get3A_306 = arith.index_cast %add3A_305 : i32 to index
          %get3A_307 = arith.constant 16 : index
          %get3A_308 = tpu.vector_load %arg11[%get3A_306, %get3A_307] {strides = array<i32>} : memref<100x128xf32, #tpu.memory_space<vmem>>, vector<16xf32>,
          %mul3A_309 = arith.mulf %get3A_308, %gather3A_287 : vector<16xf32>
          %mul3A_310 = arith.constant 4 : i32
          %mul3A_311 = arith.muli %scan3A_277, %mul3A_310 : i32
          %add3A_312 = arith.constant 0 : i32
          %add3A_313 = arith.addi %mul3A_311, %add3A_312 : i32
          %swap3A_314 = arith.index_cast %add3A_313 : i32 to index
          %swap3A_315 = arith.constant 16 : index
          %swap3A_316 = tpu.vector_load %arg11[%swap3A_314, %swap3A_315] {strides = array<i32>} : memref<100x128xf32, #tpu.memory_space<vmem>>, vector<16xf32>,
          tpu.vector_store %arg11[%swap3A_314, %swap3A_315], %mul3A_309 {strides = array<i32>} : memref<100x128xf32, #tpu.memory_space<vmem>>, vector<16xf32>,
          %broadcast_in_dim3A_317 = arith.constant 1 : i32
          %broadcast_in_dim3A_318 = vector.broadcast %broadcast_in_dim3A_317 : i32 to vector<16x1xi32>
          %gather3A_319 = vector.shape_cast %broadcast_in_dim3A_318 : vector<16x1xi32> to vector<16xi32>
          %gather3A_320 = tpu.dynamic_gather %get3A_285[%gather3A_319] in [0] : vector<16xf32>, vector<16xi32> -> vector<16xf32>
          %mul3A_321 = arith.constant 4 : i32
          %mul3A_322 = arith.muli %scan3A_277, %mul3A_321 : i32
          %add3A_323 = arith.constant 0 : i32
          %add3A_324 = arith.addi %mul3A_322, %add3A_323 : i32
          %get3A_325 = arith.index_cast %add3A_324 : i32 to index
          %get3A_326 = arith.constant 32 : index
          %get3A_327 = tpu.vector_load %arg11[%get3A_325, %get3A_326] {strides = array<i32>} : memref<100x128xf32, #tpu.memory_space<vmem>>, vector<16xf32>,
          %mul3A_328 = arith.mulf %get3A_327, %gather3A_320 : vector<16xf32>
          %mul3A_329 = arith.constant 4 : i32
          %mul3A_330 = arith.muli %scan3A_277, %mul3A_329 : i32
          %add3A_331 = arith.constant 0 : i32
          %add3A_332 = arith.addi %mul3A_330, %add3A_331 : i32
          %swap3A_333 = arith.index_cast %add3A_332 : i32 to index
          %swap3A_334 = arith.constant 32 : index
          %swap3A_335 = tpu.vector_load %arg11[%swap3A_333, %swap3A_334] {strides = array<i32>} : memref<100x128xf32, #tpu.memory_space<vmem>>, vector<16xf32>,
          tpu.vector_store %arg11[%swap3A_333, %swap3A_334], %mul3A_328 {strides = array<i32>} : memref<100x128xf32, #tpu.memory_space<vmem>>, vector<16xf32>,
          %mul3A_336 = arith.constant 4 : i32
          %mul3A_337 = arith.muli %scan3A_277, %mul3A_336 : i32
          %add3A_338 = arith.constant 0 : i32
          %add3A_339 = arith.addi %mul3A_337, %add3A_338 : i32
          %get3A_340 = arith.index_cast %add3A_339 : i32 to index
          %get3A_341 = arith.constant 48 : index
          %get3A_342 = tpu.vector_load %arg11[%get3A_340, %get3A_341] {strides = array<i32>} : memref<100x128xf32, #tpu.memory_space<vmem>>, vector<16xf32>,
          %mul3A_343 = arith.mulf %get3A_342, %gather3A_320 : vector<16xf32>
          %mul3A_344 = arith.constant 4 : i32
          %mul3A_345 = arith.muli %scan3A_277, %mul3A_344 : i32
          %add3A_346 = arith.constant 0 : i32
          %add3A_347 = arith.addi %mul3A_345, %add3A_346 : i32
          %swap3A_348 = arith.index_cast %add3A_347 : i32 to index
          %swap3A_349 = arith.constant 48 : index
          %swap3A_350 = tpu.vector_load %arg11[%swap3A_348, %swap3A_349] {strides = array<i32>} : memref<100x128xf32, #tpu.memory_space<vmem>>, vector<16xf32>,
          tpu.vector_store %arg11[%swap3A_348, %swap3A_349], %mul3A_343 {strides = array<i32>} : memref<100x128xf32, #tpu.memory_space<vmem>>, vector<16xf32>,
          %broadcast_in_dim3A_351 = arith.constant 2 : i32
          %broadcast_in_dim3A_352 = vector.broadcast %broadcast_in_dim3A_351 : i32 to vector<16x1xi32>
          %gather3A_353 = vector.shape_cast %broadcast_in_dim3A_352 : vector<16x1xi32> to vector<16xi32>
          %gather3A_354 = tpu.dynamic_gather %get3A_285[%gather3A_353] in [0] : vector<16xf32>, vector<16xi32> -> vector<16xf32>
          %mul3A_355 = arith.constant 4 : i32
          %mul3A_356 = arith.muli %scan3A_277, %mul3A_355 : i32
          %add3A_357 = arith.constant 0 : i32
          %add3A_358 = arith.addi %mul3A_356, %add3A_357 : i32
          %get3A_359 = arith.index_cast %add3A_358 : i32 to index
          %get3A_360 = arith.constant 64 : index
          %get3A_361 = tpu.vector_load %arg11[%get3A_359, %get3A_360] {strides = array<i32>} : memref<100x128xf32, #tpu.memory_space<vmem>>, vector<16xf32>,
          %mul3A_362 = arith.mulf %get3A_361, %gather3A_354 : vector<16xf32>
          %mul3A_363 = arith.constant 4 : i32
          %mul3A_364 = arith.muli %scan3A_277, %mul3A_363 : i32
          %add3A_365 = arith.constant 0 : i32
          %add3A_366 = arith.addi %mul3A_364, %add3A_365 : i32
          %swap3A_367 = arith.index_cast %add3A_366 : i32 to index
          %swap3A_368 = arith.constant 64 : index
          %swap3A_369 = tpu.vector_load %arg11[%swap3A_367, %swap3A_368] {strides = array<i32>} : memref<100x128xf32, #tpu.memory_space<vmem>>, vector<16xf32>,
          tpu.vector_store %arg11[%swap3A_367, %swap3A_368], %mul3A_362 {strides = array<i32>} : memref<100x128xf32, #tpu.memory_space<vmem>>, vector<16xf32>,
          %mul3A_370 = arith.constant 4 : i32
          %mul3A_371 = arith.muli %scan3A_277, %mul3A_370 : i32
          %add3A_372 = arith.constant 0 : i32
          %add3A_373 = arith.addi %mul3A_371, %add3A_372 : i32
          %get3A_374 = arith.index_cast %add3A_373 : i32 to index
          %get3A_375 = arith.constant 80 : index
          %get3A_376 = tpu.vector_load %arg11[%get3A_374, %get3A_375] {strides = array<i32>} : memref<100x128xf32, #tpu.memory_space<vmem>>, vector<16xf32>,
          %mul3A_377 = arith.mulf %get3A_376, %gather3A_354 : vector<16xf32>
          %mul3A_378 = arith.constant 4 : i32
          %mul3A_379 = arith.muli %scan3A_277, %mul3A_378 : i32
          %add3A_380 = arith.constant 0 : i32
          %add3A_381 = arith.addi %mul3A_379, %add3A_380 : i32
          %swap3A_382 = arith.index_cast %add3A_381 : i32 to index
          %swap3A_383 = arith.constant 80 : index
          %swap3A_384 = tpu.vector_load %arg11[%swap3A_382, %swap3A_383] {strides = array<i32>} : memref<100x128xf32, #tpu.memory_space<vmem>>, vector<16xf32>,
          tpu.vector_store %arg11[%swap3A_382, %swap3A_383], %mul3A_377 {strides = array<i32>} : memref<100x128xf32, #tpu.memory_space<vmem>>, vector<16xf32>,
          %broadcast_in_dim3A_385 = arith.constant 3 : i32
          %broadcast_in_dim3A_386 = vector.broadcast %broadcast_in_dim3A_385 : i32 to vector<16x1xi32>
          %gather3A_387 = vector.shape_cast %broadcast_in_dim3A_386 : vector<16x1xi32> to vector<16xi32>
          %gather3A_388 = tpu.dynamic_gather %get3A_285[%gather3A_387] in [0] : vector<16xf32>, vector<16xi32> -> vector<16xf32>
          %mul3A_389 = arith.constant 4 : i32
          %mul3A_390 = arith.muli %scan3A_277, %mul3A_389 : i32
          %add3A_391 = arith.constant 0 : i32
          %add3A_392 = arith.addi %mul3A_390, %add3A_391 : i32
          %get3A_393 = arith.index_cast %add3A_392 : i32 to index
          %get3A_394 = arith.constant 96 : index
          %get3A_395 = tpu.vector_load %arg11[%get3A_393, %get3A_394] {strides = array<i32>} : memref<100x128xf32, #tpu.memory_space<vmem>>, vector<16xf32>,
          %mul3A_396 = arith.mulf %get3A_395, %gather3A_388 : vector<16xf32>
          %mul3A_397 = arith.constant 4 : i32
          %mul3A_398 = arith.muli %scan3A_277, %mul3A_397 : i32
          %add3A_399 = arith.constant 0 : i32
          %add3A_400 = arith.addi %mul3A_398, %add3A_399 : i32
          %swap3A_401 = arith.index_cast %add3A_400 : i32 to index
          %swap3A_402 = arith.constant 96 : index
          %swap3A_403 = tpu.vector_load %arg11[%swap3A_401, %swap3A_402] {strides = array<i32>} : memref<100x128xf32, #tpu.memory_space<vmem>>, vector<16xf32>,
          tpu.vector_store %arg11[%swap3A_401, %swap3A_402], %mul3A_396 {strides = array<i32>} : memref<100x128xf32, #tpu.memory_space<vmem>>, vector<16xf32>,
          %mul3A_404 = arith.constant 4 : i32
          %mul3A_405 = arith.muli %scan3A_277, %mul3A_404 : i32
          %add3A_406 = arith.constant 0 : i32
          %add3A_407 = arith.addi %mul3A_405, %add3A_406 : i32
          %get3A_408 = arith.index_cast %add3A_407 : i32 to index
          %get3A_409 = arith.constant 112 : index
          %get3A_410 = tpu.vector_load %arg11[%get3A_408, %get3A_409] {strides = array<i32>} : memref<100x128xf32, #tpu.memory_space<vmem>>, vector<16xf32>,
          %mul3A_411 = arith.mulf %get3A_410, %gather3A_388 : vector<16xf32>
          %mul3A_412 = arith.constant 4 : i32
          %mul3A_413 = arith.muli %scan3A_277, %mul3A_412 : i32
          %add3A_414 = arith.constant 0 : i32
          %add3A_415 = arith.addi %mul3A_413, %add3A_414 : i32
          %swap3A_416 = arith.index_cast %add3A_415 : i32 to index
          %swap3A_417 = arith.constant 112 : index
          %swap3A_418 = tpu.vector_load %arg11[%swap3A_416, %swap3A_417] {strides = array<i32>} : memref<100x128xf32, #tpu.memory_space<vmem>>, vector<16xf32>,
          tpu.vector_store %arg11[%swap3A_416, %swap3A_417], %mul3A_411 {strides = array<i32>} : memref<100x128xf32, #tpu.memory_space<vmem>>, vector<16xf32>,
          %broadcast_in_dim3A_419 = arith.constant 4 : i32
          %broadcast_in_dim3A_420 = vector.broadcast %broadcast_in_dim3A_419 : i32 to vector<16x1xi32>
          %gather3A_421 = vector.shape_cast %broadcast_in_dim3A_420 : vector<16x1xi32> to vector<16xi32>
          %gather3A_422 = tpu.dynamic_gather %get3A_285[%gather3A_421] in [0] : vector<16xf32>, vector<16xi32> -> vector<16xf32>
          %mul3A_423 = arith.constant 4 : i32
          %mul3A_424 = arith.muli %scan3A_277, %mul3A_423 : i32
          %add3A_425 = arith.constant 1 : i32
          %add3A_426 = arith.addi %mul3A_424, %add3A_425 : i32
          %get3A_427 = arith.index_cast %add3A_426 : i32 to index
          %get3A_428 = arith.constant 0 : index
          %get3A_429 = tpu.vector_load %arg11[%get3A_427, %get3A_428] {strides = array<i32>} : memref<100x128xf32, #tpu.memory_space<vmem>>, vector<16xf32>,
          %mul3A_430 = arith.mulf %get3A_429, %gather3A_422 : vector<16xf32>
          %mul3A_431 = arith.constant 4 : i32
          %mul3A_432 = arith.muli %scan3A_277, %mul3A_431 : i32
          %add3A_433 = arith.constant 1 : i32
          %add3A_434 = arith.addi %mul3A_432, %add3A_433 : i32
          %swap3A_435 = arith.index_cast %add3A_434 : i32 to index
          %swap3A_436 = arith.constant 0 : index
          %swap3A_437 = tpu.vector_load %arg11[%swap3A_435, %swap3A_436] {strides = array<i32>} : memref<100x128xf32, #tpu.memory_space<vmem>>, vector<16xf32>,
          tpu.vector_store %arg11[%swap3A_435, %swap3A_436], %mul3A_430 {strides = array<i32>} : memref<100x128xf32, #tpu.memory_space<vmem>>, vector<16xf32>,
          %mul3A_438 = arith.constant 4 : i32
          %mul3A_439 = arith.muli %scan3A_277, %mul3A_438 : i32
          %add3A_440 = arith.constant 1 : i32
          %add3A_441 = arith.addi %mul3A_439, %add3A_440 : i32
          %get3A_442 = arith.index_cast %add3A_441 : i32 to index
          %get3A_443 = arith.constant 16 : index
          %get3A_444 = tpu.vector_load %arg11[%get3A_442, %get3A_443] {strides = array<i32>} : memref<100x128xf32, #tpu.memory_space<vmem>>, vector<16xf32>,
          %mul3A_445 = arith.mulf %get3A_444, %gather3A_422 : vector<16xf32>
          %mul3A_446 = arith.constant 4 : i32
          %mul3A_447 = arith.muli %scan3A_277, %mul3A_446 : i32
          %add3A_448 = arith.constant 1 : i32
          %add3A_449 = arith.addi %mul3A_447, %add3A_448 : i32
          %swap3A_450 = arith.index_cast %add3A_449 : i32 to index
          %swap3A_451 = arith.constant 16 : index
          %swap3A_452 = tpu.vector_load %arg11[%swap3A_450, %swap3A_451] {strides = array<i32>} : memref<100x128xf32, #tpu.memory_space<vmem>>, vector<16xf32>,
          tpu.vector_store %arg11[%swap3A_450, %swap3A_451], %mul3A_445 {strides = array<i32>} : memref<100x128xf32, #tpu.memory_space<vmem>>, vector<16xf32>,
          %broadcast_in_dim3A_453 = arith.constant 5 : i32
          %broadcast_in_dim3A_454 = vector.broadcast %broadcast_in_dim3A_453 : i32 to vector<16x1xi32>
          %gather3A_455 = vector.shape_cast %broadcast_in_dim3A_454 : vector<16x1xi32> to vector<16xi32>
          %gather3A_456 = tpu.dynamic_gather %get3A_285[%gather3A_455] in [0] : vector<16xf32>, vector<16xi32> -> vector<16xf32>
          %mul3A_457 = arith.constant 4 : i32
          %mul3A_458 = arith.muli %scan3A_277, %mul3A_457 : i32
          %add3A_459 = arith.constant 1 : i32
          %add3A_460 = arith.addi %mul3A_458, %add3A_459 : i32
          %get3A_461 = arith.index_cast %add3A_460 : i32 to index
          %get3A_462 = arith.constant 32 : index
          %get3A_463 = tpu.vector_load %arg11[%get3A_461, %get3A_462] {strides = array<i32>} : memref<100x128xf32, #tpu.memory_space<vmem>>, vector<16xf32>,
          %mul3A_464 = arith.mulf %get3A_463, %gather3A_456 : vector<16xf32>
          %mul3A_465 = arith.constant 4 : i32
          %mul3A_466 = arith.muli %scan3A_277, %mul3A_465 : i32
          %add3A_467 = arith.constant 1 : i32
          %add3A_468 = arith.addi %mul3A_466, %add3A_467 : i32
          %swap3A_469 = arith.index_cast %add3A_468 : i32 to index
          %swap3A_470 = arith.constant 32 : index
          %swap3A_471 = tpu.vector_load %arg11[%swap3A_469, %swap3A_470] {strides = array<i32>} : memref<100x128xf32, #tpu.memory_space<vmem>>, vector<16xf32>,
          tpu.vector_store %arg11[%swap3A_469, %swap3A_470], %mul3A_464 {strides = array<i32>} : memref<100x128xf32, #tpu.memory_space<vmem>>, vector<16xf32>,
          %mul3A_472 = arith.constant 4 : i32
          %mul3A_473 = arith.muli %scan3A_277, %mul3A_472 : i32
          %add3A_474 = arith.constant 1 : i32
          %add3A_475 = arith.addi %mul3A_473, %add3A_474 : i32
          %get3A_476 = arith.index_cast %add3A_475 : i32 to index
          %get3A_477 = arith.constant 48 : index
          %get3A_478 = tpu.vector_load %arg11[%get3A_476, %get3A_477] {strides = array<i32>} : memref<100x128xf32, #tpu.memory_space<vmem>>, vector<16xf32>,
          %mul3A_479 = arith.mulf %get3A_478, %gather3A_456 : vector<16xf32>
          %mul3A_480 = arith.constant 4 : i32
          %mul3A_481 = arith.muli %scan3A_277, %mul3A_480 : i32
          %add3A_482 = arith.constant 1 : i32
          %add3A_483 = arith.addi %mul3A_481, %add3A_482 : i32
          %swap3A_484 = arith.index_cast %add3A_483 : i32 to index
          %swap3A_485 = arith.constant 48 : index
          %swap3A_486 = tpu.vector_load %arg11[%swap3A_484, %swap3A_485] {strides = array<i32>} : memref<100x128xf32, #tpu.memory_space<vmem>>, vector<16xf32>,
          tpu.vector_store %arg11[%swap3A_484, %swap3A_485], %mul3A_479 {strides = array<i32>} : memref<100x128xf32, #tpu.memory_space<vmem>>, vector<16xf32>,
          %broadcast_in_dim3A_487 = arith.constant 6 : i32
          %broadcast_in_dim3A_488 = vector.broadcast %broadcast_in_dim3A_487 : i32 to vector<16x1xi32>
          %gather3A_489 = vector.shape_cast %broadcast_in_dim3A_488 : vector<16x1xi32> to vector<16xi32>
          %gather3A_490 = tpu.dynamic_gather %get3A_285[%gather3A_489] in [0] : vector<16xf32>, vector<16xi32> -> vector<16xf32>
          %mul3A_491 = arith.constant 4 : i32
          %mul3A_492 = arith.muli %scan3A_277, %mul3A_491 : i32
          %add3A_493 = arith.constant 1 : i32
          %add3A_494 = arith.addi %mul3A_492, %add3A_493 : i32
          %get3A_495 = arith.index_cast %add3A_494 : i32 to index
          %get3A_496 = arith.constant 64 : index
          %get3A_497 = tpu.vector_load %arg11[%get3A_495, %get3A_496] {strides = array<i32>} : memref<100x128xf32, #tpu.memory_space<vmem>>, vector<16xf32>,
          %mul3A_498 = arith.mulf %get3A_497, %gather3A_490 : vector<16xf32>
          %mul3A_499 = arith.constant 4 : i32
          %mul3A_500 = arith.muli %scan3A_277, %mul3A_499 : i32
          %add3A_501 = arith.constant 1 : i32
          %add3A_502 = arith.addi %mul3A_500, %add3A_501 : i32
          %swap3A_503 = arith.index_cast %add3A_502 : i32 to index
          %swap3A_504 = arith.constant 64 : index
          %swap3A_505 = tpu.vector_load %arg11[%swap3A_503, %swap3A_504] {strides = array<i32>} : memref<100x128xf32, #tpu.memory_space<vmem>>, vector<16xf32>,
          tpu.vector_store %arg11[%swap3A_503, %swap3A_504], %mul3A_498 {strides = array<i32>} : memref<100x128xf32, #tpu.memory_space<vmem>>, vector<16xf32>,
          %mul3A_506 = arith.constant 4 : i32
          %mul3A_507 = arith.muli %scan3A_277, %mul3A_506 : i32
          %add3A_508 = arith.constant 1 : i32
          %add3A_509 = arith.addi %mul3A_507, %add3A_508 : i32
          %get3A_510 = arith.index_cast %add3A_509 : i32 to index
          %get3A_511 = arith.constant 80 : index
          %get3A_512 = tpu.vector_load %arg11[%get3A_510, %get3A_511] {strides = array<i32>} : memref<100x128xf32, #tpu.memory_space<vmem>>, vector<16xf32>,
          %mul3A_513 = arith.mulf %get3A_512, %gather3A_490 : vector<16xf32>
          %mul3A_514 = arith.constant 4 : i32
          %mul3A_515 = arith.muli %scan3A_277, %mul3A_514 : i32
          %add3A_516 = arith.constant 1 : i32
          %add3A_517 = arith.addi %mul3A_515, %add3A_516 : i32
          %swap3A_518 = arith.index_cast %add3A_517 : i32 to index
          %swap3A_519 = arith.constant 80 : index
          %swap3A_520 = tpu.vector_load %arg11[%swap3A_518, %swap3A_519] {strides = array<i32>} : memref<100x128xf32, #tpu.memory_space<vmem>>, vector<16xf32>,
          tpu.vector_store %arg11[%swap3A_518, %swap3A_519], %mul3A_513 {strides = array<i32>} : memref<100x128xf32, #tpu.memory_space<vmem>>, vector<16xf32>,
          %broadcast_in_dim3A_521 = arith.constant 7 : i32
          %broadcast_in_dim3A_522 = vector.broadcast %broadcast_in_dim3A_521 : i32 to vector<16x1xi32>
          %gather3A_523 = vector.shape_cast %broadcast_in_dim3A_522 : vector<16x1xi32> to vector<16xi32>
          %gather3A_524 = tpu.dynamic_gather %get3A_285[%gather3A_523] in [0] : vector<16xf32>, vector<16xi32> -> vector<16xf32>
          %mul3A_525 = arith.constant 4 : i32
          %mul3A_526 = arith.muli %scan3A_277, %mul3A_525 : i32
          %add3A_527 = arith.constant 1 : i32
          %add3A_528 = arith.addi %mul3A_526, %add3A_527 : i32
          %get3A_529 = arith.index_cast %add3A_528 : i32 to index
          %get3A_530 = arith.constant 96 : index
          %get3A_531 = tpu.vector_load %arg11[%get3A_529, %get3A_530] {strides = array<i32>} : memref<100x128xf32, #tpu.memory_space<vmem>>, vector<16xf32>,
          %mul3A_532 = arith.mulf %get3A_531, %gather3A_524 : vector<16xf32>
          %mul3A_533 = arith.constant 4 : i32
          %mul3A_534 = arith.muli %scan3A_277, %mul3A_533 : i32
          %add3A_535 = arith.constant 1 : i32
          %add3A_536 = arith.addi %mul3A_534, %add3A_535 : i32
          %swap3A_537 = arith.index_cast %add3A_536 : i32 to index
          %swap3A_538 = arith.constant 96 : index
          %swap3A_539 = tpu.vector_load %arg11[%swap3A_537, %swap3A_538] {strides = array<i32>} : memref<100x128xf32, #tpu.memory_space<vmem>>, vector<16xf32>,
          tpu.vector_store %arg11[%swap3A_537, %swap3A_538], %mul3A_532 {strides = array<i32>} : memref<100x128xf32, #tpu.memory_space<vmem>>, vector<16xf32>,
          %mul3A_540 = arith.constant 4 : i32
          %mul3A_541 = arith.muli %scan3A_277, %mul3A_540 : i32
          %add3A_542 = arith.constant 1 : i32
          %add3A_543 = arith.addi %mul3A_541, %add3A_542 : i32
          %get3A_544 = arith.index_cast %add3A_543 : i32 to index
          %get3A_545 = arith.constant 112 : index
          %get3A_546 = tpu.vector_load %arg11[%get3A_544, %get3A_545] {strides = array<i32>} : memref<100x128xf32, #tpu.memory_space<vmem>>, vector<16xf32>,
          %mul3A_547 = arith.mulf %get3A_546, %gather3A_524 : vector<16xf32>
          %mul3A_548 = arith.constant 4 : i32
          %mul3A_549 = arith.muli %scan3A_277, %mul3A_548 : i32
          %add3A_550 = arith.constant 1 : i32
          %add3A_551 = arith.addi %mul3A_549, %add3A_550 : i32
          %swap3A_552 = arith.index_cast %add3A_551 : i32 to index
          %swap3A_553 = arith.constant 112 : index
          %swap3A_554 = tpu.vector_load %arg11[%swap3A_552, %swap3A_553] {strides = array<i32>} : memref<100x128xf32, #tpu.memory_space<vmem>>, vector<16xf32>,
          tpu.vector_store %arg11[%swap3A_552, %swap3A_553], %mul3A_547 {strides = array<i32>} : memref<100x128xf32, #tpu.memory_space<vmem>>, vector<16xf32>,
          %broadcast_in_dim3A_555 = arith.constant 8 : i32
          %broadcast_in_dim3A_556 = vector.broadcast %broadcast_in_dim3A_555 : i32 to vector<16x1xi32>
          %gather3A_557 = vector.shape_cast %broadcast_in_dim3A_556 : vector<16x1xi32> to vector<16xi32>
          %gather3A_558 = tpu.dynamic_gather %get3A_285[%gather3A_557] in [0] : vector<16xf32>, vector<16xi32> -> vector<16xf32>
          %mul3A_559 = arith.constant 4 : i32
          %mul3A_560 = arith.muli %scan3A_277, %mul3A_559 : i32
          %add3A_561 = arith.constant 2 : i32
          %add3A_562 = arith.addi %mul3A_560, %add3A_561 : i32
          %get3A_563 = arith.index_cast %add3A_562 : i32 to index
          %get3A_564 = arith.constant 0 : index
          %get3A_565 = tpu.vector_load %arg11[%get3A_563, %get3A_564] {strides = array<i32>} : memref<100x128xf32, #tpu.memory_space<vmem>>, vector<16xf32>,
          %mul3A_566 = arith.mulf %get3A_565, %gather3A_558 : vector<16xf32>
          %mul3A_567 = arith.constant 4 : i32
          %mul3A_568 = arith.muli %scan3A_277, %mul3A_567 : i32
          %add3A_569 = arith.constant 2 : i32
          %add3A_570 = arith.addi %mul3A_568, %add3A_569 : i32
          %swap3A_571 = arith.index_cast %add3A_570 : i32 to index
          %swap3A_572 = arith.constant 0 : index
          %swap3A_573 = tpu.vector_load %arg11[%swap3A_571, %swap3A_572] {strides = array<i32>} : memref<100x128xf32, #tpu.memory_space<vmem>>, vector<16xf32>,
          tpu.vector_store %arg11[%swap3A_571, %swap3A_572], %mul3A_566 {strides = array<i32>} : memref<100x128xf32, #tpu.memory_space<vmem>>, vector<16xf32>,
          %mul3A_574 = arith.constant 4 : i32
          %mul3A_575 = arith.muli %scan3A_277, %mul3A_574 : i32
          %add3A_576 = arith.constant 2 : i32
          %add3A_577 = arith.addi %mul3A_575, %add3A_576 : i32
          %get3A_578 = arith.index_cast %add3A_577 : i32 to index
          %get3A_579 = arith.constant 16 : index
          %get3A_580 = tpu.vector_load %arg11[%get3A_578, %get3A_579] {strides = array<i32>} : memref<100x128xf32, #tpu.memory_space<vmem>>, vector<16xf32>,
          %mul3A_581 = arith.mulf %get3A_580, %gather3A_558 : vector<16xf32>
          %mul3A_582 = arith.constant 4 : i32
          %mul3A_583 = arith.muli %scan3A_277, %mul3A_582 : i32
          %add3A_584 = arith.constant 2 : i32
          %add3A_585 = arith.addi %mul3A_583, %add3A_584 : i32
          %swap3A_586 = arith.index_cast %add3A_585 : i32 to index
          %swap3A_587 = arith.constant 16 : index
          %swap3A_588 = tpu.vector_load %arg11[%swap3A_586, %swap3A_587] {strides = array<i32>} : memref<100x128xf32, #tpu.memory_space<vmem>>, vector<16xf32>,
          tpu.vector_store %arg11[%swap3A_586, %swap3A_587], %mul3A_581 {strides = array<i32>} : memref<100x128xf32, #tpu.memory_space<vmem>>, vector<16xf32>,
          %broadcast_in_dim3A_589 = arith.constant 9 : i32
          %broadcast_in_dim3A_590 = vector.broadcast %broadcast_in_dim3A_589 : i32 to vector<16x1xi32>
          %gather3A_591 = vector.shape_cast %broadcast_in_dim3A_590 : vector<16x1xi32> to vector<16xi32>
          %gather3A_592 = tpu.dynamic_gather %get3A_285[%gather3A_591] in [0] : vector<16xf32>, vector<16xi32> -> vector<16xf32>
          %mul3A_593 = arith.constant 4 : i32
          %mul3A_594 = arith.muli %scan3A_277, %mul3A_593 : i32
          %add3A_595 = arith.constant 2 : i32
          %add3A_596 = arith.addi %mul3A_594, %add3A_595 : i32
          %get3A_597 = arith.index_cast %add3A_596 : i32 to index
          %get3A_598 = arith.constant 32 : index
          %get3A_599 = tpu.vector_load %arg11[%get3A_597, %get3A_598] {strides = array<i32>} : memref<100x128xf32, #tpu.memory_space<vmem>>, vector<16xf32>,
          %mul3A_600 = arith.mulf %get3A_599, %gather3A_592 : vector<16xf32>
          %mul3A_601 = arith.constant 4 : i32
          %mul3A_602 = arith.muli %scan3A_277, %mul3A_601 : i32
          %add3A_603 = arith.constant 2 : i32
          %add3A_604 = arith.addi %mul3A_602, %add3A_603 : i32
          %swap3A_605 = arith.index_cast %add3A_604 : i32 to index
          %swap3A_606 = arith.constant 32 : index
          %swap3A_607 = tpu.vector_load %arg11[%swap3A_605, %swap3A_606] {strides = array<i32>} : memref<100x128xf32, #tpu.memory_space<vmem>>, vector<16xf32>,
          tpu.vector_store %arg11[%swap3A_605, %swap3A_606], %mul3A_600 {strides = array<i32>} : memref<100x128xf32, #tpu.memory_space<vmem>>, vector<16xf32>,
          %mul3A_608 = arith.constant 4 : i32
          %mul3A_609 = arith.muli %scan3A_277, %mul3A_608 : i32
          %add3A_610 = arith.constant 2 : i32
          %add3A_611 = arith.addi %mul3A_609, %add3A_610 : i32
          %get3A_612 = arith.index_cast %add3A_611 : i32 to index
          %get3A_613 = arith.constant 48 : index
          %get3A_614 = tpu.vector_load %arg11[%get3A_612, %get3A_613] {strides = array<i32>} : memref<100x128xf32, #tpu.memory_space<vmem>>, vector<16xf32>,
          %mul3A_615 = arith.mulf %get3A_614, %gather3A_592 : vector<16xf32>
          %mul3A_616 = arith.constant 4 : i32
          %mul3A_617 = arith.muli %scan3A_277, %mul3A_616 : i32
          %add3A_618 = arith.constant 2 : i32
          %add3A_619 = arith.addi %mul3A_617, %add3A_618 : i32
          %swap3A_620 = arith.index_cast %add3A_619 : i32 to index
          %swap3A_621 = arith.constant 48 : index
          %swap3A_622 = tpu.vector_load %arg11[%swap3A_620, %swap3A_621] {strides = array<i32>} : memref<100x128xf32, #tpu.memory_space<vmem>>, vector<16xf32>,
          tpu.vector_store %arg11[%swap3A_620, %swap3A_621], %mul3A_615 {strides = array<i32>} : memref<100x128xf32, #tpu.memory_space<vmem>>, vector<16xf32>,
          %broadcast_in_dim3A_623 = arith.constant 10 : i32
          %broadcast_in_dim3A_624 = vector.broadcast %broadcast_in_dim3A_623 : i32 to vector<16x1xi32>
          %gather3A_625 = vector.shape_cast %broadcast_in_dim3A_624 : vector<16x1xi32> to vector<16xi32>
          %gather3A_626 = tpu.dynamic_gather %get3A_285[%gather3A_625] in [0] : vector<16xf32>, vector<16xi32> -> vector<16xf32>
          %mul3A_627 = arith.constant 4 : i32
          %mul3A_628 = arith.muli %scan3A_277, %mul3A_627 : i32
          %add3A_629 = arith.constant 2 : i32
          %add3A_630 = arith.addi %mul3A_628, %add3A_629 : i32
          %get3A_631 = arith.index_cast %add3A_630 : i32 to index
          %get3A_632 = arith.constant 64 : index
          %get3A_633 = tpu.vector_load %arg11[%get3A_631, %get3A_632] {strides = array<i32>} : memref<100x128xf32, #tpu.memory_space<vmem>>, vector<16xf32>,
          %mul3A_634 = arith.mulf %get3A_633, %gather3A_626 : vector<16xf32>
          %mul3A_635 = arith.constant 4 : i32
          %mul3A_636 = arith.muli %scan3A_277, %mul3A_635 : i32
          %add3A_637 = arith.constant 2 : i32
          %add3A_638 = arith.addi %mul3A_636, %add3A_637 : i32
          %swap3A_639 = arith.index_cast %add3A_638 : i32 to index
          %swap3A_640 = arith.constant 64 : index
          %swap3A_641 = tpu.vector_load %arg11[%swap3A_639, %swap3A_640] {strides = array<i32>} : memref<100x128xf32, #tpu.memory_space<vmem>>, vector<16xf32>,
          tpu.vector_store %arg11[%swap3A_639, %swap3A_640], %mul3A_634 {strides = array<i32>} : memref<100x128xf32, #tpu.memory_space<vmem>>, vector<16xf32>,
          %mul3A_642 = arith.constant 4 : i32
          %mul3A_643 = arith.muli %scan3A_277, %mul3A_642 : i32
          %add3A_644 = arith.constant 2 : i32
          %add3A_645 = arith.addi %mul3A_643, %add3A_644 : i32
          %get3A_646 = arith.index_cast %add3A_645 : i32 to index
          %get3A_647 = arith.constant 80 : index
          %get3A_648 = tpu.vector_load %arg11[%get3A_646, %get3A_647] {strides = array<i32>} : memref<100x128xf32, #tpu.memory_space<vmem>>, vector<16xf32>,
          %mul3A_649 = arith.mulf %get3A_648, %gather3A_626 : vector<16xf32>
          %mul3A_650 = arith.constant 4 : i32
          %mul3A_651 = arith.muli %scan3A_277, %mul3A_650 : i32
          %add3A_652 = arith.constant 2 : i32
          %add3A_653 = arith.addi %mul3A_651, %add3A_652 : i32
          %swap3A_654 = arith.index_cast %add3A_653 : i32 to index
          %swap3A_655 = arith.constant 80 : index
          %swap3A_656 = tpu.vector_load %arg11[%swap3A_654, %swap3A_655] {strides = array<i32>} : memref<100x128xf32, #tpu.memory_space<vmem>>, vector<16xf32>,
          tpu.vector_store %arg11[%swap3A_654, %swap3A_655], %mul3A_649 {strides = array<i32>} : memref<100x128xf32, #tpu.memory_space<vmem>>, vector<16xf32>,
          %broadcast_in_dim3A_657 = arith.constant 11 : i32
          %broadcast_in_dim3A_658 = vector.broadcast %broadcast_in_dim3A_657 : i32 to vector<16x1xi32>
          %gather3A_659 = vector.shape_cast %broadcast_in_dim3A_658 : vector<16x1xi32> to vector<16xi32>
          %gather3A_660 = tpu.dynamic_gather %get3A_285[%gather3A_659] in [0] : vector<16xf32>, vector<16xi32> -> vector<16xf32>
          %mul3A_661 = arith.constant 4 : i32
          %mul3A_662 = arith.muli %scan3A_277, %mul3A_661 : i32
          %add3A_663 = arith.constant 2 : i32
          %add3A_664 = arith.addi %mul3A_662, %add3A_663 : i32
          %get3A_665 = arith.index_cast %add3A_664 : i32 to index
          %get3A_666 = arith.constant 96 : index
          %get3A_667 = tpu.vector_load %arg11[%get3A_665, %get3A_666] {strides = array<i32>} : memref<100x128xf32, #tpu.memory_space<vmem>>, vector<16xf32>,
          %mul3A_668 = arith.mulf %get3A_667, %gather3A_660 : vector<16xf32>
          %mul3A_669 = arith.constant 4 : i32
          %mul3A_670 = arith.muli %scan3A_277, %mul3A_669 : i32
          %add3A_671 = arith.constant 2 : i32
          %add3A_672 = arith.addi %mul3A_670, %add3A_671 : i32
          %swap3A_673 = arith.index_cast %add3A_672 : i32 to index
          %swap3A_674 = arith.constant 96 : index
          %swap3A_675 = tpu.vector_load %arg11[%swap3A_673, %swap3A_674] {strides = array<i32>} : memref<100x128xf32, #tpu.memory_space<vmem>>, vector<16xf32>,
          tpu.vector_store %arg11[%swap3A_673, %swap3A_674], %mul3A_668 {strides = array<i32>} : memref<100x128xf32, #tpu.memory_space<vmem>>, vector<16xf32>,
          %mul3A_676 = arith.constant 4 : i32
          %mul3A_677 = arith.muli %scan3A_277, %mul3A_676 : i32
          %add3A_678 = arith.constant 2 : i32
          %add3A_679 = arith.addi %mul3A_677, %add3A_678 : i32
          %get3A_680 = arith.index_cast %add3A_679 : i32 to index
          %get3A_681 = arith.constant 112 : index
          %get3A_682 = tpu.vector_load %arg11[%get3A_680, %get3A_681] {strides = array<i32>} : memref<100x128xf32, #tpu.memory_space<vmem>>, vector<16xf32>,
          %mul3A_683 = arith.mulf %get3A_682, %gather3A_660 : vector<16xf32>
          %mul3A_684 = arith.constant 4 : i32
          %mul3A_685 = arith.muli %scan3A_277, %mul3A_684 : i32
          %add3A_686 = arith.constant 2 : i32
          %add3A_687 = arith.addi %mul3A_685, %add3A_686 : i32
          %swap3A_688 = arith.index_cast %add3A_687 : i32 to index
          %swap3A_689 = arith.constant 112 : index
          %swap3A_690 = tpu.vector_load %arg11[%swap3A_688, %swap3A_689] {strides = array<i32>} : memref<100x128xf32, #tpu.memory_space<vmem>>, vector<16xf32>,
          tpu.vector_store %arg11[%swap3A_688, %swap3A_689], %mul3A_683 {strides = array<i32>} : memref<100x128xf32, #tpu.memory_space<vmem>>, vector<16xf32>,
          %broadcast_in_dim3A_691 = arith.constant 12 : i32
          %broadcast_in_dim3A_692 = vector.broadcast %broadcast_in_dim3A_691 : i32 to vector<16x1xi32>
          %gather3A_693 = vector.shape_cast %broadcast_in_dim3A_692 : vector<16x1xi32> to vector<16xi32>
          %gather3A_694 = tpu.dynamic_gather %get3A_285[%gather3A_693] in [0] : vector<16xf32>, vector<16xi32> -> vector<16xf32>
          %mul3A_695 = arith.constant 4 : i32
          %mul3A_696 = arith.muli %scan3A_277, %mul3A_695 : i32
          %add3A_697 = arith.constant 3 : i32
          %add3A_698 = arith.addi %mul3A_696, %add3A_697 : i32
          %get3A_699 = arith.index_cast %add3A_698 : i32 to index
          %get3A_700 = arith.constant 0 : index
          %get3A_701 = tpu.vector_load %arg11[%get3A_699, %get3A_700] {strides = array<i32>} : memref<100x128xf32, #tpu.memory_space<vmem>>, vector<16xf32>,
          %mul3A_702 = arith.mulf %get3A_701, %gather3A_694 : vector<16xf32>
          %mul3A_703 = arith.constant 4 : i32
          %mul3A_704 = arith.muli %scan3A_277, %mul3A_703 : i32
          %add3A_705 = arith.constant 3 : i32
          %add3A_706 = arith.addi %mul3A_704, %add3A_705 : i32
          %swap3A_707 = arith.index_cast %add3A_706 : i32 to index
          %swap3A_708 = arith.constant 0 : index
          %swap3A_709 = tpu.vector_load %arg11[%swap3A_707, %swap3A_708] {strides = array<i32>} : memref<100x128xf32, #tpu.memory_space<vmem>>, vector<16xf32>,
          tpu.vector_store %arg11[%swap3A_707, %swap3A_708], %mul3A_702 {strides = array<i32>} : memref<100x128xf32, #tpu.memory_space<vmem>>, vector<16xf32>,
          %mul3A_710 = arith.constant 4 : i32
          %mul3A_711 = arith.muli %scan3A_277, %mul3A_710 : i32
          %add3A_712 = arith.constant 3 : i32
          %add3A_713 = arith.addi %mul3A_711, %add3A_712 : i32
          %get3A_714 = arith.index_cast %add3A_713 : i32 to index
          %get3A_715 = arith.constant 16 : index
          %get3A_716 = tpu.vector_load %arg11[%get3A_714, %get3A_715] {strides = array<i32>} : memref<100x128xf32, #tpu.memory_space<vmem>>, vector<16xf32>,
          %mul3A_717 = arith.mulf %get3A_716, %gather3A_694 : vector<16xf32>
          %mul3A_718 = arith.constant 4 : i32
          %mul3A_719 = arith.muli %scan3A_277, %mul3A_718 : i32
          %add3A_720 = arith.constant 3 : i32
          %add3A_721 = arith.addi %mul3A_719, %add3A_720 : i32
          %swap3A_722 = arith.index_cast %add3A_721 : i32 to index
          %swap3A_723 = arith.constant 16 : index
          %swap3A_724 = tpu.vector_load %arg11[%swap3A_722, %swap3A_723] {strides = array<i32>} : memref<100x128xf32, #tpu.memory_space<vmem>>, vector<16xf32>,
          tpu.vector_store %arg11[%swap3A_722, %swap3A_723], %mul3A_717 {strides = array<i32>} : memref<100x128xf32, #tpu.memory_space<vmem>>, vector<16xf32>,
          %broadcast_in_dim3A_725 = arith.constant 13 : i32
          %broadcast_in_dim3A_726 = vector.broadcast %broadcast_in_dim3A_725 : i32 to vector<16x1xi32>
          %gather3A_727 = vector.shape_cast %broadcast_in_dim3A_726 : vector<16x1xi32> to vector<16xi32>
          %gather3A_728 = tpu.dynamic_gather %get3A_285[%gather3A_727] in [0] : vector<16xf32>, vector<16xi32> -> vector<16xf32>
          %mul3A_729 = arith.constant 4 : i32
          %mul3A_730 = arith.muli %scan3A_277, %mul3A_729 : i32
          %add3A_731 = arith.constant 3 : i32
          %add3A_732 = arith.addi %mul3A_730, %add3A_731 : i32
          %get3A_733 = arith.index_cast %add3A_732 : i32 to index
          %get3A_734 = arith.constant 32 : index
          %get3A_735 = tpu.vector_load %arg11[%get3A_733, %get3A_734] {strides = array<i32>} : memref<100x128xf32, #tpu.memory_space<vmem>>, vector<16xf32>,
          %mul3A_736 = arith.mulf %get3A_735, %gather3A_728 : vector<16xf32>
          %mul3A_737 = arith.constant 4 : i32
          %mul3A_738 = arith.muli %scan3A_277, %mul3A_737 : i32
          %add3A_739 = arith.constant 3 : i32
          %add3A_740 = arith.addi %mul3A_738, %add3A_739 : i32
          %swap3A_741 = arith.index_cast %add3A_740 : i32 to index
          %swap3A_742 = arith.constant 32 : index
          %swap3A_743 = tpu.vector_load %arg11[%swap3A_741, %swap3A_742] {strides = array<i32>} : memref<100x128xf32, #tpu.memory_space<vmem>>, vector<16xf32>,
          tpu.vector_store %arg11[%swap3A_741, %swap3A_742], %mul3A_736 {strides = array<i32>} : memref<100x128xf32, #tpu.memory_space<vmem>>, vector<16xf32>,
          %mul3A_744 = arith.constant 4 : i32
          %mul3A_745 = arith.muli %scan3A_277, %mul3A_744 : i32
          %add3A_746 = arith.constant 3 : i32
          %add3A_747 = arith.addi %mul3A_745, %add3A_746 : i32
          %get3A_748 = arith.index_cast %add3A_747 : i32 to index
          %get3A_749 = arith.constant 48 : index
          %get3A_750 = tpu.vector_load %arg11[%get3A_748, %get3A_749] {strides = array<i32>} : memref<100x128xf32, #tpu.memory_space<vmem>>, vector<16xf32>,
          %mul3A_751 = arith.mulf %get3A_750, %gather3A_728 : vector<16xf32>
          %mul3A_752 = arith.constant 4 : i32
          %mul3A_753 = arith.muli %scan3A_277, %mul3A_752 : i32
          %add3A_754 = arith.constant 3 : i32
          %add3A_755 = arith.addi %mul3A_753, %add3A_754 : i32
          %swap3A_756 = arith.index_cast %add3A_755 : i32 to index
          %swap3A_757 = arith.constant 48 : index
          %swap3A_758 = tpu.vector_load %arg11[%swap3A_756, %swap3A_757] {strides = array<i32>} : memref<100x128xf32, #tpu.memory_space<vmem>>, vector<16xf32>,
          tpu.vector_store %arg11[%swap3A_756, %swap3A_757], %mul3A_751 {strides = array<i32>} : memref<100x128xf32, #tpu.memory_space<vmem>>, vector<16xf32>,
          %broadcast_in_dim3A_759 = arith.constant 14 : i32
          %broadcast_in_dim3A_760 = vector.broadcast %broadcast_in_dim3A_759 : i32 to vector<16x1xi32>
          %gather3A_761 = vector.shape_cast %broadcast_in_dim3A_760 : vector<16x1xi32> to vector<16xi32>
          %gather3A_762 = tpu.dynamic_gather %get3A_285[%gather3A_761] in [0] : vector<16xf32>, vector<16xi32> -> vector<16xf32>
          %mul3A_763 = arith.constant 4 : i32
          %mul3A_764 = arith.muli %scan3A_277, %mul3A_763 : i32
          %add3A_765 = arith.constant 3 : i32
          %add3A_766 = arith.addi %mul3A_764, %add3A_765 : i32
          %get3A_767 = arith.index_cast %add3A_766 : i32 to index
          %get3A_768 = arith.constant 64 : index
          %get3A_769 = tpu.vector_load %arg11[%get3A_767, %get3A_768] {strides = array<i32>} : memref<100x128xf32, #tpu.memory_space<vmem>>, vector<16xf32>,
          %mul3A_770 = arith.mulf %get3A_769, %gather3A_762 : vector<16xf32>
          %mul3A_771 = arith.constant 4 : i32
          %mul3A_772 = arith.muli %scan3A_277, %mul3A_771 : i32
          %add3A_773 = arith.constant 3 : i32
          %add3A_774 = arith.addi %mul3A_772, %add3A_773 : i32
          %swap3A_775 = arith.index_cast %add3A_774 : i32 to index
          %swap3A_776 = arith.constant 64 : index
          %swap3A_777 = tpu.vector_load %arg11[%swap3A_775, %swap3A_776] {strides = array<i32>} : memref<100x128xf32, #tpu.memory_space<vmem>>, vector<16xf32>,
          tpu.vector_store %arg11[%swap3A_775, %swap3A_776], %mul3A_770 {strides = array<i32>} : memref<100x128xf32, #tpu.memory_space<vmem>>, vector<16xf32>,
          %mul3A_778 = arith.constant 4 : i32
          %mul3A_779 = arith.muli %scan3A_277, %mul3A_778 : i32
          %add3A_780 = arith.constant 3 : i32
          %add3A_781 = arith.addi %mul3A_779, %add3A_780 : i32
          %get3A_782 = arith.index_cast %add3A_781 : i32 to index
          %get3A_783 = arith.constant 80 : index
          %get3A_784 = tpu.vector_load %arg11[%get3A_782, %get3A_783] {strides = array<i32>} : memref<100x128xf32, #tpu.memory_space<vmem>>, vector<16xf32>,
          %mul3A_785 = arith.mulf %get3A_784, %gather3A_762 : vector<16xf32>
          %mul3A_786 = arith.constant 4 : i32
          %mul3A_787 = arith.muli %scan3A_277, %mul3A_786 : i32
          %add3A_788 = arith.constant 3 : i32
          %add3A_789 = arith.addi %mul3A_787, %add3A_788 : i32
          %swap3A_790 = arith.index_cast %add3A_789 : i32 to index
          %swap3A_791 = arith.constant 80 : index
          %swap3A_792 = tpu.vector_load %arg11[%swap3A_790, %swap3A_791] {strides = array<i32>} : memref<100x128xf32, #tpu.memory_space<vmem>>, vector<16xf32>,
          tpu.vector_store %arg11[%swap3A_790, %swap3A_791], %mul3A_785 {strides = array<i32>} : memref<100x128xf32, #tpu.memory_space<vmem>>, vector<16xf32>,
          %broadcast_in_dim3A_793 = arith.constant 15 : i32
          %broadcast_in_dim3A_794 = vector.broadcast %broadcast_in_dim3A_793 : i32 to vector<16x1xi32>
          %gather3A_795 = vector.shape_cast %broadcast_in_dim3A_794 : vector<16x1xi32> to vector<16xi32>
          %gather3A_796 = tpu.dynamic_gather %get3A_285[%gather3A_795] in [0] : vector<16xf32>, vector<16xi32> -> vector<16xf32>
          %mul3A_797 = arith.constant 4 : i32
          %mul3A_798 = arith.muli %scan3A_277, %mul3A_797 : i32
          %add3A_799 = arith.constant 3 : i32
          %add3A_800 = arith.addi %mul3A_798, %add3A_799 : i32
          %get3A_801 = arith.index_cast %add3A_800 : i32 to index
          %get3A_802 = arith.constant 96 : index
          %get3A_803 = tpu.vector_load %arg11[%get3A_801, %get3A_802] {strides = array<i32>} : memref<100x128xf32, #tpu.memory_space<vmem>>, vector<16xf32>,
          %mul3A_804 = arith.mulf %get3A_803, %gather3A_796 : vector<16xf32>
          %mul3A_805 = arith.constant 4 : i32
          %mul3A_806 = arith.muli %scan3A_277, %mul3A_805 : i32
          %add3A_807 = arith.constant 3 : i32
          %add3A_808 = arith.addi %mul3A_806, %add3A_807 : i32
          %swap3A_809 = arith.index_cast %add3A_808 : i32 to index
          %swap3A_810 = arith.constant 96 : index
          %swap3A_811 = tpu.vector_load %arg11[%swap3A_809, %swap3A_810] {strides = array<i32>} : memref<100x128xf32, #tpu.memory_space<vmem>>, vector<16xf32>,
          tpu.vector_store %arg11[%swap3A_809, %swap3A_810], %mul3A_804 {strides = array<i32>} : memref<100x128xf32, #tpu.memory_space<vmem>>, vector<16xf32>,
          %mul3A_812 = arith.constant 4 : i32
          %mul3A_813 = arith.muli %scan3A_277, %mul3A_812 : i32
          %add3A_814 = arith.constant 3 : i32
          %add3A_815 = arith.addi %mul3A_813, %add3A_814 : i32
          %get3A_816 = arith.index_cast %add3A_815 : i32 to index
          %get3A_817 = arith.constant 112 : index
          %get3A_818 = tpu.vector_load %arg11[%get3A_816, %get3A_817] {strides = array<i32>} : memref<100x128xf32, #tpu.memory_space<vmem>>, vector<16xf32>,
          %mul3A_819 = arith.mulf %get3A_818, %gather3A_796 : vector<16xf32>
          %mul3A_820 = arith.constant 4 : i32
          %mul3A_821 = arith.muli %scan3A_277, %mul3A_820 : i32
          %add3A_822 = arith.constant 3 : i32
          %add3A_823 = arith.addi %mul3A_821, %add3A_822 : i32
          %swap3A_824 = arith.index_cast %add3A_823 : i32 to index
          %swap3A_825 = arith.constant 112 : index
          %swap3A_826 = tpu.vector_load %arg11[%swap3A_824, %swap3A_825] {strides = array<i32>} : memref<100x128xf32, #tpu.memory_space<vmem>>, vector<16xf32>,
          tpu.vector_store %arg11[%swap3A_824, %swap3A_825], %mul3A_819 {strides = array<i32>} : memref<100x128xf32, #tpu.memory_space<vmem>>, vector<16xf32>,
        }
        %scan3A_174 = arith.constant 25 : i32
        %mul3A_175 = arith.constant 2 : i32
        %mul3A_176 = arith.muli %mul3A_175, %mul3A_113 : i32
        %add3A_177 = arith.constant 0 : i32
        %add3A_178 = arith.addi %mul3A_176, %add3A_177 : i32
        %dma_start3A_179 = arith.constant 0 : i32
        %dma_start3A_180 = arith.constant 0 : i32
        %dma_start3A_181 = tpu.memref_slice %arg11[%dma_start3A_179, %dma_start3A_180] : memref<100x128xf32, #tpu.memory_space<vmem>> -> memref<50x128xf32, #tpu.memory_space<vmem>>
        %dma_start3A_182 = arith.constant 0 : i32
        %dma_start3A_183 = tpu.memref_slice %arg9[%add3A_178, %dma_start3A_182] : memref<40x50xi32, #tpu.memory_space<vmem>> -> memref<1x50xi32, #tpu.memory_space<vmem>>
        %dma_start3A_184 = tpu.memref_squeeze %dma_start3A_183 : memref<1x50xi32, #tpu.memory_space<vmem>> -> memref<50xi32, #tpu.memory_space<vmem>>
        %dma_start3A_185 = arith.constant 0 : i32
        %dma_start3A_186 = arith.constant 0 : i32
        %dma_start3A_187 = tpu.memref_slice %arg13[%dma_start3A_185, %dma_start3A_186] : memref<10008x128xf32, #tpu.memory_space<vmem_shared>> -> memref<10008x128xf32, #tpu.memory_space<vmem_shared>>
        tpu.enqueue_indirect_dma source(%dma_start3A_181 : memref<50x128xf32, #tpu.memory_space<vmem>>) target(%dma_start3A_187 : memref<10008x128xf32, #tpu.memory_space<vmem_shared>>) offsets(%dma_start3A_184 : memref<50xi32, #tpu.memory_space<vmem>>) semaphore(%arg17 : memref<!tpu.dma_semaphore, #tpu.memory_space<semaphore_mem>>) {add = true}
        %mul3A_188 = arith.constant 2 : i32
        %mul3A_189 = arith.muli %mul3A_188, %mul3A_113 : i32
        %add3A_190 = arith.constant 1 : i32
        %add3A_191 = arith.addi %mul3A_189, %add3A_190 : i32
        %dma_start3A_192 = arith.constant 50 : i32
        %dma_start3A_193 = arith.constant 0 : i32
        %dma_start3A_194 = tpu.memref_slice %arg11[%dma_start3A_192, %dma_start3A_193] : memref<100x128xf32, #tpu.memory_space<vmem>> -> memref<50x128xf32, #tpu.memory_space<vmem>>
        %dma_start3A_195 = arith.constant 0 : i32
        %dma_start3A_196 = tpu.memref_slice %arg9[%add3A_191, %dma_start3A_195] : memref<40x50xi32, #tpu.memory_space<vmem>> -> memref<1x50xi32, #tpu.memory_space<vmem>>
        %dma_start3A_197 = tpu.memref_squeeze %dma_start3A_196 : memref<1x50xi32, #tpu.memory_space<vmem>> -> memref<50xi32, #tpu.memory_space<vmem>>
        %dma_start3A_198 = arith.constant 0 : i32
        %dma_start3A_199 = arith.constant 0 : i32
        %dma_start3A_200 = tpu.memref_slice %arg13[%dma_start3A_198, %dma_start3A_199] : memref<10008x128xf32, #tpu.memory_space<vmem_shared>> -> memref<10008x128xf32, #tpu.memory_space<vmem_shared>>
        tpu.enqueue_indirect_dma source(%dma_start3A_194 : memref<50x128xf32, #tpu.memory_space<vmem>>) target(%dma_start3A_200 : memref<10008x128xf32, #tpu.memory_space<vmem_shared>>) offsets(%dma_start3A_197 : memref<50xi32, #tpu.memory_space<vmem>>) semaphore(%arg17 : memref<!tpu.dma_semaphore, #tpu.memory_space<semaphore_mem>>) {add = true}
        %dma_wait3A_201 = arith.constant 0 : i32
        %dma_wait3A_202 = arith.constant 0 : i32
        %dma_wait3A_203 = arith.constant 0 : i32
        %dma_wait3A_204 = tpu.memref_slice %arg12[%dma_wait3A_202, %dma_wait3A_203] : memref<100x128xf32, #tpu.memory_space<vmem>> -> memref<50x128xf32, #tpu.memory_space<vmem>>
        %dma_wait3A_205 = arith.constant 0 : i32
        %dma_wait3A_206 = tpu.memref_slice %arg8[%dma_wait3A_201, %dma_wait3A_205] : memref<40x50xi32, #tpu.memory_space<vmem>> -> memref<1x50xi32, #tpu.memory_space<vmem>>
        %dma_wait3A_207 = tpu.memref_squeeze %dma_wait3A_206 : memref<1x50xi32, #tpu.memory_space<vmem>> -> memref<50xi32, #tpu.memory_space<vmem>>
        %dma_wait3A_208 = arith.constant 0 : i32
        %dma_wait3A_209 = arith.constant 0 : i32
        %dma_wait3A_210 = tpu.memref_slice %arg5[%dma_wait3A_208, %dma_wait3A_209] : memref<10008x128xf32, #tpu.memory_space<hbm>> -> memref<10008x128xf32, #tpu.memory_space<hbm>>
        tpu.wait_indirect_dma semaphore(%arg16 : memref<!tpu.dma_semaphore, #tpu.memory_space<semaphore_mem>>) src(%dma_wait3A_210 : memref<10008x128xf32, #tpu.memory_space<hbm>>) dst(%dma_wait3A_204 : memref<50x128xf32, #tpu.memory_space<vmem>>)
        %dma_wait3A_211 = arith.constant 1 : i32
        %dma_wait3A_212 = arith.constant 50 : i32
        %dma_wait3A_213 = arith.constant 0 : i32
        %dma_wait3A_214 = tpu.memref_slice %arg12[%dma_wait3A_212, %dma_wait3A_213] : memref<100x128xf32, #tpu.memory_space<vmem>> -> memref<50x128xf32, #tpu.memory_space<vmem>>
        %dma_wait3A_215 = arith.constant 0 : i32
        %dma_wait3A_216 = tpu.memref_slice %arg8[%dma_wait3A_211, %dma_wait3A_215] : memref<40x50xi32, #tpu.memory_space<vmem>> -> memref<1x50xi32, #tpu.memory_space<vmem>>
        %dma_wait3A_217 = tpu.memref_squeeze %dma_wait3A_216 : memref<1x50xi32, #tpu.memory_space<vmem>> -> memref<50xi32, #tpu.memory_space<vmem>>
        %dma_wait3A_218 = arith.constant 0 : i32
        %dma_wait3A_219 = arith.constant 0 : i32
        %dma_wait3A_220 = tpu.memref_slice %arg5[%dma_wait3A_218, %dma_wait3A_219] : memref<10008x128xf32, #tpu.memory_space<hbm>> -> memref<10008x128xf32, #tpu.memory_space<hbm>>
        tpu.wait_indirect_dma semaphore(%arg16 : memref<!tpu.dma_semaphore, #tpu.memory_space<semaphore_mem>>) src(%dma_wait3A_220 : memref<10008x128xf32, #tpu.memory_space<hbm>>) dst(%dma_wait3A_214 : memref<50x128xf32, #tpu.memory_space<vmem>>)
        %scan3A_221 = arith.constant 0 : i32
        %scan3A_222 = arith.constant 0 : i32
        %scan3A_223 = arith.constant 25 : i32
        %scan3A_224 = arith.addi %scan3A_222, %scan3A_223 : i32
        %scan3A_225 = arith.constant 1 : i32
        scf.for %scan3A_277 = %scan3A_222 to %scan3A_224 step %scan3A_225  : i32 {
          %mul3A_278 = arith.constant 100 : i32
          %mul3A_279 = arith.muli %add3A_117, %mul3A_278 : i32
          %mul3A_280 = arith.constant 4 : i32
          %mul3A_281 = arith.muli %scan3A_277, %mul3A_280 : i32
          %add3A_282 = arith.addi %mul3A_279, %mul3A_281 : i32
          %mul3A_283 = arith.constant 4 : i32
          %mul3A_284 = arith.muli %add3A_282, %mul3A_283 : i32
          %get3A = arith.index_cast %mul3A_284 : i32 to index
          %get3A_285 = tpu.vector_load %arg10[%get3A] {strides = array<i32>} : memref<8000xf32, #tpu.memory_space<vmem>>, vector<16xf32>,
          %broadcast_in_dim3A = arith.constant 0 : i32
          %broadcast_in_dim3A_286 = vector.broadcast %broadcast_in_dim3A : i32 to vector<16x1xi32>
          %gather3A = vector.shape_cast %broadcast_in_dim3A_286 : vector<16x1xi32> to vector<16xi32>
          %gather3A_287 = tpu.dynamic_gather %get3A_285[%gather3A] in [0] : vector<16xf32>, vector<16xi32> -> vector<16xf32>
          %mul3A_288 = arith.constant 4 : i32
          %mul3A_289 = arith.muli %scan3A_277, %mul3A_288 : i32
          %add3A_290 = arith.constant 0 : i32
          %add3A_291 = arith.addi %mul3A_289, %add3A_290 : i32
          %get3A_292 = arith.index_cast %add3A_291 : i32 to index
          %get3A_293 = arith.constant 0 : index
          %get3A_294 = tpu.vector_load %arg12[%get3A_292, %get3A_293] {strides = array<i32>} : memref<100x128xf32, #tpu.memory_space<vmem>>, vector<16xf32>,
          %mul3A_295 = arith.mulf %get3A_294, %gather3A_287 : vector<16xf32>
          %mul3A_296 = arith.constant 4 : i32
          %mul3A_297 = arith.muli %scan3A_277, %mul3A_296 : i32
          %add3A_298 = arith.constant 0 : i32
          %add3A_299 = arith.addi %mul3A_297, %add3A_298 : i32
          %swap3A = arith.index_cast %add3A_299 : i32 to index
          %swap3A_300 = arith.constant 0 : index
          %swap3A_301 = tpu.vector_load %arg12[%swap3A, %swap3A_300] {strides = array<i32>} : memref<100x128xf32, #tpu.memory_space<vmem>>, vector<16xf32>,
          tpu.vector_store %arg12[%swap3A, %swap3A_300], %mul3A_295 {strides = array<i32>} : memref<100x128xf32, #tpu.memory_space<vmem>>, vector<16xf32>,
          %mul3A_302 = arith.constant 4 : i32
          %mul3A_303 = arith.muli %scan3A_277, %mul3A_302 : i32
          %add3A_304 = arith.constant 0 : i32
          %add3A_305 = arith.addi %mul3A_303, %add3A_304 : i32
          %get3A_306 = arith.index_cast %add3A_305 : i32 to index
          %get3A_307 = arith.constant 16 : index
          %get3A_308 = tpu.vector_load %arg12[%get3A_306, %get3A_307] {strides = array<i32>} : memref<100x128xf32, #tpu.memory_space<vmem>>, vector<16xf32>,
          %mul3A_309 = arith.mulf %get3A_308, %gather3A_287 : vector<16xf32>
          %mul3A_310 = arith.constant 4 : i32
          %mul3A_311 = arith.muli %scan3A_277, %mul3A_310 : i32
          %add3A_312 = arith.constant 0 : i32
          %add3A_313 = arith.addi %mul3A_311, %add3A_312 : i32
          %swap3A_314 = arith.index_cast %add3A_313 : i32 to index
          %swap3A_315 = arith.constant 16 : index
          %swap3A_316 = tpu.vector_load %arg12[%swap3A_314, %swap3A_315] {strides = array<i32>} : memref<100x128xf32, #tpu.memory_space<vmem>>, vector<16xf32>,
          tpu.vector_store %arg12[%swap3A_314, %swap3A_315], %mul3A_309 {strides = array<i32>} : memref<100x128xf32, #tpu.memory_space<vmem>>, vector<16xf32>,
          %broadcast_in_dim3A_317 = arith.constant 1 : i32
          %broadcast_in_dim3A_318 = vector.broadcast %broadcast_in_dim3A_317 : i32 to vector<16x1xi32>
          %gather3A_319 = vector.shape_cast %broadcast_in_dim3A_318 : vector<16x1xi32> to vector<16xi32>
          %gather3A_320 = tpu.dynamic_gather %get3A_285[%gather3A_319] in [0] : vector<16xf32>, vector<16xi32> -> vector<16xf32>
          %mul3A_321 = arith.constant 4 : i32
          %mul3A_322 = arith.muli %scan3A_277, %mul3A_321 : i32
          %add3A_323 = arith.constant 0 : i32
          %add3A_324 = arith.addi %mul3A_322, %add3A_323 : i32
          %get3A_325 = arith.index_cast %add3A_324 : i32 to index
          %get3A_326 = arith.constant 32 : index
          %get3A_327 = tpu.vector_load %arg12[%get3A_325, %get3A_326] {strides = array<i32>} : memref<100x128xf32, #tpu.memory_space<vmem>>, vector<16xf32>,
          %mul3A_328 = arith.mulf %get3A_327, %gather3A_320 : vector<16xf32>
          %mul3A_329 = arith.constant 4 : i32
          %mul3A_330 = arith.muli %scan3A_277, %mul3A_329 : i32
          %add3A_331 = arith.constant 0 : i32
          %add3A_332 = arith.addi %mul3A_330, %add3A_331 : i32
          %swap3A_333 = arith.index_cast %add3A_332 : i32 to index
          %swap3A_334 = arith.constant 32 : index
          %swap3A_335 = tpu.vector_load %arg12[%swap3A_333, %swap3A_334] {strides = array<i32>} : memref<100x128xf32, #tpu.memory_space<vmem>>, vector<16xf32>,
          tpu.vector_store %arg12[%swap3A_333, %swap3A_334], %mul3A_328 {strides = array<i32>} : memref<100x128xf32, #tpu.memory_space<vmem>>, vector<16xf32>,
          %mul3A_336 = arith.constant 4 : i32
          %mul3A_337 = arith.muli %scan3A_277, %mul3A_336 : i32
          %add3A_338 = arith.constant 0 : i32
          %add3A_339 = arith.addi %mul3A_337, %add3A_338 : i32
          %get3A_340 = arith.index_cast %add3A_339 : i32 to index
          %get3A_341 = arith.constant 48 : index
          %get3A_342 = tpu.vector_load %arg12[%get3A_340, %get3A_341] {strides = array<i32>} : memref<100x128xf32, #tpu.memory_space<vmem>>, vector<16xf32>,
          %mul3A_343 = arith.mulf %get3A_342, %gather3A_320 : vector<16xf32>
          %mul3A_344 = arith.constant 4 : i32
          %mul3A_345 = arith.muli %scan3A_277, %mul3A_344 : i32
          %add3A_346 = arith.constant 0 : i32
          %add3A_347 = arith.addi %mul3A_345, %add3A_346 : i32
          %swap3A_348 = arith.index_cast %add3A_347 : i32 to index
          %swap3A_349 = arith.constant 48 : index
          %swap3A_350 = tpu.vector_load %arg12[%swap3A_348, %swap3A_349] {strides = array<i32>} : memref<100x128xf32, #tpu.memory_space<vmem>>, vector<16xf32>,
          tpu.vector_store %arg12[%swap3A_348, %swap3A_349], %mul3A_343 {strides = array<i32>} : memref<100x128xf32, #tpu.memory_space<vmem>>, vector<16xf32>,
          %broadcast_in_dim3A_351 = arith.constant 2 : i32
          %broadcast_in_dim3A_352 = vector.broadcast %broadcast_in_dim3A_351 : i32 to vector<16x1xi32>
          %gather3A_353 = vector.shape_cast %broadcast_in_dim3A_352 : vector<16x1xi32> to vector<16xi32>
          %gather3A_354 = tpu.dynamic_gather %get3A_285[%gather3A_353] in [0] : vector<16xf32>, vector<16xi32> -> vector<16xf32>
          %mul3A_355 = arith.constant 4 : i32
          %mul3A_356 = arith.muli %scan3A_277, %mul3A_355 : i32
          %add3A_357 = arith.constant 0 : i32
          %add3A_358 = arith.addi %mul3A_356, %add3A_357 : i32
          %get3A_359 = arith.index_cast %add3A_358 : i32 to index
          %get3A_360 = arith.constant 64 : index
          %get3A_361 = tpu.vector_load %arg12[%get3A_359, %get3A_360] {strides = array<i32>} : memref<100x128xf32, #tpu.memory_space<vmem>>, vector<16xf32>,
          %mul3A_362 = arith.mulf %get3A_361, %gather3A_354 : vector<16xf32>
          %mul3A_363 = arith.constant 4 : i32
          %mul3A_364 = arith.muli %scan3A_277, %mul3A_363 : i32
          %add3A_365 = arith.constant 0 : i32
          %add3A_366 = arith.addi %mul3A_364, %add3A_365 : i32
          %swap3A_367 = arith.index_cast %add3A_366 : i32 to index
          %swap3A_368 = arith.constant 64 : index
          %swap3A_369 = tpu.vector_load %arg12[%swap3A_367, %swap3A_368] {strides = array<i32>} : memref<100x128xf32, #tpu.memory_space<vmem>>, vector<16xf32>,
          tpu.vector_store %arg12[%swap3A_367, %swap3A_368], %mul3A_362 {strides = array<i32>} : memref<100x128xf32, #tpu.memory_space<vmem>>, vector<16xf32>,
          %mul3A_370 = arith.constant 4 : i32
          %mul3A_371 = arith.muli %scan3A_277, %mul3A_370 : i32
          %add3A_372 = arith.constant 0 : i32
          %add3A_373 = arith.addi %mul3A_371, %add3A_372 : i32
          %get3A_374 = arith.index_cast %add3A_373 : i32 to index
          %get3A_375 = arith.constant 80 : index
          %get3A_376 = tpu.vector_load %arg12[%get3A_374, %get3A_375] {strides = array<i32>} : memref<100x128xf32, #tpu.memory_space<vmem>>, vector<16xf32>,
          %mul3A_377 = arith.mulf %get3A_376, %gather3A_354 : vector<16xf32>
          %mul3A_378 = arith.constant 4 : i32
          %mul3A_379 = arith.muli %scan3A_277, %mul3A_378 : i32
          %add3A_380 = arith.constant 0 : i32
          %add3A_381 = arith.addi %mul3A_379, %add3A_380 : i32
          %swap3A_382 = arith.index_cast %add3A_381 : i32 to index
          %swap3A_383 = arith.constant 80 : index
          %swap3A_384 = tpu.vector_load %arg12[%swap3A_382, %swap3A_383] {strides = array<i32>} : memref<100x128xf32, #tpu.memory_space<vmem>>, vector<16xf32>,
          tpu.vector_store %arg12[%swap3A_382, %swap3A_383], %mul3A_377 {strides = array<i32>} : memref<100x128xf32, #tpu.memory_space<vmem>>, vector<16xf32>,
          %broadcast_in_dim3A_385 = arith.constant 3 : i32
          %broadcast_in_dim3A_386 = vector.broadcast %broadcast_in_dim3A_385 : i32 to vector<16x1xi32>
          %gather3A_387 = vector.shape_cast %broadcast_in_dim3A_386 : vector<16x1xi32> to vector<16xi32>
          %gather3A_388 = tpu.dynamic_gather %get3A_285[%gather3A_387] in [0] : vector<16xf32>, vector<16xi32> -> vector<16xf32>
          %mul3A_389 = arith.constant 4 : i32
          %mul3A_390 = arith.muli %scan3A_277, %mul3A_389 : i32
          %add3A_391 = arith.constant 0 : i32
          %add3A_392 = arith.addi %mul3A_390, %add3A_391 : i32
          %get3A_393 = arith.index_cast %add3A_392 : i32 to index
          %get3A_394 = arith.constant 96 : index
          %get3A_395 = tpu.vector_load %arg12[%get3A_393, %get3A_394] {strides = array<i32>} : memref<100x128xf32, #tpu.memory_space<vmem>>, vector<16xf32>,
          %mul3A_396 = arith.mulf %get3A_395, %gather3A_388 : vector<16xf32>
          %mul3A_397 = arith.constant 4 : i32
          %mul3A_398 = arith.muli %scan3A_277, %mul3A_397 : i32
          %add3A_399 = arith.constant 0 : i32
          %add3A_400 = arith.addi %mul3A_398, %add3A_399 : i32
          %swap3A_401 = arith.index_cast %add3A_400 : i32 to index
          %swap3A_402 = arith.constant 96 : index
          %swap3A_403 = tpu.vector_load %arg12[%swap3A_401, %swap3A_402] {strides = array<i32>} : memref<100x128xf32, #tpu.memory_space<vmem>>, vector<16xf32>,
          tpu.vector_store %arg12[%swap3A_401, %swap3A_402], %mul3A_396 {strides = array<i32>} : memref<100x128xf32, #tpu.memory_space<vmem>>, vector<16xf32>,
          %mul3A_404 = arith.constant 4 : i32
          %mul3A_405 = arith.muli %scan3A_277, %mul3A_404 : i32
          %add3A_406 = arith.constant 0 : i32
          %add3A_407 = arith.addi %mul3A_405, %add3A_406 : i32
          %get3A_408 = arith.index_cast %add3A_407 : i32 to index
          %get3A_409 = arith.constant 112 : index
          %get3A_410 = tpu.vector_load %arg12[%get3A_408, %get3A_409] {strides = array<i32>} : memref<100x128xf32, #tpu.memory_space<vmem>>, vector<16xf32>,
          %mul3A_411 = arith.mulf %get3A_410, %gather3A_388 : vector<16xf32>
          %mul3A_412 = arith.constant 4 : i32
          %mul3A_413 = arith.muli %scan3A_277, %mul3A_412 : i32
          %add3A_414 = arith.constant 0 : i32
          %add3A_415 = arith.addi %mul3A_413, %add3A_414 : i32
          %swap3A_416 = arith.index_cast %add3A_415 : i32 to index
          %swap3A_417 = arith.constant 112 : index
          %swap3A_418 = tpu.vector_load %arg12[%swap3A_416, %swap3A_417] {strides = array<i32>} : memref<100x128xf32, #tpu.memory_space<vmem>>, vector<16xf32>,
          tpu.vector_store %arg12[%swap3A_416, %swap3A_417], %mul3A_411 {strides = array<i32>} : memref<100x128xf32, #tpu.memory_space<vmem>>, vector<16xf32>,
          %broadcast_in_dim3A_419 = arith.constant 4 : i32
          %broadcast_in_dim3A_420 = vector.broadcast %broadcast_in_dim3A_419 : i32 to vector<16x1xi32>
          %gather3A_421 = vector.shape_cast %broadcast_in_dim3A_420 : vector<16x1xi32> to vector<16xi32>
          %gather3A_422 = tpu.dynamic_gather %get3A_285[%gather3A_421] in [0] : vector<16xf32>, vector<16xi32> -> vector<16xf32>
          %mul3A_423 = arith.constant 4 : i32
          %mul3A_424 = arith.muli %scan3A_277, %mul3A_423 : i32
          %add3A_425 = arith.constant 1 : i32
          %add3A_426 = arith.addi %mul3A_424, %add3A_425 : i32
          %get3A_427 = arith.index_cast %add3A_426 : i32 to index
          %get3A_428 = arith.constant 0 : index
          %get3A_429 = tpu.vector_load %arg12[%get3A_427, %get3A_428] {strides = array<i32>} : memref<100x128xf32, #tpu.memory_space<vmem>>, vector<16xf32>,
          %mul3A_430 = arith.mulf %get3A_429, %gather3A_422 : vector<16xf32>
          %mul3A_431 = arith.constant 4 : i32
          %mul3A_432 = arith.muli %scan3A_277, %mul3A_431 : i32
          %add3A_433 = arith.constant 1 : i32
          %add3A_434 = arith.addi %mul3A_432, %add3A_433 : i32
          %swap3A_435 = arith.index_cast %add3A_434 : i32 to index
          %swap3A_436 = arith.constant 0 : index
          %swap3A_437 = tpu.vector_load %arg12[%swap3A_435, %swap3A_436] {strides = array<i32>} : memref<100x128xf32, #tpu.memory_space<vmem>>, vector<16xf32>,
          tpu.vector_store %arg12[%swap3A_435, %swap3A_436], %mul3A_430 {strides = array<i32>} : memref<100x128xf32, #tpu.memory_space<vmem>>, vector<16xf32>,
          %mul3A_438 = arith.constant 4 : i32
          %mul3A_439 = arith.muli %scan3A_277, %mul3A_438 : i32
          %add3A_440 = arith.constant 1 : i32
          %add3A_441 = arith.addi %mul3A_439, %add3A_440 : i32
          %get3A_442 = arith.index_cast %add3A_441 : i32 to index
          %get3A_443 = arith.constant 16 : index
          %get3A_444 = tpu.vector_load %arg12[%get3A_442, %get3A_443] {strides = array<i32>} : memref<100x128xf32, #tpu.memory_space<vmem>>, vector<16xf32>,
          %mul3A_445 = arith.mulf %get3A_444, %gather3A_422 : vector<16xf32>
          %mul3A_446 = arith.constant 4 : i32
          %mul3A_447 = arith.muli %scan3A_277, %mul3A_446 : i32
          %add3A_448 = arith.constant 1 : i32
          %add3A_449 = arith.addi %mul3A_447, %add3A_448 : i32
          %swap3A_450 = arith.index_cast %add3A_449 : i32 to index
          %swap3A_451 = arith.constant 16 : index
          %swap3A_452 = tpu.vector_load %arg12[%swap3A_450, %swap3A_451] {strides = array<i32>} : memref<100x128xf32, #tpu.memory_space<vmem>>, vector<16xf32>,
          tpu.vector_store %arg12[%swap3A_450, %swap3A_451], %mul3A_445 {strides = array<i32>} : memref<100x128xf32, #tpu.memory_space<vmem>>, vector<16xf32>,
          %broadcast_in_dim3A_453 = arith.constant 5 : i32
          %broadcast_in_dim3A_454 = vector.broadcast %broadcast_in_dim3A_453 : i32 to vector<16x1xi32>
          %gather3A_455 = vector.shape_cast %broadcast_in_dim3A_454 : vector<16x1xi32> to vector<16xi32>
          %gather3A_456 = tpu.dynamic_gather %get3A_285[%gather3A_455] in [0] : vector<16xf32>, vector<16xi32> -> vector<16xf32>
          %mul3A_457 = arith.constant 4 : i32
          %mul3A_458 = arith.muli %scan3A_277, %mul3A_457 : i32
          %add3A_459 = arith.constant 1 : i32
          %add3A_460 = arith.addi %mul3A_458, %add3A_459 : i32
          %get3A_461 = arith.index_cast %add3A_460 : i32 to index
          %get3A_462 = arith.constant 32 : index
          %get3A_463 = tpu.vector_load %arg12[%get3A_461, %get3A_462] {strides = array<i32>} : memref<100x128xf32, #tpu.memory_space<vmem>>, vector<16xf32>,
          %mul3A_464 = arith.mulf %get3A_463, %gather3A_456 : vector<16xf32>
          %mul3A_465 = arith.constant 4 : i32
          %mul3A_466 = arith.muli %scan3A_277, %mul3A_465 : i32
          %add3A_467 = arith.constant 1 : i32
          %add3A_468 = arith.addi %mul3A_466, %add3A_467 : i32
          %swap3A_469 = arith.index_cast %add3A_468 : i32 to index
          %swap3A_470 = arith.constant 32 : index
          %swap3A_471 = tpu.vector_load %arg12[%swap3A_469, %swap3A_470] {strides = array<i32>} : memref<100x128xf32, #tpu.memory_space<vmem>>, vector<16xf32>,
          tpu.vector_store %arg12[%swap3A_469, %swap3A_470], %mul3A_464 {strides = array<i32>} : memref<100x128xf32, #tpu.memory_space<vmem>>, vector<16xf32>,
          %mul3A_472 = arith.constant 4 : i32
          %mul3A_473 = arith.muli %scan3A_277, %mul3A_472 : i32
          %add3A_474 = arith.constant 1 : i32
          %add3A_475 = arith.addi %mul3A_473, %add3A_474 : i32
          %get3A_476 = arith.index_cast %add3A_475 : i32 to index
          %get3A_477 = arith.constant 48 : index
          %get3A_478 = tpu.vector_load %arg12[%get3A_476, %get3A_477] {strides = array<i32>} : memref<100x128xf32, #tpu.memory_space<vmem>>, vector<16xf32>,
          %mul3A_479 = arith.mulf %get3A_478, %gather3A_456 : vector<16xf32>
          %mul3A_480 = arith.constant 4 : i32
          %mul3A_481 = arith.muli %scan3A_277, %mul3A_480 : i32
          %add3A_482 = arith.constant 1 : i32
          %add3A_483 = arith.addi %mul3A_481, %add3A_482 : i32
          %swap3A_484 = arith.index_cast %add3A_483 : i32 to index
          %swap3A_485 = arith.constant 48 : index
          %swap3A_486 = tpu.vector_load %arg12[%swap3A_484, %swap3A_485] {strides = array<i32>} : memref<100x128xf32, #tpu.memory_space<vmem>>, vector<16xf32>,
          tpu.vector_store %arg12[%swap3A_484, %swap3A_485], %mul3A_479 {strides = array<i32>} : memref<100x128xf32, #tpu.memory_space<vmem>>, vector<16xf32>,
          %broadcast_in_dim3A_487 = arith.constant 6 : i32
          %broadcast_in_dim3A_488 = vector.broadcast %broadcast_in_dim3A_487 : i32 to vector<16x1xi32>
          %gather3A_489 = vector.shape_cast %broadcast_in_dim3A_488 : vector<16x1xi32> to vector<16xi32>
          %gather3A_490 = tpu.dynamic_gather %get3A_285[%gather3A_489] in [0] : vector<16xf32>, vector<16xi32> -> vector<16xf32>
          %mul3A_491 = arith.constant 4 : i32
          %mul3A_492 = arith.muli %scan3A_277, %mul3A_491 : i32
          %add3A_493 = arith.constant 1 : i32
          %add3A_494 = arith.addi %mul3A_492, %add3A_493 : i32
          %get3A_495 = arith.index_cast %add3A_494 : i32 to index
          %get3A_496 = arith.constant 64 : index
          %get3A_497 = tpu.vector_load %arg12[%get3A_495, %get3A_496] {strides = array<i32>} : memref<100x128xf32, #tpu.memory_space<vmem>>, vector<16xf32>,
          %mul3A_498 = arith.mulf %get3A_497, %gather3A_490 : vector<16xf32>
          %mul3A_499 = arith.constant 4 : i32
          %mul3A_500 = arith.muli %scan3A_277, %mul3A_499 : i32
          %add3A_501 = arith.constant 1 : i32
          %add3A_502 = arith.addi %mul3A_500, %add3A_501 : i32
          %swap3A_503 = arith.index_cast %add3A_502 : i32 to index
          %swap3A_504 = arith.constant 64 : index
          %swap3A_505 = tpu.vector_load %arg12[%swap3A_503, %swap3A_504] {strides = array<i32>} : memref<100x128xf32, #tpu.memory_space<vmem>>, vector<16xf32>,
          tpu.vector_store %arg12[%swap3A_503, %swap3A_504], %mul3A_498 {strides = array<i32>} : memref<100x128xf32, #tpu.memory_space<vmem>>, vector<16xf32>,
          %mul3A_506 = arith.constant 4 : i32
          %mul3A_507 = arith.muli %scan3A_277, %mul3A_506 : i32
          %add3A_508 = arith.constant 1 : i32
          %add3A_509 = arith.addi %mul3A_507, %add3A_508 : i32
          %get3A_510 = arith.index_cast %add3A_509 : i32 to index
          %get3A_511 = arith.constant 80 : index
          %get3A_512 = tpu.vector_load %arg12[%get3A_510, %get3A_511] {strides = array<i32>} : memref<100x128xf32, #tpu.memory_space<vmem>>, vector<16xf32>,
          %mul3A_513 = arith.mulf %get3A_512, %gather3A_490 : vector<16xf32>
          %mul3A_514 = arith.constant 4 : i32
          %mul3A_515 = arith.muli %scan3A_277, %mul3A_514 : i32
          %add3A_516 = arith.constant 1 : i32
          %add3A_517 = arith.addi %mul3A_515, %add3A_516 : i32
          %swap3A_518 = arith.index_cast %add3A_517 : i32 to index
          %swap3A_519 = arith.constant 80 : index
          %swap3A_520 = tpu.vector_load %arg12[%swap3A_518, %swap3A_519] {strides = array<i32>} : memref<100x128xf32, #tpu.memory_space<vmem>>, vector<16xf32>,
          tpu.vector_store %arg12[%swap3A_518, %swap3A_519], %mul3A_513 {strides = array<i32>} : memref<100x128xf32, #tpu.memory_space<vmem>>, vector<16xf32>,
          %broadcast_in_dim3A_521 = arith.constant 7 : i32
          %broadcast_in_dim3A_522 = vector.broadcast %broadcast_in_dim3A_521 : i32 to vector<16x1xi32>
          %gather3A_523 = vector.shape_cast %broadcast_in_dim3A_522 : vector<16x1xi32> to vector<16xi32>
          %gather3A_524 = tpu.dynamic_gather %get3A_285[%gather3A_523] in [0] : vector<16xf32>, vector<16xi32> -> vector<16xf32>
          %mul3A_525 = arith.constant 4 : i32
          %mul3A_526 = arith.muli %scan3A_277, %mul3A_525 : i32
          %add3A_527 = arith.constant 1 : i32
          %add3A_528 = arith.addi %mul3A_526, %add3A_527 : i32
          %get3A_529 = arith.index_cast %add3A_528 : i32 to index
          %get3A_530 = arith.constant 96 : index
          %get3A_531 = tpu.vector_load %arg12[%get3A_529, %get3A_530] {strides = array<i32>} : memref<100x128xf32, #tpu.memory_space<vmem>>, vector<16xf32>,
          %mul3A_532 = arith.mulf %get3A_531, %gather3A_524 : vector<16xf32>
          %mul3A_533 = arith.constant 4 : i32
          %mul3A_534 = arith.muli %scan3A_277, %mul3A_533 : i32
          %add3A_535 = arith.constant 1 : i32
          %add3A_536 = arith.addi %mul3A_534, %add3A_535 : i32
          %swap3A_537 = arith.index_cast %add3A_536 : i32 to index
          %swap3A_538 = arith.constant 96 : index
          %swap3A_539 = tpu.vector_load %arg12[%swap3A_537, %swap3A_538] {strides = array<i32>} : memref<100x128xf32, #tpu.memory_space<vmem>>, vector<16xf32>,
          tpu.vector_store %arg12[%swap3A_537, %swap3A_538], %mul3A_532 {strides = array<i32>} : memref<100x128xf32, #tpu.memory_space<vmem>>, vector<16xf32>,
          %mul3A_540 = arith.constant 4 : i32
          %mul3A_541 = arith.muli %scan3A_277, %mul3A_540 : i32
          %add3A_542 = arith.constant 1 : i32
          %add3A_543 = arith.addi %mul3A_541, %add3A_542 : i32
          %get3A_544 = arith.index_cast %add3A_543 : i32 to index
          %get3A_545 = arith.constant 112 : index
          %get3A_546 = tpu.vector_load %arg12[%get3A_544, %get3A_545] {strides = array<i32>} : memref<100x128xf32, #tpu.memory_space<vmem>>, vector<16xf32>,
          %mul3A_547 = arith.mulf %get3A_546, %gather3A_524 : vector<16xf32>
          %mul3A_548 = arith.constant 4 : i32
          %mul3A_549 = arith.muli %scan3A_277, %mul3A_548 : i32
          %add3A_550 = arith.constant 1 : i32
          %add3A_551 = arith.addi %mul3A_549, %add3A_550 : i32
          %swap3A_552 = arith.index_cast %add3A_551 : i32 to index
          %swap3A_553 = arith.constant 112 : index
          %swap3A_554 = tpu.vector_load %arg12[%swap3A_552, %swap3A_553] {strides = array<i32>} : memref<100x128xf32, #tpu.memory_space<vmem>>, vector<16xf32>,
          tpu.vector_store %arg12[%swap3A_552, %swap3A_553], %mul3A_547 {strides = array<i32>} : memref<100x128xf32, #tpu.memory_space<vmem>>, vector<16xf32>,
          %broadcast_in_dim3A_555 = arith.constant 8 : i32
          %broadcast_in_dim3A_556 = vector.broadcast %broadcast_in_dim3A_555 : i32 to vector<16x1xi32>
          %gather3A_557 = vector.shape_cast %broadcast_in_dim3A_556 : vector<16x1xi32> to vector<16xi32>
          %gather3A_558 = tpu.dynamic_gather %get3A_285[%gather3A_557] in [0] : vector<16xf32>, vector<16xi32> -> vector<16xf32>
          %mul3A_559 = arith.constant 4 : i32
          %mul3A_560 = arith.muli %scan3A_277, %mul3A_559 : i32
          %add3A_561 = arith.constant 2 : i32
          %add3A_562 = arith.addi %mul3A_560, %add3A_561 : i32
          %get3A_563 = arith.index_cast %add3A_562 : i32 to index
          %get3A_564 = arith.constant 0 : index
          %get3A_565 = tpu.vector_load %arg12[%get3A_563, %get3A_564] {strides = array<i32>} : memref<100x128xf32, #tpu.memory_space<vmem>>, vector<16xf32>,
          %mul3A_566 = arith.mulf %get3A_565, %gather3A_558 : vector<16xf32>
          %mul3A_567 = arith.constant 4 : i32
          %mul3A_568 = arith.muli %scan3A_277, %mul3A_567 : i32
          %add3A_569 = arith.constant 2 : i32
          %add3A_570 = arith.addi %mul3A_568, %add3A_569 : i32
          %swap3A_571 = arith.index_cast %add3A_570 : i32 to index
          %swap3A_572 = arith.constant 0 : index
          %swap3A_573 = tpu.vector_load %arg12[%swap3A_571, %swap3A_572] {strides = array<i32>} : memref<100x128xf32, #tpu.memory_space<vmem>>, vector<16xf32>,
          tpu.vector_store %arg12[%swap3A_571, %swap3A_572], %mul3A_566 {strides = array<i32>} : memref<100x128xf32, #tpu.memory_space<vmem>>, vector<16xf32>,
          %mul3A_574 = arith.constant 4 : i32
          %mul3A_575 = arith.muli %scan3A_277, %mul3A_574 : i32
          %add3A_576 = arith.constant 2 : i32
          %add3A_577 = arith.addi %mul3A_575, %add3A_576 : i32
          %get3A_578 = arith.index_cast %add3A_577 : i32 to index
          %get3A_579 = arith.constant 16 : index
          %get3A_580 = tpu.vector_load %arg12[%get3A_578, %get3A_579] {strides = array<i32>} : memref<100x128xf32, #tpu.memory_space<vmem>>, vector<16xf32>,
          %mul3A_581 = arith.mulf %get3A_580, %gather3A_558 : vector<16xf32>
          %mul3A_582 = arith.constant 4 : i32
          %mul3A_583 = arith.muli %scan3A_277, %mul3A_582 : i32
          %add3A_584 = arith.constant 2 : i32
          %add3A_585 = arith.addi %mul3A_583, %add3A_584 : i32
          %swap3A_586 = arith.index_cast %add3A_585 : i32 to index
          %swap3A_587 = arith.constant 16 : index
          %swap3A_588 = tpu.vector_load %arg12[%swap3A_586, %swap3A_587] {strides = array<i32>} : memref<100x128xf32, #tpu.memory_space<vmem>>, vector<16xf32>,
          tpu.vector_store %arg12[%swap3A_586, %swap3A_587], %mul3A_581 {strides = array<i32>} : memref<100x128xf32, #tpu.memory_space<vmem>>, vector<16xf32>,
          %broadcast_in_dim3A_589 = arith.constant 9 : i32
          %broadcast_in_dim3A_590 = vector.broadcast %broadcast_in_dim3A_589 : i32 to vector<16x1xi32>
          %gather3A_591 = vector.shape_cast %broadcast_in_dim3A_590 : vector<16x1xi32> to vector<16xi32>
          %gather3A_592 = tpu.dynamic_gather %get3A_285[%gather3A_591] in [0] : vector<16xf32>, vector<16xi32> -> vector<16xf32>
          %mul3A_593 = arith.constant 4 : i32
          %mul3A_594 = arith.muli %scan3A_277, %mul3A_593 : i32
          %add3A_595 = arith.constant 2 : i32
          %add3A_596 = arith.addi %mul3A_594, %add3A_595 : i32
          %get3A_597 = arith.index_cast %add3A_596 : i32 to index
          %get3A_598 = arith.constant 32 : index
          %get3A_599 = tpu.vector_load %arg12[%get3A_597, %get3A_598] {strides = array<i32>} : memref<100x128xf32, #tpu.memory_space<vmem>>, vector<16xf32>,
          %mul3A_600 = arith.mulf %get3A_599, %gather3A_592 : vector<16xf32>
          %mul3A_601 = arith.constant 4 : i32
          %mul3A_602 = arith.muli %scan3A_277, %mul3A_601 : i32
          %add3A_603 = arith.constant 2 : i32
          %add3A_604 = arith.addi %mul3A_602, %add3A_603 : i32
          %swap3A_605 = arith.index_cast %add3A_604 : i32 to index
          %swap3A_606 = arith.constant 32 : index
          %swap3A_607 = tpu.vector_load %arg12[%swap3A_605, %swap3A_606] {strides = array<i32>} : memref<100x128xf32, #tpu.memory_space<vmem>>, vector<16xf32>,
          tpu.vector_store %arg12[%swap3A_605, %swap3A_606], %mul3A_600 {strides = array<i32>} : memref<100x128xf32, #tpu.memory_space<vmem>>, vector<16xf32>,
          %mul3A_608 = arith.constant 4 : i32
          %mul3A_609 = arith.muli %scan3A_277, %mul3A_608 : i32
          %add3A_610 = arith.constant 2 : i32
          %add3A_611 = arith.addi %mul3A_609, %add3A_610 : i32
          %get3A_612 = arith.index_cast %add3A_611 : i32 to index
          %get3A_613 = arith.constant 48 : index
          %get3A_614 = tpu.vector_load %arg12[%get3A_612, %get3A_613] {strides = array<i32>} : memref<100x128xf32, #tpu.memory_space<vmem>>, vector<16xf32>,
          %mul3A_615 = arith.mulf %get3A_614, %gather3A_592 : vector<16xf32>
          %mul3A_616 = arith.constant 4 : i32
          %mul3A_617 = arith.muli %scan3A_277, %mul3A_616 : i32
          %add3A_618 = arith.constant 2 : i32
          %add3A_619 = arith.addi %mul3A_617, %add3A_618 : i32
          %swap3A_620 = arith.index_cast %add3A_619 : i32 to index
          %swap3A_621 = arith.constant 48 : index
          %swap3A_622 = tpu.vector_load %arg12[%swap3A_620, %swap3A_621] {strides = array<i32>} : memref<100x128xf32, #tpu.memory_space<vmem>>, vector<16xf32>,
          tpu.vector_store %arg12[%swap3A_620, %swap3A_621], %mul3A_615 {strides = array<i32>} : memref<100x128xf32, #tpu.memory_space<vmem>>, vector<16xf32>,
          %broadcast_in_dim3A_623 = arith.constant 10 : i32
          %broadcast_in_dim3A_624 = vector.broadcast %broadcast_in_dim3A_623 : i32 to vector<16x1xi32>
          %gather3A_625 = vector.shape_cast %broadcast_in_dim3A_624 : vector<16x1xi32> to vector<16xi32>
          %gather3A_626 = tpu.dynamic_gather %get3A_285[%gather3A_625] in [0] : vector<16xf32>, vector<16xi32> -> vector<16xf32>
          %mul3A_627 = arith.constant 4 : i32
          %mul3A_628 = arith.muli %scan3A_277, %mul3A_627 : i32
          %add3A_629 = arith.constant 2 : i32
          %add3A_630 = arith.addi %mul3A_628, %add3A_629 : i32
          %get3A_631 = arith.index_cast %add3A_630 : i32 to index
          %get3A_632 = arith.constant 64 : index
          %get3A_633 = tpu.vector_load %arg12[%get3A_631, %get3A_632] {strides = array<i32>} : memref<100x128xf32, #tpu.memory_space<vmem>>, vector<16xf32>,
          %mul3A_634 = arith.mulf %get3A_633, %gather3A_626 : vector<16xf32>
          %mul3A_635 = arith.constant 4 : i32
          %mul3A_636 = arith.muli %scan3A_277, %mul3A_635 : i32
          %add3A_637 = arith.constant 2 : i32
          %add3A_638 = arith.addi %mul3A_636, %add3A_637 : i32
          %swap3A_639 = arith.index_cast %add3A_638 : i32 to index
          %swap3A_640 = arith.constant 64 : index
          %swap3A_641 = tpu.vector_load %arg12[%swap3A_639, %swap3A_640] {strides = array<i32>} : memref<100x128xf32, #tpu.memory_space<vmem>>, vector<16xf32>,
          tpu.vector_store %arg12[%swap3A_639, %swap3A_640], %mul3A_634 {strides = array<i32>} : memref<100x128xf32, #tpu.memory_space<vmem>>, vector<16xf32>,
          %mul3A_642 = arith.constant 4 : i32
          %mul3A_643 = arith.muli %scan3A_277, %mul3A_642 : i32
          %add3A_644 = arith.constant 2 : i32
          %add3A_645 = arith.addi %mul3A_643, %add3A_644 : i32
          %get3A_646 = arith.index_cast %add3A_645 : i32 to index
          %get3A_647 = arith.constant 80 : index
          %get3A_648 = tpu.vector_load %arg12[%get3A_646, %get3A_647] {strides = array<i32>} : memref<100x128xf32, #tpu.memory_space<vmem>>, vector<16xf32>,
          %mul3A_649 = arith.mulf %get3A_648, %gather3A_626 : vector<16xf32>
          %mul3A_650 = arith.constant 4 : i32
          %mul3A_651 = arith.muli %scan3A_277, %mul3A_650 : i32
          %add3A_652 = arith.constant 2 : i32
          %add3A_653 = arith.addi %mul3A_651, %add3A_652 : i32
          %swap3A_654 = arith.index_cast %add3A_653 : i32 to index
          %swap3A_655 = arith.constant 80 : index
          %swap3A_656 = tpu.vector_load %arg12[%swap3A_654, %swap3A_655] {strides = array<i32>} : memref<100x128xf32, #tpu.memory_space<vmem>>, vector<16xf32>,
          tpu.vector_store %arg12[%swap3A_654, %swap3A_655], %mul3A_649 {strides = array<i32>} : memref<100x128xf32, #tpu.memory_space<vmem>>, vector<16xf32>,
          %broadcast_in_dim3A_657 = arith.constant 11 : i32
          %broadcast_in_dim3A_658 = vector.broadcast %broadcast_in_dim3A_657 : i32 to vector<16x1xi32>
          %gather3A_659 = vector.shape_cast %broadcast_in_dim3A_658 : vector<16x1xi32> to vector<16xi32>
          %gather3A_660 = tpu.dynamic_gather %get3A_285[%gather3A_659] in [0] : vector<16xf32>, vector<16xi32> -> vector<16xf32>
          %mul3A_661 = arith.constant 4 : i32
          %mul3A_662 = arith.muli %scan3A_277, %mul3A_661 : i32
          %add3A_663 = arith.constant 2 : i32
          %add3A_664 = arith.addi %mul3A_662, %add3A_663 : i32
          %get3A_665 = arith.index_cast %add3A_664 : i32 to index
          %get3A_666 = arith.constant 96 : index
          %get3A_667 = tpu.vector_load %arg12[%get3A_665, %get3A_666] {strides = array<i32>} : memref<100x128xf32, #tpu.memory_space<vmem>>, vector<16xf32>,
          %mul3A_668 = arith.mulf %get3A_667, %gather3A_660 : vector<16xf32>
          %mul3A_669 = arith.constant 4 : i32
          %mul3A_670 = arith.muli %scan3A_277, %mul3A_669 : i32
          %add3A_671 = arith.constant 2 : i32
          %add3A_672 = arith.addi %mul3A_670, %add3A_671 : i32
          %swap3A_673 = arith.index_cast %add3A_672 : i32 to index
          %swap3A_674 = arith.constant 96 : index
          %swap3A_675 = tpu.vector_load %arg12[%swap3A_673, %swap3A_674] {strides = array<i32>} : memref<100x128xf32, #tpu.memory_space<vmem>>, vector<16xf32>,
          tpu.vector_store %arg12[%swap3A_673, %swap3A_674], %mul3A_668 {strides = array<i32>} : memref<100x128xf32, #tpu.memory_space<vmem>>, vector<16xf32>,
          %mul3A_676 = arith.constant 4 : i32
          %mul3A_677 = arith.muli %scan3A_277, %mul3A_676 : i32
          %add3A_678 = arith.constant 2 : i32
          %add3A_679 = arith.addi %mul3A_677, %add3A_678 : i32
          %get3A_680 = arith.index_cast %add3A_679 : i32 to index
          %get3A_681 = arith.constant 112 : index
          %get3A_682 = tpu.vector_load %arg12[%get3A_680, %get3A_681] {strides = array<i32>} : memref<100x128xf32, #tpu.memory_space<vmem>>, vector<16xf32>,
          %mul3A_683 = arith.mulf %get3A_682, %gather3A_660 : vector<16xf32>
          %mul3A_684 = arith.constant 4 : i32
          %mul3A_685 = arith.muli %scan3A_277, %mul3A_684 : i32
          %add3A_686 = arith.constant 2 : i32
          %add3A_687 = arith.addi %mul3A_685, %add3A_686 : i32
          %swap3A_688 = arith.index_cast %add3A_687 : i32 to index
          %swap3A_689 = arith.constant 112 : index
          %swap3A_690 = tpu.vector_load %arg12[%swap3A_688, %swap3A_689] {strides = array<i32>} : memref<100x128xf32, #tpu.memory_space<vmem>>, vector<16xf32>,
          tpu.vector_store %arg12[%swap3A_688, %swap3A_689], %mul3A_683 {strides = array<i32>} : memref<100x128xf32, #tpu.memory_space<vmem>>, vector<16xf32>,
          %broadcast_in_dim3A_691 = arith.constant 12 : i32
          %broadcast_in_dim3A_692 = vector.broadcast %broadcast_in_dim3A_691 : i32 to vector<16x1xi32>
          %gather3A_693 = vector.shape_cast %broadcast_in_dim3A_692 : vector<16x1xi32> to vector<16xi32>
          %gather3A_694 = tpu.dynamic_gather %get3A_285[%gather3A_693] in [0] : vector<16xf32>, vector<16xi32> -> vector<16xf32>
          %mul3A_695 = arith.constant 4 : i32
          %mul3A_696 = arith.muli %scan3A_277, %mul3A_695 : i32
          %add3A_697 = arith.constant 3 : i32
          %add3A_698 = arith.addi %mul3A_696, %add3A_697 : i32
          %get3A_699 = arith.index_cast %add3A_698 : i32 to index
          %get3A_700 = arith.constant 0 : index
          %get3A_701 = tpu.vector_load %arg12[%get3A_699, %get3A_700] {strides = array<i32>} : memref<100x128xf32, #tpu.memory_space<vmem>>, vector<16xf32>,
          %mul3A_702 = arith.mulf %get3A_701, %gather3A_694 : vector<16xf32>
          %mul3A_703 = arith.constant 4 : i32
          %mul3A_704 = arith.muli %scan3A_277, %mul3A_703 : i32
          %add3A_705 = arith.constant 3 : i32
          %add3A_706 = arith.addi %mul3A_704, %add3A_705 : i32
          %swap3A_707 = arith.index_cast %add3A_706 : i32 to index
          %swap3A_708 = arith.constant 0 : index
          %swap3A_709 = tpu.vector_load %arg12[%swap3A_707, %swap3A_708] {strides = array<i32>} : memref<100x128xf32, #tpu.memory_space<vmem>>, vector<16xf32>,
          tpu.vector_store %arg12[%swap3A_707, %swap3A_708], %mul3A_702 {strides = array<i32>} : memref<100x128xf32, #tpu.memory_space<vmem>>, vector<16xf32>,
          %mul3A_710 = arith.constant 4 : i32
          %mul3A_711 = arith.muli %scan3A_277, %mul3A_710 : i32
          %add3A_712 = arith.constant 3 : i32
          %add3A_713 = arith.addi %mul3A_711, %add3A_712 : i32
          %get3A_714 = arith.index_cast %add3A_713 : i32 to index
          %get3A_715 = arith.constant 16 : index
          %get3A_716 = tpu.vector_load %arg12[%get3A_714, %get3A_715] {strides = array<i32>} : memref<100x128xf32, #tpu.memory_space<vmem>>, vector<16xf32>,
          %mul3A_717 = arith.mulf %get3A_716, %gather3A_694 : vector<16xf32>
          %mul3A_718 = arith.constant 4 : i32
          %mul3A_719 = arith.muli %scan3A_277, %mul3A_718 : i32
          %add3A_720 = arith.constant 3 : i32
          %add3A_721 = arith.addi %mul3A_719, %add3A_720 : i32
          %swap3A_722 = arith.index_cast %add3A_721 : i32 to index
          %swap3A_723 = arith.constant 16 : index
          %swap3A_724 = tpu.vector_load %arg12[%swap3A_722, %swap3A_723] {strides = array<i32>} : memref<100x128xf32, #tpu.memory_space<vmem>>, vector<16xf32>,
          tpu.vector_store %arg12[%swap3A_722, %swap3A_723], %mul3A_717 {strides = array<i32>} : memref<100x128xf32, #tpu.memory_space<vmem>>, vector<16xf32>,
          %broadcast_in_dim3A_725 = arith.constant 13 : i32
          %broadcast_in_dim3A_726 = vector.broadcast %broadcast_in_dim3A_725 : i32 to vector<16x1xi32>
          %gather3A_727 = vector.shape_cast %broadcast_in_dim3A_726 : vector<16x1xi32> to vector<16xi32>
          %gather3A_728 = tpu.dynamic_gather %get3A_285[%gather3A_727] in [0] : vector<16xf32>, vector<16xi32> -> vector<16xf32>
          %mul3A_729 = arith.constant 4 : i32
          %mul3A_730 = arith.muli %scan3A_277, %mul3A_729 : i32
          %add3A_731 = arith.constant 3 : i32
          %add3A_732 = arith.addi %mul3A_730, %add3A_731 : i32
          %get3A_733 = arith.index_cast %add3A_732 : i32 to index
          %get3A_734 = arith.constant 32 : index
          %get3A_735 = tpu.vector_load %arg12[%get3A_733, %get3A_734] {strides = array<i32>} : memref<100x128xf32, #tpu.memory_space<vmem>>, vector<16xf32>,
          %mul3A_736 = arith.mulf %get3A_735, %gather3A_728 : vector<16xf32>
          %mul3A_737 = arith.constant 4 : i32
          %mul3A_738 = arith.muli %scan3A_277, %mul3A_737 : i32
          %add3A_739 = arith.constant 3 : i32
          %add3A_740 = arith.addi %mul3A_738, %add3A_739 : i32
          %swap3A_741 = arith.index_cast %add3A_740 : i32 to index
          %swap3A_742 = arith.constant 32 : index
          %swap3A_743 = tpu.vector_load %arg12[%swap3A_741, %swap3A_742] {strides = array<i32>} : memref<100x128xf32, #tpu.memory_space<vmem>>, vector<16xf32>,
          tpu.vector_store %arg12[%swap3A_741, %swap3A_742], %mul3A_736 {strides = array<i32>} : memref<100x128xf32, #tpu.memory_space<vmem>>, vector<16xf32>,
          %mul3A_744 = arith.constant 4 : i32
          %mul3A_745 = arith.muli %scan3A_277, %mul3A_744 : i32
          %add3A_746 = arith.constant 3 : i32
          %add3A_747 = arith.addi %mul3A_745, %add3A_746 : i32
          %get3A_748 = arith.index_cast %add3A_747 : i32 to index
          %get3A_749 = arith.constant 48 : index
          %get3A_750 = tpu.vector_load %arg12[%get3A_748, %get3A_749] {strides = array<i32>} : memref<100x128xf32, #tpu.memory_space<vmem>>, vector<16xf32>,
          %mul3A_751 = arith.mulf %get3A_750, %gather3A_728 : vector<16xf32>
          %mul3A_752 = arith.constant 4 : i32
          %mul3A_753 = arith.muli %scan3A_277, %mul3A_752 : i32
          %add3A_754 = arith.constant 3 : i32
          %add3A_755 = arith.addi %mul3A_753, %add3A_754 : i32
          %swap3A_756 = arith.index_cast %add3A_755 : i32 to index
          %swap3A_757 = arith.constant 48 : index
          %swap3A_758 = tpu.vector_load %arg12[%swap3A_756, %swap3A_757] {strides = array<i32>} : memref<100x128xf32, #tpu.memory_space<vmem>>, vector<16xf32>,
          tpu.vector_store %arg12[%swap3A_756, %swap3A_757], %mul3A_751 {strides = array<i32>} : memref<100x128xf32, #tpu.memory_space<vmem>>, vector<16xf32>,
          %broadcast_in_dim3A_759 = arith.constant 14 : i32
          %broadcast_in_dim3A_760 = vector.broadcast %broadcast_in_dim3A_759 : i32 to vector<16x1xi32>
          %gather3A_761 = vector.shape_cast %broadcast_in_dim3A_760 : vector<16x1xi32> to vector<16xi32>
          %gather3A_762 = tpu.dynamic_gather %get3A_285[%gather3A_761] in [0] : vector<16xf32>, vector<16xi32> -> vector<16xf32>
          %mul3A_763 = arith.constant 4 : i32
          %mul3A_764 = arith.muli %scan3A_277, %mul3A_763 : i32
          %add3A_765 = arith.constant 3 : i32
          %add3A_766 = arith.addi %mul3A_764, %add3A_765 : i32
          %get3A_767 = arith.index_cast %add3A_766 : i32 to index
          %get3A_768 = arith.constant 64 : index
          %get3A_769 = tpu.vector_load %arg12[%get3A_767, %get3A_768] {strides = array<i32>} : memref<100x128xf32, #tpu.memory_space<vmem>>, vector<16xf32>,
          %mul3A_770 = arith.mulf %get3A_769, %gather3A_762 : vector<16xf32>
          %mul3A_771 = arith.constant 4 : i32
          %mul3A_772 = arith.muli %scan3A_277, %mul3A_771 : i32
          %add3A_773 = arith.constant 3 : i32
          %add3A_774 = arith.addi %mul3A_772, %add3A_773 : i32
          %swap3A_775 = arith.index_cast %add3A_774 : i32 to index
          %swap3A_776 = arith.constant 64 : index
          %swap3A_777 = tpu.vector_load %arg12[%swap3A_775, %swap3A_776] {strides = array<i32>} : memref<100x128xf32, #tpu.memory_space<vmem>>, vector<16xf32>,
          tpu.vector_store %arg12[%swap3A_775, %swap3A_776], %mul3A_770 {strides = array<i32>} : memref<100x128xf32, #tpu.memory_space<vmem>>, vector<16xf32>,
          %mul3A_778 = arith.constant 4 : i32
          %mul3A_779 = arith.muli %scan3A_277, %mul3A_778 : i32
          %add3A_780 = arith.constant 3 : i32
          %add3A_781 = arith.addi %mul3A_779, %add3A_780 : i32
          %get3A_782 = arith.index_cast %add3A_781 : i32 to index
          %get3A_783 = arith.constant 80 : index
          %get3A_784 = tpu.vector_load %arg12[%get3A_782, %get3A_783] {strides = array<i32>} : memref<100x128xf32, #tpu.memory_space<vmem>>, vector<16xf32>,
          %mul3A_785 = arith.mulf %get3A_784, %gather3A_762 : vector<16xf32>
          %mul3A_786 = arith.constant 4 : i32
          %mul3A_787 = arith.muli %scan3A_277, %mul3A_786 : i32
          %add3A_788 = arith.constant 3 : i32
          %add3A_789 = arith.addi %mul3A_787, %add3A_788 : i32
          %swap3A_790 = arith.index_cast %add3A_789 : i32 to index
          %swap3A_791 = arith.constant 80 : index
          %swap3A_792 = tpu.vector_load %arg12[%swap3A_790, %swap3A_791] {strides = array<i32>} : memref<100x128xf32, #tpu.memory_space<vmem>>, vector<16xf32>,
          tpu.vector_store %arg12[%swap3A_790, %swap3A_791], %mul3A_785 {strides = array<i32>} : memref<100x128xf32, #tpu.memory_space<vmem>>, vector<16xf32>,
          %broadcast_in_dim3A_793 = arith.constant 15 : i32
          %broadcast_in_dim3A_794 = vector.broadcast %broadcast_in_dim3A_793 : i32 to vector<16x1xi32>
          %gather3A_795 = vector.shape_cast %broadcast_in_dim3A_794 : vector<16x1xi32> to vector<16xi32>
          %gather3A_796 = tpu.dynamic_gather %get3A_285[%gather3A_795] in [0] : vector<16xf32>, vector<16xi32> -> vector<16xf32>
          %mul3A_797 = arith.constant 4 : i32
          %mul3A_798 = arith.muli %scan3A_277, %mul3A_797 : i32
          %add3A_799 = arith.constant 3 : i32
          %add3A_800 = arith.addi %mul3A_798, %add3A_799 : i32
          %get3A_801 = arith.index_cast %add3A_800 : i32 to index
          %get3A_802 = arith.constant 96 : index
          %get3A_803 = tpu.vector_load %arg12[%get3A_801, %get3A_802] {strides = array<i32>} : memref<100x128xf32, #tpu.memory_space<vmem>>, vector<16xf32>,
          %mul3A_804 = arith.mulf %get3A_803, %gather3A_796 : vector<16xf32>
          %mul3A_805 = arith.constant 4 : i32
          %mul3A_806 = arith.muli %scan3A_277, %mul3A_805 : i32
          %add3A_807 = arith.constant 3 : i32
          %add3A_808 = arith.addi %mul3A_806, %add3A_807 : i32
          %swap3A_809 = arith.index_cast %add3A_808 : i32 to index
          %swap3A_810 = arith.constant 96 : index
          %swap3A_811 = tpu.vector_load %arg12[%swap3A_809, %swap3A_810] {strides = array<i32>} : memref<100x128xf32, #tpu.memory_space<vmem>>, vector<16xf32>,
          tpu.vector_store %arg12[%swap3A_809, %swap3A_810], %mul3A_804 {strides = array<i32>} : memref<100x128xf32, #tpu.memory_space<vmem>>, vector<16xf32>,
          %mul3A_812 = arith.constant 4 : i32
          %mul3A_813 = arith.muli %scan3A_277, %mul3A_812 : i32
          %add3A_814 = arith.constant 3 : i32
          %add3A_815 = arith.addi %mul3A_813, %add3A_814 : i32
          %get3A_816 = arith.index_cast %add3A_815 : i32 to index
          %get3A_817 = arith.constant 112 : index
          %get3A_818 = tpu.vector_load %arg12[%get3A_816, %get3A_817] {strides = array<i32>} : memref<100x128xf32, #tpu.memory_space<vmem>>, vector<16xf32>,
          %mul3A_819 = arith.mulf %get3A_818, %gather3A_796 : vector<16xf32>
          %mul3A_820 = arith.constant 4 : i32
          %mul3A_821 = arith.muli %scan3A_277, %mul3A_820 : i32
          %add3A_822 = arith.constant 3 : i32
          %add3A_823 = arith.addi %mul3A_821, %add3A_822 : i32
          %swap3A_824 = arith.index_cast %add3A_823 : i32 to index
          %swap3A_825 = arith.constant 112 : index
          %swap3A_826 = tpu.vector_load %arg12[%swap3A_824, %swap3A_825] {strides = array<i32>} : memref<100x128xf32, #tpu.memory_space<vmem>>, vector<16xf32>,
          tpu.vector_store %arg12[%swap3A_824, %swap3A_825], %mul3A_819 {strides = array<i32>} : memref<100x128xf32, #tpu.memory_space<vmem>>, vector<16xf32>,
        }
        %scan3A_226 = arith.constant 25 : i32
        %dma_wait3A_227 = arith.constant 0 : i32
        %dma_wait3A_228 = arith.constant 0 : i32
        %dma_wait3A_229 = arith.constant 0 : i32
        %dma_wait3A_230 = tpu.memref_slice %arg11[%dma_wait3A_228, %dma_wait3A_229] : memref<100x128xf32, #tpu.memory_space<vmem>> -> memref<50x128xf32, #tpu.memory_space<vmem>>
        %dma_wait3A_231 = arith.constant 0 : i32
        %dma_wait3A_232 = tpu.memref_slice %arg9[%dma_wait3A_227, %dma_wait3A_231] : memref<40x50xi32, #tpu.memory_space<vmem>> -> memref<1x50xi32, #tpu.memory_space<vmem>>
        %dma_wait3A_233 = tpu.memref_squeeze %dma_wait3A_232 : memref<1x50xi32, #tpu.memory_space<vmem>> -> memref<50xi32, #tpu.memory_space<vmem>>
        %dma_wait3A_234 = arith.constant 0 : i32
        %dma_wait3A_235 = arith.constant 0 : i32
        %dma_wait3A_236 = tpu.memref_slice %arg13[%dma_wait3A_234, %dma_wait3A_235] : memref<10008x128xf32, #tpu.memory_space<vmem_shared>> -> memref<10008x128xf32, #tpu.memory_space<vmem_shared>>
        tpu.wait_indirect_dma semaphore(%arg17 : memref<!tpu.dma_semaphore, #tpu.memory_space<semaphore_mem>>) src(%dma_wait3A_230 : memref<50x128xf32, #tpu.memory_space<vmem>>) dst(%dma_wait3A_236 : memref<10008x128xf32, #tpu.memory_space<vmem_shared>>)
        %dma_wait3A_237 = arith.constant 1 : i32
        %dma_wait3A_238 = arith.constant 50 : i32
        %dma_wait3A_239 = arith.constant 0 : i32
        %dma_wait3A_240 = tpu.memref_slice %arg11[%dma_wait3A_238, %dma_wait3A_239] : memref<100x128xf32, #tpu.memory_space<vmem>> -> memref<50x128xf32, #tpu.memory_space<vmem>>
        %dma_wait3A_241 = arith.constant 0 : i32
        %dma_wait3A_242 = tpu.memref_slice %arg9[%dma_wait3A_237, %dma_wait3A_241] : memref<40x50xi32, #tpu.memory_space<vmem>> -> memref<1x50xi32, #tpu.memory_space<vmem>>
        %dma_wait3A_243 = tpu.memref_squeeze %dma_wait3A_242 : memref<1x50xi32, #tpu.memory_space<vmem>> -> memref<50xi32, #tpu.memory_space<vmem>>
        %dma_wait3A_244 = arith.constant 0 : i32
        %dma_wait3A_245 = arith.constant 0 : i32
        %dma_wait3A_246 = tpu.memref_slice %arg13[%dma_wait3A_244, %dma_wait3A_245] : memref<10008x128xf32, #tpu.memory_space<vmem_shared>> -> memref<10008x128xf32, #tpu.memory_space<vmem_shared>>
        tpu.wait_indirect_dma semaphore(%arg17 : memref<!tpu.dma_semaphore, #tpu.memory_space<semaphore_mem>>) src(%dma_wait3A_240 : memref<50x128xf32, #tpu.memory_space<vmem>>) dst(%dma_wait3A_246 : memref<10008x128xf32, #tpu.memory_space<vmem_shared>>)
        %lt3A = arith.constant 9 : i32
        %lt3A_247 = arith.cmpi slt, %scan3A_111, %lt3A : i32
        %convert_element_type3A_248 = arith.extui %lt3A_247 : i1 to i32
        %cond3A_249 = arith.constant 0 : i32
        %cond3A_250 = arith.cmpi ne, %convert_element_type3A_248, %cond3A_249 : i32
        scf.if %cond3A_250 {
          %add3A_277 = arith.constant 2 : i32
          %add3A_278 = arith.addi %mul3A_113, %add3A_277 : i32
          %mul3A_279 = arith.constant 2 : i32
          %mul3A_280 = arith.muli %mul3A_279, %add3A_278 : i32
          %add3A_281 = arith.constant 0 : i32
          %add3A_282 = arith.addi %mul3A_280, %add3A_281 : i32
          %dma_start3A_283 = arith.constant 0 : i32
          %dma_start3A_284 = arith.constant 0 : i32
          %dma_start3A_285 = tpu.memref_slice %arg11[%dma_start3A_283, %dma_start3A_284] : memref<100x128xf32, #tpu.memory_space<vmem>> -> memref<50x128xf32, #tpu.memory_space<vmem>>
          %dma_start3A_286 = arith.constant 0 : i32
          %dma_start3A_287 = tpu.memref_slice %arg8[%add3A_282, %dma_start3A_286] : memref<40x50xi32, #tpu.memory_space<vmem>> -> memref<1x50xi32, #tpu.memory_space<vmem>>
          %dma_start3A_288 = tpu.memref_squeeze %dma_start3A_287 : memref<1x50xi32, #tpu.memory_space<vmem>> -> memref<50xi32, #tpu.memory_space<vmem>>
          %dma_start3A_289 = arith.constant 0 : i32
          %dma_start3A_290 = arith.constant 0 : i32
          %dma_start3A_291 = tpu.memref_slice %arg5[%dma_start3A_289, %dma_start3A_290] : memref<10008x128xf32, #tpu.memory_space<hbm>> -> memref<10008x128xf32, #tpu.memory_space<hbm>>
          tpu.enqueue_indirect_dma source(%dma_start3A_291 : memref<10008x128xf32, #tpu.memory_space<hbm>>) target(%dma_start3A_285 : memref<50x128xf32, #tpu.memory_space<vmem>>) offsets(%dma_start3A_288 : memref<50xi32, #tpu.memory_space<vmem>>) semaphore(%arg15 : memref<!tpu.dma_semaphore, #tpu.memory_space<semaphore_mem>>)
          %mul3A_292 = arith.constant 2 : i32
          %mul3A_293 = arith.muli %mul3A_292, %add3A_278 : i32
          %add3A_294 = arith.constant 1 : i32
          %add3A_295 = arith.addi %mul3A_293, %add3A_294 : i32
          %dma_start3A_296 = arith.constant 50 : i32
          %dma_start3A_297 = arith.constant 0 : i32
          %dma_start3A_298 = tpu.memref_slice %arg11[%dma_start3A_296, %dma_start3A_297] : memref<100x128xf32, #tpu.memory_space<vmem>> -> memref<50x128xf32, #tpu.memory_space<vmem>>
          %dma_start3A_299 = arith.constant 0 : i32
          %dma_start3A_300 = tpu.memref_slice %arg8[%add3A_295, %dma_start3A_299] : memref<40x50xi32, #tpu.memory_space<vmem>> -> memref<1x50xi32, #tpu.memory_space<vmem>>
          %dma_start3A_301 = tpu.memref_squeeze %dma_start3A_300 : memref<1x50xi32, #tpu.memory_space<vmem>> -> memref<50xi32, #tpu.memory_space<vmem>>
          %dma_start3A_302 = arith.constant 0 : i32
          %dma_start3A_303 = arith.constant 0 : i32
          %dma_start3A_304 = tpu.memref_slice %arg5[%dma_start3A_302, %dma_start3A_303] : memref<10008x128xf32, #tpu.memory_space<hbm>> -> memref<10008x128xf32, #tpu.memory_space<hbm>>
          tpu.enqueue_indirect_dma source(%dma_start3A_304 : memref<10008x128xf32, #tpu.memory_space<hbm>>) target(%dma_start3A_298 : memref<50x128xf32, #tpu.memory_space<vmem>>) offsets(%dma_start3A_301 : memref<50xi32, #tpu.memory_space<vmem>>) semaphore(%arg15 : memref<!tpu.dma_semaphore, #tpu.memory_space<semaphore_mem>>)
        } else {
        }
        %mul3A_251 = arith.constant 2 : i32
        %mul3A_252 = arith.muli %mul3A_251, %add3A_117 : i32
        %add3A_253 = arith.constant 0 : i32
        %add3A_254 = arith.addi %mul3A_252, %add3A_253 : i32
        %dma_start3A_255 = arith.constant 0 : i32
        %dma_start3A_256 = arith.constant 0 : i32
        %dma_start3A_257 = tpu.memref_slice %arg12[%dma_start3A_255, %dma_start3A_256] : memref<100x128xf32, #tpu.memory_space<vmem>> -> memref<50x128xf32, #tpu.memory_space<vmem>>
        %dma_start3A_258 = arith.constant 0 : i32
        %dma_start3A_259 = tpu.memref_slice %arg9[%add3A_254, %dma_start3A_258] : memref<40x50xi32, #tpu.memory_space<vmem>> -> memref<1x50xi32, #tpu.memory_space<vmem>>
        %dma_start3A_260 = tpu.memref_squeeze %dma_start3A_259 : memref<1x50xi32, #tpu.memory_space<vmem>> -> memref<50xi32, #tpu.memory_space<vmem>>
        %dma_start3A_261 = arith.constant 0 : i32
        %dma_start3A_262 = arith.constant 0 : i32
        %dma_start3A_263 = tpu.memref_slice %arg13[%dma_start3A_261, %dma_start3A_262] : memref<10008x128xf32, #tpu.memory_space<vmem_shared>> -> memref<10008x128xf32, #tpu.memory_space<vmem_shared>>
        tpu.enqueue_indirect_dma source(%dma_start3A_257 : memref<50x128xf32, #tpu.memory_space<vmem>>) target(%dma_start3A_263 : memref<10008x128xf32, #tpu.memory_space<vmem_shared>>) offsets(%dma_start3A_260 : memref<50xi32, #tpu.memory_space<vmem>>) semaphore(%arg18 : memref<!tpu.dma_semaphore, #tpu.memory_space<semaphore_mem>>) {add = true}
        %mul3A_264 = arith.constant 2 : i32
        %mul3A_265 = arith.muli %mul3A_264, %add3A_117 : i32
        %add3A_266 = arith.constant 1 : i32
        %add3A_267 = arith.addi %mul3A_265, %add3A_266 : i32
        %dma_start3A_268 = arith.constant 50 : i32
        %dma_start3A_269 = arith.constant 0 : i32
        %dma_start3A_270 = tpu.memref_slice %arg12[%dma_start3A_268, %dma_start3A_269] : memref<100x128xf32, #tpu.memory_space<vmem>> -> memref<50x128xf32, #tpu.memory_space<vmem>>
        %dma_start3A_271 = arith.constant 0 : i32
        %dma_start3A_272 = tpu.memref_slice %arg9[%add3A_267, %dma_start3A_271] : memref<40x50xi32, #tpu.memory_space<vmem>> -> memref<1x50xi32, #tpu.memory_space<vmem>>
        %dma_start3A_273 = tpu.memref_squeeze %dma_start3A_272 : memref<1x50xi32, #tpu.memory_space<vmem>> -> memref<50xi32, #tpu.memory_space<vmem>>
        %dma_start3A_274 = arith.constant 0 : i32
        %dma_start3A_275 = arith.constant 0 : i32
        %dma_start3A_276 = tpu.memref_slice %arg13[%dma_start3A_274, %dma_start3A_275] : memref<10008x128xf32, #tpu.memory_space<vmem_shared>> -> memref<10008x128xf32, #tpu.memory_space<vmem_shared>>
        tpu.enqueue_indirect_dma source(%dma_start3A_270 : memref<50x128xf32, #tpu.memory_space<vmem>>) target(%dma_start3A_276 : memref<10008x128xf32, #tpu.memory_space<vmem_shared>>) offsets(%dma_start3A_273 : memref<50xi32, #tpu.memory_space<vmem>>) semaphore(%arg18 : memref<!tpu.dma_semaphore, #tpu.memory_space<semaphore_mem>>) {add = true}
      }
      %scan3A_110 = arith.constant 10 : i32
    }
    %scan3A_7 = arith.constant 5 : i32
    %dma_wait3A = arith.constant 0 : i32
    %dma_wait3A_8 = arith.constant 0 : i32
    %dma_wait3A_9 = arith.constant 0 : i32
    %dma_wait3A_10 = tpu.memref_slice %arg12[%dma_wait3A_8, %dma_wait3A_9] : memref<100x128xf32, #tpu.memory_space<vmem>> -> memref<50x128xf32, #tpu.memory_space<vmem>>
    %dma_wait3A_11 = arith.constant 0 : i32
    %dma_wait3A_12 = tpu.memref_slice %arg9[%dma_wait3A, %dma_wait3A_11] : memref<40x50xi32, #tpu.memory_space<vmem>> -> memref<1x50xi32, #tpu.memory_space<vmem>>
    %dma_wait3A_13 = tpu.memref_squeeze %dma_wait3A_12 : memref<1x50xi32, #tpu.memory_space<vmem>> -> memref<50xi32, #tpu.memory_space<vmem>>
    %dma_wait3A_14 = arith.constant 0 : i32
    %dma_wait3A_15 = arith.constant 0 : i32
    %dma_wait3A_16 = tpu.memref_slice %arg13[%dma_wait3A_14, %dma_wait3A_15] : memref<10008x128xf32, #tpu.memory_space<vmem_shared>> -> memref<10008x128xf32, #tpu.memory_space<vmem_shared>>
    tpu.wait_indirect_dma semaphore(%arg18 : memref<!tpu.dma_semaphore, #tpu.memory_space<semaphore_mem>>) src(%dma_wait3A_10 : memref<50x128xf32, #tpu.memory_space<vmem>>) dst(%dma_wait3A_16 : memref<10008x128xf32, #tpu.memory_space<vmem_shared>>)
    %dma_wait3A_17 = arith.constant 1 : i32
    %dma_wait3A_18 = arith.constant 50 : i32
    %dma_wait3A_19 = arith.constant 0 : i32
    %dma_wait3A_20 = tpu.memref_slice %arg12[%dma_wait3A_18, %dma_wait3A_19] : memref<100x128xf32, #tpu.memory_space<vmem>> -> memref<50x128xf32, #tpu.memory_space<vmem>>
    %dma_wait3A_21 = arith.constant 0 : i32
    %dma_wait3A_22 = tpu.memref_slice %arg9[%dma_wait3A_17, %dma_wait3A_21] : memref<40x50xi32, #tpu.memory_space<vmem>> -> memref<1x50xi32, #tpu.memory_space<vmem>>
    %dma_wait3A_23 = tpu.memref_squeeze %dma_wait3A_22 : memref<1x50xi32, #tpu.memory_space<vmem>> -> memref<50xi32, #tpu.memory_space<vmem>>
    %dma_wait3A_24 = arith.constant 0 : i32
    %dma_wait3A_25 = arith.constant 0 : i32
    %dma_wait3A_26 = tpu.memref_slice %arg13[%dma_wait3A_24, %dma_wait3A_25] : memref<10008x128xf32, #tpu.memory_space<vmem_shared>> -> memref<10008x128xf32, #tpu.memory_space<vmem_shared>>
    tpu.wait_indirect_dma semaphore(%arg18 : memref<!tpu.dma_semaphore, #tpu.memory_space<semaphore_mem>>) src(%dma_wait3A_20 : memref<50x128xf32, #tpu.memory_space<vmem>>) dst(%dma_wait3A_26 : memref<10008x128xf32, #tpu.memory_space<vmem_shared>>)
    %barrier3A_27 = arith.constant 0 : index
    tpu.barrier barrier_id(%barrier3A_27)
    %eq3A_28 = arith.constant 0 : i32
    %eq3A_29 = arith.cmpi eq, %arg1, %eq3A_28 : i32
    %convert_element_type3A_30 = arith.extui %eq3A_29 : i1 to i32
    %cond3A_31 = arith.constant 0 : i32
    %cond3A_32 = arith.cmpi ne, %convert_element_type3A_30, %cond3A_31 : i32
    scf.if %cond3A_32 {
      "tpu.region"() ({
        %run_scoped3A = tpu.sem_alloc : memref<!tpu.dma_semaphore, #tpu.memory_space<semaphore_mem>>
        %dma_start3A = arith.constant 0 : i32
        %dma_start3A_33 = arith.constant 0 : i32
        %dma_start3A_34 = tpu.memref_slice %arg7[%arg0, %dma_start3A, %dma_start3A_33] : memref<2x10008x128xf32, #tpu.memory_space<hbm>> -> memref<1x10008x128xf32, #tpu.memory_space<hbm>>
        %dma_start3A_35 = tpu.memref_squeeze %dma_start3A_34 : memref<1x10008x128xf32, #tpu.memory_space<hbm>> -> memref<10008x128xf32, #tpu.memory_space<hbm>>
        tpu.enqueue_dma source(%arg13 : memref<10008x128xf32, #tpu.memory_space<vmem_shared>>) target(%dma_start3A_35 : memref<10008x128xf32, #tpu.memory_space<hbm>>) target_semaphore(%run_scoped3A : memref<!tpu.dma_semaphore, #tpu.memory_space<semaphore_mem>>)
        %dma_wait3A_36 = arith.constant 0 : i32
        %dma_wait3A_37 = arith.constant 0 : i32
        %dma_wait3A_38 = tpu.memref_slice %arg7[%arg0, %dma_wait3A_36, %dma_wait3A_37] : memref<2x10008x128xf32, #tpu.memory_space<hbm>> -> memref<1x10008x128xf32, #tpu.memory_space<hbm>>
        %dma_wait3A_39 = tpu.memref_squeeze %dma_wait3A_38 : memref<1x10008x128xf32, #tpu.memory_space<hbm>> -> memref<10008x128xf32, #tpu.memory_space<hbm>>
        tpu.wait_dma2 semaphore(%run_scoped3A : memref<!tpu.dma_semaphore, #tpu.memory_space<semaphore_mem>>) src(%arg13 : memref<10008x128xf32, #tpu.memory_space<vmem_shared>>) dst(%dma_wait3A_39 : memref<10008x128xf32, #tpu.memory_space<hbm>>)
        tpu.yield
      }) : () -> ()
    } else {
    }
    return
  }
}

#map = affine_map<(d0, d1) -> (0)>
#map1 = affine_map<(d0, d1) -> (0, 0)>
module attributes {stable_mosaic.version = 14 : i64} {
  func.func @kern(%arg0: i32, %arg1: i32, %arg2: memref<320000xi32, #tpu.memory_space<hbm>>, %arg3: memref<320000xi32, #tpu.memory_space<hbm>>, %arg4: memref<32x10008xf32, #tpu.memory_space<hbm>>, %arg5: memref<2000xi32, #tpu.memory_space<vmem>>, %arg6: memref<2000xi32, #tpu.memory_space<vmem>>, %arg7: memref<10008xf32, #tpu.memory_space<vmem>>) attributes {dimension_semantics = [#tpu.dimension_semantics<core_parallel>, #tpu.dimension_semantics<subcore_parallel>], iteration_bounds = array<i64: 2, 16>, scalar_prefetch = 0 : i64, scratch_operands = 3 : i64, tpu.core_type = #tpu.core_type<sc_vector_subcore>, window_params = [{transform_indices = #map}, {transform_indices = #map}, {transform_indices = #map1}]} {
    %mul3A = arith.constant 2 : i32
    %mul3A_0 = arith.muli %arg1, %mul3A : i32
    %add3A = arith.addi %mul3A_0, %arg0 : i32
    %iota3A = tpu.iota {dimensions = array<i32: 0>} : vector<16xi32>
    %broadcast_in_dim3A = arith.constant 0.000000e+00 : f32
    %broadcast_in_dim3A_1 = vector.broadcast %broadcast_in_dim3A : f32 to vector<16xf32>
    %broadcast_in_dim3A_2 = arith.constant 1.000000e+00 : f32
    %broadcast_in_dim3A_3 = vector.broadcast %broadcast_in_dim3A_2 : f32 to vector<16xf32>
    %scan3A = arith.constant 0 : i32
    %scan3A_4 = arith.constant 0 : i32
    %scan3A_5 = arith.constant 625 : i32
    %scan3A_6 = arith.addi %scan3A_4, %scan3A_5 : i32
    %scan3A_7 = arith.constant 1 : i32
    scf.for %scan3A_15 = %scan3A_4 to %scan3A_6 step %scan3A_7  : i32 {
      %mul3A_16 = arith.constant 16 : i32
      %mul3A_17 = arith.muli %scan3A_15, %mul3A_16 : i32
      %swap3A = arith.index_cast %mul3A_17 : i32 to index
      %swap3A_18 = tpu.vector_load %arg7[%swap3A] {strides = array<i32>} : memref<10008xf32, #tpu.memory_space<vmem>>, vector<16xf32>,
      tpu.vector_store %arg7[%swap3A], %broadcast_in_dim3A_1 {strides = array<i32>} : memref<10008xf32, #tpu.memory_space<vmem>>, vector<16xf32>,
    }
    %scan3A_8 = arith.constant 625 : i32
    %scan3A_9 = arith.constant 0 : i32
    %scan3A_10 = arith.constant 0 : i32
    %scan3A_11 = arith.constant 5 : i32
    %scan3A_12 = arith.addi %scan3A_10, %scan3A_11 : i32
    %scan3A_13 = arith.constant 1 : i32
    scf.for %scan3A_15 = %scan3A_10 to %scan3A_12 step %scan3A_13  : i32 {
      %mul3A_16 = arith.constant 10000 : i32
      %mul3A_17 = arith.muli %add3A, %mul3A_16 : i32
      %mul3A_18 = arith.constant 2000 : i32
      %mul3A_19 = arith.muli %scan3A_15, %mul3A_18 : i32
      %add3A_20 = arith.addi %mul3A_17, %mul3A_19 : i32
      "tpu.region"() ({
        %run_scoped3A = tpu.sem_alloc : memref<!tpu.dma_semaphore, #tpu.memory_space<semaphore_mem>>
        %dma_start3A = tpu.memref_slice %arg2[%add3A_20] : memref<320000xi32, #tpu.memory_space<hbm>> -> memref<2000xi32, #tpu.memory_space<hbm>>
        %dma_start3A_27 = tpu.memref_slice %arg2[%add3A_20] : memref<320000xi32, #tpu.memory_space<hbm>> -> memref<2000xi32, #tpu.memory_space<hbm>>
        tpu.enqueue_dma source(%dma_start3A_27 : memref<2000xi32, #tpu.memory_space<hbm>>) target(%arg5 : memref<2000xi32, #tpu.memory_space<vmem>>) target_semaphore(%run_scoped3A : memref<!tpu.dma_semaphore, #tpu.memory_space<semaphore_mem>>)
        %dma_wait3A = tpu.memref_slice %arg2[%add3A_20] : memref<320000xi32, #tpu.memory_space<hbm>> -> memref<2000xi32, #tpu.memory_space<hbm>>
        %dma_wait3A_28 = tpu.memref_slice %arg2[%add3A_20] : memref<320000xi32, #tpu.memory_space<hbm>> -> memref<2000xi32, #tpu.memory_space<hbm>>
        tpu.wait_dma2 semaphore(%run_scoped3A : memref<!tpu.dma_semaphore, #tpu.memory_space<semaphore_mem>>) src(%dma_wait3A_28 : memref<2000xi32, #tpu.memory_space<hbm>>) dst(%arg5 : memref<2000xi32, #tpu.memory_space<vmem>>)
        tpu.yield
      }) : () -> ()
      "tpu.region"() ({
        %run_scoped3A = tpu.sem_alloc : memref<!tpu.dma_semaphore, #tpu.memory_space<semaphore_mem>>
        %dma_start3A = tpu.memref_slice %arg3[%add3A_20] : memref<320000xi32, #tpu.memory_space<hbm>> -> memref<2000xi32, #tpu.memory_space<hbm>>
        %dma_start3A_27 = tpu.memref_slice %arg3[%add3A_20] : memref<320000xi32, #tpu.memory_space<hbm>> -> memref<2000xi32, #tpu.memory_space<hbm>>
        tpu.enqueue_dma source(%dma_start3A_27 : memref<2000xi32, #tpu.memory_space<hbm>>) target(%arg6 : memref<2000xi32, #tpu.memory_space<vmem>>) target_semaphore(%run_scoped3A : memref<!tpu.dma_semaphore, #tpu.memory_space<semaphore_mem>>)
        %dma_wait3A = tpu.memref_slice %arg3[%add3A_20] : memref<320000xi32, #tpu.memory_space<hbm>> -> memref<2000xi32, #tpu.memory_space<hbm>>
        %dma_wait3A_28 = tpu.memref_slice %arg3[%add3A_20] : memref<320000xi32, #tpu.memory_space<hbm>> -> memref<2000xi32, #tpu.memory_space<hbm>>
        tpu.wait_dma2 semaphore(%run_scoped3A : memref<!tpu.dma_semaphore, #tpu.memory_space<semaphore_mem>>) src(%dma_wait3A_28 : memref<2000xi32, #tpu.memory_space<hbm>>) dst(%arg6 : memref<2000xi32, #tpu.memory_space<vmem>>)
        tpu.yield
      }) : () -> ()
      %scan3A_21 = arith.constant 0 : i32
      %scan3A_22 = arith.constant 0 : i32
      %scan3A_23 = arith.constant 125 : i32
      %scan3A_24 = arith.addi %scan3A_22, %scan3A_23 : i32
      %scan3A_25 = arith.constant 1 : i32
      scf.for %scan3A_27 = %scan3A_22 to %scan3A_24 step %scan3A_25  : i32 {
        %mul3A_28 = arith.constant 16 : i32
        %mul3A_29 = arith.muli %scan3A_27, %mul3A_28 : i32
        %get3A = arith.index_cast %mul3A_29 : i32 to index
        %get3A_30 = tpu.vector_load %arg5[%get3A] {strides = array<i32>} : memref<2000xi32, #tpu.memory_space<vmem>>, vector<16xi32>,
        %mul3A_31 = arith.constant 16 : i32
        %mul3A_32 = arith.muli %scan3A_27, %mul3A_31 : i32
        %get3A_33 = arith.index_cast %mul3A_32 : i32 to index
        %get3A_34 = tpu.vector_load %arg6[%get3A_33] {strides = array<i32>} : memref<2000xi32, #tpu.memory_space<vmem>>, vector<16xi32>,
        %eq3A = arith.cmpi eq, %get3A_30, %get3A_34 : vector<16xi32>
        %jit3A = arith.constant 10000 : i32
        %broadcast_in_dim3A_35 = vector.broadcast %jit3A : i32 to vector<16xi32>
        %select_n3A = arith.select %eq3A, %broadcast_in_dim3A_35, %get3A_30 : vector<16xi1>, vector<16xi32>
        %eq3A_36 = arith.constant 0 : i32
        %eq3A_37 = vector.broadcast %eq3A_36 : i32 to vector<16xi32>
        %eq3A_38 = arith.cmpi eq, %iota3A, %eq3A_37 : vector<16xi32>
        tpu.vector_store_idx %arg7[%select_n3A], %broadcast_in_dim3A_3 masked %eq3A_38 {add = true} : memref<10008xf32, #tpu.memory_space<vmem>>[vector<16xi32>], vector<16xf32>, vector<16xi1>
        %eq3A_39 = arith.constant 1 : i32
        %eq3A_40 = vector.broadcast %eq3A_39 : i32 to vector<16xi32>
        %eq3A_41 = arith.cmpi eq, %iota3A, %eq3A_40 : vector<16xi32>
        tpu.vector_store_idx %arg7[%select_n3A], %broadcast_in_dim3A_3 masked %eq3A_41 {add = true} : memref<10008xf32, #tpu.memory_space<vmem>>[vector<16xi32>], vector<16xf32>, vector<16xi1>
        %eq3A_42 = arith.constant 2 : i32
        %eq3A_43 = vector.broadcast %eq3A_42 : i32 to vector<16xi32>
        %eq3A_44 = arith.cmpi eq, %iota3A, %eq3A_43 : vector<16xi32>
        tpu.vector_store_idx %arg7[%select_n3A], %broadcast_in_dim3A_3 masked %eq3A_44 {add = true} : memref<10008xf32, #tpu.memory_space<vmem>>[vector<16xi32>], vector<16xf32>, vector<16xi1>
        %eq3A_45 = arith.constant 3 : i32
        %eq3A_46 = vector.broadcast %eq3A_45 : i32 to vector<16xi32>
        %eq3A_47 = arith.cmpi eq, %iota3A, %eq3A_46 : vector<16xi32>
        tpu.vector_store_idx %arg7[%select_n3A], %broadcast_in_dim3A_3 masked %eq3A_47 {add = true} : memref<10008xf32, #tpu.memory_space<vmem>>[vector<16xi32>], vector<16xf32>, vector<16xi1>
        %eq3A_48 = arith.constant 4 : i32
        %eq3A_49 = vector.broadcast %eq3A_48 : i32 to vector<16xi32>
        %eq3A_50 = arith.cmpi eq, %iota3A, %eq3A_49 : vector<16xi32>
        tpu.vector_store_idx %arg7[%select_n3A], %broadcast_in_dim3A_3 masked %eq3A_50 {add = true} : memref<10008xf32, #tpu.memory_space<vmem>>[vector<16xi32>], vector<16xf32>, vector<16xi1>
        %eq3A_51 = arith.constant 5 : i32
        %eq3A_52 = vector.broadcast %eq3A_51 : i32 to vector<16xi32>
        %eq3A_53 = arith.cmpi eq, %iota3A, %eq3A_52 : vector<16xi32>
        tpu.vector_store_idx %arg7[%select_n3A], %broadcast_in_dim3A_3 masked %eq3A_53 {add = true} : memref<10008xf32, #tpu.memory_space<vmem>>[vector<16xi32>], vector<16xf32>, vector<16xi1>
        %eq3A_54 = arith.constant 6 : i32
        %eq3A_55 = vector.broadcast %eq3A_54 : i32 to vector<16xi32>
        %eq3A_56 = arith.cmpi eq, %iota3A, %eq3A_55 : vector<16xi32>
        tpu.vector_store_idx %arg7[%select_n3A], %broadcast_in_dim3A_3 masked %eq3A_56 {add = true} : memref<10008xf32, #tpu.memory_space<vmem>>[vector<16xi32>], vector<16xf32>, vector<16xi1>
        %eq3A_57 = arith.constant 7 : i32
        %eq3A_58 = vector.broadcast %eq3A_57 : i32 to vector<16xi32>
        %eq3A_59 = arith.cmpi eq, %iota3A, %eq3A_58 : vector<16xi32>
        tpu.vector_store_idx %arg7[%select_n3A], %broadcast_in_dim3A_3 masked %eq3A_59 {add = true} : memref<10008xf32, #tpu.memory_space<vmem>>[vector<16xi32>], vector<16xf32>, vector<16xi1>
        %eq3A_60 = arith.constant 8 : i32
        %eq3A_61 = vector.broadcast %eq3A_60 : i32 to vector<16xi32>
        %eq3A_62 = arith.cmpi eq, %iota3A, %eq3A_61 : vector<16xi32>
        tpu.vector_store_idx %arg7[%select_n3A], %broadcast_in_dim3A_3 masked %eq3A_62 {add = true} : memref<10008xf32, #tpu.memory_space<vmem>>[vector<16xi32>], vector<16xf32>, vector<16xi1>
        %eq3A_63 = arith.constant 9 : i32
        %eq3A_64 = vector.broadcast %eq3A_63 : i32 to vector<16xi32>
        %eq3A_65 = arith.cmpi eq, %iota3A, %eq3A_64 : vector<16xi32>
        tpu.vector_store_idx %arg7[%select_n3A], %broadcast_in_dim3A_3 masked %eq3A_65 {add = true} : memref<10008xf32, #tpu.memory_space<vmem>>[vector<16xi32>], vector<16xf32>, vector<16xi1>
        %eq3A_66 = arith.constant 10 : i32
        %eq3A_67 = vector.broadcast %eq3A_66 : i32 to vector<16xi32>
        %eq3A_68 = arith.cmpi eq, %iota3A, %eq3A_67 : vector<16xi32>
        tpu.vector_store_idx %arg7[%select_n3A], %broadcast_in_dim3A_3 masked %eq3A_68 {add = true} : memref<10008xf32, #tpu.memory_space<vmem>>[vector<16xi32>], vector<16xf32>, vector<16xi1>
        %eq3A_69 = arith.constant 11 : i32
        %eq3A_70 = vector.broadcast %eq3A_69 : i32 to vector<16xi32>
        %eq3A_71 = arith.cmpi eq, %iota3A, %eq3A_70 : vector<16xi32>
        tpu.vector_store_idx %arg7[%select_n3A], %broadcast_in_dim3A_3 masked %eq3A_71 {add = true} : memref<10008xf32, #tpu.memory_space<vmem>>[vector<16xi32>], vector<16xf32>, vector<16xi1>
        %eq3A_72 = arith.constant 12 : i32
        %eq3A_73 = vector.broadcast %eq3A_72 : i32 to vector<16xi32>
        %eq3A_74 = arith.cmpi eq, %iota3A, %eq3A_73 : vector<16xi32>
        tpu.vector_store_idx %arg7[%select_n3A], %broadcast_in_dim3A_3 masked %eq3A_74 {add = true} : memref<10008xf32, #tpu.memory_space<vmem>>[vector<16xi32>], vector<16xf32>, vector<16xi1>
        %eq3A_75 = arith.constant 13 : i32
        %eq3A_76 = vector.broadcast %eq3A_75 : i32 to vector<16xi32>
        %eq3A_77 = arith.cmpi eq, %iota3A, %eq3A_76 : vector<16xi32>
        tpu.vector_store_idx %arg7[%select_n3A], %broadcast_in_dim3A_3 masked %eq3A_77 {add = true} : memref<10008xf32, #tpu.memory_space<vmem>>[vector<16xi32>], vector<16xf32>, vector<16xi1>
        %eq3A_78 = arith.constant 14 : i32
        %eq3A_79 = vector.broadcast %eq3A_78 : i32 to vector<16xi32>
        %eq3A_80 = arith.cmpi eq, %iota3A, %eq3A_79 : vector<16xi32>
        tpu.vector_store_idx %arg7[%select_n3A], %broadcast_in_dim3A_3 masked %eq3A_80 {add = true} : memref<10008xf32, #tpu.memory_space<vmem>>[vector<16xi32>], vector<16xf32>, vector<16xi1>
        %eq3A_81 = arith.constant 15 : i32
        %eq3A_82 = vector.broadcast %eq3A_81 : i32 to vector<16xi32>
        %eq3A_83 = arith.cmpi eq, %iota3A, %eq3A_82 : vector<16xi32>
        tpu.vector_store_idx %arg7[%select_n3A], %broadcast_in_dim3A_3 masked %eq3A_83 {add = true} : memref<10008xf32, #tpu.memory_space<vmem>>[vector<16xi32>], vector<16xf32>, vector<16xi1>
      }
      %scan3A_26 = arith.constant 125 : i32
    }
    %scan3A_14 = arith.constant 5 : i32
    "tpu.region"() ({
      %run_scoped3A = tpu.sem_alloc : memref<!tpu.dma_semaphore, #tpu.memory_space<semaphore_mem>>
      %dma_start3A = arith.constant 0 : i32
      %dma_start3A_15 = tpu.memref_slice %arg4[%add3A, %dma_start3A] : memref<32x10008xf32, #tpu.memory_space<hbm>> -> memref<1x10008xf32, #tpu.memory_space<hbm>>
      %dma_start3A_16 = tpu.memref_squeeze %dma_start3A_15 : memref<1x10008xf32, #tpu.memory_space<hbm>> -> memref<10008xf32, #tpu.memory_space<hbm>>
      %dma_start3A_17 = arith.constant 0 : i32
      %dma_start3A_18 = tpu.memref_slice %arg4[%add3A, %dma_start3A_17] : memref<32x10008xf32, #tpu.memory_space<hbm>> -> memref<1x10008xf32, #tpu.memory_space<hbm>>
      %dma_start3A_19 = tpu.memref_squeeze %dma_start3A_18 : memref<1x10008xf32, #tpu.memory_space<hbm>> -> memref<10008xf32, #tpu.memory_space<hbm>>
      tpu.enqueue_dma source(%arg7 : memref<10008xf32, #tpu.memory_space<vmem>>) target(%dma_start3A_19 : memref<10008xf32, #tpu.memory_space<hbm>>) target_semaphore(%run_scoped3A : memref<!tpu.dma_semaphore, #tpu.memory_space<semaphore_mem>>)
      %dma_wait3A = arith.constant 0 : i32
      %dma_wait3A_20 = tpu.memref_slice %arg4[%add3A, %dma_wait3A] : memref<32x10008xf32, #tpu.memory_space<hbm>> -> memref<1x10008xf32, #tpu.memory_space<hbm>>
      %dma_wait3A_21 = tpu.memref_squeeze %dma_wait3A_20 : memref<1x10008xf32, #tpu.memory_space<hbm>> -> memref<10008xf32, #tpu.memory_space<hbm>>
      %dma_wait3A_22 = arith.constant 0 : i32
      %dma_wait3A_23 = tpu.memref_slice %arg4[%add3A, %dma_wait3A_22] : memref<32x10008xf32, #tpu.memory_space<hbm>> -> memref<1x10008xf32, #tpu.memory_space<hbm>>
      %dma_wait3A_24 = tpu.memref_squeeze %dma_wait3A_23 : memref<1x10008xf32, #tpu.memory_space<hbm>> -> memref<10008xf32, #tpu.memory_space<hbm>>
      tpu.wait_dma2 semaphore(%run_scoped3A : memref<!tpu.dma_semaphore, #tpu.memory_space<semaphore_mem>>) src(%arg7 : memref<10008xf32, #tpu.memory_space<vmem>>) dst(%dma_wait3A_24 : memref<10008xf32, #tpu.memory_space<hbm>>)
      tpu.yield
    }) : () -> ()
    return
  }
}

module attributes {stable_mosaic.version = 14 : i64} {
  func.func @_tc1_body(%arg0: memref<10000x128xf32, #tpu.memory_space<vmem>>, %arg1: memref<128x128xf32, #tpu.memory_space<vmem>>, %arg2: memref<128x4xf32, #tpu.memory_space<vmem>>, %arg3: memref<128x4xf32, #tpu.memory_space<vmem>>, %arg4: memref<10000x128xf32, #tpu.memory_space<vmem>>, %arg5: memref<10008x8xf32, #tpu.memory_space<vmem>>, %arg6: memref<8x10008xf32, #tpu.memory_space<vmem>>, %arg7: memref<16xf32, #tpu.memory_space<vmem>>) attributes {dimension_semantics = [], scalar_prefetch = 0 : i64, scratch_operands = 0 : i64, tpu.core_type = #tpu.core_type<tc>} {
    %get3A = arith.constant 0 : index
    %get3A_0 = arith.constant 0 : index
    %get3A_1 = vector.load %arg0[%get3A, %get3A_0] : memref<10000x128xf32, #tpu.memory_space<vmem>>, vector<10000x128xf32>
    %get3A_2 = arith.constant 0 : index
    %get3A_3 = arith.constant 0 : index
    %get3A_4 = vector.load %arg1[%get3A_2, %get3A_3] : memref<128x128xf32, #tpu.memory_space<vmem>>, vector<128x128xf32>
    %dot_general3A = arith.constant dense<0.000000e+00> : vector<10000x128xf32>
    %dot_general3A_5 = tpu.matmul %get3A_1, %get3A_4, %dot_general3A {dimension_numbers = #tpu.dot_dimension_numbers<[1], [0], [0], [1], [0, 0, 1, 1], [], []>, transpose_lhs_hint = false} : vector<10000x128xf32>, vector<128x128xf32>, vector<10000x128xf32> -> vector<10000x128xf32>
    %swap3A = arith.constant 0 : index
    %swap3A_6 = arith.constant 0 : index
    %swap3A_7 = vector.load %arg4[%swap3A, %swap3A_6] : memref<10000x128xf32, #tpu.memory_space<vmem>>, vector<10000x128xf32>
    tpu.vector_store %arg4[%swap3A, %swap3A_6], %dot_general3A_5 {strides = array<i32>} : memref<10000x128xf32, #tpu.memory_space<vmem>>, vector<10000x128xf32>,
    %get3A_8 = arith.constant 0 : index
    %get3A_9 = arith.constant 0 : index
    %get3A_10 = vector.load %arg2[%get3A_8, %get3A_9] : memref<128x4xf32, #tpu.memory_space<vmem>>, vector<128x4xf32>
    %dot_general3A_11 = arith.constant dense<0.000000e+00> : vector<10000x4xf32>
    %dot_general3A_12 = tpu.matmul %dot_general3A_5, %get3A_10, %dot_general3A_11 {dimension_numbers = #tpu.dot_dimension_numbers<[1], [0], [0], [1], [0, 0, 1, 1], [], []>, transpose_lhs_hint = false} : vector<10000x128xf32>, vector<128x4xf32>, vector<10000x4xf32> -> vector<10000x4xf32>
    %get3A_13 = arith.constant 0 : index
    %get3A_14 = arith.constant 0 : index
    %get3A_15 = vector.load %arg3[%get3A_13, %get3A_14] : memref<128x4xf32, #tpu.memory_space<vmem>>, vector<128x4xf32>
    %dot_general3A_16 = arith.constant dense<0.000000e+00> : vector<10000x4xf32>
    %dot_general3A_17 = tpu.matmul %dot_general3A_5, %get3A_15, %dot_general3A_16 {dimension_numbers = #tpu.dot_dimension_numbers<[1], [0], [0], [1], [0, 0, 1, 1], [], []>, transpose_lhs_hint = false} : vector<10000x128xf32>, vector<128x4xf32>, vector<10000x4xf32> -> vector<10000x4xf32>
    %reduce_max3A = arith.constant dense<0xFF800000> : vector<4xf32>
    %reduce_max3A_18 = vector.multi_reduction <maximumf>, %dot_general3A_12, %reduce_max3A [0] : vector<10000x4xf32> to vector<4xf32>
    %reduce_max3A_19 = arith.constant dense<0xFF800000> : vector<4xf32>
    %reduce_max3A_20 = vector.multi_reduction <maximumf>, %dot_general3A_17, %reduce_max3A_19 [0] : vector<10000x4xf32> to vector<4xf32>
    %add3A = arith.addf %reduce_max3A_18, %reduce_max3A_20 : vector<4xf32>
    %concatenate3A = tpu.concatenate %add3A, %add3A, %add3A, %add3A in 0 : vector<4xf32>, vector<4xf32>, vector<4xf32>, vector<4xf32> -> vector<16xf32>
    %swap3A_21 = arith.constant 0 : index
    %swap3A_22 = vector.load %arg7[%swap3A_21] : memref<16xf32, #tpu.memory_space<vmem>>, vector<16xf32>
    tpu.vector_store %arg7[%swap3A_21], %concatenate3A {strides = array<i32>} : memref<16xf32, #tpu.memory_space<vmem>>, vector<16xf32>,
    %concatenate3A_23 = tpu.concatenate %dot_general3A_17, %dot_general3A_12 in 1 : vector<10000x4xf32>, vector<10000x4xf32> -> vector<10000x8xf32>
    %broadcast_in_dim3A = arith.constant 0.000000e+00 : f32
    %broadcast_in_dim3A_24 = vector.broadcast %broadcast_in_dim3A : f32 to vector<8x8xf32>
    %concatenate3A_25 = tpu.concatenate %concatenate3A_23, %broadcast_in_dim3A_24 in 0 : vector<10000x8xf32>, vector<8x8xf32> -> vector<10008x8xf32>
    %swap3A_26 = arith.constant 0 : index
    %swap3A_27 = arith.constant 0 : index
    %swap3A_28 = vector.load %arg5[%swap3A_26, %swap3A_27] : memref<10008x8xf32, #tpu.memory_space<vmem>>, vector<10008x8xf32>
    tpu.vector_store %arg5[%swap3A_26, %swap3A_27], %concatenate3A_25 {strides = array<i32>} : memref<10008x8xf32, #tpu.memory_space<vmem>>, vector<10008x8xf32>,
    %transpose3A = tpu.transpose %concatenate3A_25, [1, 0] : vector<10008x8xf32> -> vector<8x10008xf32>
    %swap3A_29 = arith.constant 0 : index
    %swap3A_30 = arith.constant 0 : index
    %swap3A_31 = vector.load %arg6[%swap3A_29, %swap3A_30] : memref<8x10008xf32, #tpu.memory_space<vmem>>, vector<8x10008xf32>
    tpu.vector_store %arg6[%swap3A_29, %swap3A_30], %transpose3A {strides = array<i32>} : memref<8x10008xf32, #tpu.memory_space<vmem>>, vector<8x10008xf32>,
    return
  }
}

module attributes {stable_mosaic.version = 14 : i64} {
  func.func @_tc3_body(%arg0: memref<10000x128xf32, #tpu.memory_space<vmem>>, %arg1: memref<8x10008xf32, #tpu.memory_space<vmem>>, %arg2: memref<16xf32, #tpu.memory_space<vmem>>, %arg3: memref<32x4x10008xf32, #tpu.memory_space<vmem>>, %arg4: memref<32x10008xf32, #tpu.memory_space<vmem>>, %arg5: memref<4x10008xf32, #tpu.memory_space<vmem>>, %arg6: memref<10008x128xf32, #tpu.memory_space<vmem>>, %arg7: memref<10000x128xf32, #tpu.memory_space<vmem>>) attributes {dimension_semantics = [], scalar_prefetch = 0 : i64, scratch_operands = 0 : i64, tpu.core_type = #tpu.core_type<tc>} {
    %get3A = arith.constant 0 : index
    %get3A_0 = arith.constant 0 : index
    %get3A_1 = vector.load %arg4[%get3A, %get3A_0] : memref<32x10008xf32, #tpu.memory_space<vmem>>, vector<32x10008xf32>
    %reduce_sum3A = arith.constant dense<0.000000e+00> : vector<10008xf32>
    %reduce_sum3A_2 = vector.multi_reduction <add>, %get3A_1, %reduce_sum3A [0] : vector<32x10008xf32> to vector<10008xf32>
    %broadcast_in_dim3A = vector.shape_cast %reduce_sum3A_2 : vector<10008xf32> to vector<1x10008xf32>
    %iota3A = tpu.iota {dimensions = array<i32: 1>} : vector<1x10008xi32>
    %lt3A = arith.constant 10000 : i32
    %lt3A_3 = vector.broadcast %lt3A : i32 to vector<1x10008xi32>
    %lt3A_4 = arith.cmpi slt, %iota3A, %lt3A_3 : vector<1x10008xi32>
    %jit3A = arith.constant 1.000000e+00 : f32
    %jit3A_5 = arith.constant 0.000000e+00 : f32
    %broadcast_in_dim3A_6 = vector.broadcast %jit3A : f32 to vector<1x10008xf32>
    %broadcast_in_dim3A_7 = vector.broadcast %jit3A_5 : f32 to vector<1x10008xf32>
    %select_n3A = arith.select %lt3A_4, %broadcast_in_dim3A_6, %broadcast_in_dim3A_7 : vector<1x10008xi1>, vector<1x10008xf32>
    %add3A = arith.addf %broadcast_in_dim3A, %select_n3A : vector<1x10008xf32>
    %gt3A = arith.constant 0.000000e+00 : f32
    %gt3A_8 = vector.broadcast %gt3A : f32 to vector<1x10008xf32>
    %gt3A_9 = arith.cmpf ogt, %add3A, %gt3A_8 : vector<1x10008xf32>
    %rsqrt3A = math.rsqrt %add3A : vector<1x10008xf32>
    %jit3A_10 = arith.constant 0.000000e+00 : f32
    %broadcast_in_dim3A_11 = vector.broadcast %jit3A_10 : f32 to vector<1x10008xf32>
    %select_n3A_12 = arith.select %gt3A_9, %rsqrt3A, %broadcast_in_dim3A_11 : vector<1x10008xi1>, vector<1x10008xf32>
    %get3A_13 = arith.constant 0 : index
    %get3A_14 = arith.constant 0 : index
    %get3A_15 = vector.load %arg1[%get3A_13, %get3A_14] : memref<8x10008xf32, #tpu.memory_space<vmem>>, vector<4x10008xf32>
    %get3A_16 = arith.constant 4 : index
    %get3A_17 = arith.constant 0 : index
    %get3A_18 = vector.load %arg1[%get3A_16, %get3A_17] : memref<8x10008xf32, #tpu.memory_space<vmem>>, vector<4x10008xf32>
    %add3A_19 = arith.addf %get3A_15, %get3A_18 : vector<4x10008xf32>
    %mul3A = arith.constant 2.000000e-01 : f32
    %mul3A_20 = vector.broadcast %mul3A : f32 to vector<4x10008xf32>
    %mul3A_21 = arith.mulf %mul3A_20, %add3A_19 : vector<4x10008xf32>
    %max3A = arith.maximumf %add3A_19, %mul3A_21 : vector<4x10008xf32>
    %get3A_22 = arith.constant 0 : index
    %get3A_23 = vector.load %arg2[%get3A_22] : memref<16xf32, #tpu.memory_space<vmem>>, vector<16xf32>
    %slice3A = vector.extract_strided_slice %get3A_23 {offsets = [0], sizes = [4], strides = [1]} : vector<16xf32> to vector<4xf32>
    %reshape3A = vector.shape_cast %slice3A : vector<4xf32> to vector<4x1xf32>
    %sub3A = vector.broadcast %reshape3A : vector<4x1xf32> to vector<4x10008xf32>
    %sub3A_24 = arith.subf %max3A, %sub3A : vector<4x10008xf32>
    %exp3A = math.exp %sub3A_24 : vector<4x10008xf32>
    %get3A_25 = arith.constant 0 : index
    %get3A_26 = arith.constant 0 : index
    %get3A_27 = arith.constant 0 : index
    %get3A_28 = vector.load %arg3[%get3A_25, %get3A_26, %get3A_27] : memref<32x4x10008xf32, #tpu.memory_space<vmem>>, vector<32x4x10008xf32>
    %reduce_sum3A_29 = arith.constant dense<0.000000e+00> : vector<4x10008xf32>
    %reduce_sum3A_30 = vector.multi_reduction <add>, %get3A_28, %reduce_sum3A_29 [0] : vector<32x4x10008xf32> to vector<4x10008xf32>
    %add3A_31 = arith.addf %reduce_sum3A_30, %exp3A : vector<4x10008xf32>
    %add3A_32 = arith.constant 1.000000e-16 : f32
    %add3A_33 = vector.broadcast %add3A_32 : f32 to vector<4x10008xf32>
    %add3A_34 = arith.addf %add3A_31, %add3A_33 : vector<4x10008xf32>
    %div3A = vector.broadcast %select_n3A_12 : vector<1x10008xf32> to vector<4x10008xf32>
    %div3A_35 = arith.divf %div3A, %add3A_34 : vector<4x10008xf32>
    %swap3A = arith.constant 0 : index
    %swap3A_36 = arith.constant 0 : index
    %swap3A_37 = vector.load %arg5[%swap3A, %swap3A_36] : memref<4x10008xf32, #tpu.memory_space<vmem>>, vector<4x10008xf32>
    tpu.vector_store %arg5[%swap3A, %swap3A_36], %div3A_35 {strides = array<i32>} : memref<4x10008xf32, #tpu.memory_space<vmem>>, vector<4x10008xf32>,
    %get3A_38 = arith.constant 0 : index
    %get3A_39 = arith.constant 0 : index
    %get3A_40 = vector.load %arg0[%get3A_38, %get3A_39] : memref<10000x128xf32, #tpu.memory_space<vmem>>, vector<10000x128xf32>
    %broadcast_in_dim3A_41 = arith.constant 0.000000e+00 : f32
    %broadcast_in_dim3A_42 = vector.broadcast %broadcast_in_dim3A_41 : f32 to vector<8x128xf32>
    %concatenate3A = tpu.concatenate %get3A_40, %broadcast_in_dim3A_42 in 0 : vector<10000x128xf32>, vector<8x128xf32> -> vector<10008x128xf32>
    %transpose3A = tpu.transpose %select_n3A_12, [1, 0] : vector<1x10008xf32> -> vector<10008x1xf32>
    %mul3A_43 = vector.broadcast %transpose3A : vector<10008x1xf32> to vector<10008x128xf32>
    %mul3A_44 = arith.mulf %mul3A_43, %concatenate3A : vector<10008x128xf32>
    %swap3A_45 = arith.constant 0 : index
    %swap3A_46 = arith.constant 0 : index
    %swap3A_47 = vector.load %arg6[%swap3A_45, %swap3A_46] : memref<10008x128xf32, #tpu.memory_space<vmem>>, vector<10008x128xf32>
    tpu.vector_store %arg6[%swap3A_45, %swap3A_46], %mul3A_44 {strides = array<i32>} : memref<10008x128xf32, #tpu.memory_space<vmem>>, vector<10008x128xf32>,
    %mul3A_48 = arith.mulf %exp3A, %div3A_35 : vector<4x10008xf32>
    %slice3A_49 = vector.extract_strided_slice %mul3A_48 {offsets = [0, 0], sizes = [4, 10000], strides = [1, 1]} : vector<4x10008xf32> to vector<4x10000xf32>
    %transpose3A_50 = tpu.transpose %slice3A_49, [1, 0] : vector<4x10000xf32> -> vector<10000x4xf32>
    %reshape3A_51 = vector.shape_cast %transpose3A_50 : vector<10000x4xf32> to vector<10000x4x1xf32>
    %broadcast_in_dim3A_52 = vector.shape_cast %reshape3A_51 : vector<10000x4x1xf32> to vector<10000x4x1xf32>
    %broadcast_in_dim3A_53 = vector.broadcast %broadcast_in_dim3A_52 : vector<10000x4x1xf32> to vector<10000x4x32xf32>
    %reshape3A_54 = vector.shape_cast %broadcast_in_dim3A_53 : vector<10000x4x32xf32> to vector<10000x128xf32>
    %slice3A_55 = vector.extract_strided_slice %mul3A_44 {offsets = [0, 0], sizes = [10000, 128], strides = [1, 1]} : vector<10008x128xf32> to vector<10000x128xf32>
    %mul3A_56 = arith.mulf %reshape3A_54, %slice3A_55 : vector<10000x128xf32>
    %swap3A_57 = arith.constant 0 : index
    %swap3A_58 = arith.constant 0 : index
    %swap3A_59 = vector.load %arg7[%swap3A_57, %swap3A_58] : memref<10000x128xf32, #tpu.memory_space<vmem>>, vector<10000x128xf32>
    tpu.vector_store %arg7[%swap3A_57, %swap3A_58], %mul3A_56 {strides = array<i32>} : memref<10000x128xf32, #tpu.memory_space<vmem>>, vector<10000x128xf32>,
    return
  }
}

module attributes {stable_mosaic.version = 14 : i64} {
  func.func @_tc5_body(%arg0: memref<2x10008x128xf32, #tpu.memory_space<vmem>>, %arg1: memref<10000x128xf32, #tpu.memory_space<vmem>>, %arg2: memref<10000x128xf32, #tpu.memory_space<vmem>>) attributes {dimension_semantics = [], scalar_prefetch = 0 : i64, scratch_operands = 0 : i64, tpu.core_type = #tpu.core_type<tc>} {
    %get3A = arith.constant 0 : index
    %get3A_0 = arith.constant 0 : index
    %get3A_1 = arith.constant 0 : index
    %get3A_2 = vector.load %arg0[%get3A, %get3A_0, %get3A_1] : memref<2x10008x128xf32, #tpu.memory_space<vmem>>, vector<1x10000x128xf32>
    %get3A_3 = vector.shape_cast %get3A_2 : vector<1x10000x128xf32> to vector<10000x128xf32>
    %get3A_4 = arith.constant 1 : index
    %get3A_5 = arith.constant 0 : index
    %get3A_6 = arith.constant 0 : index
    %get3A_7 = vector.load %arg0[%get3A_4, %get3A_5, %get3A_6] : memref<2x10008x128xf32, #tpu.memory_space<vmem>>, vector<1x10000x128xf32>
    %get3A_8 = vector.shape_cast %get3A_7 : vector<1x10000x128xf32> to vector<10000x128xf32>
    %add3A = arith.addf %get3A_3, %get3A_8 : vector<10000x128xf32>
    %get3A_9 = arith.constant 0 : index
    %get3A_10 = arith.constant 0 : index
    %get3A_11 = vector.load %arg1[%get3A_9, %get3A_10] : memref<10000x128xf32, #tpu.memory_space<vmem>>, vector<10000x128xf32>
    %add3A_12 = arith.addf %add3A, %get3A_11 : vector<10000x128xf32>
    %swap3A = arith.constant 0 : index
    %swap3A_13 = arith.constant 0 : index
    %swap3A_14 = vector.load %arg2[%swap3A, %swap3A_13] : memref<10000x128xf32, #tpu.memory_space<vmem>>, vector<10000x128xf32>
    tpu.vector_store %arg2[%swap3A, %swap3A_13], %add3A_12 {strides = array<i32>} : memref<10000x128xf32, #tpu.memory_space<vmem>>, vector<10000x128xf32>,
    return
  }
}

</mosaic_0001>

<sc_bundles>
// kernel: kernel.12.cloned.1.call-start
scs
__scs_entry_jumppad:
0x0: {  	(pc) =	sbr.rel $0x88, $3  }
0x1: {  	(tag) =	ssettag $0x0;
	lr =	simm.s32 $0x1  }
0x2: {  	[smem:$0x3F9D] =	sst lr;
	_ =	strace $0xD0000000  }
0x3: {  	_ = 	snop  }
0x4: {  	_ = 	snop  }
0x5: {  	_ = 	snop  }
0x6: {  	_ = 	snop  }
0x7: {  	_ = 	snop  }
__scs_overlays_trampoline_lowered:
0x8: {  	[smem:$0x3FAC] =	sst s0  }
0x9: {  	[smem:$0x3FAD] =	sst s1  }
0xa: {  	[smem:$0x3FAE] =	sst s2  }
0xb: {  	[smem:$0x3FAF] =	sst s3  }
0xc: {  	[smem:$0x3FB0] =	sst s4  }
0xd: {  	[smem:$0x3FB1] =	sst s5  }
0xe: {  	[smem:$0x3FB2] =	sst s6  }
0xf: {  	[smem:$0x3FB3] =	sst s7  }
0x10: {  	[smem:$0x3FB4] =	sst s8  }
0x11: {  	[smem:$0x3FB5] =	sst s9;
	s0 =	simm.s32 @!p0 $0x0  }
0x12: {  	s1 =	sld [smem:$0x3F9B];
	s0 =	simm.s32 @p0 $0x1  }
0x13: {  	[smem:$0x3FB6] =	sst s0;
	s0 =	simm.s32 @!p1 $0x0  }
0x14: {  	s2 =	sld [smem:$0x3F9A];
	s0 =	simm.s32 @p1 $0x1  }
0x15: {  	[smem:$0x3FB7] =	sst s0;
	s0 =	simm.s32 @!p2 $0x0  }
0x16: {  	s3 =	sld [smem:$0x3FDB];
	s0 =	simm.s32 @p2 $0x1  }
0x17: {  	s4 =	simm.s32 $0x1BF5;
	[smem:$0x3FB9] =	sst s0  }
0x18: {  	s0 =	sld [smem:$0x3F9C];
	_ =	swait.ge [sflag:s4], $0x0  }
0x19: {  	s7 =	sld [smem:$0x3F9D]  }
0x1a: {  	s8 =	sadd.s32 $0xFFFFE003, lr  }
0x1b: {  	s9 =	sadd.s32 $0xFFFFFEF7, lr;
	s5 =	simm.s32 $0xFFFFFFFF;
	p2 =	slt.u32 s8, $0xFFFFF086  }
0x1c: {  	p1 =	slt.u32 s9, $0xF7A;
	s5 =	simm.s32 @!p2 $0x0  }
0x1d: {  	s5 =	simm.s32 @p1 $0x1;
	p0 =	seq.s32 s7, s2  }
0x1e: {  	s7 =	smul.u32 @!p0 $0xF7A, s2;
	p2 =	seq.s32 @!p0 s5, $0x0  }
0x1f: {  	s9 =	smul.u32 $0xF7A, s1;
	s8 =	simm.s32 @!p0 $0x1BF5;
	p2 =	por !p2, p0  }
0x20: {  	[sflag:s8] =	ssyncset.s32 @!p0 $0xFFFFF086;
	s6 =	sadd.s32 @!p0 s3, s7;
	s7 =	simm.s32 @!p0 $0x108  }
0x21: {  	s3 =	sadd.s32 s3, s9;
	s6 =	sadd.s32 @!p0 $0x88, s6;
	s7 =	simm.s32 @p2 $0x1082  }
0x22: {  	[simem:s7], [sflag:s8] =	dma.local @!p0 [hbm:s6], $0xF7A  }
0x23: {  	s9 =	sor.u32 $0xD0000000, s2;
	s6 =	simm.s32 $0x108;
	_ =	swait.ge @!p0 [sflag:s8], $0x0  }
0x24: {  	s3 =	sadd.s32 $0x88, s3;
	s6 =	simm.s32 @!p1 $0x1082;
	[sflag:s4] =	ssyncset.s32 $0xFFFFF086  }
0x25: {  	[simem:s6], [sflag:s4] =	dma.local [hbm:s3], $0xF7A  }
0x26: {  	[smem:$0x3F9D] =	sst s1;
	(tag) =	ssettag s2;
	_ =	strace s9  }
0x27: {  	s1 =	sld [smem:$0x3FAD]  }
0x28: {  	s2 =	sld [smem:$0x3FAE]  }
0x29: {  	s4 =	sld [smem:$0x3FB0]  }
0x2a: {  	p0 =	seq.s32 s5, $0x0;
	s5 =	sld [smem:$0x3FB1]  }
0x2b: {  	s6 =	sld [smem:$0x3FB2]  }
0x2c: {  	s7 =	sld [smem:$0x3FB3]  }
0x2d: {  	s3 =	simm.s32 $0x108;
	s8 =	sld [smem:$0x3FB4]  }
0x2e: {  	s3 =	simm.s32 @!p0 $0x1082;
	s9 =	sld [smem:$0x3FB5]  }
0x2f: {  	lr =	sadd.s32 s0, s3;
	s0 =	sld [smem:$0x3FAC]  }
0x30: {  	s3 =	sld [smem:$0x3FAF]  }
0x31: {  	[smem:$0x3FB8] =	sst s10  }
0x32: {  	s10 =	sld [smem:$0x3FB6];
	_ =	sdelay $0x3  }
0x33: {  	p0 =	seq.s32 s10, $0x1;
	s10 =	sld [smem:$0x3FB8];
	_ =	sdelay $0x3  }
0x34: {  	[smem:$0x3FB8] =	sst s10  }
0x35: {  	s10 =	sld [smem:$0x3FB7];
	_ =	sdelay $0x3  }
0x36: {  	p1 =	seq.s32 s10, $0x1;
	s10 =	sld [smem:$0x3FB8];
	_ =	sdelay $0x3  }
0x37: {  	[smem:$0x3FB8] =	sst s10  }
0x38: {  	s10 =	sld [smem:$0x3FB9]  }
0x39: {  	_ = 	snop;
	(pc) =	sbr.ind lr, $3  }
0x3a: {  	_ = 	snop  }
0x3b: {  	_ = 	snop  }
0x3c: {  	p2 =	seq.s32 s10, $0x1;
	s10 =	sld [smem:$0x3FB8]  }
0x3d: {  	_ =	shalt  }
0x3e: {  	_ =	shalt  }
0x3f: {  	_ =	shalt  }
0x40: {  	_ =	shalt  }
0x41: {  	_ =	shalt  }
0x42: {  	_ =	shalt  }
0x43: {  	_ =	shalt  }
0x44: {  	_ =	shalt  }
0x45: {  	_ =	shalt  }
0x46: {  	_ =	shalt  }
0x47: {  	_ =	shalt  }
0x48: {  	_ =	shalt  }
0x49: {  	_ =	shalt  }
0x4a: {  	_ =	shalt  }
0x4b: {  	_ =	shalt  }
0x4c: {  	_ =	shalt  }
0x4d: {  	_ =	shalt  }
0x4e: {  	_ =	shalt  }
0x4f: {  	_ =	shalt  }
0x50: {  	_ =	shalt  }
0x51: {  	_ =	shalt  }
0x52: {  	_ =	shalt  }
0x53: {  	_ =	shalt  }
0x54: {  	_ =	shalt  }
0x55: {  	_ =	shalt  }
0x56: {  	_ =	shalt  }
0x57: {  	_ =	shalt  }
0x58: {  	_ =	shalt  }
0x59: {  	_ =	shalt  }
0x5a: {  	_ =	shalt  }
0x5b: {  	_ =	shalt  }
0x5c: {  	_ =	shalt  }
0x5d: {  	_ =	shalt  }
0x5e: {  	_ =	shalt  }
0x5f: {  	_ =	shalt  }
0x60: {  	_ =	shalt  }
0x61: {  	_ =	shalt  }
0x62: {  	_ =	shalt  }
0x63: {  	_ =	shalt  }
0x64: {  	_ =	shalt  }
0x65: {  	_ =	shalt  }
0x66: {  	_ =	shalt  }
0x67: {  	_ =	shalt  }
0x68: {  	_ =	shalt  }
0x69: {  	_ =	shalt  }
0x6a: {  	_ =	shalt  }
0x6b: {  	_ =	shalt  }
0x6c: {  	_ =	shalt  }
0x6d: {  	_ =	shalt  }
0x6e: {  	_ =	shalt  }
0x6f: {  	_ =	shalt  }
0x70: {  	_ =	shalt  }
0x71: {  	_ =	shalt  }
0x72: {  	_ =	shalt  }
0x73: {  	_ =	shalt  }
0x74: {  	_ =	shalt  }
0x75: {  	_ =	shalt  }
0x76: {  	_ =	shalt  }
0x77: {  	_ =	shalt  }
0x78: {  	_ =	shalt  }
0x79: {  	_ =	shalt  }
0x7a: {  	_ =	shalt  }
0x7b: {  	_ =	shalt  }
0x7c: {  	_ =	shalt  }
0x7d: {  	_ =	shalt  }
0x7e: {  	_ =	shalt  }
0x7f: {  	_ =	shalt  }
0x80: {  	_ =	shalt  }
0x81: {  	_ =	shalt  }
0x82: {  	_ =	shalt  }
0x83: {  	_ =	shalt  }
0x84: {  	_ =	shalt  }
0x85: {  	_ =	shalt  }
0x86: {  	_ =	shalt  }
0x87: {  	_ =	shalt  }
.Lfunc_end0:
.L_simem_size_0:
called_computation.1_lowered:
.L_overlay_start_0:
0x88: {  	s2 =	sld [smem:$0x3FD9]  }
0x89: {  	s3 =	sld [smem:$0x3FFE];
	_ =	sdelay $0x1  }
0x8a: {  	s1 =	srdreg.scid  }
0x8b: {  	s0 =	sand.u32 $0x1, s1  }
0x8c: {  	s16 =	sshll.u32 s0, $0xA;
	s2 =	sadd.s32 s3, s2  }
0x8d: {  	s2 =	sadd.s32 s2, s16  }
0x8e: {  	[smem:$0x3FC4] =	sst s2  }
0x8f: {  	_ = 	snop  }
0x90: {  	(tm) =	ssettm $0x1  }
0x91: {  	s17 =	sld [smem:$0x3FFB];
	_ =	sdelay $0x3  }
0x92: {  	_ =	strace s17  }
0x93: {  	s2 =	sld [smem:$0x3FFC];
	_ =	sdelay $0x3  }
0x94: {  	_ =	strace s2  }
0x95: {  	s2 =	sld [smem:$0x3FFD];
	_ =	sdelay $0x3  }
0x96: {  	_ =	strace s2  }
0x97: {  	_ =	strace $0x8FFFFFFF  }
0x98: {  	s18 =	sld [smem:$0x3FDB];
	_ =	sdelay $0x1  }
0x99: {  	s19 =	simm.s32 $_scs_section_size  }
0x9a: {  	s4 =	simm.s32 $_size__tile_overlayer_lowered;
	s5 =	simm.s32 $_tile_overlayer_lowered  }
0x9b: {  	s22 =	simm.s32 $0x1BFF;
	s21 =	sshll.u32 s5, $0x1;
	s2 =	sadd.s32 s19, s18  }
0x9c: {  	s6 =	simm.s32 $0x0;
	s20 =	sshll.u32 s4, $0x1;
	s4 =	sadd.s32 s21, s2  }
0x9d: {  	[timem:s6], [sflag:s22] =	dma.local [hbm:s4], s20  }
0x9e: {  	_ =	swait.ge [sflag:s22], s20  }
0x9f: {  	s3 =	ssub.s32 $0x0, s20;
	[sflag:s22] =	ssyncset.done $0x0  }
0xa0: {  	[sflag:s22] =	ssyncadd.s32 s3;
	_ =	sdelay $0x1  }
0xa1: {  	s23 =	simm.s32 $0x1B8B  }
0xa2: {  	_ =	swait.ge [sflag:s23], $0x1  }
0xa3: {  	[sflag:s23] =	ssyncset.done $0x0  }
0xa4: {  	s25 =	simm.s32 $0x1B8E;
	s24 =	sld [smem:$0x3FFE];
	[sflag:s23] =	ssyncadd.s32 $0xFFFFFFFF  }
0xa5: {  	s26 =	simm.s32 $execute0_lowered;
	[smem:$0x3FD2] =	sst s25  }
0xa6: {  	s4 =	sshll.u32 s26, $0x1;
	_ =	strace $0x80000046;
	[dreg:$0x1] =	wrdreg $0xFFFFFFFF  }
0xa7: {  	s28 =	simm.s32 $_size_execute0_lowered;
	s2 =	sadd.s32 s2, s4;
	[dreg:$0x0] =	wrdreg $0x0  }
0xa8: {  	s4 =	sshll.u32 s28, $0x1;
	[dreg:$0x2] =	wrdreg s2  }
0xa9: {  	[dreg:$0x3] =	wrdreg s4  }
0xaa: {  	[dreg:$0x4] =	wrdreg $0xC0  }
0xab: {  	_ =	task [dreg:s6], $0x5FFFF  }
0xac: {  	[dreg:$0x1] =	wrdreg $0xFFFFFFFF  }
0xad: {  	[dreg:$0x0] =	wrdreg $0x60  }
0xae: {  	[dreg:$0x2] =	wrdreg s24  }
0xaf: {  	[dreg:$0x3] =	wrdreg $0xA  }
0xb0: {  	_ =	task.clear_ibuf [dreg:s6], $0x4FFFF;
	_ =	strace $0x90000046  }
0xb1: {  	s29 =	simm.s32 $0xA;
	_ =	strace $0x80000048  }
0xb2: {  	_ =	swait.ge [sflag:s29], $0x1  }
0xb3: {  	[sflag:s29] =	ssyncadd.s32 $0xFFFFFFFF  }
0xb4: {  	_ =	strace $0x90000048  }
0xb5: {  	_ =	sfence  }
0xb6: {  	s30 =	sld [smem:$0x0];
	_ =	sdelay $0x2  }
0xb7: {  	s31 =	sshll.u32 s1, $0xD;
	s1 =	sshrl.u32 s1, $0x2  }
0xb8: {  	s3 =	sand.u32 $0x4000, s31;
	s1 =	sadd.s32 s1, s30  }
0xb9: {  	s0 =	sor.u32 s3, s0;
	s1 =	sshll.u32 s1, $0x11  }
0xba: {  	s0 =	sor.u32 s1, s0  }
0xbb: {  	s0 =	sadd.s32 $0x8F2B, s0  }
0xbc: {  	[sflag:s0] =	ssyncadd.remote.s32 $0x1  }
0xbd: {  	_ =	sfence.sel $0xFFFF  }
0xbe: {  	[dreg:$0x0] =	wrdreg $0xFFFFFFFF;
	(pc) =	sbr.abs _section_cstart, $3  }
0xbf: {  	[dreg:$0x1] =	wrdreg $0xFFFFFFFF  }
0xc0: {  	_ =	task.clear_ibuf [dreg:s6], $0x2FFFF;
	_ =	strace $0x9FFFFFFF  }
0xc1: {  	(tm) =	ssettm $0x7FFFFFFF  }
tec
execute0_lowered:
.L_overlay_start_1:
0x0: {  	(tag) =	ssettag $0x1  }
0x1: {  	s9 =	rddreg [dreg:$0x0]  }
0x2: {  	s2 =	srdreg.scid;
	s1 =	stileid.u32  }
0x3: {  	s0 =	rddreg [dreg:$0x1];
	s14 =	simm.s32 $0x3;
	s15 =	simm.s32 $0xE80  }
0x4: {  	s16 =	simm.s32 $0x200;
	s17 =	simm.s32 $0x1;
	s18 =	simm.s32 $0x400  }
0x5: {  	s19 =	simm.s32 $0x600;
	s20 =	simm.s32 $0x14800;
	s21 =	simm.s32 $0x800  }
0x6: {  	s22 =	simm.s32 $0x2;
	s23 =	simm.s32 $0x80;
	s24 =	simm.s32 $0x0  }
0x7: {  	s7 =	sand.u32 $0x1, s2;
	s3 =	sshll.u32 s1, $0x1;
	s2 =	simm.s32 $0x0  }
0x8: {  	s31 =	sshrl.u32 s1, $0x2;
	s5 =	sadd.s32 $0x2A00, s9;
	s10 =	sor.u32 s7, s3  }
0x9: {  	[smem:$0x7FF] =	sst s2;
	s6 =	smul.u32 $0x4E400, s31;
	s3 =	sadd.s32 $0xF000, s9  }
0xa: {  	s11 =	ssub.s32 $0x2, s7;
	s7 =	sadd.s32 $0x49E00, s9;
	s4 =	sshll.u32 s10, $0x7  }
0xb: {  	_ =	strace $0x80000047;
	s13 =	sshrl.u32 s11, $0x1;
	s8 =	sand.u32 $0x380, s4  }
0xc: {  	s10 =	smul.u32 $0x2710, s10;
	s4 =	sadd.s32 $0x5200, s9;
	s8 =	sor.u32 s6, s8  }
0xd: {  	v2 =	vlaneseq.u32;
	v0 =	vimm.f32 $0.0e+00;
	vm0 =	vcmask $0x1F10;
	s13 =	ssub.s32 s11, s13;
	s6 =	sadd.s32 $0x2800, s9;
	s8 =	sshrl.u32 s8, $0x3  }
0xe: {  	vm1 =	vcmask $0x2F20;
	vm2 =	vcmask $0x3F30;
	v1 =	vand.u32 $0x3, v2;
	s12 =	sadd.s32 s8, s9;
	s8 =	sadd.s32 $0x40000, s9;
	s9 =	sadd.s32 $0x71000, s9  }
0xf: {  	v2 =	vshrl.u32 v2, $0x2;
	v3 =	vor.u32 $0x4, v1;
	v4 =	vmul.u32 $0x2718, v1;
	s11 =	sadd.s32 $0x18E00, s12;
	s12 =	smax.u32 s13, $0x1;
	s13 =	simm.s32 $0xF00  }
.LBB2_1:
0x10: {  	[tilespmem:s13], [sflag:$0x3] =	stream.linear.gather [hbm4b:s5+s2], $0x13900, $0x38;
	[tilespmem:$0x1E480] =	vst v63  }
0x11: {  	_ =	swait.ge [sflag:s14], $0x13900  }
0x12: {  	[sflag:s14] =	ssyncset.done $0x0  }
0x13: {  	[sflag:s14] =	ssyncadd.s32 $0xFFFEC700  }
0x14: {  	[tilespmem:s15], [sflag:$0x3] =	stream.linear.gather [hbm4b:s6+s2], $0x80, $0x38;
	[tilespmem:$0x1E480] =	vst v63  }
0x15: {  	_ =	swait.ge [sflag:s14], $0x80  }
0x16: {  	[sflag:s14] =	ssyncset.done $0x0  }
0x17: {  	[sflag:s14] =	ssyncadd.s32 $0xFFFFFF80  }
0x18: {  	s25 =	simm.s32 $0x40;
	s26 =	simm.s32 $0x0;
	v5 =	vld [tilespmem:$0xE80]  }
.LBB2_2:
0x19: {  	p0 =	sne.s32 s25, $0x27140;
	[tilespmem:s26+$0x14800] =	vst v0;
	s26 =	smov.u32 s25;
	s25 =	sadd.s32 $0x40, s25  }
.Ltmp0:
0x1a: {  	(pc) =	sbr.rel @p0 .LBB2_2-.Ltmp0, $2  }
0x1b: {  	_ =	sdelay $0x2  }
0x1c: {  	s26 =	sshra.s32 s26, $0x2  }
0x1d: {  	[tilespmem:s26+$0x14800] =	vst v0;
	s25 =	simm.s32 $0x0  }
.LBB2_4:
0x1e: {  	s26 =	smul.u32 $0x190, s25;
	_ =	sdelay $0x1  }
0x1f: {  	s28 =	sadd.s32 s10, s26  }
0x20: {  	s26 =	sshrl.u32 s28, $0x3  }
0x21: {  	s29 =	sadd.s32 s3, s26  }
0x22: {  	[tilespmem:s2], [sflag:$0x1] =	stream.linear.gather [hbm4b:s29+s2], $0x190, $0x38;
	[tilespmem:$0x1E480] =	vst v63  }
0x23: {  	p0 =	seq.s32 s25, $0x0;
	s29 =	sadd.s32 s4, s26  }
0x24: {  	[tilespmem:s16], [sflag:$0x1] =	stream.linear.gather [hbm4b:s29+s2], $0x190, $0x38;
	[tilespmem:$0x1E480] =	vst v63  }
0x25: {  	s29 =	simm.s32 @!p0 $0x2  }
0x26: {  	_ =	swait.ge @!p0 [sflag:s29], $0x640  }
0x27: {  	[sflag:s29] =	ssyncset.done @!p0 $0x0  }
0x28: {  	[sflag:s29] =	ssyncadd.s32 @!p0 $0xFFFFF9C0  }
0x29: {  	_ =	swait.ge @!p0 [sflag:s29], $0x190  }
0x2a: {  	[sflag:s29] =	ssyncset.done @!p0 $0x0  }
0x2b: {  	[sflag:s29] =	ssyncadd.s32 @!p0 $0xFFFFFE70  }
0x2c: {  	_ =	swait.ge @!p0 [sflag:s29], $0x190  }
0x2d: {  	[sflag:s29] =	ssyncset.done @!p0 $0x0  }
0x2e: {  	[sflag:s29] =	ssyncadd.s32 @!p0 $0xFFFFFE70  }
0x2f: {  	_ =	swait.ge [sflag:s17], $0x190  }
0x30: {  	[sflag:s17] =	ssyncset.done $0x0  }
0x31: {  	[sflag:s17] =	ssyncadd.s32 $0xFFFFFE70  }
0x32: {  	_ =	swait.ge [sflag:s17], $0x190  }
0x33: {  	[sflag:s17] =	ssyncset.done $0x0  }
0x34: {  	s29 =	simm.s32 $0x0;
	[sflag:s17] =	ssyncadd.s32 $0xFFFFFE70  }
0x35: {  	v6 =	vld [tilespmem:s29+$0x0]  }
0x36: {  	v7 =	vld [tilespmem:s29+$0x200];
	_ =	sdelay $0x1  }
0x37: {  	s30 =	simm.s32 $0x40  }
.LBB2_5:
0x38: {  	p0 =	sne.s32 s30, $0x600  }
.Ltmp1:
0x39: {  	s31 =	sshra.s32 s30, $0x2;
	v8 =	vmov v6;
	(pc) =	sbr.rel @p0 .LBB2_5-.Ltmp1, $4  }
0x3a: {  	s30 =	sadd.s32 $0x40, s30;
	v6 =	vld [tilespmem:s31+$0x0];
	vm3 =	veq.s32 v8, v7  }
0x3b: {  	v8 =	vsel vm3, $0x2710, v8;
	v9 =	vsel vm3, $0x2710, v7;
	v7 =	vld [tilespmem:s31+$0x200]  }
0x3c: {  	[tilespmem:s29+$0x600] =	vst v9  }
0x3d: {  	[tilespmem:s29+$0x400] =	vst v8;
	s29 =	smov.u32 s31  }
0x3e: {  	_ =	sdelay $0x1  }
0x3f: {  	vm3 =	veq.s32 v6, v7  }
0x40: {  	v7 =	vsel vm3, $0x2710, v7  }
0x41: {  	v6 =	vsel vm3, $0x2710, v6;
	[tilespmem:s29+$0x600] =	vst v7  }
0x42: {  	s30 =	simm.s32 $0x820;
	[tilespmem:s29+$0x400] =	vst v6;
	s29 =	simm.s32 $0xC  }
.LBB2_7:
0x43: {  	s31 =	sadd.s32 $0xFFFFFFF4, s29  }
0x44: {  	v6 =	vor.u32 s31, v2;
	_ =	sdelay $0x4  }
0x45: {  	v7 =	vld.idx.msk [tilespmem:v6+s18+$0x0], $0xffff  }
0x46: {  	v6 =	vld.idx.msk [tilespmem:v6+s19+$0x0], $0xffff;
	_ =	sdelay $0x3  }
0x47: {  	v7 =	vshll.u32 v7, $0x3  }
0x48: {  	v8 =	vshll.u32 v6, $0x3;
	v7 =	vor.u32 v1, v7  }
0x49: {  	v8 =	vor.u32 v3, v8;
	_ =	sdelay $0x3  }
0x4a: {  	v7 =	vld.idx.msk [tilespmem:v7+s13+$0x0], $0xffff  }
0x4b: {  	v8 =	vld.idx.msk [tilespmem:v8+s13+$0x0], $0xffff;
	_ =	sdelay $0x4  }
0x4c: {  	v7 =	vadd.f32 v8, v7;
	_ =	sdelay $0x1  }
0x4d: {  	v8 =	vmul.f32 $2.000000030e-01, v7;
	_ =	sdelay $0x1  }
0x4e: {  	v7 =	vmax.f32 v7, v8  }
0x4f: {  	v7 =	vsub.f32 v7, v5;
	_ =	sdelay $0x1  }
0x50: {  	v7 =	vmul.f32 $1.442695020e+00, v7;
	_ =	sdelay $0x1  }
0x51: {  	(erf) = vpow2.f32 v7;
	_ =	sdelay $0x5  }
0x52: {  	v6 =	vadd.s32 v4, v6;
	_ =	sdelay $0x2  }
0x53: {  	s31 =	sadd.s32 $0xFFFFFFF8, s29;
	v7 =	vpop (erf)  }
0x54: {  	v61 =	vor.u32 s31, v2;
	[tilespmem:s30+$0xFFFFFFE0] =	vst v7  }
0x55: {  	[tilespmem:v6+s20+$0x0] =	vst.idx.add.f32.msk $0xf, v7  }
0x56: {  	[tilespmem:v6+s20+$0x0] =	vst.idx.add.f32.msk vm0, v7  }
0x57: {  	[tilespmem:v6+s20+$0x0] =	vst.idx.add.f32.msk vm1, v7  }
0x58: {  	[tilespmem:v6+s20+$0x0] =	vst.idx.add.f32.msk vm2, v7  }
0x59: {  	v6 =	vld.idx.msk [tilespmem:v61+s18+$0x0], $0xffff  }
0x5a: {  	v7 =	vld.idx.msk [tilespmem:v61+s19+$0x0], $0xffff;
	_ =	sdelay $0x3  }
0x5b: {  	v6 =	vshll.u32 v6, $0x3  }
0x5c: {  	v8 =	vshll.u32 v7, $0x3;
	v6 =	vor.u32 v1, v6  }
0x5d: {  	v8 =	vor.u32 v3, v8;
	_ =	sdelay $0x3  }
0x5e: {  	v6 =	vld.idx.msk [tilespmem:v6+s13+$0x0], $0xffff  }
0x5f: {  	v8 =	vld.idx.msk [tilespmem:v8+s13+$0x0], $0xffff;
	_ =	sdelay $0x4  }
0x60: {  	v6 =	vadd.f32 v8, v6;
	_ =	sdelay $0x1  }
0x61: {  	v8 =	vmul.f32 $2.000000030e-01, v6;
	_ =	sdelay $0x1  }
0x62: {  	v6 =	vmax.f32 v6, v8  }
0x63: {  	v6 =	vsub.f32 v6, v5;
	_ =	sdelay $0x1  }
0x64: {  	v6 =	vmul.f32 $1.442695020e+00, v6;
	_ =	sdelay $0x1  }
0x65: {  	(erf) = vpow2.f32 v6;
	_ =	sdelay $0x5  }
0x66: {  	v6 =	vadd.s32 v4, v7;
	_ =	sdelay $0x2  }
0x67: {  	s31 =	sadd.s32 $0xFFFFFFFC, s29;
	v7 =	vpop (erf)  }
0x68: {  	v62 =	vor.u32 s31, v2;
	[tilespmem:s30+$0xFFFFFFF0] =	vst v7  }
0x69: {  	[tilespmem:v6+s20+$0x0] =	vst.idx.add.f32.msk $0xf, v7  }
0x6a: {  	[tilespmem:v6+s20+$0x0] =	vst.idx.add.f32.msk vm0, v7  }
0x6b: {  	[tilespmem:v6+s20+$0x0] =	vst.idx.add.f32.msk vm1, v7  }
0x6c: {  	[tilespmem:v6+s20+$0x0] =	vst.idx.add.f32.msk vm2, v7  }
0x6d: {  	v6 =	vld.idx.msk [tilespmem:v62+s18+$0x0], $0xffff  }
0x6e: {  	v7 =	vld.idx.msk [tilespmem:v62+s19+$0x0], $0xffff;
	_ =	sdelay $0x3  }
0x6f: {  	v6 =	vshll.u32 v6, $0x3  }
0x70: {  	v8 =	vshll.u32 v7, $0x3;
	v6 =	vor.u32 v1, v6  }
0x71: {  	v8 =	vor.u32 v3, v8;
	_ =	sdelay $0x3  }
0x72: {  	v6 =	vld.idx.msk [tilespmem:v6+s13+$0x0], $0xffff  }
0x73: {  	v8 =	vld.idx.msk [tilespmem:v8+s13+$0x0], $0xffff;
	_ =	sdelay $0x4  }
0x74: {  	v6 =	vadd.f32 v8, v6;
	_ =	sdelay $0x1  }
0x75: {  	v8 =	vmul.f32 $2.000000030e-01, v6;
	_ =	sdelay $0x1  }
0x76: {  	v6 =	vmax.f32 v6, v8  }
0x77: {  	v6 =	vsub.f32 v6, v5;
	_ =	sdelay $0x1  }
0x78: {  	v6 =	vmul.f32 $1.442695020e+00, v6;
	_ =	sdelay $0x1  }
0x79: {  	(erf) = vpow2.f32 v6;
	_ =	sdelay $0x5  }
0x7a: {  	v6 =	vadd.s32 v4, v7;
	_ =	sdelay $0x2  }
0x7b: {  	v7 =	vpop (erf)  }
0x7c: {  	v63 =	vor.u32 s29, v2;
	[tilespmem:s30+$0x0] =	vst v7  }
0x7d: {  	[tilespmem:v6+s20+$0x0] =	vst.idx.add.f32.msk $0xf, v7  }
0x7e: {  	[tilespmem:v6+s20+$0x0] =	vst.idx.add.f32.msk vm0, v7  }
0x7f: {  	[tilespmem:v6+s20+$0x0] =	vst.idx.add.f32.msk vm1, v7  }
0x80: {  	[tilespmem:v6+s20+$0x0] =	vst.idx.add.f32.msk vm2, v7  }
0x81: {  	v6 =	vld.idx.msk [tilespmem:v63+s18+$0x0], $0xffff  }
0x82: {  	v7 =	vld.idx.msk [tilespmem:v63+s19+$0x0], $0xffff;
	_ =	sdelay $0x3  }
0x83: {  	v6 =	vshll.u32 v6, $0x3  }
0x84: {  	v8 =	vshll.u32 v7, $0x3;
	v6 =	vor.u32 v1, v6  }
0x85: {  	v8 =	vor.u32 v3, v8;
	_ =	sdelay $0x3  }
0x86: {  	v6 =	vld.idx.msk [tilespmem:v6+s13+$0x0], $0xffff  }
0x87: {  	v8 =	vld.idx.msk [tilespmem:v8+s13+$0x0], $0xffff;
	_ =	sdelay $0x4  }
0x88: {  	v6 =	vadd.f32 v8, v6;
	_ =	sdelay $0x1  }
0x89: {  	v8 =	vmul.f32 $2.000000030e-01, v6;
	_ =	sdelay $0x1  }
0x8a: {  	v6 =	vmax.f32 v6, v8  }
0x8b: {  	v6 =	vsub.f32 v6, v5;
	_ =	sdelay $0x1  }
0x8c: {  	v6 =	vmul.f32 $1.442695020e+00, v6;
	_ =	sdelay $0x1  }
0x8d: {  	(erf) = vpow2.f32 v6;
	_ =	sdelay $0x5  }
0x8e: {  	v6 =	vadd.s32 v4, v7;
	_ =	sdelay $0x2  }
0x8f: {  	p0 =	sne.s32 s29, $0x18C;
	v7 =	vpop (erf)  }
.Ltmp2:
0x90: {  	[tilespmem:s30+$0x10] =	vst v7;
	(pc) =	sbr.rel @p0 .LBB2_7-.Ltmp2, $4  }
0x91: {  	[tilespmem:v6+s20+$0x0] =	vst.idx.add.f32.msk $0xf, v7  }
0x92: {  	[tilespmem:v6+s20+$0x0] =	vst.idx.add.f32.msk vm0, v7  }
0x93: {  	[tilespmem:v6+s20+$0x0] =	vst.idx.add.f32.msk vm1, v7  }
0x94: {  	s29 =	sadd.s32 $0x10, s29;
	s30 =	sadd.s32 $0x40, s30;
	[tilespmem:v6+s20+$0x0] =	vst.idx.add.f32.msk vm2, v7  }
0x95: {  	s28 =	sshrl.u32 s28, $0x1;
	s25 =	sadd.s32 $0x1, s25  }
0x96: {  	s28 =	sadd.s32 s7, s28;
	p0 =	sne.s32 s25, $0x19  }
0x97: {  	[hbm4b:s28+s2] =	stream.linear.scatter [tilespmem:s21], [sflag:$0x2], $0x640, $0x38;
	[tilespmem:$0x1E480] =	vst v63  }
.Ltmp3:
0x98: {  	_ = 	snop;
	(pc) =	sbr.rel @p0 .LBB2_4-.Ltmp3, $4  }
0x99: {  	s30 =	sadd.s32 s8, s26  }
0x9a: {  	[hbm4b:s30+s2] =	stream.linear.scatter [tilespmem:s18], [sflag:$0x2], $0x190, $0x38;
	[tilespmem:$0x1E480] =	vst v63  }
0x9b: {  	s31 =	sadd.s32 s9, s26  }
0x9c: {  	[hbm4b:s31+s2] =	stream.linear.scatter [tilespmem:s19], [sflag:$0x2], $0x190, $0x38;
	[tilespmem:$0x1E480] =	vst v63  }
0x9d: {  	_ =	swait.ge [sflag:s22], $0x640  }
0x9e: {  	[sflag:s22] =	ssyncset.done $0x0  }
0x9f: {  	[sflag:s22] =	ssyncadd.s32 $0xFFFFF9C0  }
0xa0: {  	_ =	swait.ge [sflag:s22], $0x190  }
0xa1: {  	[sflag:s22] =	ssyncset.done $0x0  }
0xa2: {  	[sflag:s22] =	ssyncadd.s32 $0xFFFFFE70  }
0xa3: {  	s24 =	sadd.s32 $0x1, s24;
	_ =	swait.ge [sflag:s22], $0x190  }
0xa4: {  	p0 =	sne.s32 s24, s12;
	[sflag:s22] =	ssyncset.done $0x0  }
.Ltmp4:
0xa5: {  	[sflag:s22] =	ssyncadd.s32 $0xFFFFFE70;
	(pc) =	sbr.rel @p0 .LBB2_1-.Ltmp4, $4  }
0xa6: {  	[hbm4b:s11+s23] =	stream.strided.scatter [tilespmem:s20], [sflag:$0x3], $0x9C80, s18, s23, $0x38;
	[tilespmem:$0x1E480] =	vst v63  }
0xa7: {  	_ =	swait.ge [sflag:s14], $0x9C80  }
0xa8: {  	[sflag:s14] =	ssyncset.done $0x0  }
0xa9: {  	[sflag:s14] =	ssyncadd.s32 $0xFFFF6380  }
0xaa: {  	_ =	sfence.sel $0x180000  }
0xab: {  	[bflag:$0x0] =	sbarrier.arrive $0xFFFF  }
0xac: {  	p0 =	sne.s32 s1, $0x0;
	_ =	strace $0x90000047  }
0xad: {  	s0 =	sadd.s32 @!p0 $0x100000, s0;
	[bflag:$0x2] =	sbarrier.arrive $0xFFFF  }
0xae: {  	[sflag:s0] =	ssyncadd.tile.s32 @!p0 $0x1;
	_ =	shalt  }
.Lfunc_end2:
_tile_overlayer_lowered:
.L_overlay_start_2:
0xaf: {  	(tag) =	ssettag $0x2  }
0xb0: {  	s0 =	rddreg [dreg:$0x0];
	s2 =	stileid.u32  }
0xb1: {  	s1 =	rddreg [dreg:$0x1];
	p0 =	sne.s32 s2, $0x0  }
0xb2: {  	s3 =	rddreg [dreg:$0x2];
	[bflag:$0x3] =	sbarrier.arrive $0xFFFF;
	s2 =	simm.s32 @!p0 $0x1C03  }
0xb3: {  	[timem:s3], [sflag:s2] =	dma.local @!p0 [hbm:s0], s1  }
0xb4: {  	s0 =	simm.s32 @!p0 $0x3  }
0xb5: {  	_ =	swait.ge @!p0 [sflag:s0], s1  }
0xb6: {  	s1 =	ssub.s32 @!p0 $0x0, s1;
	[sflag:s0] =	ssyncset.done @!p0 $0x0  }
0xb7: {  	[sflag:s0] =	ssyncadd.s32 @!p0 s1  }
0xb8: {  	[bflag:$0x3] =	sbarrier.arrive $0xFFFF  }
0xb9: {  	_ =	shalt  }

// kernel: kernel.15.cloned.1.call-start
scs
__scs_entry_jumppad:
0x0: {  	(pc) =	sbr.rel $0x88, $3  }
0x1: {  	(tag) =	ssettag $0x0;
	lr =	simm.s32 $0x1  }
0x2: {  	[smem:$0x3F9D] =	sst lr;
	_ =	strace $0xD0000000  }
0x3: {  	_ = 	snop  }
0x4: {  	_ = 	snop  }
0x5: {  	_ = 	snop  }
0x6: {  	_ = 	snop  }
0x7: {  	_ = 	snop  }
__scs_overlays_trampoline_lowered:
0x8: {  	[smem:$0x3FAC] =	sst s0  }
0x9: {  	[smem:$0x3FAD] =	sst s1  }
0xa: {  	[smem:$0x3FAE] =	sst s2  }
0xb: {  	[smem:$0x3FAF] =	sst s3  }
0xc: {  	[smem:$0x3FB0] =	sst s4  }
0xd: {  	[smem:$0x3FB1] =	sst s5  }
0xe: {  	[smem:$0x3FB2] =	sst s6  }
0xf: {  	[smem:$0x3FB3] =	sst s7  }
0x10: {  	[smem:$0x3FB4] =	sst s8  }
0x11: {  	[smem:$0x3FB5] =	sst s9;
	s0 =	simm.s32 @!p0 $0x0  }
0x12: {  	s1 =	sld [smem:$0x3F9B];
	s0 =	simm.s32 @p0 $0x1  }
0x13: {  	[smem:$0x3FB6] =	sst s0;
	s0 =	simm.s32 @!p1 $0x0  }
0x14: {  	s2 =	sld [smem:$0x3F9A];
	s0 =	simm.s32 @p1 $0x1  }
0x15: {  	[smem:$0x3FB7] =	sst s0;
	s0 =	simm.s32 @!p2 $0x0  }
0x16: {  	s3 =	sld [smem:$0x3FDB];
	s0 =	simm.s32 @p2 $0x1  }
0x17: {  	s4 =	simm.s32 $0x1BF5;
	[smem:$0x3FB9] =	sst s0  }
0x18: {  	s0 =	sld [smem:$0x3F9C];
	_ =	swait.ge [sflag:s4], $0x0  }
0x19: {  	s7 =	sld [smem:$0x3F9D]  }
0x1a: {  	s8 =	sadd.s32 $0xFFFFE003, lr  }
0x1b: {  	s9 =	sadd.s32 $0xFFFFFEF7, lr;
	s5 =	simm.s32 $0xFFFFFFFF;
	p2 =	slt.u32 s8, $0xFFFFF086  }
0x1c: {  	p1 =	slt.u32 s9, $0xF7A;
	s5 =	simm.s32 @!p2 $0x0  }
0x1d: {  	s5 =	simm.s32 @p1 $0x1;
	p0 =	seq.s32 s7, s2  }
0x1e: {  	s7 =	smul.u32 @!p0 $0xF7A, s2;
	p2 =	seq.s32 @!p0 s5, $0x0  }
0x1f: {  	s9 =	smul.u32 $0xF7A, s1;
	s8 =	simm.s32 @!p0 $0x1BF5;
	p2 =	por !p2, p0  }
0x20: {  	[sflag:s8] =	ssyncset.s32 @!p0 $0xFFFFF086;
	s6 =	sadd.s32 @!p0 s3, s7;
	s7 =	simm.s32 @!p0 $0x108  }
0x21: {  	s3 =	sadd.s32 s3, s9;
	s6 =	sadd.s32 @!p0 $0x88, s6;
	s7 =	simm.s32 @p2 $0x1082  }
0x22: {  	[simem:s7], [sflag:s8] =	dma.local @!p0 [hbm:s6], $0xF7A  }
0x23: {  	s9 =	sor.u32 $0xD0000000, s2;
	s6 =	simm.s32 $0x108;
	_ =	swait.ge @!p0 [sflag:s8], $0x0  }
0x24: {  	s3 =	sadd.s32 $0x88, s3;
	s6 =	simm.s32 @!p1 $0x1082;
	[sflag:s4] =	ssyncset.s32 $0xFFFFF086  }
0x25: {  	[simem:s6], [sflag:s4] =	dma.local [hbm:s3], $0xF7A  }
0x26: {  	[smem:$0x3F9D] =	sst s1;
	(tag) =	ssettag s2;
	_ =	strace s9  }
0x27: {  	s1 =	sld [smem:$0x3FAD]  }
0x28: {  	s2 =	sld [smem:$0x3FAE]  }
0x29: {  	s4 =	sld [smem:$0x3FB0]  }
0x2a: {  	p0 =	seq.s32 s5, $0x0;
	s5 =	sld [smem:$0x3FB1]  }
0x2b: {  	s6 =	sld [smem:$0x3FB2]  }
0x2c: {  	s7 =	sld [smem:$0x3FB3]  }
0x2d: {  	s3 =	simm.s32 $0x108;
	s8 =	sld [smem:$0x3FB4]  }
0x2e: {  	s3 =	simm.s32 @!p0 $0x1082;
	s9 =	sld [smem:$0x3FB5]  }
0x2f: {  	lr =	sadd.s32 s0, s3;
	s0 =	sld [smem:$0x3FAC]  }
0x30: {  	s3 =	sld [smem:$0x3FAF]  }
0x31: {  	[smem:$0x3FB8] =	sst s10  }
0x32: {  	s10 =	sld [smem:$0x3FB6];
	_ =	sdelay $0x3  }
0x33: {  	p0 =	seq.s32 s10, $0x1;
	s10 =	sld [smem:$0x3FB8];
	_ =	sdelay $0x3  }
0x34: {  	[smem:$0x3FB8] =	sst s10  }
0x35: {  	s10 =	sld [smem:$0x3FB7];
	_ =	sdelay $0x3  }
0x36: {  	p1 =	seq.s32 s10, $0x1;
	s10 =	sld [smem:$0x3FB8];
	_ =	sdelay $0x3  }
0x37: {  	[smem:$0x3FB8] =	sst s10  }
0x38: {  	s10 =	sld [smem:$0x3FB9]  }
0x39: {  	_ = 	snop;
	(pc) =	sbr.ind lr, $3  }
0x3a: {  	_ = 	snop  }
0x3b: {  	_ = 	snop  }
0x3c: {  	p2 =	seq.s32 s10, $0x1;
	s10 =	sld [smem:$0x3FB8]  }
0x3d: {  	_ =	shalt  }
0x3e: {  	_ =	shalt  }
0x3f: {  	_ =	shalt  }
0x40: {  	_ =	shalt  }
0x41: {  	_ =	shalt  }
0x42: {  	_ =	shalt  }
0x43: {  	_ =	shalt  }
0x44: {  	_ =	shalt  }
0x45: {  	_ =	shalt  }
0x46: {  	_ =	shalt  }
0x47: {  	_ =	shalt  }
0x48: {  	_ =	shalt  }
0x49: {  	_ =	shalt  }
0x4a: {  	_ =	shalt  }
0x4b: {  	_ =	shalt  }
0x4c: {  	_ =	shalt  }
0x4d: {  	_ =	shalt  }
0x4e: {  	_ =	shalt  }
0x4f: {  	_ =	shalt  }
0x50: {  	_ =	shalt  }
0x51: {  	_ =	shalt  }
0x52: {  	_ =	shalt  }
0x53: {  	_ =	shalt  }
0x54: {  	_ =	shalt  }
0x55: {  	_ =	shalt  }
0x56: {  	_ =	shalt  }
0x57: {  	_ =	shalt  }
0x58: {  	_ =	shalt  }
0x59: {  	_ =	shalt  }
0x5a: {  	_ =	shalt  }
0x5b: {  	_ =	shalt  }
0x5c: {  	_ =	shalt  }
0x5d: {  	_ =	shalt  }
0x5e: {  	_ =	shalt  }
0x5f: {  	_ =	shalt  }
0x60: {  	_ =	shalt  }
0x61: {  	_ =	shalt  }
0x62: {  	_ =	shalt  }
0x63: {  	_ =	shalt  }
0x64: {  	_ =	shalt  }
0x65: {  	_ =	shalt  }
0x66: {  	_ =	shalt  }
0x67: {  	_ =	shalt  }
0x68: {  	_ =	shalt  }
0x69: {  	_ =	shalt  }
0x6a: {  	_ =	shalt  }
0x6b: {  	_ =	shalt  }
0x6c: {  	_ =	shalt  }
0x6d: {  	_ =	shalt  }
0x6e: {  	_ =	shalt  }
0x6f: {  	_ =	shalt  }
0x70: {  	_ =	shalt  }
0x71: {  	_ =	shalt  }
0x72: {  	_ =	shalt  }
0x73: {  	_ =	shalt  }
0x74: {  	_ =	shalt  }
0x75: {  	_ =	shalt  }
0x76: {  	_ =	shalt  }
0x77: {  	_ =	shalt  }
0x78: {  	_ =	shalt  }
0x79: {  	_ =	shalt  }
0x7a: {  	_ =	shalt  }
0x7b: {  	_ =	shalt  }
0x7c: {  	_ =	shalt  }
0x7d: {  	_ =	shalt  }
0x7e: {  	_ =	shalt  }
0x7f: {  	_ =	shalt  }
0x80: {  	_ =	shalt  }
0x81: {  	_ =	shalt  }
0x82: {  	_ =	shalt  }
0x83: {  	_ =	shalt  }
0x84: {  	_ =	shalt  }
0x85: {  	_ =	shalt  }
0x86: {  	_ =	shalt  }
0x87: {  	_ =	shalt  }
.Lfunc_end0:
.L_simem_size_0:
called_computation.2_lowered:
.L_overlay_start_0:
0x88: {  	s2 =	sld [smem:$0x3FD9]  }
0x89: {  	s3 =	sld [smem:$0x3FFE];
	_ =	sdelay $0x1  }
0x8a: {  	s1 =	srdreg.scid  }
0x8b: {  	s0 =	sand.u32 $0x1, s1  }
0x8c: {  	s17 =	sshll.u32 s0, $0xA;
	s2 =	sadd.s32 s3, s2  }
0x8d: {  	s2 =	sadd.s32 s2, s17  }
0x8e: {  	[smem:$0x3FC4] =	sst s2  }
0x8f: {  	_ = 	snop  }
0x90: {  	s2 =	sld [smem:$0x3FD0];
	(tm) =	ssettm $0x1  }
0x91: {  	s18 =	sld [smem:$0x3FFB];
	_ =	sdelay $0x3  }
0x92: {  	_ =	strace s18  }
0x93: {  	s3 =	sld [smem:$0x3FFC];
	_ =	sdelay $0x3  }
0x94: {  	_ =	strace s3  }
0x95: {  	s3 =	sld [smem:$0x3FFD];
	_ =	sdelay $0x3  }
0x96: {  	_ =	strace s3  }
0x97: {  	_ =	strace $0x8FFFFFFF  }
0x98: {  	s19 =	sld [smem:$0x3FDB];
	_ =	sdelay $0x1  }
0x99: {  	s4 =	simm.s32 $_scs_section_size  }
0x9a: {  	s5 =	simm.s32 $_size__tile_overlayer_lowered;
	s6 =	simm.s32 $_tile_overlayer_lowered  }
0x9b: {  	s22 =	simm.s32 $0x1BFF;
	s21 =	sshll.u32 s6, $0x1;
	s3 =	sadd.s32 s4, s19  }
0x9c: {  	s7 =	simm.s32 $0x0;
	s20 =	sshll.u32 s5, $0x1;
	s5 =	sadd.s32 s21, s3  }
0x9d: {  	[timem:s7], [sflag:s22] =	dma.local [hbm:s5], s20  }
0x9e: {  	_ =	swait.ge [sflag:s22], s20  }
0x9f: {  	s4 =	ssub.s32 $0x0, s20;
	[sflag:s22] =	ssyncset.done $0x0  }
0xa0: {  	[sflag:s22] =	ssyncadd.s32 s4;
	_ =	sdelay $0x1  }
0xa1: {  	s23 =	simm.s32 $0x1B8B  }
0xa2: {  	_ =	swait.ge [sflag:s23], $0x1  }
0xa3: {  	[sflag:s23] =	ssyncset.done $0x0  }
0xa4: {  	s25 =	simm.s32 $0x1B8E;
	s24 =	sld [smem:$0x3FFE];
	[sflag:s23] =	ssyncadd.s32 $0xFFFFFFFF  }
0xa5: {  	s26 =	simm.s32 $execute0_lowered;
	[smem:$0x3FD2] =	sst s25  }
0xa6: {  	s5 =	sshll.u32 s26, $0x1;
	_ =	strace $0x8000004C;
	[dreg:$0x1] =	wrdreg $0xFFFFFFFF  }
0xa7: {  	s28 =	simm.s32 $_size_execute0_lowered;
	s3 =	sadd.s32 s3, s5;
	[dreg:$0x0] =	wrdreg $0x0  }
0xa8: {  	s5 =	sshll.u32 s28, $0x1;
	[dreg:$0x2] =	wrdreg s3  }
0xa9: {  	[dreg:$0x3] =	wrdreg s5  }
0xaa: {  	[dreg:$0x4] =	wrdreg $0xC0  }
0xab: {  	_ =	task [dreg:s7], $0x5FFFF  }
0xac: {  	[dreg:$0x1] =	wrdreg $0xFFFFFFFF  }
0xad: {  	[dreg:$0x0] =	wrdreg $0x60  }
0xae: {  	[dreg:$0x2] =	wrdreg s24  }
0xaf: {  	[dreg:$0x3] =	wrdreg s2  }
0xb0: {  	[dreg:$0x4] =	wrdreg $0x9  }
0xb1: {  	_ =	task.clear_ibuf [dreg:s7], $0x5FFFF;
	_ =	strace $0x9000004C  }
0xb2: {  	s29 =	simm.s32 $0x9;
	_ =	strace $0x8000004E  }
0xb3: {  	_ =	swait.ge [sflag:s29], $0x1  }
0xb4: {  	[sflag:s29] =	ssyncadd.s32 $0xFFFFFFFF  }
0xb5: {  	_ =	strace $0x9000004E  }
0xb6: {  	_ =	sfence  }
0xb7: {  	s30 =	sld [smem:$0x0];
	_ =	sdelay $0x2  }
0xb8: {  	s31 =	sshll.u32 s1, $0xD;
	s1 =	sshrl.u32 s1, $0x2  }
0xb9: {  	s3 =	sand.u32 $0x4000, s31;
	s1 =	sadd.s32 s1, s30  }
0xba: {  	s0 =	sor.u32 s3, s0;
	s1 =	sshll.u32 s1, $0x11  }
0xbb: {  	s0 =	sor.u32 s1, s0  }
0xbc: {  	s0 =	sadd.s32 $0x8F2B, s0  }
0xbd: {  	[sflag:s0] =	ssyncadd.remote.s32 $0x1  }
0xbe: {  	_ =	sfence.sel $0xFFFF  }
0xbf: {  	[dreg:$0x0] =	wrdreg $0xFFFFFFFF;
	(pc) =	sbr.abs _section_cstart, $3  }
0xc0: {  	[dreg:$0x1] =	wrdreg $0xFFFFFFFF  }
0xc1: {  	_ =	task.clear_ibuf [dreg:s7], $0x2FFFF;
	_ =	strace $0x9FFFFFFF  }
0xc2: {  	(tm) =	ssettm $0x7FFFFFFF  }
0xc3: {  	_ =	shalt  }
tec
execute0_lowered:
.L_overlay_start_1:
0x0: {  	(tag) =	ssettag $0x1  }
0x1: {  	s6 =	rddreg [dreg:$0x0]  }
0x2: {  	s1 =	rddreg [dreg:$0x1]  }
0x3: {  	s0 =	rddreg [dreg:$0x2];
	s2 =	simm.s32 $0x0  }
0x4: {  	s3 =	srdreg.scid;
	s11 =	simm.s32 $0x800;
	s12 =	simm.s32 $0x1  }
0x5: {  	s13 =	simm.s32 $0x2;
	s14 =	simm.s32 $0x0;
	[smem:$0x7FF] =	sst s2  }
0x6: {  	s7 =	sand.u32 $0x1, s3;
	s3 =	stileid.u32;
	s4 =	sadd.s32 $0x71000, s6  }
0x7: {  	s5 =	sadd.s32 $0x49E00, s6;
	s6 =	sadd.s32 $0x29A00, s6;
	s8 =	ssub.s32 $0x2, s7  }
0x8: {  	v0 =	vlaneseq.u32;
	_ =	strace $0x8000004D;
	s10 =	sshll.u32 s3, $0x1;
	s9 =	sshrl.u32 s8, $0x1  }
0x9: {  	v1 =	vand.u32 $0x3, v0;
	s7 =	sor.u32 s7, s10;
	s10 =	simm.s32 $0x3;
	s8 =	ssub.s32 s8, s9  }
0xa: {  	v0 =	vshrl.u32 v0, $0x2;
	v1 =	vmul.u32 $0x2718, v1;
	s7 =	smul.u32 $0x2710, s7;
	s9 =	simm.s32 $0x2780;
	s8 =	smax.u32 s8, $0x1  }
.LBB2_1:
0xb: {  	[tilespmem:s9], [sflag:$0x3] =	stream.linear.gather [hbm4b:s6+s2], $0x9C80, $0x38;
	[tilespmem:$0xC400] =	vst v63  }
0xc: {  	_ =	swait.ge [sflag:s10], $0x9C80  }
0xd: {  	[sflag:s10] =	ssyncset.done $0x0  }
0xe: {  	s15 =	simm.s32 $0x0;
	[sflag:s10] =	ssyncadd.s32 $0xFFFF6380  }
.LBB2_2:
0xf: {  	s16 =	smul.u32 $0x7D0, s15;
	_ =	sdelay $0x1  }
0x10: {  	s16 =	sadd.s32 s7, s16  }
0x11: {  	s17 =	sshrl.u32 s16, $0x3  }
0x12: {  	p0 =	seq.s32 s15, $0x0;
	s17 =	sadd.s32 s4, s17  }
0x13: {  	[tilespmem:s2], [sflag:$0x1] =	stream.linear.gather [hbm4b:s17+s2], $0x7D0, $0x38;
	[tilespmem:$0xC400] =	vst v63  }
0x14: {  	s17 =	simm.s32 @!p0 $0x2  }
0x15: {  	_ =	swait.ge @!p0 [sflag:s17], $0x1F40  }
0x16: {  	s16 =	sshrl.u32 s16, $0x1;
	[sflag:s17] =	ssyncset.done @!p0 $0x0  }
0x17: {  	s31 =	sadd.s32 s5, s16;
	[sflag:s17] =	ssyncadd.s32 @!p0 $0xFFFFE0C0  }
0x18: {  	[tilespmem:s11], [sflag:$0x1] =	stream.linear.gather [hbm4b:s31+s2], $0x1F40, $0x38;
	[tilespmem:$0xC400] =	vst v63  }
0x19: {  	_ =	swait.ge [sflag:s12], $0x7D0  }
0x1a: {  	[sflag:s12] =	ssyncset.done $0x0  }
0x1b: {  	[sflag:s12] =	ssyncadd.s32 $0xFFFFF830  }
0x1c: {  	_ =	swait.ge [sflag:s12], $0x1F40  }
0x1d: {  	[sflag:s12] =	ssyncset.done $0x0  }
0x1e: {  	s18 =	simm.s32 $0x820;
	s17 =	simm.s32 $0xC;
	[sflag:s12] =	ssyncadd.s32 $0xFFFFE0C0  }
.LBB2_3:
0x1f: {  	s19 =	sadd.s32 $0xFFFFFFF4, s17  }
0x20: {  	v2 =	vor.u32 s19, v0;
	_ =	sdelay $0x4  }
0x21: {  	v2 =	vld.idx.msk [tilespmem:v2+s2+$0x0], $0xffff;
	_ =	sdelay $0x4  }
0x22: {  	v2 =	vadd.s32 v1, v2;
	_ =	sdelay $0x3  }
0x23: {  	v3 =	vld [tilespmem:s18+$0xFFFFFFE0]  }
0x24: {  	v2 =	vld.idx.msk [tilespmem:v2+s9+$0x0], $0xffff;
	_ =	sdelay $0x1  }
0x25: {  	s30 =	sadd.s32 $0xFFFFFFF8, s17  }
0x26: {  	v4 =	vor.u32 s30, v0;
	_ =	sdelay $0x1  }
0x27: {  	v2 =	vmul.f32 v3, v2;
	_ =	sdelay $0x1  }
0x28: {  	[tilespmem:s18+$0xFFFFFFE0] =	vst v2  }
0x29: {  	v2 =	vld.idx.msk [tilespmem:v4+s2+$0x0], $0xffff;
	_ =	sdelay $0x4  }
0x2a: {  	v2 =	vadd.s32 v1, v2;
	_ =	sdelay $0x3  }
0x2b: {  	v3 =	vld [tilespmem:s18+$0xFFFFFFF0]  }
0x2c: {  	v2 =	vld.idx.msk [tilespmem:v2+s9+$0x0], $0xffff;
	_ =	sdelay $0x1  }
0x2d: {  	s31 =	sadd.s32 $0xFFFFFFFC, s17  }
0x2e: {  	v62 =	vor.u32 s31, v0;
	_ =	sdelay $0x1  }
0x2f: {  	v2 =	vmul.f32 v3, v2;
	_ =	sdelay $0x1  }
0x30: {  	[tilespmem:s18+$0xFFFFFFF0] =	vst v2  }
0x31: {  	v2 =	vld.idx.msk [tilespmem:v62+s2+$0x0], $0xffff;
	_ =	sdelay $0x4  }
0x32: {  	v2 =	vadd.s32 v1, v2;
	_ =	sdelay $0x3  }
0x33: {  	v3 =	vld [tilespmem:s18+$0x0]  }
0x34: {  	v2 =	vld.idx.msk [tilespmem:v2+s9+$0x0], $0xffff;
	_ =	sdelay $0x2  }
0x35: {  	v63 =	vor.u32 s17, v0;
	_ =	sdelay $0x1  }
0x36: {  	v2 =	vmul.f32 v3, v2;
	_ =	sdelay $0x1  }
0x37: {  	[tilespmem:s18+$0x0] =	vst v2  }
0x38: {  	v2 =	vld.idx.msk [tilespmem:v63+s2+$0x0], $0xffff;
	_ =	sdelay $0x4  }
0x39: {  	v2 =	vadd.s32 v1, v2;
	_ =	sdelay $0x3  }
0x3a: {  	v3 =	vld [tilespmem:s18+$0x10]  }
0x3b: {  	v2 =	vld.idx.msk [tilespmem:v2+s9+$0x0], $0xffff;
	_ =	sdelay $0x1  }
0x3c: {  	p0 =	sne.s32 s17, $0x7CC  }
.Ltmp0:
0x3d: {  	_ = 	snop;
	(pc) =	sbr.rel @p0 .LBB2_3-.Ltmp0, $3  }
0x3e: {  	_ = 	snop  }
0x3f: {  	v2 =	vmul.f32 v3, v2;
	_ =	sdelay $0x1  }
0x40: {  	s17 =	sadd.s32 $0x10, s17;
	[tilespmem:s18+$0x10] =	vst v2;
	s18 =	sadd.s32 $0x40, s18  }
0x41: {  	s15 =	sadd.s32 $0x1, s15  }
0x42: {  	p0 =	sne.s32 s15, $0x5  }
.Ltmp1:
0x43: {  	_ = 	snop;
	(pc) =	sbr.rel @p0 .LBB2_2-.Ltmp1, $3  }
0x44: {  	_ =	sdelay $0x1  }
0x45: {  	s16 =	sadd.s32 s1, s16  }
0x46: {  	[hbm4b:s16+s2] =	stream.linear.scatter [tilespmem:s11], [sflag:$0x2], $0x1F40, $0x38;
	[tilespmem:$0xC400] =	vst v63  }
0x47: {  	s14 =	sadd.s32 $0x1, s14  }
0x48: {  	p0 =	sne.s32 s14, s8  }
.Ltmp2:
0x49: {  	_ = 	snop;
	(pc) =	sbr.rel @p0 .LBB2_1-.Ltmp2, $4  }
0x4a: {  	_ = 	snop  }
0x4b: {  	_ =	swait.ge [sflag:s13], $0x1F40  }
0x4c: {  	[sflag:s13] =	ssyncset.done $0x0  }
0x4d: {  	[sflag:s13] =	ssyncadd.s32 $0xFFFFE0C0  }
0x4e: {  	_ =	sfence.sel $0x180000  }
0x4f: {  	[bflag:$0x0] =	sbarrier.arrive $0xFFFF  }
0x50: {  	p0 =	sne.s32 s3, $0x0;
	_ =	strace $0x9000004D  }
0x51: {  	s0 =	sadd.s32 @!p0 $0x100000, s0;
	[bflag:$0x2] =	sbarrier.arrive $0xFFFF  }
0x52: {  	[sflag:s0] =	ssyncadd.tile.s32 @!p0 $0x1;
	_ =	shalt  }
.Lfunc_end2:
_tile_overlayer_lowered:
.L_overlay_start_2:
0x53: {  	(tag) =	ssettag $0x2  }
0x54: {  	s0 =	rddreg [dreg:$0x0];
	s2 =	stileid.u32  }
0x55: {  	s1 =	rddreg [dreg:$0x1];
	p0 =	sne.s32 s2, $0x0  }
0x56: {  	s3 =	rddreg [dreg:$0x2];
	[bflag:$0x3] =	sbarrier.arrive $0xFFFF;
	s2 =	simm.s32 @!p0 $0x1C03  }
0x57: {  	[timem:s3], [sflag:s2] =	dma.local @!p0 [hbm:s0], s1  }
0x58: {  	s0 =	simm.s32 @!p0 $0x3  }
0x59: {  	_ =	swait.ge @!p0 [sflag:s0], s1  }
0x5a: {  	s1 =	ssub.s32 @!p0 $0x0, s1;
	[sflag:s0] =	ssyncset.done @!p0 $0x0  }
0x5b: {  	[sflag:s0] =	ssyncadd.s32 @!p0 s1  }
0x5c: {  	[bflag:$0x3] =	sbarrier.arrive $0xFFFF  }
0x5d: {  	_ =	shalt  }

// kernel: kernel.18.cloned.1.call-start
scs
__scs_entry_jumppad:
0x0: {  	(pc) =	sbr.rel $0x88, $3  }
0x1: {  	(tag) =	ssettag $0x0;
	lr =	simm.s32 $0x1  }
0x2: {  	[smem:$0x3F9D] =	sst lr;
	_ =	strace $0xD0000000  }
0x3: {  	_ = 	snop  }
0x4: {  	_ = 	snop  }
0x5: {  	_ = 	snop  }
0x6: {  	_ = 	snop  }
0x7: {  	_ = 	snop  }
__scs_overlays_trampoline_lowered:
0x8: {  	[smem:$0x3FAC] =	sst s0  }
0x9: {  	[smem:$0x3FAD] =	sst s1  }
0xa: {  	[smem:$0x3FAE] =	sst s2  }
0xb: {  	[smem:$0x3FAF] =	sst s3  }
0xc: {  	[smem:$0x3FB0] =	sst s4  }
0xd: {  	[smem:$0x3FB1] =	sst s5  }
0xe: {  	[smem:$0x3FB2] =	sst s6  }
0xf: {  	[smem:$0x3FB3] =	sst s7  }
0x10: {  	[smem:$0x3FB4] =	sst s8  }
0x11: {  	[smem:$0x3FB5] =	sst s9;
	s0 =	simm.s32 @!p0 $0x0  }
0x12: {  	s1 =	sld [smem:$0x3F9B];
	s0 =	simm.s32 @p0 $0x1  }
0x13: {  	[smem:$0x3FB6] =	sst s0;
	s0 =	simm.s32 @!p1 $0x0  }
0x14: {  	s2 =	sld [smem:$0x3F9A];
	s0 =	simm.s32 @p1 $0x1  }
0x15: {  	[smem:$0x3FB7] =	sst s0;
	s0 =	simm.s32 @!p2 $0x0  }
0x16: {  	s3 =	sld [smem:$0x3FDB];
	s0 =	simm.s32 @p2 $0x1  }
0x17: {  	s4 =	simm.s32 $0x1BF5;
	[smem:$0x3FB9] =	sst s0  }
0x18: {  	s0 =	sld [smem:$0x3F9C];
	_ =	swait.ge [sflag:s4], $0x0  }
0x19: {  	s7 =	sld [smem:$0x3F9D]  }
0x1a: {  	s8 =	sadd.s32 $0xFFFFE003, lr  }
0x1b: {  	s9 =	sadd.s32 $0xFFFFFEF7, lr;
	s5 =	simm.s32 $0xFFFFFFFF;
	p2 =	slt.u32 s8, $0xFFFFF086  }
0x1c: {  	p1 =	slt.u32 s9, $0xF7A;
	s5 =	simm.s32 @!p2 $0x0  }
0x1d: {  	s5 =	simm.s32 @p1 $0x1;
	p0 =	seq.s32 s7, s2  }
0x1e: {  	s7 =	smul.u32 @!p0 $0xF7A, s2;
	p2 =	seq.s32 @!p0 s5, $0x0  }
0x1f: {  	s9 =	smul.u32 $0xF7A, s1;
	s8 =	simm.s32 @!p0 $0x1BF5;
	p2 =	por !p2, p0  }
0x20: {  	[sflag:s8] =	ssyncset.s32 @!p0 $0xFFFFF086;
	s6 =	sadd.s32 @!p0 s3, s7;
	s7 =	simm.s32 @!p0 $0x108  }
0x21: {  	s3 =	sadd.s32 s3, s9;
	s6 =	sadd.s32 @!p0 $0x88, s6;
	s7 =	simm.s32 @p2 $0x1082  }
0x22: {  	[simem:s7], [sflag:s8] =	dma.local @!p0 [hbm:s6], $0xF7A  }
0x23: {  	s9 =	sor.u32 $0xD0000000, s2;
	s6 =	simm.s32 $0x108;
	_ =	swait.ge @!p0 [sflag:s8], $0x0  }
0x24: {  	s3 =	sadd.s32 $0x88, s3;
	s6 =	simm.s32 @!p1 $0x1082;
	[sflag:s4] =	ssyncset.s32 $0xFFFFF086  }
0x25: {  	[simem:s6], [sflag:s4] =	dma.local [hbm:s3], $0xF7A  }
0x26: {  	[smem:$0x3F9D] =	sst s1;
	(tag) =	ssettag s2;
	_ =	strace s9  }
0x27: {  	s1 =	sld [smem:$0x3FAD]  }
0x28: {  	s2 =	sld [smem:$0x3FAE]  }
0x29: {  	s4 =	sld [smem:$0x3FB0]  }
0x2a: {  	p0 =	seq.s32 s5, $0x0;
	s5 =	sld [smem:$0x3FB1]  }
0x2b: {  	s6 =	sld [smem:$0x3FB2]  }
0x2c: {  	s7 =	sld [smem:$0x3FB3]  }
0x2d: {  	s3 =	simm.s32 $0x108;
	s8 =	sld [smem:$0x3FB4]  }
0x2e: {  	s3 =	simm.s32 @!p0 $0x1082;
	s9 =	sld [smem:$0x3FB5]  }
0x2f: {  	lr =	sadd.s32 s0, s3;
	s0 =	sld [smem:$0x3FAC]  }
0x30: {  	s3 =	sld [smem:$0x3FAF]  }
0x31: {  	[smem:$0x3FB8] =	sst s10  }
0x32: {  	s10 =	sld [smem:$0x3FB6];
	_ =	sdelay $0x3  }
0x33: {  	p0 =	seq.s32 s10, $0x1;
	s10 =	sld [smem:$0x3FB8];
	_ =	sdelay $0x3  }
0x34: {  	[smem:$0x3FB8] =	sst s10  }
0x35: {  	s10 =	sld [smem:$0x3FB7];
	_ =	sdelay $0x3  }
0x36: {  	p1 =	seq.s32 s10, $0x1;
	s10 =	sld [smem:$0x3FB8];
	_ =	sdelay $0x3  }
0x37: {  	[smem:$0x3FB8] =	sst s10  }
0x38: {  	s10 =	sld [smem:$0x3FB9]  }
0x39: {  	_ = 	snop;
	(pc) =	sbr.ind lr, $3  }
0x3a: {  	_ = 	snop  }
0x3b: {  	_ = 	snop  }
0x3c: {  	p2 =	seq.s32 s10, $0x1;
	s10 =	sld [smem:$0x3FB8]  }
0x3d: {  	_ =	shalt  }
0x3e: {  	_ =	shalt  }
0x3f: {  	_ =	shalt  }
0x40: {  	_ =	shalt  }
0x41: {  	_ =	shalt  }
0x42: {  	_ =	shalt  }
0x43: {  	_ =	shalt  }
0x44: {  	_ =	shalt  }
0x45: {  	_ =	shalt  }
0x46: {  	_ =	shalt  }
0x47: {  	_ =	shalt  }
0x48: {  	_ =	shalt  }
0x49: {  	_ =	shalt  }
0x4a: {  	_ =	shalt  }
0x4b: {  	_ =	shalt  }
0x4c: {  	_ =	shalt  }
0x4d: {  	_ =	shalt  }
0x4e: {  	_ =	shalt  }
0x4f: {  	_ =	shalt  }
0x50: {  	_ =	shalt  }
0x51: {  	_ =	shalt  }
0x52: {  	_ =	shalt  }
0x53: {  	_ =	shalt  }
0x54: {  	_ =	shalt  }
0x55: {  	_ =	shalt  }
0x56: {  	_ =	shalt  }
0x57: {  	_ =	shalt  }
0x58: {  	_ =	shalt  }
0x59: {  	_ =	shalt  }
0x5a: {  	_ =	shalt  }
0x5b: {  	_ =	shalt  }
0x5c: {  	_ =	shalt  }
0x5d: {  	_ =	shalt  }
0x5e: {  	_ =	shalt  }
0x5f: {  	_ =	shalt  }
0x60: {  	_ =	shalt  }
0x61: {  	_ =	shalt  }
0x62: {  	_ =	shalt  }
0x63: {  	_ =	shalt  }
0x64: {  	_ =	shalt  }
0x65: {  	_ =	shalt  }
0x66: {  	_ =	shalt  }
0x67: {  	_ =	shalt  }
0x68: {  	_ =	shalt  }
0x69: {  	_ =	shalt  }
0x6a: {  	_ =	shalt  }
0x6b: {  	_ =	shalt  }
0x6c: {  	_ =	shalt  }
0x6d: {  	_ =	shalt  }
0x6e: {  	_ =	shalt  }
0x6f: {  	_ =	shalt  }
0x70: {  	_ =	shalt  }
0x71: {  	_ =	shalt  }
0x72: {  	_ =	shalt  }
0x73: {  	_ =	shalt  }
0x74: {  	_ =	shalt  }
0x75: {  	_ =	shalt  }
0x76: {  	_ =	shalt  }
0x77: {  	_ =	shalt  }
0x78: {  	_ =	shalt  }
0x79: {  	_ =	shalt  }
0x7a: {  	_ =	shalt  }
0x7b: {  	_ =	shalt  }
0x7c: {  	_ =	shalt  }
0x7d: {  	_ =	shalt  }
0x7e: {  	_ =	shalt  }
0x7f: {  	_ =	shalt  }
0x80: {  	_ =	shalt  }
0x81: {  	_ =	shalt  }
0x82: {  	_ =	shalt  }
0x83: {  	_ =	shalt  }
0x84: {  	_ =	shalt  }
0x85: {  	_ =	shalt  }
0x86: {  	_ =	shalt  }
0x87: {  	_ =	shalt  }
.Lfunc_end0:
.L_simem_size_0:
called_computation.3_lowered:
.L_overlay_start_0:
0x88: {  	s2 =	sld [smem:$0x3FD9]  }
0x89: {  	s3 =	sld [smem:$0x3FFE];
	_ =	sdelay $0x1  }
0x8a: {  	s1 =	srdreg.scid  }
0x8b: {  	s0 =	sand.u32 $0x1, s1  }
0x8c: {  	s17 =	sshll.u32 s0, $0xA;
	s2 =	sadd.s32 s3, s2  }
0x8d: {  	s2 =	sadd.s32 s2, s17  }
0x8e: {  	[smem:$0x3FC4] =	sst s2  }
0x8f: {  	_ = 	snop  }
0x90: {  	s2 =	sld [smem:$0x3FD0];
	(tm) =	ssettm $0x1  }
0x91: {  	s18 =	sld [smem:$0x3FFB];
	_ =	sdelay $0x3  }
0x92: {  	_ =	strace s18  }
0x93: {  	s3 =	sld [smem:$0x3FFC];
	_ =	sdelay $0x3  }
0x94: {  	_ =	strace s3  }
0x95: {  	s3 =	sld [smem:$0x3FFD];
	_ =	sdelay $0x3  }
0x96: {  	_ =	strace s3  }
0x97: {  	_ =	strace $0x8FFFFFFF  }
0x98: {  	s19 =	sld [smem:$0x3FDB];
	_ =	sdelay $0x1  }
0x99: {  	s4 =	simm.s32 $_scs_section_size  }
0x9a: {  	s5 =	simm.s32 $_size__tile_overlayer_lowered;
	s6 =	simm.s32 $_tile_overlayer_lowered  }
0x9b: {  	s22 =	simm.s32 $0x1BFF;
	s21 =	sshll.u32 s6, $0x1;
	s3 =	sadd.s32 s4, s19  }
0x9c: {  	s7 =	simm.s32 $0x0;
	s20 =	sshll.u32 s5, $0x1;
	s5 =	sadd.s32 s21, s3  }
0x9d: {  	[timem:s7], [sflag:s22] =	dma.local [hbm:s5], s20  }
0x9e: {  	_ =	swait.ge [sflag:s22], s20  }
0x9f: {  	s4 =	ssub.s32 $0x0, s20;
	[sflag:s22] =	ssyncset.done $0x0  }
0xa0: {  	[sflag:s22] =	ssyncadd.s32 s4;
	_ =	sdelay $0x1  }
0xa1: {  	s23 =	simm.s32 $0x1B8B  }
0xa2: {  	_ =	swait.ge [sflag:s23], $0x1  }
0xa3: {  	[sflag:s23] =	ssyncset.done $0x0  }
0xa4: {  	s25 =	simm.s32 $0x1B8E;
	s24 =	sld [smem:$0x3FFE];
	[sflag:s23] =	ssyncadd.s32 $0xFFFFFFFF  }
0xa5: {  	s26 =	simm.s32 $execute0_lowered;
	[smem:$0x3FD2] =	sst s25  }
0xa6: {  	s5 =	sshll.u32 s26, $0x1;
	_ =	strace $0x8000004F;
	[dreg:$0x1] =	wrdreg $0xFFFFFFFF  }
0xa7: {  	s28 =	simm.s32 $_size_execute0_lowered;
	s3 =	sadd.s32 s3, s5;
	[dreg:$0x0] =	wrdreg $0x0  }
0xa8: {  	s5 =	sshll.u32 s28, $0x1;
	[dreg:$0x2] =	wrdreg s3  }
0xa9: {  	[dreg:$0x3] =	wrdreg s5  }
0xaa: {  	[dreg:$0x4] =	wrdreg $0xC0  }
0xab: {  	_ =	task [dreg:s7], $0x5FFFF  }
0xac: {  	[dreg:$0x1] =	wrdreg $0xFFFFFFFF  }
0xad: {  	[dreg:$0x0] =	wrdreg $0x60  }
0xae: {  	[dreg:$0x2] =	wrdreg s24  }
0xaf: {  	[dreg:$0x3] =	wrdreg s2  }
0xb0: {  	[dreg:$0x4] =	wrdreg $0xAF800  }
0xb1: {  	[dreg:$0x5] =	wrdreg $0x9  }
0xb2: {  	_ =	task.clear_ibuf [dreg:s7], $0x6FFFF;
	_ =	strace $0x9000004F  }
0xb3: {  	s29 =	simm.s32 $0x9;
	_ =	strace $0x80000051  }
0xb4: {  	_ =	swait.ge [sflag:s29], $0x1  }
0xb5: {  	[sflag:s29] =	ssyncadd.s32 $0xFFFFFFFF  }
0xb6: {  	_ =	strace $0x90000051  }
0xb7: {  	_ =	sfence  }
0xb8: {  	s30 =	sld [smem:$0x0];
	_ =	sdelay $0x2  }
0xb9: {  	s31 =	sshll.u32 s1, $0xD;
	s1 =	sshrl.u32 s1, $0x2  }
0xba: {  	s3 =	sand.u32 $0x4000, s31;
	s1 =	sadd.s32 s1, s30  }
0xbb: {  	s0 =	sor.u32 s3, s0;
	s1 =	sshll.u32 s1, $0x11  }
0xbc: {  	s0 =	sor.u32 s1, s0  }
0xbd: {  	s0 =	sadd.s32 $0x8F2B, s0  }
0xbe: {  	[sflag:s0] =	ssyncadd.remote.s32 $0x1  }
0xbf: {  	_ =	sfence.sel $0xFFFF  }
0xc0: {  	[dreg:$0x0] =	wrdreg $0xFFFFFFFF;
	(pc) =	sbr.abs _section_cstart, $3  }
0xc1: {  	[dreg:$0x1] =	wrdreg $0xFFFFFFFF  }
0xc2: {  	_ =	task.clear_ibuf [dreg:s7], $0x2FFFF;
	_ =	strace $0x9FFFFFFF  }
0xc3: {  	(tm) =	ssettm $0x7FFFFFFF  }
tec
execute0_lowered:
.L_overlay_start_1:
0x0: {  	(tag) =	ssettag $0x1  }
0x1: {  	s0 =	rddreg [dreg:$0x0]  }
0x2: {  	s1 =	rddreg [dreg:$0x1]  }
0x3: {  	s2 =	rddreg [dreg:$0x2];
	s3 =	simm.s32 $0x0  }
0x4: {  	s6 =	srdreg.scid;
	s9 =	stileid.u32;
	s12 =	simm.s32 $0x1400  }
0x5: {  	s13 =	simm.s32 $0x1;
	s14 =	simm.s32 $0x32;
	s15 =	simm.s32 $0x4780  }
0x6: {  	s16 =	simm.s32 $0x80;
	s17 =	simm.s32 $0x6080;
	s18 =	simm.s32 $0x7B80  }
0x7: {  	s19 =	simm.s32 $0x9480;
	s20 =	simm.s32 $0x2;
	s21 =	simm.s32 $0x3  }
0x8: {  	s22 =	simm.s32 $0x4;
	s23 =	simm.s32 $0x5;
	[smem:$0x7FF] =	sst s3  }
0x9: {  	s4 =	sadd.s32 $0x2AE00, s0;
	s5 =	sadd.s32 $0x7AE00, s0;
	s7 =	sand.u32 $0x1, s6  }
0xa: {  	v0 =	vimm.s32 $0x0;
	s6 =	sadd.s32 $0x2800, s0;
	s10 =	sadd.s32 $0x43E00, s0;
	s8 =	smul.u32 $0x27180, s7  }
0xb: {  	v1 =	vimm.s32 $0x1;
	v2 =	vimm.s32 $0x2;
	v3 =	vimm.s32 $0x3;
	s11 =	sshll.u32 s9, $0x1;
	p0 =	sne.s32 s9, $0x0;
	s29 =	ssub.s32 $0x2, s7  }
0xc: {  	v4 =	vimm.s32 $0x4;
	v5 =	vimm.s32 $0x5;
	v6 =	vimm.s32 $0x6;
	_ =	strace $0x80000050;
	s30 =	sshrl.u32 s29, $0x1;
	s0 =	sadd.s32 s8, s0  }
0xd: {  	v7 =	vimm.s32 $0x7;
	v8 =	vimm.s32 $0x8;
	v9 =	vimm.s32 $0x9;
	[dreg:$0x4] =	wrdreg s10;
	s10 =	ssub.s32 s29, s30;
	s0 =	sadd.s32 $0x93E00, s0  }
0xe: {  	v10 =	vimm.s32 $0xA;
	v11 =	vimm.s32 $0xB;
	v12 =	vimm.s32 $0xC;
	s7 =	sor.u32 s7, s11;
	s31 =	smax.u32 s10, $0x1;
	[dreg:$0x5] =	wrdreg s0  }
0xf: {  	v13 =	vimm.s32 $0xD;
	v14 =	vimm.s32 $0xE;
	v15 =	vimm.s32 $0xF;
	s11 =	sshrl.u32 @!p0 s2, $0x3;
	s8 =	smul.u32 $0x2710, s7;
	[dreg:$0x6] =	wrdreg s31  }
.LBB2_1:
0x10: {  	s0 =	simm.s32 @!p0 $0x1C06;
	s7 =	rddreg [dreg:$0x4]  }
0x11: {  	[spmem:s11], [sflag:s0] =	dma.local @!p0 [hbm:s7], $0x27180  }
0x12: {  	s0 =	simm.s32 @!p0 $0x6  }
0x13: {  	_ =	swait.ge @!p0 [sflag:s0], $0x27180  }
0x14: {  	[sflag:s0] =	ssyncset.done @!p0 $0x0  }
0x15: {  	[sflag:s0] =	ssyncadd.s32 @!p0 $0xFFFD8E80  }
0x16: {  	s24 =	simm.s32 $0x0;
	[bflag:$0x0] =	sbarrier.arrive $0xFFFF  }
.LBB2_2:
0x17: {  	p1 =	seq.s32 s24, $0x0  }
0x18: {  	s7 =	smul.u32 $0x7D0, s24;
	s0 =	simm.s32 @!p1 $0x5  }
0x19: {  	_ =	swait.ge @!p1 [sflag:s0], $0x1900  }
0x1a: {  	s7 =	sadd.s32 s8, s7;
	[sflag:s0] =	ssyncset.done @!p1 $0x0  }
0x1b: {  	s9 =	smulhi.u32 $0x51EB851F, s7;
	[sflag:s0] =	ssyncadd.s32 @!p1 $0xFFFFE700  }
0x1c: {  	_ =	swait.ge @!p1 [sflag:s0], $0x1900  }
0x1d: {  	s9 =	sand.u32 $0xFFFFF80, s9;
	[sflag:s0] =	ssyncset.done @!p1 $0x0  }
0x1e: {  	s25 =	simm.s32 $0x0;
	s29 =	sadd.s32 s4, s9;
	[sflag:s0] =	ssyncadd.s32 @!p1 $0xFFFFE700  }
0x1f: {  	[tilespmem:s25], [sflag:$0x1] =	stream.linear.gather [hbm4b:s29+s25], $0x1400, $0x38;
	[tilespmem:$0x1E840] =	vst v63  }
0x20: {  	s31 =	sshrl.u32 s7, $0x1;
	s30 =	sadd.s32 s5, s9  }
0x21: {  	[tilespmem:s12], [sflag:$0x1] =	stream.linear.gather [hbm4b:s30+s25], $0x1400, $0x38;
	[tilespmem:$0x1E840] =	vst v63  }
0x22: {  	s26 =	simm.s32 $0x2800;
	s0 =	sadd.s32 s1, s31  }
0x23: {  	[tilespmem:s26], [sflag:$0x1] =	stream.linear.gather [hbm4b:s0+s25], $0x1F40, $0x38;
	[tilespmem:$0x1E840] =	vst v63  }
0x24: {  	_ =	swait.ge [sflag:s13], $0x1400  }
0x25: {  	[sflag:s13] =	ssyncset.done $0x0  }
0x26: {  	[sflag:s13] =	ssyncadd.s32 $0xFFFFEC00  }
0x27: {  	_ =	swait.ge [sflag:s13], $0x1400  }
0x28: {  	[sflag:s13] =	ssyncset.done $0x0  }
0x29: {  	[sflag:s13] =	ssyncadd.s32 $0xFFFFEC00  }
0x2a: {  	_ =	swait.ge [sflag:s13], $0x1F40  }
0x2b: {  	[sflag:s13] =	ssyncset.done $0x0  }
0x2c: {  	[sflag:s13] =	ssyncadd.s32 $0xFFFFE0C0  }
0x2d: {  	[tilespmem:s15], [sflag:$0x2] =	stream.indirect.gather [hbm4b:s6+s14], $0x80, s25, s14, $0xb8;
	[tilespmem:$0x1E840] =	vst v63  }
0x2e: {  	s28 =	simm.s32 $0x2990  }
0x2f: {  	[tilespmem:s17], [sflag:$0x2] =	stream.indirect.gather [hbm4b:s6+s14], $0x80, s16, s14, $0xb8;
	[tilespmem:$0x1E840] =	vst v63  }
.LBB2_3:
0x30: {  	p1 =	seq.s32 s25, $0x0  }
0x31: {  	s0 =	simm.s32 @!p1 $0x5  }
0x32: {  	_ =	swait.ge @!p1 [sflag:s0], $0x1900  }
0x33: {  	[sflag:s0] =	ssyncset.done @!p1 $0x0  }
0x34: {  	[sflag:s0] =	ssyncadd.s32 @!p1 $0xFFFFE700  }
0x35: {  	_ =	swait.ge @!p1 [sflag:s0], $0x1900  }
0x36: {  	s7 =	sshllo.u32 s25, $0x1;
	[sflag:s0] =	ssyncset.done @!p1 $0x0  }
0x37: {  	s29 =	sshll.u32 s7, $0x8;
	[sflag:s0] =	ssyncadd.s32 @!p1 $0xFFFFE700  }
0x38: {  	[tilespmem:s18], [sflag:$0x3] =	stream.indirect.gather [hbm4b:s6+s14], $0x80, s29, s14, $0xb8;
	[tilespmem:$0x1E840] =	vst v63  }
0x39: {  	s30 =	sor.u32 $0x80, s29  }
0x3a: {  	[tilespmem:s19], [sflag:$0x3] =	stream.indirect.gather [hbm4b:s6+s14], $0x80, s30, s14, $0xb8;
	[tilespmem:$0x1E840] =	vst v63  }
0x3b: {  	_ =	swait.ge [sflag:s20], $0x1900  }
0x3c: {  	[sflag:s20] =	ssyncset.done $0x0  }
0x3d: {  	[sflag:s20] =	ssyncadd.s32 $0xFFFFE700  }
0x3e: {  	_ =	swait.ge [sflag:s20], $0x1900  }
0x3f: {  	[sflag:s20] =	ssyncset.done $0x0  }
0x40: {  	s0 =	simm.s32 $0x4880;
	[sflag:s20] =	ssyncadd.s32 $0xFFFFE700  }
0x41: {  	v22 =	vld [tilespmem:s0+$0xFFFFFFA0]  }
0x42: {  	v19 =	vld [tilespmem:s0+$0xFFFFFFF0]  }
0x43: {  	v16 =	vld [tilespmem:s0+$0xFFFFFF60]  }
0x44: {  	v20 =	vmov s26;
	v23 =	vld [tilespmem:s0+$0xFFFFFFD0]  }
0x45: {  	v24 =	vld [tilespmem:s0+$0x80]  }
0x46: {  	v27 =	vld [tilespmem:s0+$0xFFFFFF10]  }
0x47: {  	v31 =	vld [tilespmem:s0+$0xE0]  }
0x48: {  	s10 =	simm.s32 $0x0;
	v26 =	vld [tilespmem:s0+$0xFFFFFF40]  }
0x49: {  	v17 =	vld.idx.msk [tilespmem:v20+s10+$0x0 ss:$0x1], $0xffff  }
0x4a: {  	v18 =	vld [tilespmem:s0+$0xFFFFFF90]  }
0x4b: {  	v25 =	vld [tilespmem:s0+$0xFFFFFFC0]  }
0x4c: {  	v28 =	vld [tilespmem:s0+$0xFFFFFF00]  }
0x4d: {  	v29 =	vld [tilespmem:s0+$0xD0]  }
0x4e: {  	v38 =	vld [tilespmem:s0+$0xC0]  }
0x4f: {  	v36 =	vld [tilespmem:s0+$0x90];
	v34 =	vperm.xlane v17, v0;
	v21 =	vperm.xlane v17, v15  }
0x50: {  	v37 =	vld [tilespmem:s0+$0xFFFFFF50];
	v35 =	vperm.xlane v17, v2;
	v33 =	vperm.xlane v17, v14  }
0x51: {  	v32 =	vld [tilespmem:s0+$0xB0];
	v30 =	vperm.xlane v17, v12;
	v40 =	vmul.f32 v28, v34  }
0x52: {  	s31 =	simm.s32 $0x40;
	s7 =	simm.s32 $0x4880;
	v28 =	vperm.xlane v17, v13;
	v39 =	vmul.f32 v26, v35;
	v26 =	vld [tilespmem:s0+$0x60]  }
.LBB2_4:
0x53: {  	p1 =	sne.s32 s31, $0x600  }
0x54: {  	[tilespmem:s0+$0xFFFFFF00] =	vst v40;
	v40 =	vld [tilespmem:s0+$0xFFFFFFB0];
	v38 =	vmul.f32 v38, v33;
	v31 =	vmul.f32 v31, v21;
	s7 =	sadd.s32 $0x200, s7;
	s9 =	smov.u32 s31;
	s31 =	sadd.s32 $0x40, s31  }
0x55: {  	[tilespmem:s0+$0xFFFFFF40] =	vst v39;
	v39 =	vperm.xlane v17, v10;
	v36 =	vmul.f32 v36, v30;
	v41 =	vld [tilespmem:s0+$0xA0]  }
0x56: {  	v27 =	vmul.f32 v27, v34;
	v34 =	vmul.f32 v37, v35;
	v35 =	vld [tilespmem:s0+$0x70];
	[tilespmem:s0+$0xE0] =	vst v31  }
0x57: {  	v31 =	vperm.xlane v17, v5;
	v37 =	vld [tilespmem:s0+$0xFFFFFFE0];
	v32 =	vmul.f32 v32, v28;
	[tilespmem:s0+$0xC0] =	vst v38  }
0x58: {  	v29 =	vmul.f32 v29, v33;
	[tilespmem:s0+$0xFFFFFF10] =	vst v27;
	v27 =	vperm.xlane v17, v6;
	v38 =	vld [tilespmem:s0+$0x40]  }
0x59: {  	v42 =	vperm.xlane v17, v11;
	v22 =	vmul.f32 v22, v31;
	v33 =	vld [tilespmem:s0+$0xFFFFFF20];
	[tilespmem:s0+$0x90] =	vst v36  }
0x5a: {  	[tilespmem:s0+$0xFFFFFF50] =	vst v34;
	v34 =	vperm.xlane v17, v9;
	v36 =	vld [tilespmem:s0+$0x20];
	v28 =	vmul.f32 v41, v28  }
0x5b: {  	v31 =	vmul.f32 v40, v31;
	v40 =	vld [tilespmem:s0+$0x50];
	v35 =	vmul.f32 v35, v42;
	[tilespmem:s0+$0xD0] =	vst v29  }
0x5c: {  	v24 =	vmul.f32 v24, v30;
	v29 =	vperm.xlane v17, v7;
	v41 =	vld [tilespmem:s0+$0x30];
	[tilespmem:s0+$0xA0] =	vst v28  }
0x5d: {  	v25 =	vmul.f32 v25, v27;
	v28 =	vperm.xlane v17, v3;
	v30 =	vld [tilespmem:s0+$0x0];
	[tilespmem:s0+$0x70] =	vst v35  }
0x5e: {  	v26 =	vmul.f32 v26, v42;
	v23 =	vmul.f32 v23, v27;
	v27 =	vld [tilespmem:s0+$0x10];
	[tilespmem:s0+$0x80] =	vst v24  }
0x5f: {  	v35 =	vperm.xlane v17, v8;
	v38 =	vmul.f32 v38, v39;
	v24 =	vld [tilespmem:s0+$0xFFFFFF30];
	[tilespmem:s0+$0xB0] =	vst v32  }
0x60: {  	v32 =	vperm.xlane v17, v1;
	v42 =	vld [tilespmem:s0+$0xFFFFFF70];
	[tilespmem:s0+$0xFFFFFFD0] =	vst v23;
	v39 =	vmul.f32 v40, v39  }
0x61: {  	v19 =	vmul.f32 v19, v29;
	v23 =	vmul.f32 v37, v29;
	[tilespmem:s0+$0xFFFFFFC0] =	vst v25;
	v25 =	vld [tilespmem:s0+$0xF0]  }
0x62: {  	v37 =	vmul.f32 v41, v34;
	v29 =	vld [tilespmem:s0+$0xFFFFFF80];
	[tilespmem:s0+$0xFFFFFFA0] =	vst v22;
	v30 =	vmul.f32 v30, v35  }
0x63: {  	v22 =	vld [tilespmem:s7+$0xFFFFFFA0];
	[tilespmem:s0+$0xFFFFFFF0] =	vst v19;
	v35 =	vmul.f32 v27, v35;
	v27 =	vmul.f32 v36, v34  }
0x64: {  	v19 =	vmul.f32 v33, v32;
	v32 =	vmul.f32 v24, v32;
	[tilespmem:s0+$0x60] =	vst v26  }
0x65: {  	v16 =	vmul.f32 v16, v28;
	v24 =	vmul.f32 v42, v28;
	[tilespmem:s0+$0xFFFFFFB0] =	vst v31  }
0x66: {  	v17 =	vperm.xlane v17, v4;
	[tilespmem:s0+$0xFFFFFF20] =	vst v19;
	v19 =	vmul.f32 v25, v21  }
0x67: {  	[tilespmem:s0+$0xFFFFFF60] =	vst v16  }
0x68: {  	v21 =	vmul.f32 v29, v17;
	v16 =	vmul.f32 v18, v17;
	[tilespmem:s0+$0x40] =	vst v38  }
0x69: {  	[tilespmem:s0+$0xFFFFFFE0] =	vst v23  }
0x6a: {  	[tilespmem:s0+$0xF0] =	vst v19  }
0x6b: {  	[tilespmem:s0+$0xFFFFFF90] =	vst v16  }
0x6c: {  	[tilespmem:s0+$0xFFFFFF70] =	vst v24  }
0x6d: {  	v19 =	vld [tilespmem:s7+$0xFFFFFFF0];
	[tilespmem:s0+$0x20] =	vst v27  }
0x6e: {  	v16 =	vld [tilespmem:s7+$0xFFFFFF60];
	[tilespmem:s0+$0x30] =	vst v37  }
0x6f: {  	v23 =	vld [tilespmem:s7+$0xFFFFFFD0];
	[tilespmem:s0+$0xFFFFFF80] =	vst v21  }
0x70: {  	v24 =	vld [tilespmem:s7+$0x80];
	[tilespmem:s0+$0x50] =	vst v39  }
0x71: {  	v27 =	vld [tilespmem:s7+$0xFFFFFF10];
	[tilespmem:s0+$0x0] =	vst v30  }
0x72: {  	v31 =	vld [tilespmem:s7+$0xE0];
	[tilespmem:s0+$0xFFFFFF30] =	vst v32  }
0x73: {  	s9 =	sshra.s32 s9, $0x2;
	v26 =	vld [tilespmem:s7+$0xFFFFFF40];
	[tilespmem:s0+$0x10] =	vst v35;
	s0 =	smov.u32 s7  }
0x74: {  	v17 =	vld.idx.msk [tilespmem:v20+s9+$0x0 ss:$0x1], $0xffff  }
0x75: {  	v18 =	vld [tilespmem:s7+$0xFFFFFF90]  }
0x76: {  	v25 =	vld [tilespmem:s7+$0xFFFFFFC0]  }
0x77: {  	v28 =	vld [tilespmem:s7+$0xFFFFFF00]  }
0x78: {  	v29 =	vld [tilespmem:s7+$0xD0]  }
.Ltmp0:
0x79: {  	v38 =	vld [tilespmem:s7+$0xC0];
	(pc) =	sbr.rel @p1 .LBB2_4-.Ltmp0, $4  }
0x7a: {  	v34 =	vperm.xlane v17, v0;
	v21 =	vperm.xlane v17, v15;
	v36 =	vld [tilespmem:s7+$0x90]  }
0x7b: {  	v35 =	vperm.xlane v17, v2;
	v33 =	vperm.xlane v17, v14;
	v37 =	vld [tilespmem:s7+$0xFFFFFF50]  }
0x7c: {  	v40 =	vmul.f32 v28, v34;
	v28 =	vperm.xlane v17, v13;
	v32 =	vld [tilespmem:s7+$0xB0]  }
0x7d: {  	v30 =	vperm.xlane v17, v12;
	v39 =	vmul.f32 v26, v35;
	v26 =	vld [tilespmem:s7+$0x60]  }
0x7e: {  	[tilespmem:s0+$0xFFFFFF00] =	vst v40;
	v20 =	vmul.f32 v31, v21  }
0x7f: {  	v31 =	vmul.f32 v38, v33;
	[tilespmem:s0+$0xFFFFFF40] =	vst v39  }
0x80: {  	v27 =	vmul.f32 v27, v34;
	[tilespmem:s0+$0xE0] =	vst v20  }
0x81: {  	v24 =	vmul.f32 v24, v30;
	[tilespmem:s0+$0xC0] =	vst v31  }
0x82: {  	v54 =	vld [tilespmem:s0+$0xA0];
	v20 =	vmul.f32 v36, v30;
	[tilespmem:s0+$0xFFFFFF10] =	vst v27  }
0x83: {  	v55 =	vld [tilespmem:s0+$0x70];
	v60 =	vperm.xlane v17, v5;
	v35 =	vmul.f32 v37, v35;
	[tilespmem:s0+$0x80] =	vst v24  }
0x84: {  	v56 =	vperm.xlane v17, v11;
	v27 =	vmul.f32 v29, v33;
	[tilespmem:s0+$0x90] =	vst v20  }
0x85: {  	v22 =	vmul.f32 v22, v60;
	[tilespmem:s0+$0xFFFFFF50] =	vst v35  }
0x86: {  	[tilespmem:s0+$0xD0] =	vst v27;
	v26 =	vmul.f32 v26, v56  }
0x87: {  	[tilespmem:s0+$0xFFFFFFA0] =	vst v22;
	v57 =	vmul.f32 v54, v28  }
0x88: {  	v31 =	vld [tilespmem:s0+$0xFFFFFFB0];
	v24 =	vperm.xlane v17, v7;
	v34 =	vmul.f32 v55, v56;
	[tilespmem:s0+$0x60] =	vst v26  }
0x89: {  	v29 =	vld [tilespmem:s0+$0xFFFFFF20];
	v27 =	vperm.xlane v17, v6;
	v28 =	vmul.f32 v32, v28;
	[tilespmem:s0+$0xA0] =	vst v57  }
0x8a: {  	v19 =	vmul.f32 v19, v24;
	[tilespmem:s0+$0x70] =	vst v34  }
0x8b: {  	v58 =	vld [tilespmem:s0+$0x40];
	v23 =	vmul.f32 v23, v27;
	[tilespmem:s0+$0xB0] =	vst v28  }
0x8c: {  	v62 =	vperm.xlane v17, v1;
	v20 =	vld [tilespmem:s0+$0xFFFFFFE0];
	v25 =	vmul.f32 v25, v27;
	[tilespmem:s0+$0xFFFFFFF0] =	vst v19  }
0x8d: {  	v63 =	vld [tilespmem:s0+$0xF0];
	v22 =	vmul.f32 v31, v60;
	v31 =	vperm.xlane v17, v3;
	[tilespmem:s0+$0xFFFFFFD0] =	vst v23  }
0x8e: {  	v19 =	vperm.xlane v17, v10;
	v29 =	vmul.f32 v29, v62;
	[tilespmem:s0+$0xFFFFFFC0] =	vst v25  }
0x8f: {  	v28 =	vld [tilespmem:s0+$0xFFFFFF70];
	v16 =	vmul.f32 v16, v31;
	[tilespmem:s0+$0xFFFFFFB0] =	vst v22  }
0x90: {  	v30 =	vld [tilespmem:s0+$0x20];
	v22 =	vmul.f32 v58, v19;
	[tilespmem:s0+$0xFFFFFF20] =	vst v29  }
0x91: {  	v61 =	vld [tilespmem:s0+$0x30];
	v20 =	vmul.f32 v20, v24;
	v24 =	vperm.xlane v17, v4;
	[tilespmem:s0+$0xFFFFFF60] =	vst v16  }
0x92: {  	v23 =	vld [tilespmem:s0+$0xFFFFFF80];
	v16 =	vmul.f32 v63, v21;
	[tilespmem:s0+$0x40] =	vst v22  }
0x93: {  	v59 =	vld [tilespmem:s0+$0x50];
	v21 =	vperm.xlane v17, v9;
	v18 =	vmul.f32 v18, v24;
	[tilespmem:s0+$0xFFFFFFE0] =	vst v20  }
0x94: {  	v27 =	vld [tilespmem:s0+$0x0];
	v20 =	vmul.f32 v28, v31;
	[tilespmem:s0+$0xF0] =	vst v16  }
0x95: {  	v26 =	vld [tilespmem:s0+$0xFFFFFF30];
	v16 =	vmul.f32 v30, v21;
	[tilespmem:s0+$0xFFFFFF90] =	vst v18  }
0x96: {  	v25 =	vld [tilespmem:s0+$0x10];
	v18 =	vmul.f32 v61, v21;
	[tilespmem:s0+$0xFFFFFF70] =	vst v20  }
0x97: {  	v17 =	vperm.xlane v17, v8;
	v20 =	vmul.f32 v23, v24;
	[tilespmem:s0+$0x20] =	vst v16  }
0x98: {  	v16 =	vmul.f32 v59, v19;
	[tilespmem:s0+$0x30] =	vst v18  }
0x99: {  	v18 =	vmul.f32 v27, v17;
	[tilespmem:s0+$0xFFFFFF80] =	vst v20  }
0x9a: {  	v19 =	vmul.f32 v26, v62;
	[tilespmem:s0+$0x50] =	vst v16  }
0x9b: {  	s31 =	sshll.u32 s25, $0xB;
	v16 =	vmul.f32 v25, v17;
	[tilespmem:s0+$0x0] =	vst v18  }
0x9c: {  	s7 =	sshrl.u32 s31, $0x2;
	[tilespmem:s0+$0xFFFFFF30] =	vst v19  }
0x9d: {  	s10 =	sadd.s32 $0x1400, s7;
	[tilespmem:s0+$0x10] =	vst v16  }
0x9e: {  	[spmem:s2] =	stream.indirect.scatter.add.f32 [tilespmem:s15], [sflag:$0x4], $0x80, s10, s14, $0xb8;
	[tilespmem:$0x1E840] =	vst v63  }
0x9f: {  	s9 =	sadd.s32 $0x1480, s7  }
0xa0: {  	[spmem:s2] =	stream.indirect.scatter.add.f32 [tilespmem:s17], [sflag:$0x4], $0x80, s9, s14, $0xb8;
	[tilespmem:$0x1E840] =	vst v63  }
0xa1: {  	_ =	swait.ge [sflag:s21], $0x1900  }
0xa2: {  	[sflag:s21] =	ssyncset.done $0x0  }
0xa3: {  	[sflag:s21] =	ssyncadd.s32 $0xFFFFE700  }
0xa4: {  	_ =	swait.ge [sflag:s21], $0x1900  }
0xa5: {  	[sflag:s21] =	ssyncset.done $0x0  }
0xa6: {  	s0 =	simm.s32 $0x7C80;
	[sflag:s21] =	ssyncadd.s32 $0xFFFFE700  }
0xa7: {  	v22 =	vld [tilespmem:s0+$0xFFFFFFA0]  }
0xa8: {  	v19 =	vld [tilespmem:s0+$0xFFFFFFF0]  }
0xa9: {  	v16 =	vld [tilespmem:s0+$0xFFFFFF60]  }
0xaa: {  	v20 =	vmov s28;
	v23 =	vld [tilespmem:s0+$0xFFFFFFD0]  }
0xab: {  	v24 =	vld [tilespmem:s0+$0x80]  }
0xac: {  	v27 =	vld [tilespmem:s0+$0xFFFFFF10]  }
0xad: {  	v31 =	vld [tilespmem:s0+$0xE0]  }
0xae: {  	s10 =	simm.s32 $0x0;
	v26 =	vld [tilespmem:s0+$0xFFFFFF40]  }
0xaf: {  	v17 =	vld.idx.msk [tilespmem:v20+s10+$0x0 ss:$0x1], $0xffff  }
0xb0: {  	v18 =	vld [tilespmem:s0+$0xFFFFFF90]  }
0xb1: {  	v25 =	vld [tilespmem:s0+$0xFFFFFFC0]  }
0xb2: {  	v28 =	vld [tilespmem:s0+$0xFFFFFF00]  }
0xb3: {  	v29 =	vld [tilespmem:s0+$0xD0]  }
0xb4: {  	v38 =	vld [tilespmem:s0+$0xC0]  }
0xb5: {  	v36 =	vld [tilespmem:s0+$0x90];
	v34 =	vperm.xlane v17, v0;
	v21 =	vperm.xlane v17, v15  }
0xb6: {  	v37 =	vld [tilespmem:s0+$0xFFFFFF50];
	v35 =	vperm.xlane v17, v2;
	v33 =	vperm.xlane v17, v14  }
0xb7: {  	v32 =	vld [tilespmem:s0+$0xB0];
	v30 =	vperm.xlane v17, v12;
	v40 =	vmul.f32 v28, v34  }
0xb8: {  	s7 =	simm.s32 $0x40;
	s9 =	simm.s32 $0x7C80;
	v28 =	vperm.xlane v17, v13;
	v39 =	vmul.f32 v26, v35;
	v26 =	vld [tilespmem:s0+$0x60]  }
.LBB2_6:
0xb9: {  	p1 =	sne.s32 s7, $0x600  }
0xba: {  	[tilespmem:s0+$0xFFFFFF00] =	vst v40;
	v40 =	vld [tilespmem:s0+$0xFFFFFFB0];
	v38 =	vmul.f32 v38, v33;
	v31 =	vmul.f32 v31, v21;
	s9 =	sadd.s32 $0x200, s9;
	s10 =	smov.u32 s7;
	s7 =	sadd.s32 $0x40, s7  }
0xbb: {  	[tilespmem:s0+$0xFFFFFF40] =	vst v39;
	v39 =	vperm.xlane v17, v10;
	v36 =	vmul.f32 v36, v30;
	v41 =	vld [tilespmem:s0+$0xA0]  }
0xbc: {  	v27 =	vmul.f32 v27, v34;
	v34 =	vmul.f32 v37, v35;
	v35 =	vld [tilespmem:s0+$0x70];
	[tilespmem:s0+$0xE0] =	vst v31  }
0xbd: {  	v31 =	vperm.xlane v17, v5;
	v37 =	vld [tilespmem:s0+$0xFFFFFFE0];
	v32 =	vmul.f32 v32, v28;
	[tilespmem:s0+$0xC0] =	vst v38  }
0xbe: {  	v29 =	vmul.f32 v29, v33;
	[tilespmem:s0+$0xFFFFFF10] =	vst v27;
	v27 =	vperm.xlane v17, v6;
	v38 =	vld [tilespmem:s0+$0x40]  }
0xbf: {  	v42 =	vperm.xlane v17, v11;
	v22 =	vmul.f32 v22, v31;
	v33 =	vld [tilespmem:s0+$0xFFFFFF20];
	[tilespmem:s0+$0x90] =	vst v36  }
0xc0: {  	[tilespmem:s0+$0xFFFFFF50] =	vst v34;
	v34 =	vperm.xlane v17, v9;
	v36 =	vld [tilespmem:s0+$0x20];
	v28 =	vmul.f32 v41, v28  }
0xc1: {  	v31 =	vmul.f32 v40, v31;
	v40 =	vld [tilespmem:s0+$0x50];
	v35 =	vmul.f32 v35, v42;
	[tilespmem:s0+$0xD0] =	vst v29  }
0xc2: {  	v24 =	vmul.f32 v24, v30;
	v29 =	vperm.xlane v17, v7;
	v41 =	vld [tilespmem:s0+$0x30];
	[tilespmem:s0+$0xA0] =	vst v28  }
0xc3: {  	v25 =	vmul.f32 v25, v27;
	v28 =	vperm.xlane v17, v3;
	v30 =	vld [tilespmem:s0+$0x0];
	[tilespmem:s0+$0x70] =	vst v35  }
0xc4: {  	v26 =	vmul.f32 v26, v42;
	v23 =	vmul.f32 v23, v27;
	v27 =	vld [tilespmem:s0+$0x10];
	[tilespmem:s0+$0x80] =	vst v24  }
0xc5: {  	v35 =	vperm.xlane v17, v8;
	v38 =	vmul.f32 v38, v39;
	v24 =	vld [tilespmem:s0+$0xFFFFFF30];
	[tilespmem:s0+$0xB0] =	vst v32  }
0xc6: {  	v32 =	vperm.xlane v17, v1;
	v42 =	vld [tilespmem:s0+$0xFFFFFF70];
	[tilespmem:s0+$0xFFFFFFD0] =	vst v23;
	v39 =	vmul.f32 v40, v39  }
0xc7: {  	v19 =	vmul.f32 v19, v29;
	v23 =	vmul.f32 v37, v29;
	[tilespmem:s0+$0xFFFFFFC0] =	vst v25;
	v25 =	vld [tilespmem:s0+$0xF0]  }
0xc8: {  	v37 =	vmul.f32 v41, v34;
	v29 =	vld [tilespmem:s0+$0xFFFFFF80];
	[tilespmem:s0+$0xFFFFFFA0] =	vst v22;
	v30 =	vmul.f32 v30, v35  }
0xc9: {  	v22 =	vld [tilespmem:s9+$0xFFFFFFA0];
	[tilespmem:s0+$0xFFFFFFF0] =	vst v19;
	v35 =	vmul.f32 v27, v35;
	v27 =	vmul.f32 v36, v34  }
0xca: {  	v19 =	vmul.f32 v33, v32;
	v32 =	vmul.f32 v24, v32;
	[tilespmem:s0+$0x60] =	vst v26  }
0xcb: {  	v16 =	vmul.f32 v16, v28;
	v24 =	vmul.f32 v42, v28;
	[tilespmem:s0+$0xFFFFFFB0] =	vst v31  }
0xcc: {  	v17 =	vperm.xlane v17, v4;
	[tilespmem:s0+$0xFFFFFF20] =	vst v19;
	v19 =	vmul.f32 v25, v21  }
0xcd: {  	[tilespmem:s0+$0xFFFFFF60] =	vst v16  }
0xce: {  	v21 =	vmul.f32 v29, v17;
	v16 =	vmul.f32 v18, v17;
	[tilespmem:s0+$0x40] =	vst v38  }
0xcf: {  	[tilespmem:s0+$0xFFFFFFE0] =	vst v23  }
0xd0: {  	[tilespmem:s0+$0xF0] =	vst v19  }
0xd1: {  	[tilespmem:s0+$0xFFFFFF90] =	vst v16  }
0xd2: {  	[tilespmem:s0+$0xFFFFFF70] =	vst v24  }
0xd3: {  	v19 =	vld [tilespmem:s9+$0xFFFFFFF0];
	[tilespmem:s0+$0x20] =	vst v27  }
0xd4: {  	v16 =	vld [tilespmem:s9+$0xFFFFFF60];
	[tilespmem:s0+$0x30] =	vst v37  }
0xd5: {  	v23 =	vld [tilespmem:s9+$0xFFFFFFD0];
	[tilespmem:s0+$0xFFFFFF80] =	vst v21  }
0xd6: {  	v24 =	vld [tilespmem:s9+$0x80];
	[tilespmem:s0+$0x50] =	vst v39  }
0xd7: {  	v27 =	vld [tilespmem:s9+$0xFFFFFF10];
	[tilespmem:s0+$0x0] =	vst v30  }
0xd8: {  	v31 =	vld [tilespmem:s9+$0xE0];
	[tilespmem:s0+$0xFFFFFF30] =	vst v32  }
0xd9: {  	s10 =	sshra.s32 s10, $0x2;
	v26 =	vld [tilespmem:s9+$0xFFFFFF40];
	[tilespmem:s0+$0x10] =	vst v35;
	s0 =	smov.u32 s9  }
0xda: {  	v17 =	vld.idx.msk [tilespmem:v20+s10+$0x0 ss:$0x1], $0xffff  }
0xdb: {  	v18 =	vld [tilespmem:s9+$0xFFFFFF90]  }
0xdc: {  	v25 =	vld [tilespmem:s9+$0xFFFFFFC0]  }
0xdd: {  	v28 =	vld [tilespmem:s9+$0xFFFFFF00]  }
0xde: {  	v29 =	vld [tilespmem:s9+$0xD0]  }
.Ltmp1:
0xdf: {  	v38 =	vld [tilespmem:s9+$0xC0];
	(pc) =	sbr.rel @p1 .LBB2_6-.Ltmp1, $4  }
0xe0: {  	v34 =	vperm.xlane v17, v0;
	v21 =	vperm.xlane v17, v15;
	v36 =	vld [tilespmem:s9+$0x90]  }
0xe1: {  	v35 =	vperm.xlane v17, v2;
	v33 =	vperm.xlane v17, v14;
	v37 =	vld [tilespmem:s9+$0xFFFFFF50]  }
0xe2: {  	v40 =	vmul.f32 v28, v34;
	v28 =	vperm.xlane v17, v13;
	v32 =	vld [tilespmem:s9+$0xB0]  }
0xe3: {  	v30 =	vperm.xlane v17, v12;
	v39 =	vmul.f32 v26, v35;
	v26 =	vld [tilespmem:s9+$0x60]  }
0xe4: {  	[tilespmem:s0+$0xFFFFFF00] =	vst v40;
	v20 =	vmul.f32 v31, v21  }
0xe5: {  	v52 =	vmul.f32 v38, v33;
	[tilespmem:s0+$0xFFFFFF40] =	vst v39  }
0xe6: {  	v27 =	vmul.f32 v27, v34;
	[tilespmem:s0+$0xE0] =	vst v20  }
0xe7: {  	v57 =	vmul.f32 v29, v33;
	[tilespmem:s0+$0xC0] =	vst v52  }
0xe8: {  	v55 =	vmul.f32 v36, v30;
	[tilespmem:s0+$0xFFFFFF10] =	vst v27  }
0xe9: {  	v63 =	vperm.xlane v17, v6;
	v24 =	vmul.f32 v24, v30;
	[tilespmem:s0+$0xD0] =	vst v57  }
0xea: {  	v35 =	vmul.f32 v37, v35;
	[tilespmem:s0+$0x90] =	vst v55  }
0xeb: {  	v43 =	vperm.xlane v17, v5;
	v23 =	vmul.f32 v23, v63;
	[tilespmem:s0+$0x80] =	vst v24  }
0xec: {  	v45 =	vperm.xlane v17, v7;
	v25 =	vmul.f32 v25, v63;
	[tilespmem:s0+$0xFFFFFF50] =	vst v35  }
0xed: {  	v22 =	vmul.f32 v22, v43;
	[tilespmem:s0+$0xFFFFFFD0] =	vst v23  }
0xee: {  	v53 =	vld [tilespmem:s0+$0xA0];
	v59 =	vperm.xlane v17, v11;
	v19 =	vmul.f32 v19, v45;
	[tilespmem:s0+$0xFFFFFFC0] =	vst v25  }
0xef: {  	v54 =	vld [tilespmem:s0+$0x70];
	v52 =	vperm.xlane v17, v3;
	v41 =	vmul.f32 v32, v28;
	[tilespmem:s0+$0xFFFFFFA0] =	vst v22  }
0xf0: {  	v56 =	vld [tilespmem:s0+$0xFFFFFFB0];
	v57 =	vperm.xlane v17, v4;
	v26 =	vmul.f32 v26, v59;
	[tilespmem:s0+$0xFFFFFFF0] =	vst v19  }
0xf1: {  	v58 =	vld [tilespmem:s0+$0xFFFFFF20];
	v16 =	vmul.f32 v16, v52;
	[tilespmem:s0+$0xB0] =	vst v41  }
0xf2: {  	v60 =	vld [tilespmem:s0+$0xFFFFFFE0];
	v18 =	vmul.f32 v18, v57;
	[tilespmem:s0+$0x60] =	vst v26  }
0xf3: {  	v47 =	vld [tilespmem:s0+$0xFFFFFF70];
	v61 =	vmul.f32 v53, v28;
	[tilespmem:s0+$0xFFFFFF60] =	vst v16  }
0xf4: {  	v62 =	vld [tilespmem:s0+$0x40];
	v50 =	vperm.xlane v17, v1;
	v34 =	vmul.f32 v54, v59;
	[tilespmem:s0+$0xFFFFFF90] =	vst v18  }
0xf5: {  	v44 =	vld [tilespmem:s0+$0x30];
	v51 =	vmul.f32 v56, v43;
	[tilespmem:s0+$0xA0] =	vst v61  }
0xf6: {  	v53 =	vld [tilespmem:s0+$0xF0];
	v29 =	vmul.f32 v58, v50;
	[tilespmem:s0+$0x70] =	vst v34  }
0xf7: {  	v48 =	vld [tilespmem:s0+$0xFFFFFF80];
	v54 =	vperm.xlane v17, v10;
	v20 =	vmul.f32 v60, v45;
	[tilespmem:s0+$0xFFFFFFB0] =	vst v51  }
0xf8: {  	v42 =	vld [tilespmem:s0+$0x20];
	v58 =	vperm.xlane v17, v9;
	v59 =	vmul.f32 v47, v52;
	[tilespmem:s0+$0xFFFFFF20] =	vst v29  }
0xf9: {  	v46 =	vld [tilespmem:s0+$0x0];
	v56 =	vmul.f32 v62, v54;
	[tilespmem:s0+$0xFFFFFFE0] =	vst v20  }
0xfa: {  	v40 =	vld [tilespmem:s0+$0x50];
	v60 =	vmul.f32 v44, v58;
	[tilespmem:s0+$0xFFFFFF70] =	vst v59  }
0xfb: {  	v55 =	vld [tilespmem:s0+$0xFFFFFF30];
	[tilespmem:s0+$0x40] =	vst v56;
	v16 =	vmul.f32 v53, v21  }
0xfc: {  	v49 =	vld [tilespmem:s0+$0x10];
	v17 =	vperm.xlane v17, v8;
	v61 =	vmul.f32 v48, v57;
	[tilespmem:s0+$0x30] =	vst v60  }
0xfd: {  	[tilespmem:s0+$0xF0] =	vst v16;
	v16 =	vmul.f32 v42, v58  }
0xfe: {  	v62 =	vmul.f32 v46, v17;
	[tilespmem:s0+$0xFFFFFF80] =	vst v61  }
0xff: {  	[tilespmem:s0+$0x20] =	vst v16;
	v16 =	vmul.f32 v40, v54  }
0x100: {  	v63 =	vmul.f32 v55, v50;
	[tilespmem:s0+$0x0] =	vst v62  }
0x101: {  	[tilespmem:s0+$0x50] =	vst v16;
	v16 =	vmul.f32 v49, v17  }
0x102: {  	[tilespmem:s0+$0xFFFFFF30] =	vst v63  }
0x103: {  	[tilespmem:s0+$0x10] =	vst v16  }
0x104: {  	_ =	swait.ge [sflag:s22], $0x1900  }
0x105: {  	[sflag:s22] =	ssyncset.done $0x0  }
0x106: {  	[sflag:s22] =	ssyncadd.s32 $0xFFFFE700  }
0x107: {  	p1 =	seq.s32 s25, $0x9;
	_ =	swait.ge [sflag:s22], $0x1900  }
0x108: {  	s9 =	simm.s32 @!p1 $0x32;
	s0 =	sshrl.u32 @!p1 s31, $0x2;
	[sflag:s22] =	ssyncset.done $0x0  }
0x109: {  	s10 =	simm.s32 @!p1 $0x4780;
	s7 =	sadd.s32 @!p1 $0x200, s0;
	[sflag:s22] =	ssyncadd.s32 $0xFFFFE700  }
0x10a: {  	[tilespmem:s10], [sflag:$0x2] =	stream.indirect.gather @!p1 [hbm4b:s6+s9], $0x80, s7, s9, $0xb8;
	[tilespmem:$0x1E840] =	vst v63  }
0x10b: {  	s25 =	sadd.s32 $0x1, s25;
	s0 =	sadd.s32 @!p1 $0x280, s0;
	s7 =	simm.s32 @!p1 $0x6080  }
0x10c: {  	[tilespmem:s7], [sflag:$0x2] =	stream.indirect.gather @!p1 [hbm4b:s6+s9], $0x80, s0, s9, $0xb8;
	[tilespmem:$0x1E840] =	vst v63  }
0x10d: {  	p1 =	sne.s32 s25, $0xA  }
.Ltmp2:
0x10e: {  	_ = 	snop;
	(pc) =	sbr.rel @p1 .LBB2_3-.Ltmp2, $4  }
0x10f: {  	s29 =	sadd.s32 $0x1400, s29  }
0x110: {  	[spmem:s2] =	stream.indirect.scatter.add.f32 [tilespmem:s18], [sflag:$0x5], $0x80, s29, s14, $0xb8;
	[tilespmem:$0x1E840] =	vst v63  }
0x111: {  	s26 =	sadd.s32 $0x320, s26;
	s28 =	sadd.s32 $0x320, s28;
	s31 =	sadd.s32 $0x1400, s30  }
0x112: {  	[spmem:s2] =	stream.indirect.scatter.add.f32 [tilespmem:s19], [sflag:$0x5], $0x80, s31, s14, $0xb8;
	[tilespmem:$0x1E840] =	vst v63  }
0x113: {  	s24 =	sadd.s32 $0x1, s24  }
0x114: {  	p1 =	sne.s32 s24, $0x5  }
.Ltmp3:
0x115: {  	_ = 	snop;
	(pc) =	sbr.rel @p1 .LBB2_2-.Ltmp3, $1  }
0x116: {  	_ =	sdelay $0x3  }
0x117: {  	_ =	swait.ge [sflag:s23], $0x1900  }
0x118: {  	[sflag:s23] =	ssyncset.done $0x0  }
0x119: {  	[sflag:s23] =	ssyncadd.s32 $0xFFFFE700  }
0x11a: {  	_ =	swait.ge [sflag:s23], $0x1900  }
0x11b: {  	[sflag:s23] =	ssyncset.done $0x0  }
0x11c: {  	[sflag:s23] =	ssyncadd.s32 $0xFFFFE700  }
0x11d: {  	[bflag:$0x0] =	sbarrier.arrive $0xFFFF  }
0x11e: {  	s0 =	simm.s32 @!p0 $0x1C06;
	s7 =	rddreg [dreg:$0x5]  }
0x11f: {  	[hbm:s7], [sflag:s0] =	dma.local @!p0 [spmem:s11], $0x27180  }
0x120: {  	s0 =	simm.s32 @!p0 $0x6  }
0x121: {  	_ =	swait.ge @!p0 [sflag:s0], $0x27180  }
0x122: {  	s3 =	sadd.s32 $0x1, s3;
	s31 =	rddreg [dreg:$0x6]  }
0x123: {  	p1 =	sne.s32 s3, s31  }
.Ltmp4:
0x124: {  	_ = 	snop;
	(pc) =	sbr.rel @p1 .LBB2_1-.Ltmp4, $3  }
0x125: {  	_ =	sdelay $0x1  }
0x126: {  	[sflag:s0] =	ssyncset.done @!p0 $0x0  }
0x127: {  	[sflag:s0] =	ssyncadd.s32 @!p0 $0xFFFD8E80  }
0x128: {  	_ =	sfence.sel $0x180000  }
0x129: {  	[bflag:$0x0] =	sbarrier.arrive $0xFFFF  }
0x12a: {  	_ =	strace $0x90000050  }
0x12b: {  	[bflag:$0x2] =	sbarrier.arrive $0xFFFF  }
0x12c: {  	s0 =	rddreg [dreg:$0x3]  }
0x12d: {  	s0 =	sadd.s32 @!p0 $0x100000, s0  }
0x12e: {  	[sflag:s0] =	ssyncadd.tile.s32 @!p0 $0x1;
	_ =	shalt  }
.Lfunc_end2:
_tile_overlayer_lowered:
.L_overlay_start_2:
0x12f: {  	(tag) =	ssettag $0x2  }
0x130: {  	s0 =	rddreg [dreg:$0x0];
	s2 =	stileid.u32  }
0x131: {  	s1 =	rddreg [dreg:$0x1];
	p0 =	sne.s32 s2, $0x0  }
0x132: {  	s3 =	rddreg [dreg:$0x2];
	[bflag:$0x3] =	sbarrier.arrive $0xFFFF;
	s2 =	simm.s32 @!p0 $0x1C06  }
0x133: {  	[timem:s3], [sflag:s2] =	dma.local @!p0 [hbm:s0], s1  }
0x134: {  	s0 =	simm.s32 @!p0 $0x6  }
0x135: {  	_ =	swait.ge @!p0 [sflag:s0], s1  }
0x136: {  	s1 =	ssub.s32 @!p0 $0x0, s1;
	[sflag:s0] =	ssyncset.done @!p0 $0x0  }
0x137: {  	[sflag:s0] =	ssyncadd.s32 @!p0 s1  }
0x138: {  	[bflag:$0x3] =	sbarrier.arrive $0xFFFF  }
0x139: {  	_ =	shalt  }

// kernel: kernel.9.cloned.1.call-start
scs
__scs_entry_jumppad:
0x0: {  	(pc) =	sbr.rel $0x88, $3  }
0x1: {  	(tag) =	ssettag $0x0;
	lr =	simm.s32 $0x1  }
0x2: {  	[smem:$0x3F9D] =	sst lr;
	_ =	strace $0xD0000000  }
0x3: {  	_ = 	snop  }
0x4: {  	_ = 	snop  }
0x5: {  	_ = 	snop  }
0x6: {  	_ = 	snop  }
0x7: {  	_ = 	snop  }
__scs_overlays_trampoline_lowered:
0x8: {  	[smem:$0x3FAC] =	sst s0  }
0x9: {  	[smem:$0x3FAD] =	sst s1  }
0xa: {  	[smem:$0x3FAE] =	sst s2  }
0xb: {  	[smem:$0x3FAF] =	sst s3  }
0xc: {  	[smem:$0x3FB0] =	sst s4  }
0xd: {  	[smem:$0x3FB1] =	sst s5  }
0xe: {  	[smem:$0x3FB2] =	sst s6  }
0xf: {  	[smem:$0x3FB3] =	sst s7  }
0x10: {  	[smem:$0x3FB4] =	sst s8  }
0x11: {  	[smem:$0x3FB5] =	sst s9;
	s0 =	simm.s32 @!p0 $0x0  }
0x12: {  	s1 =	sld [smem:$0x3F9B];
	s0 =	simm.s32 @p0 $0x1  }
0x13: {  	[smem:$0x3FB6] =	sst s0;
	s0 =	simm.s32 @!p1 $0x0  }
0x14: {  	s2 =	sld [smem:$0x3F9A];
	s0 =	simm.s32 @p1 $0x1  }
0x15: {  	[smem:$0x3FB7] =	sst s0;
	s0 =	simm.s32 @!p2 $0x0  }
0x16: {  	s3 =	sld [smem:$0x3FDB];
	s0 =	simm.s32 @p2 $0x1  }
0x17: {  	s4 =	simm.s32 $0x1BF5;
	[smem:$0x3FB9] =	sst s0  }
0x18: {  	s0 =	sld [smem:$0x3F9C];
	_ =	swait.ge [sflag:s4], $0x0  }
0x19: {  	s7 =	sld [smem:$0x3F9D]  }
0x1a: {  	s8 =	sadd.s32 $0xFFFFE003, lr  }
0x1b: {  	s9 =	sadd.s32 $0xFFFFFEF7, lr;
	s5 =	simm.s32 $0xFFFFFFFF;
	p2 =	slt.u32 s8, $0xFFFFF086  }
0x1c: {  	p1 =	slt.u32 s9, $0xF7A;
	s5 =	simm.s32 @!p2 $0x0  }
0x1d: {  	s5 =	simm.s32 @p1 $0x1;
	p0 =	seq.s32 s7, s2  }
0x1e: {  	s7 =	smul.u32 @!p0 $0xF7A, s2;
	p2 =	seq.s32 @!p0 s5, $0x0  }
0x1f: {  	s9 =	smul.u32 $0xF7A, s1;
	s8 =	simm.s32 @!p0 $0x1BF5;
	p2 =	por !p2, p0  }
0x20: {  	[sflag:s8] =	ssyncset.s32 @!p0 $0xFFFFF086;
	s6 =	sadd.s32 @!p0 s3, s7;
	s7 =	simm.s32 @!p0 $0x108  }
0x21: {  	s3 =	sadd.s32 s3, s9;
	s6 =	sadd.s32 @!p0 $0x88, s6;
	s7 =	simm.s32 @p2 $0x1082  }
0x22: {  	[simem:s7], [sflag:s8] =	dma.local @!p0 [hbm:s6], $0xF7A  }
0x23: {  	s9 =	sor.u32 $0xD0000000, s2;
	s6 =	simm.s32 $0x108;
	_ =	swait.ge @!p0 [sflag:s8], $0x0  }
0x24: {  	s3 =	sadd.s32 $0x88, s3;
	s6 =	simm.s32 @!p1 $0x1082;
	[sflag:s4] =	ssyncset.s32 $0xFFFFF086  }
0x25: {  	[simem:s6], [sflag:s4] =	dma.local [hbm:s3], $0xF7A  }
0x26: {  	[smem:$0x3F9D] =	sst s1;
	(tag) =	ssettag s2;
	_ =	strace s9  }
0x27: {  	s1 =	sld [smem:$0x3FAD]  }
0x28: {  	s2 =	sld [smem:$0x3FAE]  }
0x29: {  	s4 =	sld [smem:$0x3FB0]  }
0x2a: {  	p0 =	seq.s32 s5, $0x0;
	s5 =	sld [smem:$0x3FB1]  }
0x2b: {  	s6 =	sld [smem:$0x3FB2]  }
0x2c: {  	s7 =	sld [smem:$0x3FB3]  }
0x2d: {  	s3 =	simm.s32 $0x108;
	s8 =	sld [smem:$0x3FB4]  }
0x2e: {  	s3 =	simm.s32 @!p0 $0x1082;
	s9 =	sld [smem:$0x3FB5]  }
0x2f: {  	lr =	sadd.s32 s0, s3;
	s0 =	sld [smem:$0x3FAC]  }
0x30: {  	s3 =	sld [smem:$0x3FAF]  }
0x31: {  	[smem:$0x3FB8] =	sst s10  }
0x32: {  	s10 =	sld [smem:$0x3FB6];
	_ =	sdelay $0x3  }
0x33: {  	p0 =	seq.s32 s10, $0x1;
	s10 =	sld [smem:$0x3FB8];
	_ =	sdelay $0x3  }
0x34: {  	[smem:$0x3FB8] =	sst s10  }
0x35: {  	s10 =	sld [smem:$0x3FB7];
	_ =	sdelay $0x3  }
0x36: {  	p1 =	seq.s32 s10, $0x1;
	s10 =	sld [smem:$0x3FB8];
	_ =	sdelay $0x3  }
0x37: {  	[smem:$0x3FB8] =	sst s10  }
0x38: {  	s10 =	sld [smem:$0x3FB9]  }
0x39: {  	_ = 	snop;
	(pc) =	sbr.ind lr, $3  }
0x3a: {  	_ = 	snop  }
0x3b: {  	_ = 	snop  }
0x3c: {  	p2 =	seq.s32 s10, $0x1;
	s10 =	sld [smem:$0x3FB8]  }
0x3d: {  	_ =	shalt  }
0x3e: {  	_ =	shalt  }
0x3f: {  	_ =	shalt  }
0x40: {  	_ =	shalt  }
0x41: {  	_ =	shalt  }
0x42: {  	_ =	shalt  }
0x43: {  	_ =	shalt  }
0x44: {  	_ =	shalt  }
0x45: {  	_ =	shalt  }
0x46: {  	_ =	shalt  }
0x47: {  	_ =	shalt  }
0x48: {  	_ =	shalt  }
0x49: {  	_ =	shalt  }
0x4a: {  	_ =	shalt  }
0x4b: {  	_ =	shalt  }
0x4c: {  	_ =	shalt  }
0x4d: {  	_ =	shalt  }
0x4e: {  	_ =	shalt  }
0x4f: {  	_ =	shalt  }
0x50: {  	_ =	shalt  }
0x51: {  	_ =	shalt  }
0x52: {  	_ =	shalt  }
0x53: {  	_ =	shalt  }
0x54: {  	_ =	shalt  }
0x55: {  	_ =	shalt  }
0x56: {  	_ =	shalt  }
0x57: {  	_ =	shalt  }
0x58: {  	_ =	shalt  }
0x59: {  	_ =	shalt  }
0x5a: {  	_ =	shalt  }
0x5b: {  	_ =	shalt  }
0x5c: {  	_ =	shalt  }
0x5d: {  	_ =	shalt  }
0x5e: {  	_ =	shalt  }
0x5f: {  	_ =	shalt  }
0x60: {  	_ =	shalt  }
0x61: {  	_ =	shalt  }
0x62: {  	_ =	shalt  }
0x63: {  	_ =	shalt  }
0x64: {  	_ =	shalt  }
0x65: {  	_ =	shalt  }
0x66: {  	_ =	shalt  }
0x67: {  	_ =	shalt  }
0x68: {  	_ =	shalt  }
0x69: {  	_ =	shalt  }
0x6a: {  	_ =	shalt  }
0x6b: {  	_ =	shalt  }
0x6c: {  	_ =	shalt  }
0x6d: {  	_ =	shalt  }
0x6e: {  	_ =	shalt  }
0x6f: {  	_ =	shalt  }
0x70: {  	_ =	shalt  }
0x71: {  	_ =	shalt  }
0x72: {  	_ =	shalt  }
0x73: {  	_ =	shalt  }
0x74: {  	_ =	shalt  }
0x75: {  	_ =	shalt  }
0x76: {  	_ =	shalt  }
0x77: {  	_ =	shalt  }
0x78: {  	_ =	shalt  }
0x79: {  	_ =	shalt  }
0x7a: {  	_ =	shalt  }
0x7b: {  	_ =	shalt  }
0x7c: {  	_ =	shalt  }
0x7d: {  	_ =	shalt  }
0x7e: {  	_ =	shalt  }
0x7f: {  	_ =	shalt  }
0x80: {  	_ =	shalt  }
0x81: {  	_ =	shalt  }
0x82: {  	_ =	shalt  }
0x83: {  	_ =	shalt  }
0x84: {  	_ =	shalt  }
0x85: {  	_ =	shalt  }
0x86: {  	_ =	shalt  }
0x87: {  	_ =	shalt  }
.Lfunc_end0:
.L_simem_size_0:
called_computation_lowered:
.L_overlay_start_0:
0x88: {  	s2 =	sld [smem:$0x3FD9]  }
0x89: {  	s3 =	sld [smem:$0x3FFE];
	_ =	sdelay $0x1  }
0x8a: {  	s1 =	srdreg.scid  }
0x8b: {  	s0 =	sand.u32 $0x1, s1  }
0x8c: {  	s17 =	sshll.u32 s0, $0xA;
	s2 =	sadd.s32 s3, s2  }
0x8d: {  	s2 =	sadd.s32 s2, s17  }
0x8e: {  	[smem:$0x3FC4] =	sst s2  }
0x8f: {  	_ = 	snop  }
0x90: {  	s18 =	sld [smem:$0x3FD0];
	(tm) =	ssettm $0x1  }
0x91: {  	s19 =	sld [smem:$0x3FFB];
	_ =	sdelay $0x3  }
0x92: {  	_ =	strace s19  }
0x93: {  	s2 =	sld [smem:$0x3FFC];
	_ =	sdelay $0x3  }
0x94: {  	_ =	strace s2  }
0x95: {  	s2 =	sld [smem:$0x3FFD];
	_ =	sdelay $0x3  }
0x96: {  	_ =	strace s2  }
0x97: {  	_ =	strace $0x8FFFFFFF  }
0x98: {  	s20 =	sld [smem:$0x3FDB];
	_ =	sdelay $0x1  }
0x99: {  	s4 =	simm.s32 $_scs_section_size  }
0x9a: {  	s5 =	simm.s32 $_size__tile_overlayer_lowered;
	s6 =	simm.s32 $_tile_overlayer_lowered  }
0x9b: {  	s7 =	simm.s32 $0x1BFF;
	s21 =	sshll.u32 s6, $0x1;
	s4 =	sadd.s32 s4, s20  }
0x9c: {  	s22 =	simm.s32 $0x0;
	s5 =	sshll.u32 s5, $0x1;
	s6 =	sadd.s32 s21, s4  }
0x9d: {  	[timem:s22], [sflag:s7] =	dma.local [hbm:s6], s5  }
0x9e: {  	_ =	swait.ge [sflag:s7], s5  }
0x9f: {  	s5 =	ssub.s32 $0x0, s5;
	[sflag:s7] =	ssyncset.done $0x0  }
0xa0: {  	[sflag:s7] =	ssyncadd.s32 s5;
	_ =	sdelay $0x1  }
0xa1: {  	s23 =	simm.s32 $0x1B8B  }
0xa2: {  	_ =	swait.ge [sflag:s23], $0x1  }
0xa3: {  	[sflag:s23] =	ssyncset.done $0x0  }
0xa4: {  	[sflag:s23] =	ssyncadd.s32 $0xFFFFFFFF  }
0xa5: {  	s5 =	sld [smem:$0x0]  }
0xa6: {  	s6 =	sand.u32 $0xFFFFFFFE, s1  }
0xa7: {  	p0 =	sne.s32 s1, s6  }
0xa8: {  	s6 =	sshll.u32 @p0 s6, $0xE  }
0xa9: {  	s6 =	sadd.s32 @p0 $0x11B8D, s6;
	s7 =	sshll.u32 @p0 s5, $0x11  }
0xaa: {  	s6 =	sor.u32 @p0 s7, s6  }
0xab: {  	[sflag:s6] =	ssyncadd.remote.s32 @p0 $0x1;
	_ =	sdelay $0x1  }
0xac: {  	s6 =	simm.s32 @p0 $0x1B8D  }
0xad: {  	_ =	swait.eq @p0 [sflag:s6], $0x1  }
0xae: {  	[sflag:s6] =	ssyncadd.s32 @p0 $0xFFFFFFFF  }
0xaf: {  	s7 =	sshll.u32 @!p0 s1, $0xE  }
0xb0: {  	s7 =	sor.u32 @!p0 $0x4000, s7;
	s6 =	simm.s32 @!p0 $0x1B8D  }
0xb1: {  	s5 =	sshll.u32 @!p0 s5, $0x11;
	s7 =	sadd.s32 @!p0 $0x11B8D, s7;
	_ =	swait.eq @!p0 [sflag:s6], $0x1  }
0xb2: {  	s5 =	sor.u32 @!p0 s5, s7;
	[sflag:s6] =	ssyncadd.s32 @!p0 $0xFFFFFFFF  }
0xb3: {  	s25 =	simm.s32 $0x1B8E;
	s24 =	sld [smem:$0x3FFE];
	[sflag:s5] =	ssyncadd.remote.s32 @!p0 $0x1  }
0xb4: {  	s26 =	simm.s32 $execute0_lowered;
	[smem:$0x3FD2] =	sst s25  }
0xb5: {  	s6 =	sshll.u32 s26, $0x1;
	_ =	strace $0x80000049;
	[dreg:$0x1] =	wrdreg $0xFFFFFFFF  }
0xb6: {  	s28 =	simm.s32 $_size_execute0_lowered;
	s4 =	sadd.s32 s4, s6;
	[dreg:$0x0] =	wrdreg $0x0  }
0xb7: {  	s6 =	sshll.u32 s28, $0x1;
	[dreg:$0x2] =	wrdreg s4  }
0xb8: {  	[dreg:$0x3] =	wrdreg s6  }
0xb9: {  	[dreg:$0x4] =	wrdreg $0xC0  }
0xba: {  	_ =	task [dreg:s22], $0x5FFFF  }
0xbb: {  	[dreg:$0x1] =	wrdreg $0xFFFFFFFF  }
0xbc: {  	[dreg:$0x0] =	wrdreg $0x60  }
0xbd: {  	[dreg:$0x2] =	wrdreg s24  }
0xbe: {  	[dreg:$0x3] =	wrdreg s18  }
0xbf: {  	[dreg:$0x4] =	wrdreg $0x9  }
0xc0: {  	_ =	task.clear_ibuf [dreg:s22], $0x5FFFF;
	_ =	strace $0x90000049  }
0xc1: {  	s29 =	simm.s32 $0x9;
	_ =	strace $0x8000004B  }
0xc2: {  	_ =	swait.ge [sflag:s29], $0x1  }
0xc3: {  	[sflag:s29] =	ssyncadd.s32 $0xFFFFFFFF  }
0xc4: {  	_ =	strace $0x9000004B  }
0xc5: {  	_ =	sfence  }
0xc6: {  	s30 =	sld [smem:$0x0];
	_ =	sdelay $0x2  }
0xc7: {  	s31 =	sshll.u32 s1, $0xD;
	s1 =	sshrl.u32 s1, $0x2  }
0xc8: {  	s4 =	sand.u32 $0x4000, s31;
	s1 =	sadd.s32 s1, s30  }
0xc9: {  	s0 =	sor.u32 s4, s0;
	s1 =	sshll.u32 s1, $0x11  }
0xca: {  	s0 =	sor.u32 s1, s0  }
0xcb: {  	s0 =	sadd.s32 $0x8F2B, s0  }
0xcc: {  	[sflag:s0] =	ssyncadd.remote.s32 $0x1  }
0xcd: {  	_ =	sfence.sel $0xFFFF  }
0xce: {  	[dreg:$0x0] =	wrdreg $0xFFFFFFFF;
	(pc) =	sbr.abs _section_cstart, $3  }
0xcf: {  	[dreg:$0x1] =	wrdreg $0xFFFFFFFF  }
0xd0: {  	_ =	task.clear_ibuf [dreg:s22], $0x2FFFF;
	_ =	strace $0x9FFFFFFF  }
0xd1: {  	(tm) =	ssettm $0x7FFFFFFF  }
tec
execute0_lowered:
.L_overlay_start_1:
0x0: {  	(tag) =	ssettag $0x1  }
0x1: {  	s4 =	rddreg [dreg:$0x0]  }
0x2: {  	s6 =	rddreg [dreg:$0x1];
	s2 =	srdreg.scid  }
0x3: {  	s1 =	stileid.u32;
	s0 =	rddreg [dreg:$0x2];
	s10 =	simm.s32 $0x1000  }
0x4: {  	s11 =	simm.s32 $0x80;
	s12 =	simm.s32 $0x400;
	s5 =	sand.u32 $0x1, s2  }
0x5: {  	s3 =	sshll.u32 s1, $0x1;
	s2 =	simm.s32 $0x0;
	s29 =	sshrl.u32 s1, $0x2  }
0x6: {  	v0 =	vimm.f32 $0.0e+00;
	vm13 =	vcmask $0x3B38;
	s7 =	sor.u32 s5, s3;
	[smem:$0x7FF] =	sst s2;
	s8 =	smul.u32 $0x13C00, s29  }
0x7: {  	v1 =	vimm.f32 $1.000000000e+00;
	vm0 =	vcmask $0x704;
	vm14 =	vcmask $0x3F3C;
	s3 =	sadd.s32 $0xF000, s4;
	s5 =	ssub.s32 $0x2, s5;
	s30 =	sshll.u32 s7, $0x7  }
0x8: {  	vm1 =	vcmask $0xB08;
	vm2 =	vcmask $0xF0C;
	vm3 =	vcmask $0x1310;
	s4 =	sadd.s32 $0x5200, s4;
	s31 =	sshrl.u32 s5, $0x1;
	s9 =	sand.u32 $0x380, s30  }
0x9: {  	vm4 =	vcmask $0x1714;
	vm5 =	vcmask $0x1B18;
	vm6 =	vcmask $0x1F1C;
	_ =	strace $0x8000004A;
	s8 =	sor.u32 s8, s9;
	s9 =	ssub.s32 s5, s31  }
0xa: {  	vm7 =	vcmask $0x2320;
	vm8 =	vcmask $0x2724;
	vm9 =	vcmask $0x2B28;
	s5 =	smul.u32 $0x2710, s7;
	s8 =	sshrl.u32 s8, $0x3;
	s7 =	smax.u32 s9, $0x1  }
0xb: {  	vm10 =	vcmask $0x2F2C;
	vm11 =	vcmask $0x3330;
	vm12 =	vcmask $0x3734;
	s9 =	simm.s32 $0x800;
	s6 =	sadd.s32 s6, s8;
	s8 =	simm.s32 $0x1  }
.LBB2_1:
0xc: {  	s13 =	simm.s32 $0x40;
	s14 =	simm.s32 $0x0  }
.LBB2_2:
0xd: {  	p0 =	sne.s32 s13, $0x9C00;
	[tilespmem:s14+$0x1000] =	vst v0;
	s14 =	smov.u32 s13;
	s13 =	sadd.s32 $0x40, s13  }
.Ltmp0:
0xe: {  	(pc) =	sbr.rel @p0 .LBB2_2-.Ltmp0, $2  }
0xf: {  	_ =	sdelay $0x2  }
0x10: {  	s14 =	sshra.s32 s14, $0x2  }
0x11: {  	[tilespmem:s14+$0x1000] =	vst v0;
	s13 =	simm.s32 $0x0;
	s14 =	simm.s32 $0x0  }
.LBB2_4:
0x12: {  	s15 =	smul.u32 $0x7D0, s14;
	_ =	sdelay $0x1  }
0x13: {  	s15 =	sadd.s32 s5, s15  }
0x14: {  	s15 =	sshrl.u32 s15, $0x3  }
0x15: {  	s16 =	sadd.s32 s3, s15  }
0x16: {  	[tilespmem:s13], [sflag:$0x1] =	stream.linear.gather [hbm4b:s16+s13], $0x7D0, $0x38;
	[tilespmem:$0x3780] =	vst v63  }
0x17: {  	_ =	swait.ge [sflag:s8], $0x7D0  }
0x18: {  	[sflag:s8] =	ssyncset.done $0x0  }
0x19: {  	s15 =	sadd.s32 s4, s15;
	[sflag:s8] =	ssyncadd.s32 $0xFFFFF830  }
0x1a: {  	[tilespmem:s9], [sflag:$0x1] =	stream.linear.gather [hbm4b:s15+s13], $0x7D0, $0x38;
	[tilespmem:$0x3780] =	vst v63  }
0x1b: {  	_ =	swait.ge [sflag:s8], $0x7D0  }
0x1c: {  	[sflag:s8] =	ssyncset.done $0x0  }
0x1d: {  	s31 =	simm.s32 $0x0;
	[sflag:s8] =	ssyncadd.s32 $0xFFFFF830  }
0x1e: {  	v2 =	vld [tilespmem:s31+$0x0]  }
0x1f: {  	v3 =	vld [tilespmem:s31+$0x800];
	_ =	sdelay $0x4  }
0x20: {  	vm15 =	veq.s32 v2, v3  }
0x21: {  	v2 =	vsel vm15, $0x2710, v2;
	_ =	sdelay $0x4  }
0x22: {  	[tilespmem:v2+s10+$0x0] =	vst.idx.add.f32.msk $0x1, v1  }
0x23: {  	[tilespmem:v2+s10+$0x0] =	vst.idx.add.f32.msk vm0, v1  }
0x24: {  	[tilespmem:v2+s10+$0x0] =	vst.idx.add.f32.msk vm1, v1  }
0x25: {  	[tilespmem:v2+s10+$0x0] =	vst.idx.add.f32.msk vm2, v1  }
0x26: {  	[tilespmem:v2+s10+$0x0] =	vst.idx.add.f32.msk vm3, v1  }
0x27: {  	[tilespmem:v2+s10+$0x0] =	vst.idx.add.f32.msk vm4, v1  }
0x28: {  	[tilespmem:v2+s10+$0x0] =	vst.idx.add.f32.msk vm5, v1  }
0x29: {  	[tilespmem:v2+s10+$0x0] =	vst.idx.add.f32.msk vm6, v1  }
0x2a: {  	[tilespmem:v2+s10+$0x0] =	vst.idx.add.f32.msk vm7, v1  }
0x2b: {  	[tilespmem:v2+s10+$0x0] =	vst.idx.add.f32.msk vm8, v1  }
0x2c: {  	[tilespmem:v2+s10+$0x0] =	vst.idx.add.f32.msk vm9, v1  }
0x2d: {  	[tilespmem:v2+s10+$0x0] =	vst.idx.add.f32.msk vm10, v1  }
0x2e: {  	[tilespmem:v2+s10+$0x0] =	vst.idx.add.f32.msk vm11, v1  }
0x2f: {  	s15 =	simm.s32 $0x40;
	[tilespmem:v2+s10+$0x0] =	vst.idx.add.f32.msk vm12, v1  }
.LBB2_5:
0x30: {  	p0 =	sne.s32 s15, $0x1F00;
	[tilespmem:v2+s10+$0x0] =	vst.idx.add.f32.msk vm13, v1;
	s16 =	smov.u32 s15;
	s15 =	sadd.s32 $0x40, s15  }
0x31: {  	s16 =	sshra.s32 s16, $0x2;
	[tilespmem:v2+s10+$0x0] =	vst.idx.add.f32.msk vm14, v1  }
0x32: {  	v2 =	vld [tilespmem:s16+$0x0]  }
0x33: {  	v3 =	vld [tilespmem:s16+$0x800];
	_ =	sdelay $0x4  }
0x34: {  	vm15 =	veq.s32 v2, v3  }
0x35: {  	v2 =	vsel vm15, $0x2710, v2;
	_ =	sdelay $0x4  }
0x36: {  	[tilespmem:v2+s10+$0x0] =	vst.idx.add.f32.msk $0x1, v1  }
0x37: {  	[tilespmem:v2+s10+$0x0] =	vst.idx.add.f32.msk vm0, v1  }
0x38: {  	[tilespmem:v2+s10+$0x0] =	vst.idx.add.f32.msk vm1, v1  }
0x39: {  	[tilespmem:v2+s10+$0x0] =	vst.idx.add.f32.msk vm2, v1  }
0x3a: {  	[tilespmem:v2+s10+$0x0] =	vst.idx.add.f32.msk vm3, v1  }
0x3b: {  	[tilespmem:v2+s10+$0x0] =	vst.idx.add.f32.msk vm4, v1  }
0x3c: {  	[tilespmem:v2+s10+$0x0] =	vst.idx.add.f32.msk vm5, v1  }
0x3d: {  	[tilespmem:v2+s10+$0x0] =	vst.idx.add.f32.msk vm6, v1  }
0x3e: {  	[tilespmem:v2+s10+$0x0] =	vst.idx.add.f32.msk vm7, v1  }
.Ltmp1:
0x3f: {  	[tilespmem:v2+s10+$0x0] =	vst.idx.add.f32.msk vm8, v1;
	(pc) =	sbr.rel @p0 .LBB2_5-.Ltmp1, $4  }
0x40: {  	[tilespmem:v2+s10+$0x0] =	vst.idx.add.f32.msk vm9, v1  }
0x41: {  	[tilespmem:v2+s10+$0x0] =	vst.idx.add.f32.msk vm10, v1  }
0x42: {  	[tilespmem:v2+s10+$0x0] =	vst.idx.add.f32.msk vm11, v1  }
0x43: {  	[tilespmem:v2+s10+$0x0] =	vst.idx.add.f32.msk vm12, v1  }
0x44: {  	s14 =	sadd.s32 $0x1, s14  }
0x45: {  	p0 =	sne.s32 s14, $0x5  }
.Ltmp2:
0x46: {  	_ = 	snop;
	(pc) =	sbr.rel @p0 .LBB2_4-.Ltmp2, $3  }
0x47: {  	_ =	sdelay $0x1  }
0x48: {  	[tilespmem:v2+s10+$0x0] =	vst.idx.add.f32.msk vm13, v1  }
0x49: {  	[tilespmem:v2+s10+$0x0] =	vst.idx.add.f32.msk vm14, v1  }
0x4a: {  	s2 =	sadd.s32 $0x1, s2  }
0x4b: {  	p0 =	sne.s32 s2, s7  }
.Ltmp3:
0x4c: {  	_ = 	snop;
	(pc) =	sbr.rel @p0 .LBB2_1-.Ltmp3, $4  }
0x4d: {  	[hbm4b:s6+s11] =	stream.strided.scatter [tilespmem:s10], [sflag:$0x1], $0x2780, s12, s11, $0x38;
	[tilespmem:$0x3780] =	vst v63  }
0x4e: {  	_ =	swait.ge [sflag:s8], $0x2780  }
0x4f: {  	[sflag:s8] =	ssyncset.done $0x0  }
0x50: {  	[sflag:s8] =	ssyncadd.s32 $0xFFFFD880  }
0x51: {  	_ =	sfence.sel $0x180000  }
0x52: {  	[bflag:$0x0] =	sbarrier.arrive $0xFFFF  }
0x53: {  	p0 =	sne.s32 s1, $0x0;
	_ =	strace $0x9000004A  }
0x54: {  	s0 =	sadd.s32 @!p0 $0x100000, s0;
	[bflag:$0x2] =	sbarrier.arrive $0xFFFF  }
0x55: {  	[sflag:s0] =	ssyncadd.tile.s32 @!p0 $0x1;
	_ =	shalt  }
.Lfunc_end2:
_tile_overlayer_lowered:
.L_overlay_start_2:
0x56: {  	(tag) =	ssettag $0x2  }
0x57: {  	s0 =	rddreg [dreg:$0x0];
	s2 =	stileid.u32  }
0x58: {  	s1 =	rddreg [dreg:$0x1];
	p0 =	sne.s32 s2, $0x0  }
0x59: {  	s3 =	rddreg [dreg:$0x2];
	[bflag:$0x3] =	sbarrier.arrive $0xFFFF;
	s2 =	simm.s32 @!p0 $0x1C01  }
0x5a: {  	[timem:s3], [sflag:s2] =	dma.local @!p0 [hbm:s0], s1  }
0x5b: {  	s0 =	simm.s32 @!p0 $0x1  }
0x5c: {  	_ =	swait.ge @!p0 [sflag:s0], s1  }
0x5d: {  	s1 =	ssub.s32 @!p0 $0x0, s1;
	[sflag:s0] =	ssyncset.done @!p0 $0x0  }
0x5e: {  	[sflag:s0] =	ssyncadd.s32 @!p0 s1  }
0x5f: {  	[bflag:$0x3] =	sbarrier.arrive $0xFFFF  }
0x60: {  	_ =	shalt  }

</sc_bundles>
